<compile_context>
chip_gen: v7x
topology: tpu7x:2x2x1
jax: 0.10.2.dev20260603
libtpu: 0.0.44.dev20260713+nightly
codegen_flags: <defaults>
</compile_context>

<pallas_src>
import functools

import jax
import jax.numpy as jnp
from jax import lax
from jax.experimental import pallas as pl
from jax.experimental.pallas import tpu as pltpu
from jax.experimental.pallas import tpu_sc as plsc

VOCAB = 50257
NUM_USERS = 100000
NUM_ITEMS = 100000
N_EMBD = 768
VU = VOCAB + NUM_USERS

NC = 2
NS = 16
NW = NC * NS
LANES = 16

TOTAL = 1024 * 50
CHUNK = TOTAL // NW
G = 32
NB = 4
LIST = CHUNK + G


def _permute(x, idx):
    dnums = lax.GatherDimensionNumbers(
        offset_dims=(), collapsed_slice_dims=(0,), start_index_map=(0,))
    return lax.gather(x, idx[:, None], dnums, slice_sizes=(1,),
                      mode=lax.GatherScatterMode.PROMISE_IN_BOUNDS)


def _prefix_sum(x, lane):
    r = x
    for sh in (1, 2, 4, 8):
        prev = _permute(r, jnp.maximum(lane - sh, 0))
        r = r + jnp.where(lane >= sh, prev, 0)
    return r


def _compact_src(r, lane):
    tgt = lane + 1
    lo = jnp.zeros((LANES,), jnp.int32)
    for sh in (8, 4, 2, 1):
        probe = jnp.minimum(lo + (sh - 1), LANES - 1)
        val = _permute(r, probe)
        lo = lo + jnp.where(val < tgt, sh, 0)
    return jnp.minimum(lo, LANES - 1)


def _body(ids_hbm, wte_hbm, user_hbm, item_hbm, out_hbm,
          ids_v, idx0, idx1, idx2, pos0, pos1, pos2,
          idx_stage, pos_stage, rows_a, rows_b, rows_c, rows_d,
          sem_g0, sem_g1, sem_g2, sem_g3,
          sem_s0, sem_s1, sem_s2, sem_s3):
    wid = lax.axis_index("s") * NC + lax.axis_index("c")
    base = wid * CHUNK
    idx_lists = (idx0, idx1, idx2)
    pos_lists = (pos0, pos1, pos2)

    pltpu.sync_copy(ids_hbm.at[pl.ds(base, CHUNK)], ids_v)

    lane = lax.iota(jnp.int32, LANES)
    zero_lane = jnp.zeros((LANES,), jnp.int32)

    def compact(g, carry):
        o0, o1, o2, f0i, f0p, f1i, f1p, f2i, f2p = carry
        v = ids_v[pl.ds(g * LANES, LANES)]
        i = lane + g * LANES
        bb = lax.shift_right_logical(i * 1311, 16)
        pos = (i - bb * 50) * 1024 + (bb + (base // 50))
        m0 = v < VOCAB
        m2 = v >= VU
        r0 = _prefix_sum(jnp.where(m0, 1, 0), lane)
        r2 = _prefix_sum(jnp.where(m2, 1, 0), lane)
        r1 = (lane + 1) - r0 - r2
        n0 = r0[LANES - 1]
        n2 = r2[LANES - 1]
        cnts = (n0, LANES - n0 - n2, n2)
        firsts = []
        for r, o, cnt, fi, fp, idx_l, pos_l, off in (
                (r0, o0, cnts[0], f0i, f0p, idx0, pos0, 0),
                (r1, o1, cnts[1], f1i, f1p, idx1, pos1, VOCAB),
                (r2, o2, cnts[2], f2i, f2p, idx2, pos2, VU)):
            src = _compact_src(r, lane)
            cv = _permute(v, src) - off
            cp = _permute(pos, src)
            idx_l[pl.ds(o, LANES)] = cv
            pos_l[pl.ds(o, LANES)] = cp
            is_first = jnp.logical_and(o == 0, cnt > 0)
            fi = jnp.where(is_first, _permute(cv, zero_lane), fi)
            fp = jnp.where(is_first, _permute(cp, zero_lane), fp)
            firsts += [fi, fp]
        return (o0 + cnts[0], o1 + cnts[1], o2 + cnts[2], *firsts)

    z = jnp.int32(0)
    c0, c1, c2, f0i, f0p, f1i, f1p, f2i, f2p = lax.fori_loop(
        0, CHUNK // LANES, compact,
        (z, z, z, zero_lane, zero_lane, zero_lane, zero_lane, zero_lane,
         zero_lane))

    for c, fi, fp, idx_l, pos_l in ((c0, f0i, f0p, idx0, pos0),
                                    (c1, f1i, f1p, idx1, pos1),
                                    (c2, f2i, f2p, idx2, pos2)):
        for k in range(G // LANES):
            idx_l[pl.ds(c + k * LANES, LANES)] = fi
            pos_l[pl.ds(c + k * LANES, LANES)] = fp

    rows = (rows_a, rows_b, rows_c, rows_d)
    sg = (sem_g0, sem_g1, sem_g2, sem_g3)
    ss = (sem_s0, sem_s1, sem_s2, sem_s3)

    n0 = (c0 + (G - 1)) // G
    n1 = (c1 + (G - 1)) // G
    n2 = (c2 + (G - 1)) // G
    t1 = n0
    t2 = n0 + n1
    n_all = t2 + n2

    tables = ((wte_hbm, 0), (user_hbm, t1), (item_hbm, t2))
    bounds = ((0, t1), (t1, t2), (t2, n_all))

    def stage_and_gather(q, b):
        for t, (table, lo) in enumerate(tables):
            @pl.when(jnp.logical_and(q >= lo, q < bounds[t][1]))
            def _(t=t, table=table, lo=lo):
                qt = q - lo
                for k in range(G // LANES):
                    idx_stage.at[b][pl.ds(k * LANES, LANES)] = (
                        idx_lists[t][pl.ds(qt * G + k * LANES, LANES)])
                    pos_stage.at[b][pl.ds(k * LANES, LANES)] = (
                        pos_lists[t][pl.ds(qt * G + k * LANES, LANES)])
                pltpu.async_copy(table.at[idx_stage.at[b]], rows[b], sg[b])

    def wait_gather(b):
        pltpu.make_async_copy(wte_hbm.at[idx_stage.at[b]], rows[b],
                              sg[b]).wait()

    def drain_scatter(b):
        pltpu.make_async_copy(rows[b], out_hbm.at[pos_stage.at[b]],
                              ss[b]).wait()

    def ring_round(rd, _):
        for b in range(NB):
            q = rd * NB + b

            @pl.when(q < n_all)
            def _(q=q, b=b):
                @pl.when(q >= NB)
                def _():
                    drain_scatter(b)
                stage_and_gather(q, b)
        for b in range(NB):
            q = rd * NB + b

            @pl.when(q < n_all)
            def _(q=q, b=b):
                wait_gather(b)
                pltpu.async_copy(rows[b], out_hbm.at[pos_stage.at[b]], ss[b])
        return 0

    lax.fori_loop(0, (n_all + NB - 1) // NB, ring_round, 0)

    for b in range(NB):
        @pl.when(b < n_all)
        def _(b=b):
            drain_scatter(b)


@jax.jit
def _lookup(ids_flat, wte, user_embeddings, item_embeddings):
    mesh = plsc.VectorSubcoreMesh(core_axis_name="c", subcore_axis_name="s")
    return pl.kernel(
        _body,
        out_type=jax.ShapeDtypeStruct((TOTAL, N_EMBD), jnp.float32),
        mesh=mesh,
        scratch_types=[
            pltpu.VMEM((CHUNK,), jnp.int32),
            pltpu.VMEM((LIST,), jnp.int32),
            pltpu.VMEM((LIST,), jnp.int32),
            pltpu.VMEM((LIST,), jnp.int32),
            pltpu.VMEM((LIST,), jnp.int32),
            pltpu.VMEM((LIST,), jnp.int32),
            pltpu.VMEM((LIST,), jnp.int32),
            pltpu.VMEM((NB, G), jnp.int32),
            pltpu.VMEM((NB, G), jnp.int32),
            pltpu.VMEM((G, N_EMBD), jnp.float32),
            pltpu.VMEM((G, N_EMBD), jnp.float32),
            pltpu.VMEM((G, N_EMBD), jnp.float32),
            pltpu.VMEM((G, N_EMBD), jnp.float32),
            pltpu.SemaphoreType.DMA,
            pltpu.SemaphoreType.DMA,
            pltpu.SemaphoreType.DMA,
            pltpu.SemaphoreType.DMA,
            pltpu.SemaphoreType.DMA,
            pltpu.SemaphoreType.DMA,
            pltpu.SemaphoreType.DMA,
            pltpu.SemaphoreType.DMA,
        ],
    )(ids_flat, wte, user_embeddings, item_embeddings)


def kernel(input_ids, wte, user_embeddings, item_embeddings):
    ids_flat = input_ids.reshape(-1).astype(jnp.int32)
    out = _lookup(ids_flat, wte, user_embeddings, item_embeddings)
    return out.reshape(50, 1024, N_EMBD).transpose(1, 0, 2)

# --- scband reference (transcript-rebuilt; emitter-appended) ---
"""Pipeline reference for scband-gpt4-recommendation-base-model-40389872451732 (READ-ONLY COPY).

The authoritative reference and input builder live on the scoring server;
editing this copy changes nothing except your own understanding.
"""

import jax, jax.numpy as jnp
import numpy as np

VOCAB = 50257
NUM_USERS = 100000
NUM_ITEMS = 100000
N_EMBD = 768
B = 1024
L = 50
INIT_STD = 0.02


def setup_inputs(seed: int = 0) -> dict:
    key = jax.random.key(seed)
    k1, k2, k3, k4 = jax.random.split(key, 4)
    input_ids = jax.random.randint(k1, (B, L), 0, VOCAB + NUM_USERS + NUM_ITEMS, dtype=jnp.int64 if jax.config.jax_enable_x64 else jnp.int32)
    wte = jax.random.normal(k2, (VOCAB, N_EMBD), dtype=jnp.float32) * INIT_STD
    user_embeddings = jax.random.normal(k3, (NUM_USERS, N_EMBD), dtype=jnp.float32) * INIT_STD
    item_embeddings = jax.random.normal(k4, (NUM_ITEMS, N_EMBD), dtype=jnp.float32) * INIT_STD
    return {
        "input_ids": input_ids,
        "wte": wte,
        "user_embeddings": user_embeddings,
        "item_embeddings": item_embeddings,
    }


def reference(input_ids, wte, user_embeddings, item_embeddings):
    # Faithful translation of GPT4RecommendationBaseModel.embed().
    # The downstream gpt2model(inputs_embeds=...) transformer stack is treated as
    # identity so the memory-bound extended-vocab embedding lookup is isolated.
    vocab_mask = (input_ids < VOCAB).astype(jnp.int32)
    user_mask = ((input_ids >= VOCAB) & (input_ids < VOCAB + NUM_USERS)).astype(jnp.int32)
    item_mask = (input_ids >= VOCAB + NUM_USERS).astype(jnp.int32)

    vocab_ids = jnp.clip(input_ids * vocab_mask, 0, VOCAB - 1)
    vocab_embeddings = jnp.take(wte, vocab_ids, axis=0)
    vocab_embeddings = vocab_embeddings * vocab_mask[..., None].astype(vocab_embeddings.dtype)

    user_ids = jnp.clip((input_ids - VOCAB) * user_mask, 0, NUM_USERS - 1)
    user_emb = jnp.take(user_embeddings, user_ids, axis=0)
    user_emb = user_emb * user_mask[..., None].astype(user_emb.dtype)

    item_ids = jnp.clip((input_ids - VOCAB - NUM_USERS) * item_mask, 0, NUM_ITEMS - 1)
    item_emb = jnp.take(item_embeddings, item_ids, axis=0)
    item_emb = item_emb * item_mask[..., None].astype(item_emb.dtype)

    return vocab_embeddings + user_emb + item_emb

if __name__ == "__main__":
    import jax
    _d = setup_inputs()
    print(jax.jit(kernel)(*tuple(_d.values())))

</pallas_src>

<mosaic_0001>
#map = affine_map<(d0, d1) -> (0)>
#map1 = affine_map<(d0, d1) -> (0, 0)>
module attributes {stable_mosaic.version = 14 : i64} {
  func.func @_body(%arg0: i32, %arg1: i32, %arg2: memref<51200xi32, #tpu.memory_space<hbm>>, %arg3: memref<50257x768xf32, #tpu.memory_space<hbm>>, %arg4: memref<100000x768xf32, #tpu.memory_space<hbm>>, %arg5: memref<100000x768xf32, #tpu.memory_space<hbm>>, %arg6: memref<51200x768xf32, #tpu.memory_space<hbm>>, %arg7: memref<1600xi32, #tpu.memory_space<vmem>>, %arg8: memref<1632xi32, #tpu.memory_space<vmem>>, %arg9: memref<1632xi32, #tpu.memory_space<vmem>>, %arg10: memref<1632xi32, #tpu.memory_space<vmem>>, %arg11: memref<1632xi32, #tpu.memory_space<vmem>>, %arg12: memref<1632xi32, #tpu.memory_space<vmem>>, %arg13: memref<1632xi32, #tpu.memory_space<vmem>>, %arg14: memref<4x32xi32, #tpu.memory_space<vmem>>, %arg15: memref<4x32xi32, #tpu.memory_space<vmem>>, %arg16: memref<32x768xf32, #tpu.memory_space<vmem>>, %arg17: memref<32x768xf32, #tpu.memory_space<vmem>>, %arg18: memref<32x768xf32, #tpu.memory_space<vmem>>, %arg19: memref<32x768xf32, #tpu.memory_space<vmem>>, %arg20: memref<!tpu.dma_semaphore, #tpu.memory_space<semaphore_mem>>, %arg21: memref<!tpu.dma_semaphore, #tpu.memory_space<semaphore_mem>>, %arg22: memref<!tpu.dma_semaphore, #tpu.memory_space<semaphore_mem>>, %arg23: memref<!tpu.dma_semaphore, #tpu.memory_space<semaphore_mem>>, %arg24: memref<!tpu.dma_semaphore, #tpu.memory_space<semaphore_mem>>, %arg25: memref<!tpu.dma_semaphore, #tpu.memory_space<semaphore_mem>>, %arg26: memref<!tpu.dma_semaphore, #tpu.memory_space<semaphore_mem>>, %arg27: memref<!tpu.dma_semaphore, #tpu.memory_space<semaphore_mem>>) attributes {dimension_semantics = [#tpu.dimension_semantics<core_parallel>, #tpu.dimension_semantics<subcore_parallel>], iteration_bounds = array<i64: 2, 16>, scalar_prefetch = 0 : i64, scratch_operands = 21 : i64, tpu.core_type = #tpu.core_type<sc_vector_subcore>, window_params = [{transform_indices = #map}, {transform_indices = #map1}, {transform_indices = #map1}, {transform_indices = #map1}, {transform_indices = #map1}]} {
    %mul3A = arith.constant 2 : i32
    %mul3A_0 = arith.muli %arg1, %mul3A : i32
    %add3A = arith.addi %mul3A_0, %arg0 : i32
    %mul3A_1 = arith.constant 1600 : i32
    %mul3A_2 = arith.muli %add3A, %mul3A_1 : i32
    "tpu.region"() ({
      %run_scoped3A = tpu.sem_alloc : memref<!tpu.dma_semaphore, #tpu.memory_space<semaphore_mem>>
      %dma_start3A = tpu.memref_slice %arg2[%mul3A_2] : memref<51200xi32, #tpu.memory_space<hbm>> -> memref<1600xi32, #tpu.memory_space<hbm>>
      %dma_start3A_211 = tpu.memref_slice %arg2[%mul3A_2] : memref<51200xi32, #tpu.memory_space<hbm>> -> memref<1600xi32, #tpu.memory_space<hbm>>
      tpu.enqueue_dma source(%dma_start3A_211 : memref<1600xi32, #tpu.memory_space<hbm>>) target(%arg7 : memref<1600xi32, #tpu.memory_space<vmem>>) target_semaphore(%run_scoped3A : memref<!tpu.dma_semaphore, #tpu.memory_space<semaphore_mem>>)
      %dma_wait3A = tpu.memref_slice %arg2[%mul3A_2] : memref<51200xi32, #tpu.memory_space<hbm>> -> memref<1600xi32, #tpu.memory_space<hbm>>
      %dma_wait3A_212 = tpu.memref_slice %arg2[%mul3A_2] : memref<51200xi32, #tpu.memory_space<hbm>> -> memref<1600xi32, #tpu.memory_space<hbm>>
      tpu.wait_dma2 semaphore(%run_scoped3A : memref<!tpu.dma_semaphore, #tpu.memory_space<semaphore_mem>>) src(%dma_wait3A_212 : memref<1600xi32, #tpu.memory_space<hbm>>) dst(%arg7 : memref<1600xi32, #tpu.memory_space<vmem>>)
      tpu.yield
    }) : () -> ()
    %iota3A = tpu.iota {dimensions = array<i32: 0>} : vector<16xi32>
    %broadcast_in_dim3A = arith.constant 0 : i32
    %broadcast_in_dim3A_3 = vector.broadcast %broadcast_in_dim3A : i32 to vector<16xi32>
    %scan3A = arith.constant 0 : i32
    %scan3A_4 = arith.constant 0 : i32
    %scan3A_5 = arith.constant 0 : i32
    %scan3A_6 = arith.constant 0 : i32
    %scan3A_7 = arith.constant 100 : i32
    %scan3A_8 = arith.addi %scan3A_6, %scan3A_7 : i32
    %scan3A_9 = arith.constant 1 : i32
    %scan3A_10:9 = scf.for %scan3A_211 = %scan3A_6 to %scan3A_8 step %scan3A_9 iter_args(%scan3A_212 = %scan3A, %scan3A_213 = %scan3A_4, %scan3A_214 = %scan3A_5, %scan3A_215 = %broadcast_in_dim3A_3, %scan3A_216 = %broadcast_in_dim3A_3, %scan3A_217 = %broadcast_in_dim3A_3, %scan3A_218 = %broadcast_in_dim3A_3, %scan3A_219 = %broadcast_in_dim3A_3, %scan3A_220 = %broadcast_in_dim3A_3) -> (i32, i32, i32, vector<16xi32>, vector<16xi32>, vector<16xi32>, vector<16xi32>, vector<16xi32>, vector<16xi32>)  : i32 {
      %mul3A_221 = arith.constant 16 : i32
      %mul3A_222 = arith.muli %scan3A_211, %mul3A_221 : i32
      %get3A = arith.index_cast %mul3A_222 : i32 to index
      %get3A_223 = tpu.vector_load %arg7[%get3A] {strides = array<i32>} : memref<1600xi32, #tpu.memory_space<vmem>>, vector<16xi32>,
      %get3A_224 = vector.shape_cast %get3A_223 : vector<16xi32> to vector<16xi32>
      %mul3A_225 = arith.constant 16 : i32
      %mul3A_226 = arith.muli %scan3A_211, %mul3A_225 : i32
      %add3A_227 = vector.broadcast %mul3A_226 : i32 to vector<16xi32>
      %add3A_228 = arith.addi %iota3A, %add3A_227 : vector<16xi32>
      %mul3A_229 = arith.constant 1311 : i32
      %mul3A_230 = vector.broadcast %mul3A_229 : i32 to vector<16xi32>
      %mul3A_231 = arith.muli %add3A_228, %mul3A_230 : vector<16xi32>
      %shift_right_logical3A = arith.constant 16 : i32
      %shift_right_logical3A_232 = vector.broadcast %shift_right_logical3A : i32 to vector<16xi32>
      %shift_right_logical3A_233 = arith.shrui %mul3A_231, %shift_right_logical3A_232 : vector<16xi32>
      %mul3A_234 = arith.constant 50 : i32
      %mul3A_235 = vector.broadcast %mul3A_234 : i32 to vector<16xi32>
      %mul3A_236 = arith.muli %shift_right_logical3A_233, %mul3A_235 : vector<16xi32>
      %sub3A_237 = arith.subi %add3A_228, %mul3A_236 : vector<16xi32>
      %mul3A_238 = arith.constant 1024 : i32
      %mul3A_239 = vector.broadcast %mul3A_238 : i32 to vector<16xi32>
      %mul3A_240 = arith.muli %sub3A_237, %mul3A_239 : vector<16xi32>
      %jit3A_241 = arith.constant 50 : i32
      %div3A_242 = arith.divsi %mul3A_2, %jit3A_241 : i32
      %sign3A_243 = arith.constant 0 : i32
      %sign3A_244 = arith.cmpi sgt, %mul3A_2, %sign3A_243 : i32
      %sign3A_245 = arith.extui %sign3A_244 : i1 to i32
      %sign3A_246 = arith.constant 0 : i32
      %sign3A_247 = arith.cmpi slt, %mul3A_2, %sign3A_246 : i32
      %sign3A_248 = arith.extui %sign3A_247 : i1 to i32
      %sign3A_249 = arith.subi %sign3A_245, %sign3A_248 : i32
      %sign3A_250 = arith.constant 0 : i32
      %sign3A_251 = arith.cmpi sgt, %jit3A_241, %sign3A_250 : i32
      %sign3A_252 = arith.extui %sign3A_251 : i1 to i32
      %sign3A_253 = arith.constant 0 : i32
      %sign3A_254 = arith.cmpi slt, %jit3A_241, %sign3A_253 : i32
      %sign3A_255 = arith.extui %sign3A_254 : i1 to i32
      %sign3A_256 = arith.subi %sign3A_252, %sign3A_255 : i32
      %ne3A_257 = arith.cmpi ne, %sign3A_249, %sign3A_256 : i32
      %rem3A_258 = arith.remsi %mul3A_2, %jit3A_241 : i32
      %ne3A_259 = arith.constant 0 : i32
      %ne3A_260 = arith.cmpi ne, %rem3A_258, %ne3A_259 : i32
      %and3A_261 = arith.andi %ne3A_257, %ne3A_260 : i1
      %sub3A_262 = arith.constant 1 : i32
      %sub3A_263 = arith.subi %div3A_242, %sub3A_262 : i32
      %select_n3A_264 = arith.select %and3A_261, %sub3A_263, %div3A_242 : i32
      %add3A_265 = vector.broadcast %select_n3A_264 : i32 to vector<16xi32>
      %add3A_266 = arith.addi %shift_right_logical3A_233, %add3A_265 : vector<16xi32>
      %add3A_267 = arith.addi %mul3A_240, %add3A_266 : vector<16xi32>
      %lt3A = arith.constant 50257 : i32
      %lt3A_268 = vector.broadcast %lt3A : i32 to vector<16xi32>
      %lt3A_269 = arith.cmpi slt, %get3A_224, %lt3A_268 : vector<16xi32>
      %ge3A = arith.constant 150257 : i32
      %ge3A_270 = vector.broadcast %ge3A : i32 to vector<16xi32>
      %ge3A_271 = arith.cmpi sge, %get3A_224, %ge3A_270 : vector<16xi32>
      %jit3A_272 = arith.constant 1 : i32
      %jit3A_273 = arith.constant 0 : i32
      %broadcast_in_dim3A_274 = vector.broadcast %jit3A_272 : i32 to vector<16xi32>
      %broadcast_in_dim3A_275 = vector.broadcast %jit3A_273 : i32 to vector<16xi32>
      %select_n3A_276 = arith.select %lt3A_269, %broadcast_in_dim3A_274, %broadcast_in_dim3A_275 : vector<16xi1>, vector<16xi32>
      %sub3A_277 = arith.constant 1 : i32
      %sub3A_278 = vector.broadcast %sub3A_277 : i32 to vector<16xi32>
      %sub3A_279 = arith.subi %iota3A, %sub3A_278 : vector<16xi32>
      %max3A = arith.constant 0 : i32
      %max3A_280 = vector.broadcast %max3A : i32 to vector<16xi32>
      %max3A_281 = arith.maxsi %sub3A_279, %max3A_280 : vector<16xi32>
      %broadcast_in_dim3A_282 = vector.shape_cast %max3A_281 : vector<16xi32> to vector<16x1xi32>
      %gather3A = vector.shape_cast %broadcast_in_dim3A_282 : vector<16x1xi32> to vector<16xi32>
      %gather3A_283 = tpu.dynamic_gather %select_n3A_276[%gather3A] in [0] : vector<16xi32>, vector<16xi32> -> vector<16xi32>
      %ge3A_284 = arith.constant 1 : i32
      %ge3A_285 = vector.broadcast %ge3A_284 : i32 to vector<16xi32>
      %ge3A_286 = arith.cmpi sge, %iota3A, %ge3A_285 : vector<16xi32>
      %jit3A_287 = arith.constant 0 : i32
      %broadcast_in_dim3A_288 = vector.broadcast %jit3A_287 : i32 to vector<16xi32>
      %select_n3A_289 = arith.select %ge3A_286, %gather3A_283, %broadcast_in_dim3A_288 : vector<16xi1>, vector<16xi32>
      %add3A_290 = arith.addi %select_n3A_276, %select_n3A_289 : vector<16xi32>
      %sub3A_291 = arith.constant 2 : i32
      %sub3A_292 = vector.broadcast %sub3A_291 : i32 to vector<16xi32>
      %sub3A_293 = arith.subi %iota3A, %sub3A_292 : vector<16xi32>
      %max3A_294 = arith.constant 0 : i32
      %max3A_295 = vector.broadcast %max3A_294 : i32 to vector<16xi32>
      %max3A_296 = arith.maxsi %sub3A_293, %max3A_295 : vector<16xi32>
      %broadcast_in_dim3A_297 = vector.shape_cast %max3A_296 : vector<16xi32> to vector<16x1xi32>
      %gather3A_298 = vector.shape_cast %broadcast_in_dim3A_297 : vector<16x1xi32> to vector<16xi32>
      %gather3A_299 = tpu.dynamic_gather %add3A_290[%gather3A_298] in [0] : vector<16xi32>, vector<16xi32> -> vector<16xi32>
      %ge3A_300 = arith.constant 2 : i32
      %ge3A_301 = vector.broadcast %ge3A_300 : i32 to vector<16xi32>
      %ge3A_302 = arith.cmpi sge, %iota3A, %ge3A_301 : vector<16xi32>
      %jit3A_303 = arith.constant 0 : i32
      %broadcast_in_dim3A_304 = vector.broadcast %jit3A_303 : i32 to vector<16xi32>
      %select_n3A_305 = arith.select %ge3A_302, %gather3A_299, %broadcast_in_dim3A_304 : vector<16xi1>, vector<16xi32>
      %add3A_306 = arith.addi %add3A_290, %select_n3A_305 : vector<16xi32>
      %sub3A_307 = arith.constant 4 : i32
      %sub3A_308 = vector.broadcast %sub3A_307 : i32 to vector<16xi32>
      %sub3A_309 = arith.subi %iota3A, %sub3A_308 : vector<16xi32>
      %max3A_310 = arith.constant 0 : i32
      %max3A_311 = vector.broadcast %max3A_310 : i32 to vector<16xi32>
      %max3A_312 = arith.maxsi %sub3A_309, %max3A_311 : vector<16xi32>
      %broadcast_in_dim3A_313 = vector.shape_cast %max3A_312 : vector<16xi32> to vector<16x1xi32>
      %gather3A_314 = vector.shape_cast %broadcast_in_dim3A_313 : vector<16x1xi32> to vector<16xi32>
      %gather3A_315 = tpu.dynamic_gather %add3A_306[%gather3A_314] in [0] : vector<16xi32>, vector<16xi32> -> vector<16xi32>
      %ge3A_316 = arith.constant 4 : i32
      %ge3A_317 = vector.broadcast %ge3A_316 : i32 to vector<16xi32>
      %ge3A_318 = arith.cmpi sge, %iota3A, %ge3A_317 : vector<16xi32>
      %jit3A_319 = arith.constant 0 : i32
      %broadcast_in_dim3A_320 = vector.broadcast %jit3A_319 : i32 to vector<16xi32>
      %select_n3A_321 = arith.select %ge3A_318, %gather3A_315, %broadcast_in_dim3A_320 : vector<16xi1>, vector<16xi32>
      %add3A_322 = arith.addi %add3A_306, %select_n3A_321 : vector<16xi32>
      %sub3A_323 = arith.constant 8 : i32
      %sub3A_324 = vector.broadcast %sub3A_323 : i32 to vector<16xi32>
      %sub3A_325 = arith.subi %iota3A, %sub3A_324 : vector<16xi32>
      %max3A_326 = arith.constant 0 : i32
      %max3A_327 = vector.broadcast %max3A_326 : i32 to vector<16xi32>
      %max3A_328 = arith.maxsi %sub3A_325, %max3A_327 : vector<16xi32>
      %broadcast_in_dim3A_329 = vector.shape_cast %max3A_328 : vector<16xi32> to vector<16x1xi32>
      %gather3A_330 = vector.shape_cast %broadcast_in_dim3A_329 : vector<16x1xi32> to vector<16xi32>
      %gather3A_331 = tpu.dynamic_gather %add3A_322[%gather3A_330] in [0] : vector<16xi32>, vector<16xi32> -> vector<16xi32>
      %ge3A_332 = arith.constant 8 : i32
      %ge3A_333 = vector.broadcast %ge3A_332 : i32 to vector<16xi32>
      %ge3A_334 = arith.cmpi sge, %iota3A, %ge3A_333 : vector<16xi32>
      %jit3A_335 = arith.constant 0 : i32
      %broadcast_in_dim3A_336 = vector.broadcast %jit3A_335 : i32 to vector<16xi32>
      %select_n3A_337 = arith.select %ge3A_334, %gather3A_331, %broadcast_in_dim3A_336 : vector<16xi1>, vector<16xi32>
      %add3A_338 = arith.addi %add3A_322, %select_n3A_337 : vector<16xi32>
      %jit3A_339 = arith.constant 1 : i32
      %jit3A_340 = arith.constant 0 : i32
      %broadcast_in_dim3A_341 = vector.broadcast %jit3A_339 : i32 to vector<16xi32>
      %broadcast_in_dim3A_342 = vector.broadcast %jit3A_340 : i32 to vector<16xi32>
      %select_n3A_343 = arith.select %ge3A_271, %broadcast_in_dim3A_341, %broadcast_in_dim3A_342 : vector<16xi1>, vector<16xi32>
      %sub3A_344 = arith.constant 1 : i32
      %sub3A_345 = vector.broadcast %sub3A_344 : i32 to vector<16xi32>
      %sub3A_346 = arith.subi %iota3A, %sub3A_345 : vector<16xi32>
      %max3A_347 = arith.constant 0 : i32
      %max3A_348 = vector.broadcast %max3A_347 : i32 to vector<16xi32>
      %max3A_349 = arith.maxsi %sub3A_346, %max3A_348 : vector<16xi32>
      %broadcast_in_dim3A_350 = vector.shape_cast %max3A_349 : vector<16xi32> to vector<16x1xi32>
      %gather3A_351 = vector.shape_cast %broadcast_in_dim3A_350 : vector<16x1xi32> to vector<16xi32>
      %gather3A_352 = tpu.dynamic_gather %select_n3A_343[%gather3A_351] in [0] : vector<16xi32>, vector<16xi32> -> vector<16xi32>
      %ge3A_353 = arith.constant 1 : i32
      %ge3A_354 = vector.broadcast %ge3A_353 : i32 to vector<16xi32>
      %ge3A_355 = arith.cmpi sge, %iota3A, %ge3A_354 : vector<16xi32>
      %jit3A_356 = arith.constant 0 : i32
      %broadcast_in_dim3A_357 = vector.broadcast %jit3A_356 : i32 to vector<16xi32>
      %select_n3A_358 = arith.select %ge3A_355, %gather3A_352, %broadcast_in_dim3A_357 : vector<16xi1>, vector<16xi32>
      %add3A_359 = arith.addi %select_n3A_343, %select_n3A_358 : vector<16xi32>
      %sub3A_360 = arith.constant 2 : i32
      %sub3A_361 = vector.broadcast %sub3A_360 : i32 to vector<16xi32>
      %sub3A_362 = arith.subi %iota3A, %sub3A_361 : vector<16xi32>
      %max3A_363 = arith.constant 0 : i32
      %max3A_364 = vector.broadcast %max3A_363 : i32 to vector<16xi32>
      %max3A_365 = arith.maxsi %sub3A_362, %max3A_364 : vector<16xi32>
      %broadcast_in_dim3A_366 = vector.shape_cast %max3A_365 : vector<16xi32> to vector<16x1xi32>
      %gather3A_367 = vector.shape_cast %broadcast_in_dim3A_366 : vector<16x1xi32> to vector<16xi32>
      %gather3A_368 = tpu.dynamic_gather %add3A_359[%gather3A_367] in [0] : vector<16xi32>, vector<16xi32> -> vector<16xi32>
      %ge3A_369 = arith.constant 2 : i32
      %ge3A_370 = vector.broadcast %ge3A_369 : i32 to vector<16xi32>
      %ge3A_371 = arith.cmpi sge, %iota3A, %ge3A_370 : vector<16xi32>
      %jit3A_372 = arith.constant 0 : i32
      %broadcast_in_dim3A_373 = vector.broadcast %jit3A_372 : i32 to vector<16xi32>
      %select_n3A_374 = arith.select %ge3A_371, %gather3A_368, %broadcast_in_dim3A_373 : vector<16xi1>, vector<16xi32>
      %add3A_375 = arith.addi %add3A_359, %select_n3A_374 : vector<16xi32>
      %sub3A_376 = arith.constant 4 : i32
      %sub3A_377 = vector.broadcast %sub3A_376 : i32 to vector<16xi32>
      %sub3A_378 = arith.subi %iota3A, %sub3A_377 : vector<16xi32>
      %max3A_379 = arith.constant 0 : i32
      %max3A_380 = vector.broadcast %max3A_379 : i32 to vector<16xi32>
      %max3A_381 = arith.maxsi %sub3A_378, %max3A_380 : vector<16xi32>
      %broadcast_in_dim3A_382 = vector.shape_cast %max3A_381 : vector<16xi32> to vector<16x1xi32>
      %gather3A_383 = vector.shape_cast %broadcast_in_dim3A_382 : vector<16x1xi32> to vector<16xi32>
      %gather3A_384 = tpu.dynamic_gather %add3A_375[%gather3A_383] in [0] : vector<16xi32>, vector<16xi32> -> vector<16xi32>
      %ge3A_385 = arith.constant 4 : i32
      %ge3A_386 = vector.broadcast %ge3A_385 : i32 to vector<16xi32>
      %ge3A_387 = arith.cmpi sge, %iota3A, %ge3A_386 : vector<16xi32>
      %jit3A_388 = arith.constant 0 : i32
      %broadcast_in_dim3A_389 = vector.broadcast %jit3A_388 : i32 to vector<16xi32>
      %select_n3A_390 = arith.select %ge3A_387, %gather3A_384, %broadcast_in_dim3A_389 : vector<16xi1>, vector<16xi32>
      %add3A_391 = arith.addi %add3A_375, %select_n3A_390 : vector<16xi32>
      %sub3A_392 = arith.constant 8 : i32
      %sub3A_393 = vector.broadcast %sub3A_392 : i32 to vector<16xi32>
      %sub3A_394 = arith.subi %iota3A, %sub3A_393 : vector<16xi32>
      %max3A_395 = arith.constant 0 : i32
      %max3A_396 = vector.broadcast %max3A_395 : i32 to vector<16xi32>
      %max3A_397 = arith.maxsi %sub3A_394, %max3A_396 : vector<16xi32>
      %broadcast_in_dim3A_398 = vector.shape_cast %max3A_397 : vector<16xi32> to vector<16x1xi32>
      %gather3A_399 = vector.shape_cast %broadcast_in_dim3A_398 : vector<16x1xi32> to vector<16xi32>
      %gather3A_400 = tpu.dynamic_gather %add3A_391[%gather3A_399] in [0] : vector<16xi32>, vector<16xi32> -> vector<16xi32>
      %ge3A_401 = arith.constant 8 : i32
      %ge3A_402 = vector.broadcast %ge3A_401 : i32 to vector<16xi32>
      %ge3A_403 = arith.cmpi sge, %iota3A, %ge3A_402 : vector<16xi32>
      %jit3A_404 = arith.constant 0 : i32
      %broadcast_in_dim3A_405 = vector.broadcast %jit3A_404 : i32 to vector<16xi32>
      %select_n3A_406 = arith.select %ge3A_403, %gather3A_400, %broadcast_in_dim3A_405 : vector<16xi1>, vector<16xi32>
      %add3A_407 = arith.addi %add3A_391, %select_n3A_406 : vector<16xi32>
      %add3A_408 = arith.constant 1 : i32
      %add3A_409 = vector.broadcast %add3A_408 : i32 to vector<16xi32>
      %add3A_410 = arith.addi %iota3A, %add3A_409 : vector<16xi32>
      %sub3A_411 = arith.subi %add3A_410, %add3A_338 : vector<16xi32>
      %sub3A_412 = arith.subi %sub3A_411, %add3A_407 : vector<16xi32>
      %slice3A = vector.extract_strided_slice %add3A_338 {offsets = [15], sizes = [1], strides = [1]} : vector<16xi32> to vector<1xi32>
      %squeeze3A = vector.extract %slice3A[0] : i32 from vector<1xi32>
      %slice3A_413 = vector.extract_strided_slice %add3A_407 {offsets = [15], sizes = [1], strides = [1]} : vector<16xi32> to vector<1xi32>
      %squeeze3A_414 = vector.extract %slice3A_413[0] : i32 from vector<1xi32>
      %sub3A_415 = arith.constant 16 : i32
      %sub3A_416 = arith.subi %sub3A_415, %squeeze3A : i32
      %sub3A_417 = arith.subi %sub3A_416, %squeeze3A_414 : i32
      %add3A_418 = arith.constant 1 : i32
      %add3A_419 = vector.broadcast %add3A_418 : i32 to vector<16xi32>
      %add3A_420 = arith.addi %iota3A, %add3A_419 : vector<16xi32>
      %broadcast_in_dim3A_421 = arith.constant 0 : i32
      %broadcast_in_dim3A_422 = vector.broadcast %broadcast_in_dim3A_421 : i32 to vector<16xi32>
      %add3A_423 = arith.constant 7 : i32
      %add3A_424 = vector.broadcast %add3A_423 : i32 to vector<16xi32>
      %add3A_425 = arith.addi %broadcast_in_dim3A_422, %add3A_424 : vector<16xi32>
      %min3A = arith.constant 15 : i32
      %min3A_426 = vector.broadcast %min3A : i32 to vector<16xi32>
      %min3A_427 = arith.minsi %add3A_425, %min3A_426 : vector<16xi32>
      %broadcast_in_dim3A_428 = vector.shape_cast %min3A_427 : vector<16xi32> to vector<16x1xi32>
      %gather3A_429 = vector.shape_cast %broadcast_in_dim3A_428 : vector<16x1xi32> to vector<16xi32>
      %gather3A_430 = tpu.dynamic_gather %add3A_338[%gather3A_429] in [0] : vector<16xi32>, vector<16xi32> -> vector<16xi32>
      %lt3A_431 = arith.cmpi slt, %gather3A_430, %add3A_420 : vector<16xi32>
      %jit3A_432 = arith.constant 8 : i32
      %jit3A_433 = arith.constant 0 : i32
      %broadcast_in_dim3A_434 = vector.broadcast %jit3A_432 : i32 to vector<16xi32>
      %broadcast_in_dim3A_435 = vector.broadcast %jit3A_433 : i32 to vector<16xi32>
      %select_n3A_436 = arith.select %lt3A_431, %broadcast_in_dim3A_434, %broadcast_in_dim3A_435 : vector<16xi1>, vector<16xi32>
      %add3A_437 = arith.addi %broadcast_in_dim3A_422, %select_n3A_436 : vector<16xi32>
      %add3A_438 = arith.constant 3 : i32
      %add3A_439 = vector.broadcast %add3A_438 : i32 to vector<16xi32>
      %add3A_440 = arith.addi %add3A_437, %add3A_439 : vector<16xi32>
      %min3A_441 = arith.constant 15 : i32
      %min3A_442 = vector.broadcast %min3A_441 : i32 to vector<16xi32>
      %min3A_443 = arith.minsi %add3A_440, %min3A_442 : vector<16xi32>
      %broadcast_in_dim3A_444 = vector.shape_cast %min3A_443 : vector<16xi32> to vector<16x1xi32>
      %gather3A_445 = vector.shape_cast %broadcast_in_dim3A_444 : vector<16x1xi32> to vector<16xi32>
      %gather3A_446 = tpu.dynamic_gather %add3A_338[%gather3A_445] in [0] : vector<16xi32>, vector<16xi32> -> vector<16xi32>
      %lt3A_447 = arith.cmpi slt, %gather3A_446, %add3A_420 : vector<16xi32>
      %jit3A_448 = arith.constant 4 : i32
      %jit3A_449 = arith.constant 0 : i32
      %broadcast_in_dim3A_450 = vector.broadcast %jit3A_448 : i32 to vector<16xi32>
      %broadcast_in_dim3A_451 = vector.broadcast %jit3A_449 : i32 to vector<16xi32>
      %select_n3A_452 = arith.select %lt3A_447, %broadcast_in_dim3A_450, %broadcast_in_dim3A_451 : vector<16xi1>, vector<16xi32>
      %add3A_453 = arith.addi %add3A_437, %select_n3A_452 : vector<16xi32>
      %add3A_454 = arith.constant 1 : i32
      %add3A_455 = vector.broadcast %add3A_454 : i32 to vector<16xi32>
      %add3A_456 = arith.addi %add3A_453, %add3A_455 : vector<16xi32>
      %min3A_457 = arith.constant 15 : i32
      %min3A_458 = vector.broadcast %min3A_457 : i32 to vector<16xi32>
      %min3A_459 = arith.minsi %add3A_456, %min3A_458 : vector<16xi32>
      %broadcast_in_dim3A_460 = vector.shape_cast %min3A_459 : vector<16xi32> to vector<16x1xi32>
      %gather3A_461 = vector.shape_cast %broadcast_in_dim3A_460 : vector<16x1xi32> to vector<16xi32>
      %gather3A_462 = tpu.dynamic_gather %add3A_338[%gather3A_461] in [0] : vector<16xi32>, vector<16xi32> -> vector<16xi32>
      %lt3A_463 = arith.cmpi slt, %gather3A_462, %add3A_420 : vector<16xi32>
      %jit3A_464 = arith.constant 2 : i32
      %jit3A_465 = arith.constant 0 : i32
      %broadcast_in_dim3A_466 = vector.broadcast %jit3A_464 : i32 to vector<16xi32>
      %broadcast_in_dim3A_467 = vector.broadcast %jit3A_465 : i32 to vector<16xi32>
      %select_n3A_468 = arith.select %lt3A_463, %broadcast_in_dim3A_466, %broadcast_in_dim3A_467 : vector<16xi1>, vector<16xi32>
      %add3A_469 = arith.addi %add3A_453, %select_n3A_468 : vector<16xi32>
      %add3A_470 = arith.constant 0 : i32
      %add3A_471 = vector.broadcast %add3A_470 : i32 to vector<16xi32>
      %add3A_472 = arith.addi %add3A_469, %add3A_471 : vector<16xi32>
      %min3A_473 = arith.constant 15 : i32
      %min3A_474 = vector.broadcast %min3A_473 : i32 to vector<16xi32>
      %min3A_475 = arith.minsi %add3A_472, %min3A_474 : vector<16xi32>
      %broadcast_in_dim3A_476 = vector.shape_cast %min3A_475 : vector<16xi32> to vector<16x1xi32>
      %gather3A_477 = vector.shape_cast %broadcast_in_dim3A_476 : vector<16x1xi32> to vector<16xi32>
      %gather3A_478 = tpu.dynamic_gather %add3A_338[%gather3A_477] in [0] : vector<16xi32>, vector<16xi32> -> vector<16xi32>
      %lt3A_479 = arith.cmpi slt, %gather3A_478, %add3A_420 : vector<16xi32>
      %jit3A_480 = arith.constant 1 : i32
      %jit3A_481 = arith.constant 0 : i32
      %broadcast_in_dim3A_482 = vector.broadcast %jit3A_480 : i32 to vector<16xi32>
      %broadcast_in_dim3A_483 = vector.broadcast %jit3A_481 : i32 to vector<16xi32>
      %select_n3A_484 = arith.select %lt3A_479, %broadcast_in_dim3A_482, %broadcast_in_dim3A_483 : vector<16xi1>, vector<16xi32>
      %add3A_485 = arith.addi %add3A_469, %select_n3A_484 : vector<16xi32>
      %min3A_486 = arith.constant 15 : i32
      %min3A_487 = vector.broadcast %min3A_486 : i32 to vector<16xi32>
      %min3A_488 = arith.minsi %add3A_485, %min3A_487 : vector<16xi32>
      %broadcast_in_dim3A_489 = vector.shape_cast %min3A_488 : vector<16xi32> to vector<16x1xi32>
      %gather3A_490 = vector.shape_cast %broadcast_in_dim3A_489 : vector<16x1xi32> to vector<16xi32>
      %gather3A_491 = tpu.dynamic_gather %get3A_224[%gather3A_490] in [0] : vector<16xi32>, vector<16xi32> -> vector<16xi32>
      %sub3A_492 = arith.constant 0 : i32
      %sub3A_493 = vector.broadcast %sub3A_492 : i32 to vector<16xi32>
      %sub3A_494 = arith.subi %gather3A_491, %sub3A_493 : vector<16xi32>
      %broadcast_in_dim3A_495 = vector.shape_cast %min3A_488 : vector<16xi32> to vector<16x1xi32>
      %gather3A_496 = vector.shape_cast %broadcast_in_dim3A_495 : vector<16x1xi32> to vector<16xi32>
      %gather3A_497 = tpu.dynamic_gather %add3A_267[%gather3A_496] in [0] : vector<16xi32>, vector<16xi32> -> vector<16xi32>
      %swap3A_498 = arith.index_cast %scan3A_212 : i32 to index
      %swap3A_499 = tpu.vector_load %arg8[%swap3A_498] {strides = array<i32>} : memref<1632xi32, #tpu.memory_space<vmem>>, vector<16xi32>,
      %swap3A_500 = vector.shape_cast %swap3A_499 : vector<16xi32> to vector<16xi32>
      %swap3A_501 = vector.shape_cast %sub3A_494 : vector<16xi32> to vector<16xi32>
      tpu.vector_store %arg8[%swap3A_498], %swap3A_501 {strides = array<i32>} : memref<1632xi32, #tpu.memory_space<vmem>>, vector<16xi32>,
      %swap3A_502 = arith.index_cast %scan3A_212 : i32 to index
      %swap3A_503 = tpu.vector_load %arg11[%swap3A_502] {strides = array<i32>} : memref<1632xi32, #tpu.memory_space<vmem>>, vector<16xi32>,
      %swap3A_504 = vector.shape_cast %swap3A_503 : vector<16xi32> to vector<16xi32>
      %swap3A_505 = vector.shape_cast %gather3A_497 : vector<16xi32> to vector<16xi32>
      tpu.vector_store %arg11[%swap3A_502], %swap3A_505 {strides = array<i32>} : memref<1632xi32, #tpu.memory_space<vmem>>, vector<16xi32>,
      %eq3A = arith.constant 0 : i32
      %eq3A_506 = arith.cmpi eq, %scan3A_212, %eq3A : i32
      %gt3A_507 = arith.constant 0 : i32
      %gt3A_508 = arith.cmpi sgt, %squeeze3A, %gt3A_507 : i32
      %and3A_509 = arith.andi %eq3A_506, %gt3A_508 : i1
      %broadcast_in_dim3A_510 = vector.shape_cast %broadcast_in_dim3A_3 : vector<16xi32> to vector<16x1xi32>
      %gather3A_511 = vector.shape_cast %broadcast_in_dim3A_510 : vector<16x1xi32> to vector<16xi32>
      %gather3A_512 = tpu.dynamic_gather %sub3A_494[%gather3A_511] in [0] : vector<16xi32>, vector<16xi32> -> vector<16xi32>
      %select_n3A_513 = arith.select %and3A_509, %gather3A_512, %scan3A_215 : vector<16xi32>
      %broadcast_in_dim3A_514 = vector.shape_cast %broadcast_in_dim3A_3 : vector<16xi32> to vector<16x1xi32>
      %gather3A_515 = vector.shape_cast %broadcast_in_dim3A_514 : vector<16x1xi32> to vector<16xi32>
      %gather3A_516 = tpu.dynamic_gather %gather3A_497[%gather3A_515] in [0] : vector<16xi32>, vector<16xi32> -> vector<16xi32>
      %select_n3A_517 = arith.select %and3A_509, %gather3A_516, %scan3A_216 : vector<16xi32>
      %add3A_518 = arith.constant 1 : i32
      %add3A_519 = vector.broadcast %add3A_518 : i32 to vector<16xi32>
      %add3A_520 = arith.addi %iota3A, %add3A_519 : vector<16xi32>
      %broadcast_in_dim3A_521 = arith.constant 0 : i32
      %broadcast_in_dim3A_522 = vector.broadcast %broadcast_in_dim3A_521 : i32 to vector<16xi32>
      %add3A_523 = arith.constant 7 : i32
      %add3A_524 = vector.broadcast %add3A_523 : i32 to vector<16xi32>
      %add3A_525 = arith.addi %broadcast_in_dim3A_522, %add3A_524 : vector<16xi32>
      %min3A_526 = arith.constant 15 : i32
      %min3A_527 = vector.broadcast %min3A_526 : i32 to vector<16xi32>
      %min3A_528 = arith.minsi %add3A_525, %min3A_527 : vector<16xi32>
      %broadcast_in_dim3A_529 = vector.shape_cast %min3A_528 : vector<16xi32> to vector<16x1xi32>
      %gather3A_530 = vector.shape_cast %broadcast_in_dim3A_529 : vector<16x1xi32> to vector<16xi32>
      %gather3A_531 = tpu.dynamic_gather %sub3A_412[%gather3A_530] in [0] : vector<16xi32>, vector<16xi32> -> vector<16xi32>
      %lt3A_532 = arith.cmpi slt, %gather3A_531, %add3A_520 : vector<16xi32>
      %jit3A_533 = arith.constant 8 : i32
      %jit3A_534 = arith.constant 0 : i32
      %broadcast_in_dim3A_535 = vector.broadcast %jit3A_533 : i32 to vector<16xi32>
      %broadcast_in_dim3A_536 = vector.broadcast %jit3A_534 : i32 to vector<16xi32>
      %select_n3A_537 = arith.select %lt3A_532, %broadcast_in_dim3A_535, %broadcast_in_dim3A_536 : vector<16xi1>, vector<16xi32>
      %add3A_538 = arith.addi %broadcast_in_dim3A_522, %select_n3A_537 : vector<16xi32>
      %add3A_539 = arith.constant 3 : i32
      %add3A_540 = vector.broadcast %add3A_539 : i32 to vector<16xi32>
      %add3A_541 = arith.addi %add3A_538, %add3A_540 : vector<16xi32>
      %min3A_542 = arith.constant 15 : i32
      %min3A_543 = vector.broadcast %min3A_542 : i32 to vector<16xi32>
      %min3A_544 = arith.minsi %add3A_541, %min3A_543 : vector<16xi32>
      %broadcast_in_dim3A_545 = vector.shape_cast %min3A_544 : vector<16xi32> to vector<16x1xi32>
      %gather3A_546 = vector.shape_cast %broadcast_in_dim3A_545 : vector<16x1xi32> to vector<16xi32>
      %gather3A_547 = tpu.dynamic_gather %sub3A_412[%gather3A_546] in [0] : vector<16xi32>, vector<16xi32> -> vector<16xi32>
      %lt3A_548 = arith.cmpi slt, %gather3A_547, %add3A_520 : vector<16xi32>
      %jit3A_549 = arith.constant 4 : i32
      %jit3A_550 = arith.constant 0 : i32
      %broadcast_in_dim3A_551 = vector.broadcast %jit3A_549 : i32 to vector<16xi32>
      %broadcast_in_dim3A_552 = vector.broadcast %jit3A_550 : i32 to vector<16xi32>
      %select_n3A_553 = arith.select %lt3A_548, %broadcast_in_dim3A_551, %broadcast_in_dim3A_552 : vector<16xi1>, vector<16xi32>
      %add3A_554 = arith.addi %add3A_538, %select_n3A_553 : vector<16xi32>
      %add3A_555 = arith.constant 1 : i32
      %add3A_556 = vector.broadcast %add3A_555 : i32 to vector<16xi32>
      %add3A_557 = arith.addi %add3A_554, %add3A_556 : vector<16xi32>
      %min3A_558 = arith.constant 15 : i32
      %min3A_559 = vector.broadcast %min3A_558 : i32 to vector<16xi32>
      %min3A_560 = arith.minsi %add3A_557, %min3A_559 : vector<16xi32>
      %broadcast_in_dim3A_561 = vector.shape_cast %min3A_560 : vector<16xi32> to vector<16x1xi32>
      %gather3A_562 = vector.shape_cast %broadcast_in_dim3A_561 : vector<16x1xi32> to vector<16xi32>
      %gather3A_563 = tpu.dynamic_gather %sub3A_412[%gather3A_562] in [0] : vector<16xi32>, vector<16xi32> -> vector<16xi32>
      %lt3A_564 = arith.cmpi slt, %gather3A_563, %add3A_520 : vector<16xi32>
      %jit3A_565 = arith.constant 2 : i32
      %jit3A_566 = arith.constant 0 : i32
      %broadcast_in_dim3A_567 = vector.broadcast %jit3A_565 : i32 to vector<16xi32>
      %broadcast_in_dim3A_568 = vector.broadcast %jit3A_566 : i32 to vector<16xi32>
      %select_n3A_569 = arith.select %lt3A_564, %broadcast_in_dim3A_567, %broadcast_in_dim3A_568 : vector<16xi1>, vector<16xi32>
      %add3A_570 = arith.addi %add3A_554, %select_n3A_569 : vector<16xi32>
      %add3A_571 = arith.constant 0 : i32
      %add3A_572 = vector.broadcast %add3A_571 : i32 to vector<16xi32>
      %add3A_573 = arith.addi %add3A_570, %add3A_572 : vector<16xi32>
      %min3A_574 = arith.constant 15 : i32
      %min3A_575 = vector.broadcast %min3A_574 : i32 to vector<16xi32>
      %min3A_576 = arith.minsi %add3A_573, %min3A_575 : vector<16xi32>
      %broadcast_in_dim3A_577 = vector.shape_cast %min3A_576 : vector<16xi32> to vector<16x1xi32>
      %gather3A_578 = vector.shape_cast %broadcast_in_dim3A_577 : vector<16x1xi32> to vector<16xi32>
      %gather3A_579 = tpu.dynamic_gather %sub3A_412[%gather3A_578] in [0] : vector<16xi32>, vector<16xi32> -> vector<16xi32>
      %lt3A_580 = arith.cmpi slt, %gather3A_579, %add3A_520 : vector<16xi32>
      %jit3A_581 = arith.constant 1 : i32
      %jit3A_582 = arith.constant 0 : i32
      %broadcast_in_dim3A_583 = vector.broadcast %jit3A_581 : i32 to vector<16xi32>
      %broadcast_in_dim3A_584 = vector.broadcast %jit3A_582 : i32 to vector<16xi32>
      %select_n3A_585 = arith.select %lt3A_580, %broadcast_in_dim3A_583, %broadcast_in_dim3A_584 : vector<16xi1>, vector<16xi32>
      %add3A_586 = arith.addi %add3A_570, %select_n3A_585 : vector<16xi32>
      %min3A_587 = arith.constant 15 : i32
      %min3A_588 = vector.broadcast %min3A_587 : i32 to vector<16xi32>
      %min3A_589 = arith.minsi %add3A_586, %min3A_588 : vector<16xi32>
      %broadcast_in_dim3A_590 = vector.shape_cast %min3A_589 : vector<16xi32> to vector<16x1xi32>
      %gather3A_591 = vector.shape_cast %broadcast_in_dim3A_590 : vector<16x1xi32> to vector<16xi32>
      %gather3A_592 = tpu.dynamic_gather %get3A_224[%gather3A_591] in [0] : vector<16xi32>, vector<16xi32> -> vector<16xi32>
      %sub3A_593 = arith.constant 50257 : i32
      %sub3A_594 = vector.broadcast %sub3A_593 : i32 to vector<16xi32>
      %sub3A_595 = arith.subi %gather3A_592, %sub3A_594 : vector<16xi32>
      %broadcast_in_dim3A_596 = vector.shape_cast %min3A_589 : vector<16xi32> to vector<16x1xi32>
      %gather3A_597 = vector.shape_cast %broadcast_in_dim3A_596 : vector<16x1xi32> to vector<16xi32>
      %gather3A_598 = tpu.dynamic_gather %add3A_267[%gather3A_597] in [0] : vector<16xi32>, vector<16xi32> -> vector<16xi32>
      %swap3A_599 = arith.index_cast %scan3A_213 : i32 to index
      %swap3A_600 = tpu.vector_load %arg9[%swap3A_599] {strides = array<i32>} : memref<1632xi32, #tpu.memory_space<vmem>>, vector<16xi32>,
      %swap3A_601 = vector.shape_cast %swap3A_600 : vector<16xi32> to vector<16xi32>
      %swap3A_602 = vector.shape_cast %sub3A_595 : vector<16xi32> to vector<16xi32>
      tpu.vector_store %arg9[%swap3A_599], %swap3A_602 {strides = array<i32>} : memref<1632xi32, #tpu.memory_space<vmem>>, vector<16xi32>,
      %swap3A_603 = arith.index_cast %scan3A_213 : i32 to index
      %swap3A_604 = tpu.vector_load %arg12[%swap3A_603] {strides = array<i32>} : memref<1632xi32, #tpu.memory_space<vmem>>, vector<16xi32>,
      %swap3A_605 = vector.shape_cast %swap3A_604 : vector<16xi32> to vector<16xi32>
      %swap3A_606 = vector.shape_cast %gather3A_598 : vector<16xi32> to vector<16xi32>
      tpu.vector_store %arg12[%swap3A_603], %swap3A_606 {strides = array<i32>} : memref<1632xi32, #tpu.memory_space<vmem>>, vector<16xi32>,
      %eq3A_607 = arith.constant 0 : i32
      %eq3A_608 = arith.cmpi eq, %scan3A_213, %eq3A_607 : i32
      %gt3A_609 = arith.constant 0 : i32
      %gt3A_610 = arith.cmpi sgt, %sub3A_417, %gt3A_609 : i32
      %and3A_611 = arith.andi %eq3A_608, %gt3A_610 : i1
      %broadcast_in_dim3A_612 = vector.shape_cast %broadcast_in_dim3A_3 : vector<16xi32> to vector<16x1xi32>
      %gather3A_613 = vector.shape_cast %broadcast_in_dim3A_612 : vector<16x1xi32> to vector<16xi32>
      %gather3A_614 = tpu.dynamic_gather %sub3A_595[%gather3A_613] in [0] : vector<16xi32>, vector<16xi32> -> vector<16xi32>
      %select_n3A_615 = arith.select %and3A_611, %gather3A_614, %scan3A_217 : vector<16xi32>
      %broadcast_in_dim3A_616 = vector.shape_cast %broadcast_in_dim3A_3 : vector<16xi32> to vector<16x1xi32>
      %gather3A_617 = vector.shape_cast %broadcast_in_dim3A_616 : vector<16x1xi32> to vector<16xi32>
      %gather3A_618 = tpu.dynamic_gather %gather3A_598[%gather3A_617] in [0] : vector<16xi32>, vector<16xi32> -> vector<16xi32>
      %select_n3A_619 = arith.select %and3A_611, %gather3A_618, %scan3A_218 : vector<16xi32>
      %add3A_620 = arith.constant 1 : i32
      %add3A_621 = vector.broadcast %add3A_620 : i32 to vector<16xi32>
      %add3A_622 = arith.addi %iota3A, %add3A_621 : vector<16xi32>
      %broadcast_in_dim3A_623 = arith.constant 0 : i32
      %broadcast_in_dim3A_624 = vector.broadcast %broadcast_in_dim3A_623 : i32 to vector<16xi32>
      %add3A_625 = arith.constant 7 : i32
      %add3A_626 = vector.broadcast %add3A_625 : i32 to vector<16xi32>
      %add3A_627 = arith.addi %broadcast_in_dim3A_624, %add3A_626 : vector<16xi32>
      %min3A_628 = arith.constant 15 : i32
      %min3A_629 = vector.broadcast %min3A_628 : i32 to vector<16xi32>
      %min3A_630 = arith.minsi %add3A_627, %min3A_629 : vector<16xi32>
      %broadcast_in_dim3A_631 = vector.shape_cast %min3A_630 : vector<16xi32> to vector<16x1xi32>
      %gather3A_632 = vector.shape_cast %broadcast_in_dim3A_631 : vector<16x1xi32> to vector<16xi32>
      %gather3A_633 = tpu.dynamic_gather %add3A_407[%gather3A_632] in [0] : vector<16xi32>, vector<16xi32> -> vector<16xi32>
      %lt3A_634 = arith.cmpi slt, %gather3A_633, %add3A_622 : vector<16xi32>
      %jit3A_635 = arith.constant 8 : i32
      %jit3A_636 = arith.constant 0 : i32
      %broadcast_in_dim3A_637 = vector.broadcast %jit3A_635 : i32 to vector<16xi32>
      %broadcast_in_dim3A_638 = vector.broadcast %jit3A_636 : i32 to vector<16xi32>
      %select_n3A_639 = arith.select %lt3A_634, %broadcast_in_dim3A_637, %broadcast_in_dim3A_638 : vector<16xi1>, vector<16xi32>
      %add3A_640 = arith.addi %broadcast_in_dim3A_624, %select_n3A_639 : vector<16xi32>
      %add3A_641 = arith.constant 3 : i32
      %add3A_642 = vector.broadcast %add3A_641 : i32 to vector<16xi32>
      %add3A_643 = arith.addi %add3A_640, %add3A_642 : vector<16xi32>
      %min3A_644 = arith.constant 15 : i32
      %min3A_645 = vector.broadcast %min3A_644 : i32 to vector<16xi32>
      %min3A_646 = arith.minsi %add3A_643, %min3A_645 : vector<16xi32>
      %broadcast_in_dim3A_647 = vector.shape_cast %min3A_646 : vector<16xi32> to vector<16x1xi32>
      %gather3A_648 = vector.shape_cast %broadcast_in_dim3A_647 : vector<16x1xi32> to vector<16xi32>
      %gather3A_649 = tpu.dynamic_gather %add3A_407[%gather3A_648] in [0] : vector<16xi32>, vector<16xi32> -> vector<16xi32>
      %lt3A_650 = arith.cmpi slt, %gather3A_649, %add3A_622 : vector<16xi32>
      %jit3A_651 = arith.constant 4 : i32
      %jit3A_652 = arith.constant 0 : i32
      %broadcast_in_dim3A_653 = vector.broadcast %jit3A_651 : i32 to vector<16xi32>
      %broadcast_in_dim3A_654 = vector.broadcast %jit3A_652 : i32 to vector<16xi32>
      %select_n3A_655 = arith.select %lt3A_650, %broadcast_in_dim3A_653, %broadcast_in_dim3A_654 : vector<16xi1>, vector<16xi32>
      %add3A_656 = arith.addi %add3A_640, %select_n3A_655 : vector<16xi32>
      %add3A_657 = arith.constant 1 : i32
      %add3A_658 = vector.broadcast %add3A_657 : i32 to vector<16xi32>
      %add3A_659 = arith.addi %add3A_656, %add3A_658 : vector<16xi32>
      %min3A_660 = arith.constant 15 : i32
      %min3A_661 = vector.broadcast %min3A_660 : i32 to vector<16xi32>
      %min3A_662 = arith.minsi %add3A_659, %min3A_661 : vector<16xi32>
      %broadcast_in_dim3A_663 = vector.shape_cast %min3A_662 : vector<16xi32> to vector<16x1xi32>
      %gather3A_664 = vector.shape_cast %broadcast_in_dim3A_663 : vector<16x1xi32> to vector<16xi32>
      %gather3A_665 = tpu.dynamic_gather %add3A_407[%gather3A_664] in [0] : vector<16xi32>, vector<16xi32> -> vector<16xi32>
      %lt3A_666 = arith.cmpi slt, %gather3A_665, %add3A_622 : vector<16xi32>
      %jit3A_667 = arith.constant 2 : i32
      %jit3A_668 = arith.constant 0 : i32
      %broadcast_in_dim3A_669 = vector.broadcast %jit3A_667 : i32 to vector<16xi32>
      %broadcast_in_dim3A_670 = vector.broadcast %jit3A_668 : i32 to vector<16xi32>
      %select_n3A_671 = arith.select %lt3A_666, %broadcast_in_dim3A_669, %broadcast_in_dim3A_670 : vector<16xi1>, vector<16xi32>
      %add3A_672 = arith.addi %add3A_656, %select_n3A_671 : vector<16xi32>
      %add3A_673 = arith.constant 0 : i32
      %add3A_674 = vector.broadcast %add3A_673 : i32 to vector<16xi32>
      %add3A_675 = arith.addi %add3A_672, %add3A_674 : vector<16xi32>
      %min3A_676 = arith.constant 15 : i32
      %min3A_677 = vector.broadcast %min3A_676 : i32 to vector<16xi32>
      %min3A_678 = arith.minsi %add3A_675, %min3A_677 : vector<16xi32>
      %broadcast_in_dim3A_679 = vector.shape_cast %min3A_678 : vector<16xi32> to vector<16x1xi32>
      %gather3A_680 = vector.shape_cast %broadcast_in_dim3A_679 : vector<16x1xi32> to vector<16xi32>
      %gather3A_681 = tpu.dynamic_gather %add3A_407[%gather3A_680] in [0] : vector<16xi32>, vector<16xi32> -> vector<16xi32>
      %lt3A_682 = arith.cmpi slt, %gather3A_681, %add3A_622 : vector<16xi32>
      %jit3A_683 = arith.constant 1 : i32
      %jit3A_684 = arith.constant 0 : i32
      %broadcast_in_dim3A_685 = vector.broadcast %jit3A_683 : i32 to vector<16xi32>
      %broadcast_in_dim3A_686 = vector.broadcast %jit3A_684 : i32 to vector<16xi32>
      %select_n3A_687 = arith.select %lt3A_682, %broadcast_in_dim3A_685, %broadcast_in_dim3A_686 : vector<16xi1>, vector<16xi32>
      %add3A_688 = arith.addi %add3A_672, %select_n3A_687 : vector<16xi32>
      %min3A_689 = arith.constant 15 : i32
      %min3A_690 = vector.broadcast %min3A_689 : i32 to vector<16xi32>
      %min3A_691 = arith.minsi %add3A_688, %min3A_690 : vector<16xi32>
      %broadcast_in_dim3A_692 = vector.shape_cast %min3A_691 : vector<16xi32> to vector<16x1xi32>
      %gather3A_693 = vector.shape_cast %broadcast_in_dim3A_692 : vector<16x1xi32> to vector<16xi32>
      %gather3A_694 = tpu.dynamic_gather %get3A_224[%gather3A_693] in [0] : vector<16xi32>, vector<16xi32> -> vector<16xi32>
      %sub3A_695 = arith.constant 150257 : i32
      %sub3A_696 = vector.broadcast %sub3A_695 : i32 to vector<16xi32>
      %sub3A_697 = arith.subi %gather3A_694, %sub3A_696 : vector<16xi32>
      %broadcast_in_dim3A_698 = vector.shape_cast %min3A_691 : vector<16xi32> to vector<16x1xi32>
      %gather3A_699 = vector.shape_cast %broadcast_in_dim3A_698 : vector<16x1xi32> to vector<16xi32>
      %gather3A_700 = tpu.dynamic_gather %add3A_267[%gather3A_699] in [0] : vector<16xi32>, vector<16xi32> -> vector<16xi32>
      %swap3A_701 = arith.index_cast %scan3A_214 : i32 to index
      %swap3A_702 = tpu.vector_load %arg10[%swap3A_701] {strides = array<i32>} : memref<1632xi32, #tpu.memory_space<vmem>>, vector<16xi32>,
      %swap3A_703 = vector.shape_cast %swap3A_702 : vector<16xi32> to vector<16xi32>
      %swap3A_704 = vector.shape_cast %sub3A_697 : vector<16xi32> to vector<16xi32>
      tpu.vector_store %arg10[%swap3A_701], %swap3A_704 {strides = array<i32>} : memref<1632xi32, #tpu.memory_space<vmem>>, vector<16xi32>,
      %swap3A_705 = arith.index_cast %scan3A_214 : i32 to index
      %swap3A_706 = tpu.vector_load %arg13[%swap3A_705] {strides = array<i32>} : memref<1632xi32, #tpu.memory_space<vmem>>, vector<16xi32>,
      %swap3A_707 = vector.shape_cast %swap3A_706 : vector<16xi32> to vector<16xi32>
      %swap3A_708 = vector.shape_cast %gather3A_700 : vector<16xi32> to vector<16xi32>
      tpu.vector_store %arg13[%swap3A_705], %swap3A_708 {strides = array<i32>} : memref<1632xi32, #tpu.memory_space<vmem>>, vector<16xi32>,
      %eq3A_709 = arith.constant 0 : i32
      %eq3A_710 = arith.cmpi eq, %scan3A_214, %eq3A_709 : i32
      %gt3A_711 = arith.constant 0 : i32
      %gt3A_712 = arith.cmpi sgt, %squeeze3A_414, %gt3A_711 : i32
      %and3A_713 = arith.andi %eq3A_710, %gt3A_712 : i1
      %broadcast_in_dim3A_714 = vector.shape_cast %broadcast_in_dim3A_3 : vector<16xi32> to vector<16x1xi32>
      %gather3A_715 = vector.shape_cast %broadcast_in_dim3A_714 : vector<16x1xi32> to vector<16xi32>
      %gather3A_716 = tpu.dynamic_gather %sub3A_697[%gather3A_715] in [0] : vector<16xi32>, vector<16xi32> -> vector<16xi32>
      %select_n3A_717 = arith.select %and3A_713, %gather3A_716, %scan3A_219 : vector<16xi32>
      %broadcast_in_dim3A_718 = vector.shape_cast %broadcast_in_dim3A_3 : vector<16xi32> to vector<16x1xi32>
      %gather3A_719 = vector.shape_cast %broadcast_in_dim3A_718 : vector<16x1xi32> to vector<16xi32>
      %gather3A_720 = tpu.dynamic_gather %gather3A_700[%gather3A_719] in [0] : vector<16xi32>, vector<16xi32> -> vector<16xi32>
      %select_n3A_721 = arith.select %and3A_713, %gather3A_720, %scan3A_220 : vector<16xi32>
      %add3A_722 = arith.addi %scan3A_212, %squeeze3A : i32
      %add3A_723 = arith.addi %scan3A_213, %sub3A_417 : i32
      %add3A_724 = arith.addi %scan3A_214, %squeeze3A_414 : i32
      scf.yield %add3A_722, %add3A_723, %add3A_724, %select_n3A_513, %select_n3A_517, %select_n3A_615, %select_n3A_619, %select_n3A_717, %select_n3A_721 : i32, i32, i32, vector<16xi32>, vector<16xi32>, vector<16xi32>, vector<16xi32>, vector<16xi32>, vector<16xi32>
    }
    %scan3A_11 = arith.constant 100 : i32
    %add3A_12 = arith.constant 0 : i32
    %add3A_13 = arith.addi %scan3A_10#0, %add3A_12 : i32
    %swap3A = arith.index_cast %add3A_13 : i32 to index
    %swap3A_14 = tpu.vector_load %arg8[%swap3A] {strides = array<i32>} : memref<1632xi32, #tpu.memory_space<vmem>>, vector<16xi32>,
    %swap3A_15 = vector.shape_cast %swap3A_14 : vector<16xi32> to vector<16xi32>
    %swap3A_16 = vector.shape_cast %scan3A_10#3 : vector<16xi32> to vector<16xi32>
    tpu.vector_store %arg8[%swap3A], %swap3A_16 {strides = array<i32>} : memref<1632xi32, #tpu.memory_space<vmem>>, vector<16xi32>,
    %add3A_17 = arith.constant 0 : i32
    %add3A_18 = arith.addi %scan3A_10#0, %add3A_17 : i32
    %swap3A_19 = arith.index_cast %add3A_18 : i32 to index
    %swap3A_20 = tpu.vector_load %arg11[%swap3A_19] {strides = array<i32>} : memref<1632xi32, #tpu.memory_space<vmem>>, vector<16xi32>,
    %swap3A_21 = vector.shape_cast %swap3A_20 : vector<16xi32> to vector<16xi32>
    %swap3A_22 = vector.shape_cast %scan3A_10#4 : vector<16xi32> to vector<16xi32>
    tpu.vector_store %arg11[%swap3A_19], %swap3A_22 {strides = array<i32>} : memref<1632xi32, #tpu.memory_space<vmem>>, vector<16xi32>,
    %add3A_23 = arith.constant 16 : i32
    %add3A_24 = arith.addi %scan3A_10#0, %add3A_23 : i32
    %swap3A_25 = arith.index_cast %add3A_24 : i32 to index
    %swap3A_26 = tpu.vector_load %arg8[%swap3A_25] {strides = array<i32>} : memref<1632xi32, #tpu.memory_space<vmem>>, vector<16xi32>,
    %swap3A_27 = vector.shape_cast %swap3A_26 : vector<16xi32> to vector<16xi32>
    %swap3A_28 = vector.shape_cast %scan3A_10#3 : vector<16xi32> to vector<16xi32>
    tpu.vector_store %arg8[%swap3A_25], %swap3A_28 {strides = array<i32>} : memref<1632xi32, #tpu.memory_space<vmem>>, vector<16xi32>,
    %add3A_29 = arith.constant 16 : i32
    %add3A_30 = arith.addi %scan3A_10#0, %add3A_29 : i32
    %swap3A_31 = arith.index_cast %add3A_30 : i32 to index
    %swap3A_32 = tpu.vector_load %arg11[%swap3A_31] {strides = array<i32>} : memref<1632xi32, #tpu.memory_space<vmem>>, vector<16xi32>,
    %swap3A_33 = vector.shape_cast %swap3A_32 : vector<16xi32> to vector<16xi32>
    %swap3A_34 = vector.shape_cast %scan3A_10#4 : vector<16xi32> to vector<16xi32>
    tpu.vector_store %arg11[%swap3A_31], %swap3A_34 {strides = array<i32>} : memref<1632xi32, #tpu.memory_space<vmem>>, vector<16xi32>,
    %add3A_35 = arith.constant 0 : i32
    %add3A_36 = arith.addi %scan3A_10#1, %add3A_35 : i32
    %swap3A_37 = arith.index_cast %add3A_36 : i32 to index
    %swap3A_38 = tpu.vector_load %arg9[%swap3A_37] {strides = array<i32>} : memref<1632xi32, #tpu.memory_space<vmem>>, vector<16xi32>,
    %swap3A_39 = vector.shape_cast %swap3A_38 : vector<16xi32> to vector<16xi32>
    %swap3A_40 = vector.shape_cast %scan3A_10#5 : vector<16xi32> to vector<16xi32>
    tpu.vector_store %arg9[%swap3A_37], %swap3A_40 {strides = array<i32>} : memref<1632xi32, #tpu.memory_space<vmem>>, vector<16xi32>,
    %add3A_41 = arith.constant 0 : i32
    %add3A_42 = arith.addi %scan3A_10#1, %add3A_41 : i32
    %swap3A_43 = arith.index_cast %add3A_42 : i32 to index
    %swap3A_44 = tpu.vector_load %arg12[%swap3A_43] {strides = array<i32>} : memref<1632xi32, #tpu.memory_space<vmem>>, vector<16xi32>,
    %swap3A_45 = vector.shape_cast %swap3A_44 : vector<16xi32> to vector<16xi32>
    %swap3A_46 = vector.shape_cast %scan3A_10#6 : vector<16xi32> to vector<16xi32>
    tpu.vector_store %arg12[%swap3A_43], %swap3A_46 {strides = array<i32>} : memref<1632xi32, #tpu.memory_space<vmem>>, vector<16xi32>,
    %add3A_47 = arith.constant 16 : i32
    %add3A_48 = arith.addi %scan3A_10#1, %add3A_47 : i32
    %swap3A_49 = arith.index_cast %add3A_48 : i32 to index
    %swap3A_50 = tpu.vector_load %arg9[%swap3A_49] {strides = array<i32>} : memref<1632xi32, #tpu.memory_space<vmem>>, vector<16xi32>,
    %swap3A_51 = vector.shape_cast %swap3A_50 : vector<16xi32> to vector<16xi32>
    %swap3A_52 = vector.shape_cast %scan3A_10#5 : vector<16xi32> to vector<16xi32>
    tpu.vector_store %arg9[%swap3A_49], %swap3A_52 {strides = array<i32>} : memref<1632xi32, #tpu.memory_space<vmem>>, vector<16xi32>,
    %add3A_53 = arith.constant 16 : i32
    %add3A_54 = arith.addi %scan3A_10#1, %add3A_53 : i32
    %swap3A_55 = arith.index_cast %add3A_54 : i32 to index
    %swap3A_56 = tpu.vector_load %arg12[%swap3A_55] {strides = array<i32>} : memref<1632xi32, #tpu.memory_space<vmem>>, vector<16xi32>,
    %swap3A_57 = vector.shape_cast %swap3A_56 : vector<16xi32> to vector<16xi32>
    %swap3A_58 = vector.shape_cast %scan3A_10#6 : vector<16xi32> to vector<16xi32>
    tpu.vector_store %arg12[%swap3A_55], %swap3A_58 {strides = array<i32>} : memref<1632xi32, #tpu.memory_space<vmem>>, vector<16xi32>,
    %add3A_59 = arith.constant 0 : i32
    %add3A_60 = arith.addi %scan3A_10#2, %add3A_59 : i32
    %swap3A_61 = arith.index_cast %add3A_60 : i32 to index
    %swap3A_62 = tpu.vector_load %arg10[%swap3A_61] {strides = array<i32>} : memref<1632xi32, #tpu.memory_space<vmem>>, vector<16xi32>,
    %swap3A_63 = vector.shape_cast %swap3A_62 : vector<16xi32> to vector<16xi32>
    %swap3A_64 = vector.shape_cast %scan3A_10#7 : vector<16xi32> to vector<16xi32>
    tpu.vector_store %arg10[%swap3A_61], %swap3A_64 {strides = array<i32>} : memref<1632xi32, #tpu.memory_space<vmem>>, vector<16xi32>,
    %add3A_65 = arith.constant 0 : i32
    %add3A_66 = arith.addi %scan3A_10#2, %add3A_65 : i32
    %swap3A_67 = arith.index_cast %add3A_66 : i32 to index
    %swap3A_68 = tpu.vector_load %arg13[%swap3A_67] {strides = array<i32>} : memref<1632xi32, #tpu.memory_space<vmem>>, vector<16xi32>,
    %swap3A_69 = vector.shape_cast %swap3A_68 : vector<16xi32> to vector<16xi32>
    %swap3A_70 = vector.shape_cast %scan3A_10#8 : vector<16xi32> to vector<16xi32>
    tpu.vector_store %arg13[%swap3A_67], %swap3A_70 {strides = array<i32>} : memref<1632xi32, #tpu.memory_space<vmem>>, vector<16xi32>,
    %add3A_71 = arith.constant 16 : i32
    %add3A_72 = arith.addi %scan3A_10#2, %add3A_71 : i32
    %swap3A_73 = arith.index_cast %add3A_72 : i32 to index
    %swap3A_74 = tpu.vector_load %arg10[%swap3A_73] {strides = array<i32>} : memref<1632xi32, #tpu.memory_space<vmem>>, vector<16xi32>,
    %swap3A_75 = vector.shape_cast %swap3A_74 : vector<16xi32> to vector<16xi32>
    %swap3A_76 = vector.shape_cast %scan3A_10#7 : vector<16xi32> to vector<16xi32>
    tpu.vector_store %arg10[%swap3A_73], %swap3A_76 {strides = array<i32>} : memref<1632xi32, #tpu.memory_space<vmem>>, vector<16xi32>,
    %add3A_77 = arith.constant 16 : i32
    %add3A_78 = arith.addi %scan3A_10#2, %add3A_77 : i32
    %swap3A_79 = arith.index_cast %add3A_78 : i32 to index
    %swap3A_80 = tpu.vector_load %arg13[%swap3A_79] {strides = array<i32>} : memref<1632xi32, #tpu.memory_space<vmem>>, vector<16xi32>,
    %swap3A_81 = vector.shape_cast %swap3A_80 : vector<16xi32> to vector<16xi32>
    %swap3A_82 = vector.shape_cast %scan3A_10#8 : vector<16xi32> to vector<16xi32>
    tpu.vector_store %arg13[%swap3A_79], %swap3A_82 {strides = array<i32>} : memref<1632xi32, #tpu.memory_space<vmem>>, vector<16xi32>,
    %add3A_83 = arith.constant 31 : i32
    %add3A_84 = arith.addi %scan3A_10#0, %add3A_83 : i32
    %jit3A = arith.constant 32 : i32
    %div3A = arith.divsi %add3A_84, %jit3A : i32
    %sign3A = arith.constant 0 : i32
    %sign3A_85 = arith.cmpi sgt, %add3A_84, %sign3A : i32
    %sign3A_86 = arith.extui %sign3A_85 : i1 to i32
    %sign3A_87 = arith.constant 0 : i32
    %sign3A_88 = arith.cmpi slt, %add3A_84, %sign3A_87 : i32
    %sign3A_89 = arith.extui %sign3A_88 : i1 to i32
    %sign3A_90 = arith.subi %sign3A_86, %sign3A_89 : i32
    %sign3A_91 = arith.constant 0 : i32
    %sign3A_92 = arith.cmpi sgt, %jit3A, %sign3A_91 : i32
    %sign3A_93 = arith.extui %sign3A_92 : i1 to i32
    %sign3A_94 = arith.constant 0 : i32
    %sign3A_95 = arith.cmpi slt, %jit3A, %sign3A_94 : i32
    %sign3A_96 = arith.extui %sign3A_95 : i1 to i32
    %sign3A_97 = arith.subi %sign3A_93, %sign3A_96 : i32
    %ne3A = arith.cmpi ne, %sign3A_90, %sign3A_97 : i32
    %rem3A = arith.remsi %add3A_84, %jit3A : i32
    %ne3A_98 = arith.constant 0 : i32
    %ne3A_99 = arith.cmpi ne, %rem3A, %ne3A_98 : i32
    %and3A = arith.andi %ne3A, %ne3A_99 : i1
    %sub3A = arith.constant 1 : i32
    %sub3A_100 = arith.subi %div3A, %sub3A : i32
    %select_n3A = arith.select %and3A, %sub3A_100, %div3A : i32
    %add3A_101 = arith.constant 31 : i32
    %add3A_102 = arith.addi %scan3A_10#1, %add3A_101 : i32
    %jit3A_103 = arith.constant 32 : i32
    %div3A_104 = arith.divsi %add3A_102, %jit3A_103 : i32
    %sign3A_105 = arith.constant 0 : i32
    %sign3A_106 = arith.cmpi sgt, %add3A_102, %sign3A_105 : i32
    %sign3A_107 = arith.extui %sign3A_106 : i1 to i32
    %sign3A_108 = arith.constant 0 : i32
    %sign3A_109 = arith.cmpi slt, %add3A_102, %sign3A_108 : i32
    %sign3A_110 = arith.extui %sign3A_109 : i1 to i32
    %sign3A_111 = arith.subi %sign3A_107, %sign3A_110 : i32
    %sign3A_112 = arith.constant 0 : i32
    %sign3A_113 = arith.cmpi sgt, %jit3A_103, %sign3A_112 : i32
    %sign3A_114 = arith.extui %sign3A_113 : i1 to i32
    %sign3A_115 = arith.constant 0 : i32
    %sign3A_116 = arith.cmpi slt, %jit3A_103, %sign3A_115 : i32
    %sign3A_117 = arith.extui %sign3A_116 : i1 to i32
    %sign3A_118 = arith.subi %sign3A_114, %sign3A_117 : i32
    %ne3A_119 = arith.cmpi ne, %sign3A_111, %sign3A_118 : i32
    %rem3A_120 = arith.remsi %add3A_102, %jit3A_103 : i32
    %ne3A_121 = arith.constant 0 : i32
    %ne3A_122 = arith.cmpi ne, %rem3A_120, %ne3A_121 : i32
    %and3A_123 = arith.andi %ne3A_119, %ne3A_122 : i1
    %sub3A_124 = arith.constant 1 : i32
    %sub3A_125 = arith.subi %div3A_104, %sub3A_124 : i32
    %select_n3A_126 = arith.select %and3A_123, %sub3A_125, %div3A_104 : i32
    %add3A_127 = arith.constant 31 : i32
    %add3A_128 = arith.addi %scan3A_10#2, %add3A_127 : i32
    %jit3A_129 = arith.constant 32 : i32
    %div3A_130 = arith.divsi %add3A_128, %jit3A_129 : i32
    %sign3A_131 = arith.constant 0 : i32
    %sign3A_132 = arith.cmpi sgt, %add3A_128, %sign3A_131 : i32
    %sign3A_133 = arith.extui %sign3A_132 : i1 to i32
    %sign3A_134 = arith.constant 0 : i32
    %sign3A_135 = arith.cmpi slt, %add3A_128, %sign3A_134 : i32
    %sign3A_136 = arith.extui %sign3A_135 : i1 to i32
    %sign3A_137 = arith.subi %sign3A_133, %sign3A_136 : i32
    %sign3A_138 = arith.constant 0 : i32
    %sign3A_139 = arith.cmpi sgt, %jit3A_129, %sign3A_138 : i32
    %sign3A_140 = arith.extui %sign3A_139 : i1 to i32
    %sign3A_141 = arith.constant 0 : i32
    %sign3A_142 = arith.cmpi slt, %jit3A_129, %sign3A_141 : i32
    %sign3A_143 = arith.extui %sign3A_142 : i1 to i32
    %sign3A_144 = arith.subi %sign3A_140, %sign3A_143 : i32
    %ne3A_145 = arith.cmpi ne, %sign3A_137, %sign3A_144 : i32
    %rem3A_146 = arith.remsi %add3A_128, %jit3A_129 : i32
    %ne3A_147 = arith.constant 0 : i32
    %ne3A_148 = arith.cmpi ne, %rem3A_146, %ne3A_147 : i32
    %and3A_149 = arith.andi %ne3A_145, %ne3A_148 : i1
    %sub3A_150 = arith.constant 1 : i32
    %sub3A_151 = arith.subi %div3A_130, %sub3A_150 : i32
    %select_n3A_152 = arith.select %and3A_149, %sub3A_151, %div3A_130 : i32
    %add3A_153 = arith.addi %select_n3A, %select_n3A_126 : i32
    %add3A_154 = arith.addi %add3A_153, %select_n3A_152 : i32
    %add3A_155 = arith.constant 4 : i32
    %add3A_156 = arith.addi %add3A_154, %add3A_155 : i32
    %sub3A_157 = arith.constant 1 : i32
    %sub3A_158 = arith.subi %add3A_156, %sub3A_157 : i32
    %jit3A_159 = arith.constant 4 : i32
    %div3A_160 = arith.divsi %sub3A_158, %jit3A_159 : i32
    %sign3A_161 = arith.constant 0 : i32
    %sign3A_162 = arith.cmpi sgt, %sub3A_158, %sign3A_161 : i32
    %sign3A_163 = arith.extui %sign3A_162 : i1 to i32
    %sign3A_164 = arith.constant 0 : i32
    %sign3A_165 = arith.cmpi slt, %sub3A_158, %sign3A_164 : i32
    %sign3A_166 = arith.extui %sign3A_165 : i1 to i32
    %sign3A_167 = arith.subi %sign3A_163, %sign3A_166 : i32
    %sign3A_168 = arith.constant 0 : i32
    %sign3A_169 = arith.cmpi sgt, %jit3A_159, %sign3A_168 : i32
    %sign3A_170 = arith.extui %sign3A_169 : i1 to i32
    %sign3A_171 = arith.constant 0 : i32
    %sign3A_172 = arith.cmpi slt, %jit3A_159, %sign3A_171 : i32
    %sign3A_173 = arith.extui %sign3A_172 : i1 to i32
    %sign3A_174 = arith.subi %sign3A_170, %sign3A_173 : i32
    %ne3A_175 = arith.cmpi ne, %sign3A_167, %sign3A_174 : i32
    %rem3A_176 = arith.remsi %sub3A_158, %jit3A_159 : i32
    %ne3A_177 = arith.constant 0 : i32
    %ne3A_178 = arith.cmpi ne, %rem3A_176, %ne3A_177 : i32
    %and3A_179 = arith.andi %ne3A_175, %ne3A_178 : i1
    %sub3A_180 = arith.constant 1 : i32
    %sub3A_181 = arith.subi %div3A_160, %sub3A_180 : i32
    %select_n3A_182 = arith.select %and3A_179, %sub3A_181, %div3A_160 : i32
    %while3A = arith.constant 0 : i32
    %while3A_183 = arith.constant 0 : i32
    %while3A_184 = arith.subi %select_n3A_182, %while3A : i32
    %while3A_185 = arith.addi %while3A, %while3A_184 : i32
    %while3A_186 = arith.constant 1 : i32
    %while3A_187 = arith.divsi %while3A_184, %while3A_186 : i32
    %while3A_188 = arith.muli %while3A_187, %while3A_186 : i32
    %while3A_189 = arith.addi %while3A, %while3A_188 : i32
    %while3A_190 = arith.constant 1 : i32
    %while3A_191 = scf.for %while3A_211 = %while3A to %while3A_189 step %while3A_190 iter_args(%while3A_212 = %while3A_183) -> (i32)  : i32 {
      %mul3A_213 = arith.constant 4 : i32
      %mul3A_214 = arith.muli %while3A_211, %mul3A_213 : i32
      %add3A_215 = arith.constant 0 : i32
      %add3A_216 = arith.addi %mul3A_214, %add3A_215 : i32
      %lt3A = arith.cmpi slt, %add3A_216, %add3A_154 : i32
      %convert_element_type3A_217 = arith.extui %lt3A : i1 to i32
      %cond3A_218 = arith.constant 0 : i32
      %cond3A_219 = arith.cmpi ne, %convert_element_type3A_217, %cond3A_218 : i32
      scf.if %cond3A_219 {
        %ge3A = arith.constant 4 : i32
        %ge3A_277 = arith.cmpi sge, %add3A_216, %ge3A : i32
        %convert_element_type3A_278 = arith.extui %ge3A_277 : i1 to i32
        %cond3A_279 = arith.constant 0 : i32
        %cond3A_280 = arith.cmpi ne, %convert_element_type3A_278, %cond3A_279 : i32
        scf.if %cond3A_280 {
          %dma_wait3A = arith.constant 0 : i32
          %dma_wait3A_300 = arith.constant 0 : i32
          %dma_wait3A_301 = tpu.memref_slice %arg15[%dma_wait3A, %dma_wait3A_300] : memref<4x32xi32, #tpu.memory_space<vmem>> -> memref<1x32xi32, #tpu.memory_space<vmem>>
          %dma_wait3A_302 = tpu.memref_squeeze %dma_wait3A_301 : memref<1x32xi32, #tpu.memory_space<vmem>> -> memref<32xi32, #tpu.memory_space<vmem>>
          %dma_wait3A_303 = arith.constant 0 : i32
          %dma_wait3A_304 = arith.constant 0 : i32
          %dma_wait3A_305 = tpu.memref_slice %arg6[%dma_wait3A_303, %dma_wait3A_304] : memref<51200x768xf32, #tpu.memory_space<hbm>> -> memref<51200x768xf32, #tpu.memory_space<hbm>>
          tpu.wait_indirect_dma semaphore(%arg24 : memref<!tpu.dma_semaphore, #tpu.memory_space<semaphore_mem>>) src(%arg16 : memref<32x768xf32, #tpu.memory_space<vmem>>) dst(%dma_wait3A_305 : memref<51200x768xf32, #tpu.memory_space<hbm>>)
        } else {
        }
        %ge3A_281 = arith.constant 0 : i32
        %ge3A_282 = arith.cmpi sge, %add3A_216, %ge3A_281 : i32
        %lt3A_283 = arith.cmpi slt, %add3A_216, %select_n3A : i32
        %and3A_284 = arith.andi %ge3A_282, %lt3A_283 : i1
        %convert_element_type3A_285 = arith.extui %and3A_284 : i1 to i32
        %cond3A_286 = arith.constant 0 : i32
        %cond3A_287 = arith.cmpi ne, %convert_element_type3A_285, %cond3A_286 : i32
        scf.if %cond3A_287 {
          %sub3A_300 = arith.constant 0 : i32
          %sub3A_301 = arith.subi %add3A_216, %sub3A_300 : i32
          %mul3A_302 = arith.constant 32 : i32
          %mul3A_303 = arith.muli %sub3A_301, %mul3A_302 : i32
          %add3A_304 = arith.constant 0 : i32
          %add3A_305 = arith.addi %mul3A_303, %add3A_304 : i32
          %get3A = arith.index_cast %add3A_305 : i32 to index
          %get3A_306 = tpu.vector_load %arg8[%get3A] {strides = array<i32>} : memref<1632xi32, #tpu.memory_space<vmem>>, vector<16xi32>,
          %get3A_307 = vector.shape_cast %get3A_306 : vector<16xi32> to vector<16xi32>
          %swap3A_308 = arith.constant 0 : i32
          %swap3A_309 = arith.constant 0 : i32
          %swap3A_310 = tpu.memref_slice %arg14[%swap3A_308, %swap3A_309] : memref<4x32xi32, #tpu.memory_space<vmem>> -> memref<1x32xi32, #tpu.memory_space<vmem>>
          %swap3A_311 = tpu.memref_squeeze %swap3A_310 : memref<1x32xi32, #tpu.memory_space<vmem>> -> memref<32xi32, #tpu.memory_space<vmem>>
          %swap3A_312 = arith.constant 0 : index
          %swap3A_313 = tpu.vector_load %swap3A_311[%swap3A_312] {strides = array<i32>} : memref<32xi32, #tpu.memory_space<vmem>>, vector<16xi32>,
          %swap3A_314 = vector.shape_cast %swap3A_313 : vector<16xi32> to vector<16xi32>
          %swap3A_315 = vector.shape_cast %get3A_307 : vector<16xi32> to vector<16xi32>
          tpu.vector_store %swap3A_311[%swap3A_312], %swap3A_315 {strides = array<i32>} : memref<32xi32, #tpu.memory_space<vmem>>, vector<16xi32>,
          %mul3A_316 = arith.constant 32 : i32
          %mul3A_317 = arith.muli %sub3A_301, %mul3A_316 : i32
          %add3A_318 = arith.constant 0 : i32
          %add3A_319 = arith.addi %mul3A_317, %add3A_318 : i32
          %get3A_320 = arith.index_cast %add3A_319 : i32 to index
          %get3A_321 = tpu.vector_load %arg11[%get3A_320] {strides = array<i32>} : memref<1632xi32, #tpu.memory_space<vmem>>, vector<16xi32>,
          %get3A_322 = vector.shape_cast %get3A_321 : vector<16xi32> to vector<16xi32>
          %swap3A_323 = arith.constant 0 : i32
          %swap3A_324 = arith.constant 0 : i32
          %swap3A_325 = tpu.memref_slice %arg15[%swap3A_323, %swap3A_324] : memref<4x32xi32, #tpu.memory_space<vmem>> -> memref<1x32xi32, #tpu.memory_space<vmem>>
          %swap3A_326 = tpu.memref_squeeze %swap3A_325 : memref<1x32xi32, #tpu.memory_space<vmem>> -> memref<32xi32, #tpu.memory_space<vmem>>
          %swap3A_327 = arith.constant 0 : index
          %swap3A_328 = tpu.vector_load %swap3A_326[%swap3A_327] {strides = array<i32>} : memref<32xi32, #tpu.memory_space<vmem>>, vector<16xi32>,
          %swap3A_329 = vector.shape_cast %swap3A_328 : vector<16xi32> to vector<16xi32>
          %swap3A_330 = vector.shape_cast %get3A_322 : vector<16xi32> to vector<16xi32>
          tpu.vector_store %swap3A_326[%swap3A_327], %swap3A_330 {strides = array<i32>} : memref<32xi32, #tpu.memory_space<vmem>>, vector<16xi32>,
          %mul3A_331 = arith.constant 32 : i32
          %mul3A_332 = arith.muli %sub3A_301, %mul3A_331 : i32
          %add3A_333 = arith.constant 16 : i32
          %add3A_334 = arith.addi %mul3A_332, %add3A_333 : i32
          %get3A_335 = arith.index_cast %add3A_334 : i32 to index
          %get3A_336 = tpu.vector_load %arg8[%get3A_335] {strides = array<i32>} : memref<1632xi32, #tpu.memory_space<vmem>>, vector<16xi32>,
          %get3A_337 = vector.shape_cast %get3A_336 : vector<16xi32> to vector<16xi32>
          %swap3A_338 = arith.constant 0 : i32
          %swap3A_339 = arith.constant 0 : i32
          %swap3A_340 = tpu.memref_slice %arg14[%swap3A_338, %swap3A_339] : memref<4x32xi32, #tpu.memory_space<vmem>> -> memref<1x32xi32, #tpu.memory_space<vmem>>
          %swap3A_341 = tpu.memref_squeeze %swap3A_340 : memref<1x32xi32, #tpu.memory_space<vmem>> -> memref<32xi32, #tpu.memory_space<vmem>>
          %swap3A_342 = arith.constant 16 : index
          %swap3A_343 = tpu.vector_load %swap3A_341[%swap3A_342] {strides = array<i32>} : memref<32xi32, #tpu.memory_space<vmem>>, vector<16xi32>,
          %swap3A_344 = vector.shape_cast %swap3A_343 : vector<16xi32> to vector<16xi32>
          %swap3A_345 = vector.shape_cast %get3A_337 : vector<16xi32> to vector<16xi32>
          tpu.vector_store %swap3A_341[%swap3A_342], %swap3A_345 {strides = array<i32>} : memref<32xi32, #tpu.memory_space<vmem>>, vector<16xi32>,
          %mul3A_346 = arith.constant 32 : i32
          %mul3A_347 = arith.muli %sub3A_301, %mul3A_346 : i32
          %add3A_348 = arith.constant 16 : i32
          %add3A_349 = arith.addi %mul3A_347, %add3A_348 : i32
          %get3A_350 = arith.index_cast %add3A_349 : i32 to index
          %get3A_351 = tpu.vector_load %arg11[%get3A_350] {strides = array<i32>} : memref<1632xi32, #tpu.memory_space<vmem>>, vector<16xi32>,
          %get3A_352 = vector.shape_cast %get3A_351 : vector<16xi32> to vector<16xi32>
          %swap3A_353 = arith.constant 0 : i32
          %swap3A_354 = arith.constant 0 : i32
          %swap3A_355 = tpu.memref_slice %arg15[%swap3A_353, %swap3A_354] : memref<4x32xi32, #tpu.memory_space<vmem>> -> memref<1x32xi32, #tpu.memory_space<vmem>>
          %swap3A_356 = tpu.memref_squeeze %swap3A_355 : memref<1x32xi32, #tpu.memory_space<vmem>> -> memref<32xi32, #tpu.memory_space<vmem>>
          %swap3A_357 = arith.constant 16 : index
          %swap3A_358 = tpu.vector_load %swap3A_356[%swap3A_357] {strides = array<i32>} : memref<32xi32, #tpu.memory_space<vmem>>, vector<16xi32>,
          %swap3A_359 = vector.shape_cast %swap3A_358 : vector<16xi32> to vector<16xi32>
          %swap3A_360 = vector.shape_cast %get3A_352 : vector<16xi32> to vector<16xi32>
          tpu.vector_store %swap3A_356[%swap3A_357], %swap3A_360 {strides = array<i32>} : memref<32xi32, #tpu.memory_space<vmem>>, vector<16xi32>,
          %dma_start3A = arith.constant 0 : i32
          %dma_start3A_361 = arith.constant 0 : i32
          %dma_start3A_362 = tpu.memref_slice %arg14[%dma_start3A, %dma_start3A_361] : memref<4x32xi32, #tpu.memory_space<vmem>> -> memref<1x32xi32, #tpu.memory_space<vmem>>
          %dma_start3A_363 = tpu.memref_squeeze %dma_start3A_362 : memref<1x32xi32, #tpu.memory_space<vmem>> -> memref<32xi32, #tpu.memory_space<vmem>>
          %dma_start3A_364 = arith.constant 0 : i32
          %dma_start3A_365 = arith.constant 0 : i32
          %dma_start3A_366 = tpu.memref_slice %arg3[%dma_start3A_364, %dma_start3A_365] : memref<50257x768xf32, #tpu.memory_space<hbm>> -> memref<50257x768xf32, #tpu.memory_space<hbm>>
          tpu.enqueue_indirect_dma source(%dma_start3A_366 : memref<50257x768xf32, #tpu.memory_space<hbm>>) target(%arg16 : memref<32x768xf32, #tpu.memory_space<vmem>>) offsets(%dma_start3A_363 : memref<32xi32, #tpu.memory_space<vmem>>) semaphore(%arg20 : memref<!tpu.dma_semaphore, #tpu.memory_space<semaphore_mem>>)
        } else {
        }
        %ge3A_288 = arith.cmpi sge, %add3A_216, %select_n3A : i32
        %lt3A_289 = arith.cmpi slt, %add3A_216, %add3A_153 : i32
        %and3A_290 = arith.andi %ge3A_288, %lt3A_289 : i1
        %convert_element_type3A_291 = arith.extui %and3A_290 : i1 to i32
        %cond3A_292 = arith.constant 0 : i32
        %cond3A_293 = arith.cmpi ne, %convert_element_type3A_291, %cond3A_292 : i32
        scf.if %cond3A_293 {
          %sub3A_300 = arith.subi %add3A_216, %select_n3A : i32
          %mul3A_301 = arith.constant 32 : i32
          %mul3A_302 = arith.muli %sub3A_300, %mul3A_301 : i32
          %add3A_303 = arith.constant 0 : i32
          %add3A_304 = arith.addi %mul3A_302, %add3A_303 : i32
          %get3A = arith.index_cast %add3A_304 : i32 to index
          %get3A_305 = tpu.vector_load %arg9[%get3A] {strides = array<i32>} : memref<1632xi32, #tpu.memory_space<vmem>>, vector<16xi32>,
          %get3A_306 = vector.shape_cast %get3A_305 : vector<16xi32> to vector<16xi32>
          %swap3A_307 = arith.constant 0 : i32
          %swap3A_308 = arith.constant 0 : i32
          %swap3A_309 = tpu.memref_slice %arg14[%swap3A_307, %swap3A_308] : memref<4x32xi32, #tpu.memory_space<vmem>> -> memref<1x32xi32, #tpu.memory_space<vmem>>
          %swap3A_310 = tpu.memref_squeeze %swap3A_309 : memref<1x32xi32, #tpu.memory_space<vmem>> -> memref<32xi32, #tpu.memory_space<vmem>>
          %swap3A_311 = arith.constant 0 : index
          %swap3A_312 = tpu.vector_load %swap3A_310[%swap3A_311] {strides = array<i32>} : memref<32xi32, #tpu.memory_space<vmem>>, vector<16xi32>,
          %swap3A_313 = vector.shape_cast %swap3A_312 : vector<16xi32> to vector<16xi32>
          %swap3A_314 = vector.shape_cast %get3A_306 : vector<16xi32> to vector<16xi32>
          tpu.vector_store %swap3A_310[%swap3A_311], %swap3A_314 {strides = array<i32>} : memref<32xi32, #tpu.memory_space<vmem>>, vector<16xi32>,
          %mul3A_315 = arith.constant 32 : i32
          %mul3A_316 = arith.muli %sub3A_300, %mul3A_315 : i32
          %add3A_317 = arith.constant 0 : i32
          %add3A_318 = arith.addi %mul3A_316, %add3A_317 : i32
          %get3A_319 = arith.index_cast %add3A_318 : i32 to index
          %get3A_320 = tpu.vector_load %arg12[%get3A_319] {strides = array<i32>} : memref<1632xi32, #tpu.memory_space<vmem>>, vector<16xi32>,
          %get3A_321 = vector.shape_cast %get3A_320 : vector<16xi32> to vector<16xi32>
          %swap3A_322 = arith.constant 0 : i32
          %swap3A_323 = arith.constant 0 : i32
          %swap3A_324 = tpu.memref_slice %arg15[%swap3A_322, %swap3A_323] : memref<4x32xi32, #tpu.memory_space<vmem>> -> memref<1x32xi32, #tpu.memory_space<vmem>>
          %swap3A_325 = tpu.memref_squeeze %swap3A_324 : memref<1x32xi32, #tpu.memory_space<vmem>> -> memref<32xi32, #tpu.memory_space<vmem>>
          %swap3A_326 = arith.constant 0 : index
          %swap3A_327 = tpu.vector_load %swap3A_325[%swap3A_326] {strides = array<i32>} : memref<32xi32, #tpu.memory_space<vmem>>, vector<16xi32>,
          %swap3A_328 = vector.shape_cast %swap3A_327 : vector<16xi32> to vector<16xi32>
          %swap3A_329 = vector.shape_cast %get3A_321 : vector<16xi32> to vector<16xi32>
          tpu.vector_store %swap3A_325[%swap3A_326], %swap3A_329 {strides = array<i32>} : memref<32xi32, #tpu.memory_space<vmem>>, vector<16xi32>,
          %mul3A_330 = arith.constant 32 : i32
          %mul3A_331 = arith.muli %sub3A_300, %mul3A_330 : i32
          %add3A_332 = arith.constant 16 : i32
          %add3A_333 = arith.addi %mul3A_331, %add3A_332 : i32
          %get3A_334 = arith.index_cast %add3A_333 : i32 to index
          %get3A_335 = tpu.vector_load %arg9[%get3A_334] {strides = array<i32>} : memref<1632xi32, #tpu.memory_space<vmem>>, vector<16xi32>,
          %get3A_336 = vector.shape_cast %get3A_335 : vector<16xi32> to vector<16xi32>
          %swap3A_337 = arith.constant 0 : i32
          %swap3A_338 = arith.constant 0 : i32
          %swap3A_339 = tpu.memref_slice %arg14[%swap3A_337, %swap3A_338] : memref<4x32xi32, #tpu.memory_space<vmem>> -> memref<1x32xi32, #tpu.memory_space<vmem>>
          %swap3A_340 = tpu.memref_squeeze %swap3A_339 : memref<1x32xi32, #tpu.memory_space<vmem>> -> memref<32xi32, #tpu.memory_space<vmem>>
          %swap3A_341 = arith.constant 16 : index
          %swap3A_342 = tpu.vector_load %swap3A_340[%swap3A_341] {strides = array<i32>} : memref<32xi32, #tpu.memory_space<vmem>>, vector<16xi32>,
          %swap3A_343 = vector.shape_cast %swap3A_342 : vector<16xi32> to vector<16xi32>
          %swap3A_344 = vector.shape_cast %get3A_336 : vector<16xi32> to vector<16xi32>
          tpu.vector_store %swap3A_340[%swap3A_341], %swap3A_344 {strides = array<i32>} : memref<32xi32, #tpu.memory_space<vmem>>, vector<16xi32>,
          %mul3A_345 = arith.constant 32 : i32
          %mul3A_346 = arith.muli %sub3A_300, %mul3A_345 : i32
          %add3A_347 = arith.constant 16 : i32
          %add3A_348 = arith.addi %mul3A_346, %add3A_347 : i32
          %get3A_349 = arith.index_cast %add3A_348 : i32 to index
          %get3A_350 = tpu.vector_load %arg12[%get3A_349] {strides = array<i32>} : memref<1632xi32, #tpu.memory_space<vmem>>, vector<16xi32>,
          %get3A_351 = vector.shape_cast %get3A_350 : vector<16xi32> to vector<16xi32>
          %swap3A_352 = arith.constant 0 : i32
          %swap3A_353 = arith.constant 0 : i32
          %swap3A_354 = tpu.memref_slice %arg15[%swap3A_352, %swap3A_353] : memref<4x32xi32, #tpu.memory_space<vmem>> -> memref<1x32xi32, #tpu.memory_space<vmem>>
          %swap3A_355 = tpu.memref_squeeze %swap3A_354 : memref<1x32xi32, #tpu.memory_space<vmem>> -> memref<32xi32, #tpu.memory_space<vmem>>
          %swap3A_356 = arith.constant 16 : index
          %swap3A_357 = tpu.vector_load %swap3A_355[%swap3A_356] {strides = array<i32>} : memref<32xi32, #tpu.memory_space<vmem>>, vector<16xi32>,
          %swap3A_358 = vector.shape_cast %swap3A_357 : vector<16xi32> to vector<16xi32>
          %swap3A_359 = vector.shape_cast %get3A_351 : vector<16xi32> to vector<16xi32>
          tpu.vector_store %swap3A_355[%swap3A_356], %swap3A_359 {strides = array<i32>} : memref<32xi32, #tpu.memory_space<vmem>>, vector<16xi32>,
          %dma_start3A = arith.constant 0 : i32
          %dma_start3A_360 = arith.constant 0 : i32
          %dma_start3A_361 = tpu.memref_slice %arg14[%dma_start3A, %dma_start3A_360] : memref<4x32xi32, #tpu.memory_space<vmem>> -> memref<1x32xi32, #tpu.memory_space<vmem>>
          %dma_start3A_362 = tpu.memref_squeeze %dma_start3A_361 : memref<1x32xi32, #tpu.memory_space<vmem>> -> memref<32xi32, #tpu.memory_space<vmem>>
          %dma_start3A_363 = arith.constant 0 : i32
          %dma_start3A_364 = arith.constant 0 : i32
          %dma_start3A_365 = tpu.memref_slice %arg4[%dma_start3A_363, %dma_start3A_364] : memref<100000x768xf32, #tpu.memory_space<hbm>> -> memref<100000x768xf32, #tpu.memory_space<hbm>>
          tpu.enqueue_indirect_dma source(%dma_start3A_365 : memref<100000x768xf32, #tpu.memory_space<hbm>>) target(%arg16 : memref<32x768xf32, #tpu.memory_space<vmem>>) offsets(%dma_start3A_362 : memref<32xi32, #tpu.memory_space<vmem>>) semaphore(%arg20 : memref<!tpu.dma_semaphore, #tpu.memory_space<semaphore_mem>>)
        } else {
        }
        %ge3A_294 = arith.cmpi sge, %add3A_216, %add3A_153 : i32
        %lt3A_295 = arith.cmpi slt, %add3A_216, %add3A_154 : i32
        %and3A_296 = arith.andi %ge3A_294, %lt3A_295 : i1
        %convert_element_type3A_297 = arith.extui %and3A_296 : i1 to i32
        %cond3A_298 = arith.constant 0 : i32
        %cond3A_299 = arith.cmpi ne, %convert_element_type3A_297, %cond3A_298 : i32
        scf.if %cond3A_299 {
          %sub3A_300 = arith.subi %add3A_216, %add3A_153 : i32
          %mul3A_301 = arith.constant 32 : i32
          %mul3A_302 = arith.muli %sub3A_300, %mul3A_301 : i32
          %add3A_303 = arith.constant 0 : i32
          %add3A_304 = arith.addi %mul3A_302, %add3A_303 : i32
          %get3A = arith.index_cast %add3A_304 : i32 to index
          %get3A_305 = tpu.vector_load %arg10[%get3A] {strides = array<i32>} : memref<1632xi32, #tpu.memory_space<vmem>>, vector<16xi32>,
          %get3A_306 = vector.shape_cast %get3A_305 : vector<16xi32> to vector<16xi32>
          %swap3A_307 = arith.constant 0 : i32
          %swap3A_308 = arith.constant 0 : i32
          %swap3A_309 = tpu.memref_slice %arg14[%swap3A_307, %swap3A_308] : memref<4x32xi32, #tpu.memory_space<vmem>> -> memref<1x32xi32, #tpu.memory_space<vmem>>
          %swap3A_310 = tpu.memref_squeeze %swap3A_309 : memref<1x32xi32, #tpu.memory_space<vmem>> -> memref<32xi32, #tpu.memory_space<vmem>>
          %swap3A_311 = arith.constant 0 : index
          %swap3A_312 = tpu.vector_load %swap3A_310[%swap3A_311] {strides = array<i32>} : memref<32xi32, #tpu.memory_space<vmem>>, vector<16xi32>,
          %swap3A_313 = vector.shape_cast %swap3A_312 : vector<16xi32> to vector<16xi32>
          %swap3A_314 = vector.shape_cast %get3A_306 : vector<16xi32> to vector<16xi32>
          tpu.vector_store %swap3A_310[%swap3A_311], %swap3A_314 {strides = array<i32>} : memref<32xi32, #tpu.memory_space<vmem>>, vector<16xi32>,
          %mul3A_315 = arith.constant 32 : i32
          %mul3A_316 = arith.muli %sub3A_300, %mul3A_315 : i32
          %add3A_317 = arith.constant 0 : i32
          %add3A_318 = arith.addi %mul3A_316, %add3A_317 : i32
          %get3A_319 = arith.index_cast %add3A_318 : i32 to index
          %get3A_320 = tpu.vector_load %arg13[%get3A_319] {strides = array<i32>} : memref<1632xi32, #tpu.memory_space<vmem>>, vector<16xi32>,
          %get3A_321 = vector.shape_cast %get3A_320 : vector<16xi32> to vector<16xi32>
          %swap3A_322 = arith.constant 0 : i32
          %swap3A_323 = arith.constant 0 : i32
          %swap3A_324 = tpu.memref_slice %arg15[%swap3A_322, %swap3A_323] : memref<4x32xi32, #tpu.memory_space<vmem>> -> memref<1x32xi32, #tpu.memory_space<vmem>>
          %swap3A_325 = tpu.memref_squeeze %swap3A_324 : memref<1x32xi32, #tpu.memory_space<vmem>> -> memref<32xi32, #tpu.memory_space<vmem>>
          %swap3A_326 = arith.constant 0 : index
          %swap3A_327 = tpu.vector_load %swap3A_325[%swap3A_326] {strides = array<i32>} : memref<32xi32, #tpu.memory_space<vmem>>, vector<16xi32>,
          %swap3A_328 = vector.shape_cast %swap3A_327 : vector<16xi32> to vector<16xi32>
          %swap3A_329 = vector.shape_cast %get3A_321 : vector<16xi32> to vector<16xi32>
          tpu.vector_store %swap3A_325[%swap3A_326], %swap3A_329 {strides = array<i32>} : memref<32xi32, #tpu.memory_space<vmem>>, vector<16xi32>,
          %mul3A_330 = arith.constant 32 : i32
          %mul3A_331 = arith.muli %sub3A_300, %mul3A_330 : i32
          %add3A_332 = arith.constant 16 : i32
          %add3A_333 = arith.addi %mul3A_331, %add3A_332 : i32
          %get3A_334 = arith.index_cast %add3A_333 : i32 to index
          %get3A_335 = tpu.vector_load %arg10[%get3A_334] {strides = array<i32>} : memref<1632xi32, #tpu.memory_space<vmem>>, vector<16xi32>,
          %get3A_336 = vector.shape_cast %get3A_335 : vector<16xi32> to vector<16xi32>
          %swap3A_337 = arith.constant 0 : i32
          %swap3A_338 = arith.constant 0 : i32
          %swap3A_339 = tpu.memref_slice %arg14[%swap3A_337, %swap3A_338] : memref<4x32xi32, #tpu.memory_space<vmem>> -> memref<1x32xi32, #tpu.memory_space<vmem>>
          %swap3A_340 = tpu.memref_squeeze %swap3A_339 : memref<1x32xi32, #tpu.memory_space<vmem>> -> memref<32xi32, #tpu.memory_space<vmem>>
          %swap3A_341 = arith.constant 16 : index
          %swap3A_342 = tpu.vector_load %swap3A_340[%swap3A_341] {strides = array<i32>} : memref<32xi32, #tpu.memory_space<vmem>>, vector<16xi32>,
          %swap3A_343 = vector.shape_cast %swap3A_342 : vector<16xi32> to vector<16xi32>
          %swap3A_344 = vector.shape_cast %get3A_336 : vector<16xi32> to vector<16xi32>
          tpu.vector_store %swap3A_340[%swap3A_341], %swap3A_344 {strides = array<i32>} : memref<32xi32, #tpu.memory_space<vmem>>, vector<16xi32>,
          %mul3A_345 = arith.constant 32 : i32
          %mul3A_346 = arith.muli %sub3A_300, %mul3A_345 : i32
          %add3A_347 = arith.constant 16 : i32
          %add3A_348 = arith.addi %mul3A_346, %add3A_347 : i32
          %get3A_349 = arith.index_cast %add3A_348 : i32 to index
          %get3A_350 = tpu.vector_load %arg13[%get3A_349] {strides = array<i32>} : memref<1632xi32, #tpu.memory_space<vmem>>, vector<16xi32>,
          %get3A_351 = vector.shape_cast %get3A_350 : vector<16xi32> to vector<16xi32>
          %swap3A_352 = arith.constant 0 : i32
          %swap3A_353 = arith.constant 0 : i32
          %swap3A_354 = tpu.memref_slice %arg15[%swap3A_352, %swap3A_353] : memref<4x32xi32, #tpu.memory_space<vmem>> -> memref<1x32xi32, #tpu.memory_space<vmem>>
          %swap3A_355 = tpu.memref_squeeze %swap3A_354 : memref<1x32xi32, #tpu.memory_space<vmem>> -> memref<32xi32, #tpu.memory_space<vmem>>
          %swap3A_356 = arith.constant 16 : index
          %swap3A_357 = tpu.vector_load %swap3A_355[%swap3A_356] {strides = array<i32>} : memref<32xi32, #tpu.memory_space<vmem>>, vector<16xi32>,
          %swap3A_358 = vector.shape_cast %swap3A_357 : vector<16xi32> to vector<16xi32>
          %swap3A_359 = vector.shape_cast %get3A_351 : vector<16xi32> to vector<16xi32>
          tpu.vector_store %swap3A_355[%swap3A_356], %swap3A_359 {strides = array<i32>} : memref<32xi32, #tpu.memory_space<vmem>>, vector<16xi32>,
          %dma_start3A = arith.constant 0 : i32
          %dma_start3A_360 = arith.constant 0 : i32
          %dma_start3A_361 = tpu.memref_slice %arg14[%dma_start3A, %dma_start3A_360] : memref<4x32xi32, #tpu.memory_space<vmem>> -> memref<1x32xi32, #tpu.memory_space<vmem>>
          %dma_start3A_362 = tpu.memref_squeeze %dma_start3A_361 : memref<1x32xi32, #tpu.memory_space<vmem>> -> memref<32xi32, #tpu.memory_space<vmem>>
          %dma_start3A_363 = arith.constant 0 : i32
          %dma_start3A_364 = arith.constant 0 : i32
          %dma_start3A_365 = tpu.memref_slice %arg5[%dma_start3A_363, %dma_start3A_364] : memref<100000x768xf32, #tpu.memory_space<hbm>> -> memref<100000x768xf32, #tpu.memory_space<hbm>>
          tpu.enqueue_indirect_dma source(%dma_start3A_365 : memref<100000x768xf32, #tpu.memory_space<hbm>>) target(%arg16 : memref<32x768xf32, #tpu.memory_space<vmem>>) offsets(%dma_start3A_362 : memref<32xi32, #tpu.memory_space<vmem>>) semaphore(%arg20 : memref<!tpu.dma_semaphore, #tpu.memory_space<semaphore_mem>>)
        } else {
        }
      } else {
      }
      %mul3A_220 = arith.constant 4 : i32
      %mul3A_221 = arith.muli %while3A_211, %mul3A_220 : i32
      %add3A_222 = arith.constant 1 : i32
      %add3A_223 = arith.addi %mul3A_221, %add3A_222 : i32
      %lt3A_224 = arith.cmpi slt, %add3A_223, %add3A_154 : i32
      %convert_element_type3A_225 = arith.extui %lt3A_224 : i1 to i32
      %cond3A_226 = arith.constant 0 : i32
      %cond3A_227 = arith.cmpi ne, %convert_element_type3A_225, %cond3A_226 : i32
      scf.if %cond3A_227 {
        %ge3A = arith.constant 4 : i32
        %ge3A_277 = arith.cmpi sge, %add3A_223, %ge3A : i32
        %convert_element_type3A_278 = arith.extui %ge3A_277 : i1 to i32
        %cond3A_279 = arith.constant 0 : i32
        %cond3A_280 = arith.cmpi ne, %convert_element_type3A_278, %cond3A_279 : i32
        scf.if %cond3A_280 {
          %dma_wait3A = arith.constant 1 : i32
          %dma_wait3A_300 = arith.constant 0 : i32
          %dma_wait3A_301 = tpu.memref_slice %arg15[%dma_wait3A, %dma_wait3A_300] : memref<4x32xi32, #tpu.memory_space<vmem>> -> memref<1x32xi32, #tpu.memory_space<vmem>>
          %dma_wait3A_302 = tpu.memref_squeeze %dma_wait3A_301 : memref<1x32xi32, #tpu.memory_space<vmem>> -> memref<32xi32, #tpu.memory_space<vmem>>
          %dma_wait3A_303 = arith.constant 0 : i32
          %dma_wait3A_304 = arith.constant 0 : i32
          %dma_wait3A_305 = tpu.memref_slice %arg6[%dma_wait3A_303, %dma_wait3A_304] : memref<51200x768xf32, #tpu.memory_space<hbm>> -> memref<51200x768xf32, #tpu.memory_space<hbm>>
          tpu.wait_indirect_dma semaphore(%arg25 : memref<!tpu.dma_semaphore, #tpu.memory_space<semaphore_mem>>) src(%arg17 : memref<32x768xf32, #tpu.memory_space<vmem>>) dst(%dma_wait3A_305 : memref<51200x768xf32, #tpu.memory_space<hbm>>)
        } else {
        }
        %ge3A_281 = arith.constant 0 : i32
        %ge3A_282 = arith.cmpi sge, %add3A_223, %ge3A_281 : i32
        %lt3A_283 = arith.cmpi slt, %add3A_223, %select_n3A : i32
        %and3A_284 = arith.andi %ge3A_282, %lt3A_283 : i1
        %convert_element_type3A_285 = arith.extui %and3A_284 : i1 to i32
        %cond3A_286 = arith.constant 0 : i32
        %cond3A_287 = arith.cmpi ne, %convert_element_type3A_285, %cond3A_286 : i32
        scf.if %cond3A_287 {
          %sub3A_300 = arith.constant 0 : i32
          %sub3A_301 = arith.subi %add3A_223, %sub3A_300 : i32
          %mul3A_302 = arith.constant 32 : i32
          %mul3A_303 = arith.muli %sub3A_301, %mul3A_302 : i32
          %add3A_304 = arith.constant 0 : i32
          %add3A_305 = arith.addi %mul3A_303, %add3A_304 : i32
          %get3A = arith.index_cast %add3A_305 : i32 to index
          %get3A_306 = tpu.vector_load %arg8[%get3A] {strides = array<i32>} : memref<1632xi32, #tpu.memory_space<vmem>>, vector<16xi32>,
          %get3A_307 = vector.shape_cast %get3A_306 : vector<16xi32> to vector<16xi32>
          %swap3A_308 = arith.constant 1 : i32
          %swap3A_309 = arith.constant 0 : i32
          %swap3A_310 = tpu.memref_slice %arg14[%swap3A_308, %swap3A_309] : memref<4x32xi32, #tpu.memory_space<vmem>> -> memref<1x32xi32, #tpu.memory_space<vmem>>
          %swap3A_311 = tpu.memref_squeeze %swap3A_310 : memref<1x32xi32, #tpu.memory_space<vmem>> -> memref<32xi32, #tpu.memory_space<vmem>>
          %swap3A_312 = arith.constant 0 : index
          %swap3A_313 = tpu.vector_load %swap3A_311[%swap3A_312] {strides = array<i32>} : memref<32xi32, #tpu.memory_space<vmem>>, vector<16xi32>,
          %swap3A_314 = vector.shape_cast %swap3A_313 : vector<16xi32> to vector<16xi32>
          %swap3A_315 = vector.shape_cast %get3A_307 : vector<16xi32> to vector<16xi32>
          tpu.vector_store %swap3A_311[%swap3A_312], %swap3A_315 {strides = array<i32>} : memref<32xi32, #tpu.memory_space<vmem>>, vector<16xi32>,
          %mul3A_316 = arith.constant 32 : i32
          %mul3A_317 = arith.muli %sub3A_301, %mul3A_316 : i32
          %add3A_318 = arith.constant 0 : i32
          %add3A_319 = arith.addi %mul3A_317, %add3A_318 : i32
          %get3A_320 = arith.index_cast %add3A_319 : i32 to index
          %get3A_321 = tpu.vector_load %arg11[%get3A_320] {strides = array<i32>} : memref<1632xi32, #tpu.memory_space<vmem>>, vector<16xi32>,
          %get3A_322 = vector.shape_cast %get3A_321 : vector<16xi32> to vector<16xi32>
          %swap3A_323 = arith.constant 1 : i32
          %swap3A_324 = arith.constant 0 : i32
          %swap3A_325 = tpu.memref_slice %arg15[%swap3A_323, %swap3A_324] : memref<4x32xi32, #tpu.memory_space<vmem>> -> memref<1x32xi32, #tpu.memory_space<vmem>>
          %swap3A_326 = tpu.memref_squeeze %swap3A_325 : memref<1x32xi32, #tpu.memory_space<vmem>> -> memref<32xi32, #tpu.memory_space<vmem>>
          %swap3A_327 = arith.constant 0 : index
          %swap3A_328 = tpu.vector_load %swap3A_326[%swap3A_327] {strides = array<i32>} : memref<32xi32, #tpu.memory_space<vmem>>, vector<16xi32>,
          %swap3A_329 = vector.shape_cast %swap3A_328 : vector<16xi32> to vector<16xi32>
          %swap3A_330 = vector.shape_cast %get3A_322 : vector<16xi32> to vector<16xi32>
          tpu.vector_store %swap3A_326[%swap3A_327], %swap3A_330 {strides = array<i32>} : memref<32xi32, #tpu.memory_space<vmem>>, vector<16xi32>,
          %mul3A_331 = arith.constant 32 : i32
          %mul3A_332 = arith.muli %sub3A_301, %mul3A_331 : i32
          %add3A_333 = arith.constant 16 : i32
          %add3A_334 = arith.addi %mul3A_332, %add3A_333 : i32
          %get3A_335 = arith.index_cast %add3A_334 : i32 to index
          %get3A_336 = tpu.vector_load %arg8[%get3A_335] {strides = array<i32>} : memref<1632xi32, #tpu.memory_space<vmem>>, vector<16xi32>,
          %get3A_337 = vector.shape_cast %get3A_336 : vector<16xi32> to vector<16xi32>
          %swap3A_338 = arith.constant 1 : i32
          %swap3A_339 = arith.constant 0 : i32
          %swap3A_340 = tpu.memref_slice %arg14[%swap3A_338, %swap3A_339] : memref<4x32xi32, #tpu.memory_space<vmem>> -> memref<1x32xi32, #tpu.memory_space<vmem>>
          %swap3A_341 = tpu.memref_squeeze %swap3A_340 : memref<1x32xi32, #tpu.memory_space<vmem>> -> memref<32xi32, #tpu.memory_space<vmem>>
          %swap3A_342 = arith.constant 16 : index
          %swap3A_343 = tpu.vector_load %swap3A_341[%swap3A_342] {strides = array<i32>} : memref<32xi32, #tpu.memory_space<vmem>>, vector<16xi32>,
          %swap3A_344 = vector.shape_cast %swap3A_343 : vector<16xi32> to vector<16xi32>
          %swap3A_345 = vector.shape_cast %get3A_337 : vector<16xi32> to vector<16xi32>
          tpu.vector_store %swap3A_341[%swap3A_342], %swap3A_345 {strides = array<i32>} : memref<32xi32, #tpu.memory_space<vmem>>, vector<16xi32>,
          %mul3A_346 = arith.constant 32 : i32
          %mul3A_347 = arith.muli %sub3A_301, %mul3A_346 : i32
          %add3A_348 = arith.constant 16 : i32
          %add3A_349 = arith.addi %mul3A_347, %add3A_348 : i32
          %get3A_350 = arith.index_cast %add3A_349 : i32 to index
          %get3A_351 = tpu.vector_load %arg11[%get3A_350] {strides = array<i32>} : memref<1632xi32, #tpu.memory_space<vmem>>, vector<16xi32>,
          %get3A_352 = vector.shape_cast %get3A_351 : vector<16xi32> to vector<16xi32>
          %swap3A_353 = arith.constant 1 : i32
          %swap3A_354 = arith.constant 0 : i32
          %swap3A_355 = tpu.memref_slice %arg15[%swap3A_353, %swap3A_354] : memref<4x32xi32, #tpu.memory_space<vmem>> -> memref<1x32xi32, #tpu.memory_space<vmem>>
          %swap3A_356 = tpu.memref_squeeze %swap3A_355 : memref<1x32xi32, #tpu.memory_space<vmem>> -> memref<32xi32, #tpu.memory_space<vmem>>
          %swap3A_357 = arith.constant 16 : index
          %swap3A_358 = tpu.vector_load %swap3A_356[%swap3A_357] {strides = array<i32>} : memref<32xi32, #tpu.memory_space<vmem>>, vector<16xi32>,
          %swap3A_359 = vector.shape_cast %swap3A_358 : vector<16xi32> to vector<16xi32>
          %swap3A_360 = vector.shape_cast %get3A_352 : vector<16xi32> to vector<16xi32>
          tpu.vector_store %swap3A_356[%swap3A_357], %swap3A_360 {strides = array<i32>} : memref<32xi32, #tpu.memory_space<vmem>>, vector<16xi32>,
          %dma_start3A = arith.constant 1 : i32
          %dma_start3A_361 = arith.constant 0 : i32
          %dma_start3A_362 = tpu.memref_slice %arg14[%dma_start3A, %dma_start3A_361] : memref<4x32xi32, #tpu.memory_space<vmem>> -> memref<1x32xi32, #tpu.memory_space<vmem>>
          %dma_start3A_363 = tpu.memref_squeeze %dma_start3A_362 : memref<1x32xi32, #tpu.memory_space<vmem>> -> memref<32xi32, #tpu.memory_space<vmem>>
          %dma_start3A_364 = arith.constant 0 : i32
          %dma_start3A_365 = arith.constant 0 : i32
          %dma_start3A_366 = tpu.memref_slice %arg3[%dma_start3A_364, %dma_start3A_365] : memref<50257x768xf32, #tpu.memory_space<hbm>> -> memref<50257x768xf32, #tpu.memory_space<hbm>>
          tpu.enqueue_indirect_dma source(%dma_start3A_366 : memref<50257x768xf32, #tpu.memory_space<hbm>>) target(%arg17 : memref<32x768xf32, #tpu.memory_space<vmem>>) offsets(%dma_start3A_363 : memref<32xi32, #tpu.memory_space<vmem>>) semaphore(%arg21 : memref<!tpu.dma_semaphore, #tpu.memory_space<semaphore_mem>>)
        } else {
        }
        %ge3A_288 = arith.cmpi sge, %add3A_223, %select_n3A : i32
        %lt3A_289 = arith.cmpi slt, %add3A_223, %add3A_153 : i32
        %and3A_290 = arith.andi %ge3A_288, %lt3A_289 : i1
        %convert_element_type3A_291 = arith.extui %and3A_290 : i1 to i32
        %cond3A_292 = arith.constant 0 : i32
        %cond3A_293 = arith.cmpi ne, %convert_element_type3A_291, %cond3A_292 : i32
        scf.if %cond3A_293 {
          %sub3A_300 = arith.subi %add3A_223, %select_n3A : i32
          %mul3A_301 = arith.constant 32 : i32
          %mul3A_302 = arith.muli %sub3A_300, %mul3A_301 : i32
          %add3A_303 = arith.constant 0 : i32
          %add3A_304 = arith.addi %mul3A_302, %add3A_303 : i32
          %get3A = arith.index_cast %add3A_304 : i32 to index
          %get3A_305 = tpu.vector_load %arg9[%get3A] {strides = array<i32>} : memref<1632xi32, #tpu.memory_space<vmem>>, vector<16xi32>,
          %get3A_306 = vector.shape_cast %get3A_305 : vector<16xi32> to vector<16xi32>
          %swap3A_307 = arith.constant 1 : i32
          %swap3A_308 = arith.constant 0 : i32
          %swap3A_309 = tpu.memref_slice %arg14[%swap3A_307, %swap3A_308] : memref<4x32xi32, #tpu.memory_space<vmem>> -> memref<1x32xi32, #tpu.memory_space<vmem>>
          %swap3A_310 = tpu.memref_squeeze %swap3A_309 : memref<1x32xi32, #tpu.memory_space<vmem>> -> memref<32xi32, #tpu.memory_space<vmem>>
          %swap3A_311 = arith.constant 0 : index
          %swap3A_312 = tpu.vector_load %swap3A_310[%swap3A_311] {strides = array<i32>} : memref<32xi32, #tpu.memory_space<vmem>>, vector<16xi32>,
          %swap3A_313 = vector.shape_cast %swap3A_312 : vector<16xi32> to vector<16xi32>
          %swap3A_314 = vector.shape_cast %get3A_306 : vector<16xi32> to vector<16xi32>
          tpu.vector_store %swap3A_310[%swap3A_311], %swap3A_314 {strides = array<i32>} : memref<32xi32, #tpu.memory_space<vmem>>, vector<16xi32>,
          %mul3A_315 = arith.constant 32 : i32
          %mul3A_316 = arith.muli %sub3A_300, %mul3A_315 : i32
          %add3A_317 = arith.constant 0 : i32
          %add3A_318 = arith.addi %mul3A_316, %add3A_317 : i32
          %get3A_319 = arith.index_cast %add3A_318 : i32 to index
          %get3A_320 = tpu.vector_load %arg12[%get3A_319] {strides = array<i32>} : memref<1632xi32, #tpu.memory_space<vmem>>, vector<16xi32>,
          %get3A_321 = vector.shape_cast %get3A_320 : vector<16xi32> to vector<16xi32>
          %swap3A_322 = arith.constant 1 : i32
          %swap3A_323 = arith.constant 0 : i32
          %swap3A_324 = tpu.memref_slice %arg15[%swap3A_322, %swap3A_323] : memref<4x32xi32, #tpu.memory_space<vmem>> -> memref<1x32xi32, #tpu.memory_space<vmem>>
          %swap3A_325 = tpu.memref_squeeze %swap3A_324 : memref<1x32xi32, #tpu.memory_space<vmem>> -> memref<32xi32, #tpu.memory_space<vmem>>
          %swap3A_326 = arith.constant 0 : index
          %swap3A_327 = tpu.vector_load %swap3A_325[%swap3A_326] {strides = array<i32>} : memref<32xi32, #tpu.memory_space<vmem>>, vector<16xi32>,
          %swap3A_328 = vector.shape_cast %swap3A_327 : vector<16xi32> to vector<16xi32>
          %swap3A_329 = vector.shape_cast %get3A_321 : vector<16xi32> to vector<16xi32>
          tpu.vector_store %swap3A_325[%swap3A_326], %swap3A_329 {strides = array<i32>} : memref<32xi32, #tpu.memory_space<vmem>>, vector<16xi32>,
          %mul3A_330 = arith.constant 32 : i32
          %mul3A_331 = arith.muli %sub3A_300, %mul3A_330 : i32
          %add3A_332 = arith.constant 16 : i32
          %add3A_333 = arith.addi %mul3A_331, %add3A_332 : i32
          %get3A_334 = arith.index_cast %add3A_333 : i32 to index
          %get3A_335 = tpu.vector_load %arg9[%get3A_334] {strides = array<i32>} : memref<1632xi32, #tpu.memory_space<vmem>>, vector<16xi32>,
          %get3A_336 = vector.shape_cast %get3A_335 : vector<16xi32> to vector<16xi32>
          %swap3A_337 = arith.constant 1 : i32
          %swap3A_338 = arith.constant 0 : i32
          %swap3A_339 = tpu.memref_slice %arg14[%swap3A_337, %swap3A_338] : memref<4x32xi32, #tpu.memory_space<vmem>> -> memref<1x32xi32, #tpu.memory_space<vmem>>
          %swap3A_340 = tpu.memref_squeeze %swap3A_339 : memref<1x32xi32, #tpu.memory_space<vmem>> -> memref<32xi32, #tpu.memory_space<vmem>>
          %swap3A_341 = arith.constant 16 : index
          %swap3A_342 = tpu.vector_load %swap3A_340[%swap3A_341] {strides = array<i32>} : memref<32xi32, #tpu.memory_space<vmem>>, vector<16xi32>,
          %swap3A_343 = vector.shape_cast %swap3A_342 : vector<16xi32> to vector<16xi32>
          %swap3A_344 = vector.shape_cast %get3A_336 : vector<16xi32> to vector<16xi32>
          tpu.vector_store %swap3A_340[%swap3A_341], %swap3A_344 {strides = array<i32>} : memref<32xi32, #tpu.memory_space<vmem>>, vector<16xi32>,
          %mul3A_345 = arith.constant 32 : i32
          %mul3A_346 = arith.muli %sub3A_300, %mul3A_345 : i32
          %add3A_347 = arith.constant 16 : i32
          %add3A_348 = arith.addi %mul3A_346, %add3A_347 : i32
          %get3A_349 = arith.index_cast %add3A_348 : i32 to index
          %get3A_350 = tpu.vector_load %arg12[%get3A_349] {strides = array<i32>} : memref<1632xi32, #tpu.memory_space<vmem>>, vector<16xi32>,
          %get3A_351 = vector.shape_cast %get3A_350 : vector<16xi32> to vector<16xi32>
          %swap3A_352 = arith.constant 1 : i32
          %swap3A_353 = arith.constant 0 : i32
          %swap3A_354 = tpu.memref_slice %arg15[%swap3A_352, %swap3A_353] : memref<4x32xi32, #tpu.memory_space<vmem>> -> memref<1x32xi32, #tpu.memory_space<vmem>>
          %swap3A_355 = tpu.memref_squeeze %swap3A_354 : memref<1x32xi32, #tpu.memory_space<vmem>> -> memref<32xi32, #tpu.memory_space<vmem>>
          %swap3A_356 = arith.constant 16 : index
          %swap3A_357 = tpu.vector_load %swap3A_355[%swap3A_356] {strides = array<i32>} : memref<32xi32, #tpu.memory_space<vmem>>, vector<16xi32>,
          %swap3A_358 = vector.shape_cast %swap3A_357 : vector<16xi32> to vector<16xi32>
          %swap3A_359 = vector.shape_cast %get3A_351 : vector<16xi32> to vector<16xi32>
          tpu.vector_store %swap3A_355[%swap3A_356], %swap3A_359 {strides = array<i32>} : memref<32xi32, #tpu.memory_space<vmem>>, vector<16xi32>,
          %dma_start3A = arith.constant 1 : i32
          %dma_start3A_360 = arith.constant 0 : i32
          %dma_start3A_361 = tpu.memref_slice %arg14[%dma_start3A, %dma_start3A_360] : memref<4x32xi32, #tpu.memory_space<vmem>> -> memref<1x32xi32, #tpu.memory_space<vmem>>
          %dma_start3A_362 = tpu.memref_squeeze %dma_start3A_361 : memref<1x32xi32, #tpu.memory_space<vmem>> -> memref<32xi32, #tpu.memory_space<vmem>>
          %dma_start3A_363 = arith.constant 0 : i32
          %dma_start3A_364 = arith.constant 0 : i32
          %dma_start3A_365 = tpu.memref_slice %arg4[%dma_start3A_363, %dma_start3A_364] : memref<100000x768xf32, #tpu.memory_space<hbm>> -> memref<100000x768xf32, #tpu.memory_space<hbm>>
          tpu.enqueue_indirect_dma source(%dma_start3A_365 : memref<100000x768xf32, #tpu.memory_space<hbm>>) target(%arg17 : memref<32x768xf32, #tpu.memory_space<vmem>>) offsets(%dma_start3A_362 : memref<32xi32, #tpu.memory_space<vmem>>) semaphore(%arg21 : memref<!tpu.dma_semaphore, #tpu.memory_space<semaphore_mem>>)
        } else {
        }
        %ge3A_294 = arith.cmpi sge, %add3A_223, %add3A_153 : i32
        %lt3A_295 = arith.cmpi slt, %add3A_223, %add3A_154 : i32
        %and3A_296 = arith.andi %ge3A_294, %lt3A_295 : i1
        %convert_element_type3A_297 = arith.extui %and3A_296 : i1 to i32
        %cond3A_298 = arith.constant 0 : i32
        %cond3A_299 = arith.cmpi ne, %convert_element_type3A_297, %cond3A_298 : i32
        scf.if %cond3A_299 {
          %sub3A_300 = arith.subi %add3A_223, %add3A_153 : i32
          %mul3A_301 = arith.constant 32 : i32
          %mul3A_302 = arith.muli %sub3A_300, %mul3A_301 : i32
          %add3A_303 = arith.constant 0 : i32
          %add3A_304 = arith.addi %mul3A_302, %add3A_303 : i32
          %get3A = arith.index_cast %add3A_304 : i32 to index
          %get3A_305 = tpu.vector_load %arg10[%get3A] {strides = array<i32>} : memref<1632xi32, #tpu.memory_space<vmem>>, vector<16xi32>,
          %get3A_306 = vector.shape_cast %get3A_305 : vector<16xi32> to vector<16xi32>
          %swap3A_307 = arith.constant 1 : i32
          %swap3A_308 = arith.constant 0 : i32
          %swap3A_309 = tpu.memref_slice %arg14[%swap3A_307, %swap3A_308] : memref<4x32xi32, #tpu.memory_space<vmem>> -> memref<1x32xi32, #tpu.memory_space<vmem>>
          %swap3A_310 = tpu.memref_squeeze %swap3A_309 : memref<1x32xi32, #tpu.memory_space<vmem>> -> memref<32xi32, #tpu.memory_space<vmem>>
          %swap3A_311 = arith.constant 0 : index
          %swap3A_312 = tpu.vector_load %swap3A_310[%swap3A_311] {strides = array<i32>} : memref<32xi32, #tpu.memory_space<vmem>>, vector<16xi32>,
          %swap3A_313 = vector.shape_cast %swap3A_312 : vector<16xi32> to vector<16xi32>
          %swap3A_314 = vector.shape_cast %get3A_306 : vector<16xi32> to vector<16xi32>
          tpu.vector_store %swap3A_310[%swap3A_311], %swap3A_314 {strides = array<i32>} : memref<32xi32, #tpu.memory_space<vmem>>, vector<16xi32>,
          %mul3A_315 = arith.constant 32 : i32
          %mul3A_316 = arith.muli %sub3A_300, %mul3A_315 : i32
          %add3A_317 = arith.constant 0 : i32
          %add3A_318 = arith.addi %mul3A_316, %add3A_317 : i32
          %get3A_319 = arith.index_cast %add3A_318 : i32 to index
          %get3A_320 = tpu.vector_load %arg13[%get3A_319] {strides = array<i32>} : memref<1632xi32, #tpu.memory_space<vmem>>, vector<16xi32>,
          %get3A_321 = vector.shape_cast %get3A_320 : vector<16xi32> to vector<16xi32>
          %swap3A_322 = arith.constant 1 : i32
          %swap3A_323 = arith.constant 0 : i32
          %swap3A_324 = tpu.memref_slice %arg15[%swap3A_322, %swap3A_323] : memref<4x32xi32, #tpu.memory_space<vmem>> -> memref<1x32xi32, #tpu.memory_space<vmem>>
          %swap3A_325 = tpu.memref_squeeze %swap3A_324 : memref<1x32xi32, #tpu.memory_space<vmem>> -> memref<32xi32, #tpu.memory_space<vmem>>
          %swap3A_326 = arith.constant 0 : index
          %swap3A_327 = tpu.vector_load %swap3A_325[%swap3A_326] {strides = array<i32>} : memref<32xi32, #tpu.memory_space<vmem>>, vector<16xi32>,
          %swap3A_328 = vector.shape_cast %swap3A_327 : vector<16xi32> to vector<16xi32>
          %swap3A_329 = vector.shape_cast %get3A_321 : vector<16xi32> to vector<16xi32>
          tpu.vector_store %swap3A_325[%swap3A_326], %swap3A_329 {strides = array<i32>} : memref<32xi32, #tpu.memory_space<vmem>>, vector<16xi32>,
          %mul3A_330 = arith.constant 32 : i32
          %mul3A_331 = arith.muli %sub3A_300, %mul3A_330 : i32
          %add3A_332 = arith.constant 16 : i32
          %add3A_333 = arith.addi %mul3A_331, %add3A_332 : i32
          %get3A_334 = arith.index_cast %add3A_333 : i32 to index
          %get3A_335 = tpu.vector_load %arg10[%get3A_334] {strides = array<i32>} : memref<1632xi32, #tpu.memory_space<vmem>>, vector<16xi32>,
          %get3A_336 = vector.shape_cast %get3A_335 : vector<16xi32> to vector<16xi32>
          %swap3A_337 = arith.constant 1 : i32
          %swap3A_338 = arith.constant 0 : i32
          %swap3A_339 = tpu.memref_slice %arg14[%swap3A_337, %swap3A_338] : memref<4x32xi32, #tpu.memory_space<vmem>> -> memref<1x32xi32, #tpu.memory_space<vmem>>
          %swap3A_340 = tpu.memref_squeeze %swap3A_339 : memref<1x32xi32, #tpu.memory_space<vmem>> -> memref<32xi32, #tpu.memory_space<vmem>>
          %swap3A_341 = arith.constant 16 : index
          %swap3A_342 = tpu.vector_load %swap3A_340[%swap3A_341] {strides = array<i32>} : memref<32xi32, #tpu.memory_space<vmem>>, vector<16xi32>,
          %swap3A_343 = vector.shape_cast %swap3A_342 : vector<16xi32> to vector<16xi32>
          %swap3A_344 = vector.shape_cast %get3A_336 : vector<16xi32> to vector<16xi32>
          tpu.vector_store %swap3A_340[%swap3A_341], %swap3A_344 {strides = array<i32>} : memref<32xi32, #tpu.memory_space<vmem>>, vector<16xi32>,
          %mul3A_345 = arith.constant 32 : i32
          %mul3A_346 = arith.muli %sub3A_300, %mul3A_345 : i32
          %add3A_347 = arith.constant 16 : i32
          %add3A_348 = arith.addi %mul3A_346, %add3A_347 : i32
          %get3A_349 = arith.index_cast %add3A_348 : i32 to index
          %get3A_350 = tpu.vector_load %arg13[%get3A_349] {strides = array<i32>} : memref<1632xi32, #tpu.memory_space<vmem>>, vector<16xi32>,
          %get3A_351 = vector.shape_cast %get3A_350 : vector<16xi32> to vector<16xi32>
          %swap3A_352 = arith.constant 1 : i32
          %swap3A_353 = arith.constant 0 : i32
          %swap3A_354 = tpu.memref_slice %arg15[%swap3A_352, %swap3A_353] : memref<4x32xi32, #tpu.memory_space<vmem>> -> memref<1x32xi32, #tpu.memory_space<vmem>>
          %swap3A_355 = tpu.memref_squeeze %swap3A_354 : memref<1x32xi32, #tpu.memory_space<vmem>> -> memref<32xi32, #tpu.memory_space<vmem>>
          %swap3A_356 = arith.constant 16 : index
          %swap3A_357 = tpu.vector_load %swap3A_355[%swap3A_356] {strides = array<i32>} : memref<32xi32, #tpu.memory_space<vmem>>, vector<16xi32>,
          %swap3A_358 = vector.shape_cast %swap3A_357 : vector<16xi32> to vector<16xi32>
          %swap3A_359 = vector.shape_cast %get3A_351 : vector<16xi32> to vector<16xi32>
          tpu.vector_store %swap3A_355[%swap3A_356], %swap3A_359 {strides = array<i32>} : memref<32xi32, #tpu.memory_space<vmem>>, vector<16xi32>,
          %dma_start3A = arith.constant 1 : i32
          %dma_start3A_360 = arith.constant 0 : i32
          %dma_start3A_361 = tpu.memref_slice %arg14[%dma_start3A, %dma_start3A_360] : memref<4x32xi32, #tpu.memory_space<vmem>> -> memref<1x32xi32, #tpu.memory_space<vmem>>
          %dma_start3A_362 = tpu.memref_squeeze %dma_start3A_361 : memref<1x32xi32, #tpu.memory_space<vmem>> -> memref<32xi32, #tpu.memory_space<vmem>>
          %dma_start3A_363 = arith.constant 0 : i32
          %dma_start3A_364 = arith.constant 0 : i32
          %dma_start3A_365 = tpu.memref_slice %arg5[%dma_start3A_363, %dma_start3A_364] : memref<100000x768xf32, #tpu.memory_space<hbm>> -> memref<100000x768xf32, #tpu.memory_space<hbm>>
          tpu.enqueue_indirect_dma source(%dma_start3A_365 : memref<100000x768xf32, #tpu.memory_space<hbm>>) target(%arg17 : memref<32x768xf32, #tpu.memory_space<vmem>>) offsets(%dma_start3A_362 : memref<32xi32, #tpu.memory_space<vmem>>) semaphore(%arg21 : memref<!tpu.dma_semaphore, #tpu.memory_space<semaphore_mem>>)
        } else {
        }
      } else {
      }
      %mul3A_228 = arith.constant 4 : i32
      %mul3A_229 = arith.muli %while3A_211, %mul3A_228 : i32
      %add3A_230 = arith.constant 2 : i32
      %add3A_231 = arith.addi %mul3A_229, %add3A_230 : i32
      %lt3A_232 = arith.cmpi slt, %add3A_231, %add3A_154 : i32
      %convert_element_type3A_233 = arith.extui %lt3A_232 : i1 to i32
      %cond3A_234 = arith.constant 0 : i32
      %cond3A_235 = arith.cmpi ne, %convert_element_type3A_233, %cond3A_234 : i32
      scf.if %cond3A_235 {
        %ge3A = arith.constant 4 : i32
        %ge3A_277 = arith.cmpi sge, %add3A_231, %ge3A : i32
        %convert_element_type3A_278 = arith.extui %ge3A_277 : i1 to i32
        %cond3A_279 = arith.constant 0 : i32
        %cond3A_280 = arith.cmpi ne, %convert_element_type3A_278, %cond3A_279 : i32
        scf.if %cond3A_280 {
          %dma_wait3A = arith.constant 2 : i32
          %dma_wait3A_300 = arith.constant 0 : i32
          %dma_wait3A_301 = tpu.memref_slice %arg15[%dma_wait3A, %dma_wait3A_300] : memref<4x32xi32, #tpu.memory_space<vmem>> -> memref<1x32xi32, #tpu.memory_space<vmem>>
          %dma_wait3A_302 = tpu.memref_squeeze %dma_wait3A_301 : memref<1x32xi32, #tpu.memory_space<vmem>> -> memref<32xi32, #tpu.memory_space<vmem>>
          %dma_wait3A_303 = arith.constant 0 : i32
          %dma_wait3A_304 = arith.constant 0 : i32
          %dma_wait3A_305 = tpu.memref_slice %arg6[%dma_wait3A_303, %dma_wait3A_304] : memref<51200x768xf32, #tpu.memory_space<hbm>> -> memref<51200x768xf32, #tpu.memory_space<hbm>>
          tpu.wait_indirect_dma semaphore(%arg26 : memref<!tpu.dma_semaphore, #tpu.memory_space<semaphore_mem>>) src(%arg18 : memref<32x768xf32, #tpu.memory_space<vmem>>) dst(%dma_wait3A_305 : memref<51200x768xf32, #tpu.memory_space<hbm>>)
        } else {
        }
        %ge3A_281 = arith.constant 0 : i32
        %ge3A_282 = arith.cmpi sge, %add3A_231, %ge3A_281 : i32
        %lt3A_283 = arith.cmpi slt, %add3A_231, %select_n3A : i32
        %and3A_284 = arith.andi %ge3A_282, %lt3A_283 : i1
        %convert_element_type3A_285 = arith.extui %and3A_284 : i1 to i32
        %cond3A_286 = arith.constant 0 : i32
        %cond3A_287 = arith.cmpi ne, %convert_element_type3A_285, %cond3A_286 : i32
        scf.if %cond3A_287 {
          %sub3A_300 = arith.constant 0 : i32
          %sub3A_301 = arith.subi %add3A_231, %sub3A_300 : i32
          %mul3A_302 = arith.constant 32 : i32
          %mul3A_303 = arith.muli %sub3A_301, %mul3A_302 : i32
          %add3A_304 = arith.constant 0 : i32
          %add3A_305 = arith.addi %mul3A_303, %add3A_304 : i32
          %get3A = arith.index_cast %add3A_305 : i32 to index
          %get3A_306 = tpu.vector_load %arg8[%get3A] {strides = array<i32>} : memref<1632xi32, #tpu.memory_space<vmem>>, vector<16xi32>,
          %get3A_307 = vector.shape_cast %get3A_306 : vector<16xi32> to vector<16xi32>
          %swap3A_308 = arith.constant 2 : i32
          %swap3A_309 = arith.constant 0 : i32
          %swap3A_310 = tpu.memref_slice %arg14[%swap3A_308, %swap3A_309] : memref<4x32xi32, #tpu.memory_space<vmem>> -> memref<1x32xi32, #tpu.memory_space<vmem>>
          %swap3A_311 = tpu.memref_squeeze %swap3A_310 : memref<1x32xi32, #tpu.memory_space<vmem>> -> memref<32xi32, #tpu.memory_space<vmem>>
          %swap3A_312 = arith.constant 0 : index
          %swap3A_313 = tpu.vector_load %swap3A_311[%swap3A_312] {strides = array<i32>} : memref<32xi32, #tpu.memory_space<vmem>>, vector<16xi32>,
          %swap3A_314 = vector.shape_cast %swap3A_313 : vector<16xi32> to vector<16xi32>
          %swap3A_315 = vector.shape_cast %get3A_307 : vector<16xi32> to vector<16xi32>
          tpu.vector_store %swap3A_311[%swap3A_312], %swap3A_315 {strides = array<i32>} : memref<32xi32, #tpu.memory_space<vmem>>, vector<16xi32>,
          %mul3A_316 = arith.constant 32 : i32
          %mul3A_317 = arith.muli %sub3A_301, %mul3A_316 : i32
          %add3A_318 = arith.constant 0 : i32
          %add3A_319 = arith.addi %mul3A_317, %add3A_318 : i32
          %get3A_320 = arith.index_cast %add3A_319 : i32 to index
          %get3A_321 = tpu.vector_load %arg11[%get3A_320] {strides = array<i32>} : memref<1632xi32, #tpu.memory_space<vmem>>, vector<16xi32>,
          %get3A_322 = vector.shape_cast %get3A_321 : vector<16xi32> to vector<16xi32>
          %swap3A_323 = arith.constant 2 : i32
          %swap3A_324 = arith.constant 0 : i32
          %swap3A_325 = tpu.memref_slice %arg15[%swap3A_323, %swap3A_324] : memref<4x32xi32, #tpu.memory_space<vmem>> -> memref<1x32xi32, #tpu.memory_space<vmem>>
          %swap3A_326 = tpu.memref_squeeze %swap3A_325 : memref<1x32xi32, #tpu.memory_space<vmem>> -> memref<32xi32, #tpu.memory_space<vmem>>
          %swap3A_327 = arith.constant 0 : index
          %swap3A_328 = tpu.vector_load %swap3A_326[%swap3A_327] {strides = array<i32>} : memref<32xi32, #tpu.memory_space<vmem>>, vector<16xi32>,
          %swap3A_329 = vector.shape_cast %swap3A_328 : vector<16xi32> to vector<16xi32>
          %swap3A_330 = vector.shape_cast %get3A_322 : vector<16xi32> to vector<16xi32>
          tpu.vector_store %swap3A_326[%swap3A_327], %swap3A_330 {strides = array<i32>} : memref<32xi32, #tpu.memory_space<vmem>>, vector<16xi32>,
          %mul3A_331 = arith.constant 32 : i32
          %mul3A_332 = arith.muli %sub3A_301, %mul3A_331 : i32
          %add3A_333 = arith.constant 16 : i32
          %add3A_334 = arith.addi %mul3A_332, %add3A_333 : i32
          %get3A_335 = arith.index_cast %add3A_334 : i32 to index
          %get3A_336 = tpu.vector_load %arg8[%get3A_335] {strides = array<i32>} : memref<1632xi32, #tpu.memory_space<vmem>>, vector<16xi32>,
          %get3A_337 = vector.shape_cast %get3A_336 : vector<16xi32> to vector<16xi32>
          %swap3A_338 = arith.constant 2 : i32
          %swap3A_339 = arith.constant 0 : i32
          %swap3A_340 = tpu.memref_slice %arg14[%swap3A_338, %swap3A_339] : memref<4x32xi32, #tpu.memory_space<vmem>> -> memref<1x32xi32, #tpu.memory_space<vmem>>
          %swap3A_341 = tpu.memref_squeeze %swap3A_340 : memref<1x32xi32, #tpu.memory_space<vmem>> -> memref<32xi32, #tpu.memory_space<vmem>>
          %swap3A_342 = arith.constant 16 : index
          %swap3A_343 = tpu.vector_load %swap3A_341[%swap3A_342] {strides = array<i32>} : memref<32xi32, #tpu.memory_space<vmem>>, vector<16xi32>,
          %swap3A_344 = vector.shape_cast %swap3A_343 : vector<16xi32> to vector<16xi32>
          %swap3A_345 = vector.shape_cast %get3A_337 : vector<16xi32> to vector<16xi32>
          tpu.vector_store %swap3A_341[%swap3A_342], %swap3A_345 {strides = array<i32>} : memref<32xi32, #tpu.memory_space<vmem>>, vector<16xi32>,
          %mul3A_346 = arith.constant 32 : i32
          %mul3A_347 = arith.muli %sub3A_301, %mul3A_346 : i32
          %add3A_348 = arith.constant 16 : i32
          %add3A_349 = arith.addi %mul3A_347, %add3A_348 : i32
          %get3A_350 = arith.index_cast %add3A_349 : i32 to index
          %get3A_351 = tpu.vector_load %arg11[%get3A_350] {strides = array<i32>} : memref<1632xi32, #tpu.memory_space<vmem>>, vector<16xi32>,
          %get3A_352 = vector.shape_cast %get3A_351 : vector<16xi32> to vector<16xi32>
          %swap3A_353 = arith.constant 2 : i32
          %swap3A_354 = arith.constant 0 : i32
          %swap3A_355 = tpu.memref_slice %arg15[%swap3A_353, %swap3A_354] : memref<4x32xi32, #tpu.memory_space<vmem>> -> memref<1x32xi32, #tpu.memory_space<vmem>>
          %swap3A_356 = tpu.memref_squeeze %swap3A_355 : memref<1x32xi32, #tpu.memory_space<vmem>> -> memref<32xi32, #tpu.memory_space<vmem>>
          %swap3A_357 = arith.constant 16 : index
          %swap3A_358 = tpu.vector_load %swap3A_356[%swap3A_357] {strides = array<i32>} : memref<32xi32, #tpu.memory_space<vmem>>, vector<16xi32>,
          %swap3A_359 = vector.shape_cast %swap3A_358 : vector<16xi32> to vector<16xi32>
          %swap3A_360 = vector.shape_cast %get3A_352 : vector<16xi32> to vector<16xi32>
          tpu.vector_store %swap3A_356[%swap3A_357], %swap3A_360 {strides = array<i32>} : memref<32xi32, #tpu.memory_space<vmem>>, vector<16xi32>,
          %dma_start3A = arith.constant 2 : i32
          %dma_start3A_361 = arith.constant 0 : i32
          %dma_start3A_362 = tpu.memref_slice %arg14[%dma_start3A, %dma_start3A_361] : memref<4x32xi32, #tpu.memory_space<vmem>> -> memref<1x32xi32, #tpu.memory_space<vmem>>
          %dma_start3A_363 = tpu.memref_squeeze %dma_start3A_362 : memref<1x32xi32, #tpu.memory_space<vmem>> -> memref<32xi32, #tpu.memory_space<vmem>>
          %dma_start3A_364 = arith.constant 0 : i32
          %dma_start3A_365 = arith.constant 0 : i32
          %dma_start3A_366 = tpu.memref_slice %arg3[%dma_start3A_364, %dma_start3A_365] : memref<50257x768xf32, #tpu.memory_space<hbm>> -> memref<50257x768xf32, #tpu.memory_space<hbm>>
          tpu.enqueue_indirect_dma source(%dma_start3A_366 : memref<50257x768xf32, #tpu.memory_space<hbm>>) target(%arg18 : memref<32x768xf32, #tpu.memory_space<vmem>>) offsets(%dma_start3A_363 : memref<32xi32, #tpu.memory_space<vmem>>) semaphore(%arg22 : memref<!tpu.dma_semaphore, #tpu.memory_space<semaphore_mem>>)
        } else {
        }
        %ge3A_288 = arith.cmpi sge, %add3A_231, %select_n3A : i32
        %lt3A_289 = arith.cmpi slt, %add3A_231, %add3A_153 : i32
        %and3A_290 = arith.andi %ge3A_288, %lt3A_289 : i1
        %convert_element_type3A_291 = arith.extui %and3A_290 : i1 to i32
        %cond3A_292 = arith.constant 0 : i32
        %cond3A_293 = arith.cmpi ne, %convert_element_type3A_291, %cond3A_292 : i32
        scf.if %cond3A_293 {
          %sub3A_300 = arith.subi %add3A_231, %select_n3A : i32
          %mul3A_301 = arith.constant 32 : i32
          %mul3A_302 = arith.muli %sub3A_300, %mul3A_301 : i32
          %add3A_303 = arith.constant 0 : i32
          %add3A_304 = arith.addi %mul3A_302, %add3A_303 : i32
          %get3A = arith.index_cast %add3A_304 : i32 to index
          %get3A_305 = tpu.vector_load %arg9[%get3A] {strides = array<i32>} : memref<1632xi32, #tpu.memory_space<vmem>>, vector<16xi32>,
          %get3A_306 = vector.shape_cast %get3A_305 : vector<16xi32> to vector<16xi32>
          %swap3A_307 = arith.constant 2 : i32
          %swap3A_308 = arith.constant 0 : i32
          %swap3A_309 = tpu.memref_slice %arg14[%swap3A_307, %swap3A_308] : memref<4x32xi32, #tpu.memory_space<vmem>> -> memref<1x32xi32, #tpu.memory_space<vmem>>
          %swap3A_310 = tpu.memref_squeeze %swap3A_309 : memref<1x32xi32, #tpu.memory_space<vmem>> -> memref<32xi32, #tpu.memory_space<vmem>>
          %swap3A_311 = arith.constant 0 : index
          %swap3A_312 = tpu.vector_load %swap3A_310[%swap3A_311] {strides = array<i32>} : memref<32xi32, #tpu.memory_space<vmem>>, vector<16xi32>,
          %swap3A_313 = vector.shape_cast %swap3A_312 : vector<16xi32> to vector<16xi32>
          %swap3A_314 = vector.shape_cast %get3A_306 : vector<16xi32> to vector<16xi32>
          tpu.vector_store %swap3A_310[%swap3A_311], %swap3A_314 {strides = array<i32>} : memref<32xi32, #tpu.memory_space<vmem>>, vector<16xi32>,
          %mul3A_315 = arith.constant 32 : i32
          %mul3A_316 = arith.muli %sub3A_300, %mul3A_315 : i32
          %add3A_317 = arith.constant 0 : i32
          %add3A_318 = arith.addi %mul3A_316, %add3A_317 : i32
          %get3A_319 = arith.index_cast %add3A_318 : i32 to index
          %get3A_320 = tpu.vector_load %arg12[%get3A_319] {strides = array<i32>} : memref<1632xi32, #tpu.memory_space<vmem>>, vector<16xi32>,
          %get3A_321 = vector.shape_cast %get3A_320 : vector<16xi32> to vector<16xi32>
          %swap3A_322 = arith.constant 2 : i32
          %swap3A_323 = arith.constant 0 : i32
          %swap3A_324 = tpu.memref_slice %arg15[%swap3A_322, %swap3A_323] : memref<4x32xi32, #tpu.memory_space<vmem>> -> memref<1x32xi32, #tpu.memory_space<vmem>>
          %swap3A_325 = tpu.memref_squeeze %swap3A_324 : memref<1x32xi32, #tpu.memory_space<vmem>> -> memref<32xi32, #tpu.memory_space<vmem>>
          %swap3A_326 = arith.constant 0 : index
          %swap3A_327 = tpu.vector_load %swap3A_325[%swap3A_326] {strides = array<i32>} : memref<32xi32, #tpu.memory_space<vmem>>, vector<16xi32>,
          %swap3A_328 = vector.shape_cast %swap3A_327 : vector<16xi32> to vector<16xi32>
          %swap3A_329 = vector.shape_cast %get3A_321 : vector<16xi32> to vector<16xi32>
          tpu.vector_store %swap3A_325[%swap3A_326], %swap3A_329 {strides = array<i32>} : memref<32xi32, #tpu.memory_space<vmem>>, vector<16xi32>,
          %mul3A_330 = arith.constant 32 : i32
          %mul3A_331 = arith.muli %sub3A_300, %mul3A_330 : i32
          %add3A_332 = arith.constant 16 : i32
          %add3A_333 = arith.addi %mul3A_331, %add3A_332 : i32
          %get3A_334 = arith.index_cast %add3A_333 : i32 to index
          %get3A_335 = tpu.vector_load %arg9[%get3A_334] {strides = array<i32>} : memref<1632xi32, #tpu.memory_space<vmem>>, vector<16xi32>,
          %get3A_336 = vector.shape_cast %get3A_335 : vector<16xi32> to vector<16xi32>
          %swap3A_337 = arith.constant 2 : i32
          %swap3A_338 = arith.constant 0 : i32
          %swap3A_339 = tpu.memref_slice %arg14[%swap3A_337, %swap3A_338] : memref<4x32xi32, #tpu.memory_space<vmem>> -> memref<1x32xi32, #tpu.memory_space<vmem>>
          %swap3A_340 = tpu.memref_squeeze %swap3A_339 : memref<1x32xi32, #tpu.memory_space<vmem>> -> memref<32xi32, #tpu.memory_space<vmem>>
          %swap3A_341 = arith.constant 16 : index
          %swap3A_342 = tpu.vector_load %swap3A_340[%swap3A_341] {strides = array<i32>} : memref<32xi32, #tpu.memory_space<vmem>>, vector<16xi32>,
          %swap3A_343 = vector.shape_cast %swap3A_342 : vector<16xi32> to vector<16xi32>
          %swap3A_344 = vector.shape_cast %get3A_336 : vector<16xi32> to vector<16xi32>
          tpu.vector_store %swap3A_340[%swap3A_341], %swap3A_344 {strides = array<i32>} : memref<32xi32, #tpu.memory_space<vmem>>, vector<16xi32>,
          %mul3A_345 = arith.constant 32 : i32
          %mul3A_346 = arith.muli %sub3A_300, %mul3A_345 : i32
          %add3A_347 = arith.constant 16 : i32
          %add3A_348 = arith.addi %mul3A_346, %add3A_347 : i32
          %get3A_349 = arith.index_cast %add3A_348 : i32 to index
          %get3A_350 = tpu.vector_load %arg12[%get3A_349] {strides = array<i32>} : memref<1632xi32, #tpu.memory_space<vmem>>, vector<16xi32>,
          %get3A_351 = vector.shape_cast %get3A_350 : vector<16xi32> to vector<16xi32>
          %swap3A_352 = arith.constant 2 : i32
          %swap3A_353 = arith.constant 0 : i32
          %swap3A_354 = tpu.memref_slice %arg15[%swap3A_352, %swap3A_353] : memref<4x32xi32, #tpu.memory_space<vmem>> -> memref<1x32xi32, #tpu.memory_space<vmem>>
          %swap3A_355 = tpu.memref_squeeze %swap3A_354 : memref<1x32xi32, #tpu.memory_space<vmem>> -> memref<32xi32, #tpu.memory_space<vmem>>
          %swap3A_356 = arith.constant 16 : index
          %swap3A_357 = tpu.vector_load %swap3A_355[%swap3A_356] {strides = array<i32>} : memref<32xi32, #tpu.memory_space<vmem>>, vector<16xi32>,
          %swap3A_358 = vector.shape_cast %swap3A_357 : vector<16xi32> to vector<16xi32>
          %swap3A_359 = vector.shape_cast %get3A_351 : vector<16xi32> to vector<16xi32>
          tpu.vector_store %swap3A_355[%swap3A_356], %swap3A_359 {strides = array<i32>} : memref<32xi32, #tpu.memory_space<vmem>>, vector<16xi32>,
          %dma_start3A = arith.constant 2 : i32
          %dma_start3A_360 = arith.constant 0 : i32
          %dma_start3A_361 = tpu.memref_slice %arg14[%dma_start3A, %dma_start3A_360] : memref<4x32xi32, #tpu.memory_space<vmem>> -> memref<1x32xi32, #tpu.memory_space<vmem>>
          %dma_start3A_362 = tpu.memref_squeeze %dma_start3A_361 : memref<1x32xi32, #tpu.memory_space<vmem>> -> memref<32xi32, #tpu.memory_space<vmem>>
          %dma_start3A_363 = arith.constant 0 : i32
          %dma_start3A_364 = arith.constant 0 : i32
          %dma_start3A_365 = tpu.memref_slice %arg4[%dma_start3A_363, %dma_start3A_364] : memref<100000x768xf32, #tpu.memory_space<hbm>> -> memref<100000x768xf32, #tpu.memory_space<hbm>>
          tpu.enqueue_indirect_dma source(%dma_start3A_365 : memref<100000x768xf32, #tpu.memory_space<hbm>>) target(%arg18 : memref<32x768xf32, #tpu.memory_space<vmem>>) offsets(%dma_start3A_362 : memref<32xi32, #tpu.memory_space<vmem>>) semaphore(%arg22 : memref<!tpu.dma_semaphore, #tpu.memory_space<semaphore_mem>>)
        } else {
        }
        %ge3A_294 = arith.cmpi sge, %add3A_231, %add3A_153 : i32
        %lt3A_295 = arith.cmpi slt, %add3A_231, %add3A_154 : i32
        %and3A_296 = arith.andi %ge3A_294, %lt3A_295 : i1
        %convert_element_type3A_297 = arith.extui %and3A_296 : i1 to i32
        %cond3A_298 = arith.constant 0 : i32
        %cond3A_299 = arith.cmpi ne, %convert_element_type3A_297, %cond3A_298 : i32
        scf.if %cond3A_299 {
          %sub3A_300 = arith.subi %add3A_231, %add3A_153 : i32
          %mul3A_301 = arith.constant 32 : i32
          %mul3A_302 = arith.muli %sub3A_300, %mul3A_301 : i32
          %add3A_303 = arith.constant 0 : i32
          %add3A_304 = arith.addi %mul3A_302, %add3A_303 : i32
          %get3A = arith.index_cast %add3A_304 : i32 to index
          %get3A_305 = tpu.vector_load %arg10[%get3A] {strides = array<i32>} : memref<1632xi32, #tpu.memory_space<vmem>>, vector<16xi32>,
          %get3A_306 = vector.shape_cast %get3A_305 : vector<16xi32> to vector<16xi32>
          %swap3A_307 = arith.constant 2 : i32
          %swap3A_308 = arith.constant 0 : i32
          %swap3A_309 = tpu.memref_slice %arg14[%swap3A_307, %swap3A_308] : memref<4x32xi32, #tpu.memory_space<vmem>> -> memref<1x32xi32, #tpu.memory_space<vmem>>
          %swap3A_310 = tpu.memref_squeeze %swap3A_309 : memref<1x32xi32, #tpu.memory_space<vmem>> -> memref<32xi32, #tpu.memory_space<vmem>>
          %swap3A_311 = arith.constant 0 : index
          %swap3A_312 = tpu.vector_load %swap3A_310[%swap3A_311] {strides = array<i32>} : memref<32xi32, #tpu.memory_space<vmem>>, vector<16xi32>,
          %swap3A_313 = vector.shape_cast %swap3A_312 : vector<16xi32> to vector<16xi32>
          %swap3A_314 = vector.shape_cast %get3A_306 : vector<16xi32> to vector<16xi32>
          tpu.vector_store %swap3A_310[%swap3A_311], %swap3A_314 {strides = array<i32>} : memref<32xi32, #tpu.memory_space<vmem>>, vector<16xi32>,
          %mul3A_315 = arith.constant 32 : i32
          %mul3A_316 = arith.muli %sub3A_300, %mul3A_315 : i32
          %add3A_317 = arith.constant 0 : i32
          %add3A_318 = arith.addi %mul3A_316, %add3A_317 : i32
          %get3A_319 = arith.index_cast %add3A_318 : i32 to index
          %get3A_320 = tpu.vector_load %arg13[%get3A_319] {strides = array<i32>} : memref<1632xi32, #tpu.memory_space<vmem>>, vector<16xi32>,
          %get3A_321 = vector.shape_cast %get3A_320 : vector<16xi32> to vector<16xi32>
          %swap3A_322 = arith.constant 2 : i32
          %swap3A_323 = arith.constant 0 : i32
          %swap3A_324 = tpu.memref_slice %arg15[%swap3A_322, %swap3A_323] : memref<4x32xi32, #tpu.memory_space<vmem>> -> memref<1x32xi32, #tpu.memory_space<vmem>>
          %swap3A_325 = tpu.memref_squeeze %swap3A_324 : memref<1x32xi32, #tpu.memory_space<vmem>> -> memref<32xi32, #tpu.memory_space<vmem>>
          %swap3A_326 = arith.constant 0 : index
          %swap3A_327 = tpu.vector_load %swap3A_325[%swap3A_326] {strides = array<i32>} : memref<32xi32, #tpu.memory_space<vmem>>, vector<16xi32>,
          %swap3A_328 = vector.shape_cast %swap3A_327 : vector<16xi32> to vector<16xi32>
          %swap3A_329 = vector.shape_cast %get3A_321 : vector<16xi32> to vector<16xi32>
          tpu.vector_store %swap3A_325[%swap3A_326], %swap3A_329 {strides = array<i32>} : memref<32xi32, #tpu.memory_space<vmem>>, vector<16xi32>,
          %mul3A_330 = arith.constant 32 : i32
          %mul3A_331 = arith.muli %sub3A_300, %mul3A_330 : i32
          %add3A_332 = arith.constant 16 : i32
          %add3A_333 = arith.addi %mul3A_331, %add3A_332 : i32
          %get3A_334 = arith.index_cast %add3A_333 : i32 to index
          %get3A_335 = tpu.vector_load %arg10[%get3A_334] {strides = array<i32>} : memref<1632xi32, #tpu.memory_space<vmem>>, vector<16xi32>,
          %get3A_336 = vector.shape_cast %get3A_335 : vector<16xi32> to vector<16xi32>
          %swap3A_337 = arith.constant 2 : i32
          %swap3A_338 = arith.constant 0 : i32
          %swap3A_339 = tpu.memref_slice %arg14[%swap3A_337, %swap3A_338] : memref<4x32xi32, #tpu.memory_space<vmem>> -> memref<1x32xi32, #tpu.memory_space<vmem>>
          %swap3A_340 = tpu.memref_squeeze %swap3A_339 : memref<1x32xi32, #tpu.memory_space<vmem>> -> memref<32xi32, #tpu.memory_space<vmem>>
          %swap3A_341 = arith.constant 16 : index
          %swap3A_342 = tpu.vector_load %swap3A_340[%swap3A_341] {strides = array<i32>} : memref<32xi32, #tpu.memory_space<vmem>>, vector<16xi32>,
          %swap3A_343 = vector.shape_cast %swap3A_342 : vector<16xi32> to vector<16xi32>
          %swap3A_344 = vector.shape_cast %get3A_336 : vector<16xi32> to vector<16xi32>
          tpu.vector_store %swap3A_340[%swap3A_341], %swap3A_344 {strides = array<i32>} : memref<32xi32, #tpu.memory_space<vmem>>, vector<16xi32>,
          %mul3A_345 = arith.constant 32 : i32
          %mul3A_346 = arith.muli %sub3A_300, %mul3A_345 : i32
          %add3A_347 = arith.constant 16 : i32
          %add3A_348 = arith.addi %mul3A_346, %add3A_347 : i32
          %get3A_349 = arith.index_cast %add3A_348 : i32 to index
          %get3A_350 = tpu.vector_load %arg13[%get3A_349] {strides = array<i32>} : memref<1632xi32, #tpu.memory_space<vmem>>, vector<16xi32>,
          %get3A_351 = vector.shape_cast %get3A_350 : vector<16xi32> to vector<16xi32>
          %swap3A_352 = arith.constant 2 : i32
          %swap3A_353 = arith.constant 0 : i32
          %swap3A_354 = tpu.memref_slice %arg15[%swap3A_352, %swap3A_353] : memref<4x32xi32, #tpu.memory_space<vmem>> -> memref<1x32xi32, #tpu.memory_space<vmem>>
          %swap3A_355 = tpu.memref_squeeze %swap3A_354 : memref<1x32xi32, #tpu.memory_space<vmem>> -> memref<32xi32, #tpu.memory_space<vmem>>
          %swap3A_356 = arith.constant 16 : index
          %swap3A_357 = tpu.vector_load %swap3A_355[%swap3A_356] {strides = array<i32>} : memref<32xi32, #tpu.memory_space<vmem>>, vector<16xi32>,
          %swap3A_358 = vector.shape_cast %swap3A_357 : vector<16xi32> to vector<16xi32>
          %swap3A_359 = vector.shape_cast %get3A_351 : vector<16xi32> to vector<16xi32>
          tpu.vector_store %swap3A_355[%swap3A_356], %swap3A_359 {strides = array<i32>} : memref<32xi32, #tpu.memory_space<vmem>>, vector<16xi32>,
          %dma_start3A = arith.constant 2 : i32
          %dma_start3A_360 = arith.constant 0 : i32
          %dma_start3A_361 = tpu.memref_slice %arg14[%dma_start3A, %dma_start3A_360] : memref<4x32xi32, #tpu.memory_space<vmem>> -> memref<1x32xi32, #tpu.memory_space<vmem>>
          %dma_start3A_362 = tpu.memref_squeeze %dma_start3A_361 : memref<1x32xi32, #tpu.memory_space<vmem>> -> memref<32xi32, #tpu.memory_space<vmem>>
          %dma_start3A_363 = arith.constant 0 : i32
          %dma_start3A_364 = arith.constant 0 : i32
          %dma_start3A_365 = tpu.memref_slice %arg5[%dma_start3A_363, %dma_start3A_364] : memref<100000x768xf32, #tpu.memory_space<hbm>> -> memref<100000x768xf32, #tpu.memory_space<hbm>>
          tpu.enqueue_indirect_dma source(%dma_start3A_365 : memref<100000x768xf32, #tpu.memory_space<hbm>>) target(%arg18 : memref<32x768xf32, #tpu.memory_space<vmem>>) offsets(%dma_start3A_362 : memref<32xi32, #tpu.memory_space<vmem>>) semaphore(%arg22 : memref<!tpu.dma_semaphore, #tpu.memory_space<semaphore_mem>>)
        } else {
        }
      } else {
      }
      %mul3A_236 = arith.constant 4 : i32
      %mul3A_237 = arith.muli %while3A_211, %mul3A_236 : i32
      %add3A_238 = arith.constant 3 : i32
      %add3A_239 = arith.addi %mul3A_237, %add3A_238 : i32
      %lt3A_240 = arith.cmpi slt, %add3A_239, %add3A_154 : i32
      %convert_element_type3A_241 = arith.extui %lt3A_240 : i1 to i32
      %cond3A_242 = arith.constant 0 : i32
      %cond3A_243 = arith.cmpi ne, %convert_element_type3A_241, %cond3A_242 : i32
      scf.if %cond3A_243 {
        %ge3A = arith.constant 4 : i32
        %ge3A_277 = arith.cmpi sge, %add3A_239, %ge3A : i32
        %convert_element_type3A_278 = arith.extui %ge3A_277 : i1 to i32
        %cond3A_279 = arith.constant 0 : i32
        %cond3A_280 = arith.cmpi ne, %convert_element_type3A_278, %cond3A_279 : i32
        scf.if %cond3A_280 {
          %dma_wait3A = arith.constant 3 : i32
          %dma_wait3A_300 = arith.constant 0 : i32
          %dma_wait3A_301 = tpu.memref_slice %arg15[%dma_wait3A, %dma_wait3A_300] : memref<4x32xi32, #tpu.memory_space<vmem>> -> memref<1x32xi32, #tpu.memory_space<vmem>>
          %dma_wait3A_302 = tpu.memref_squeeze %dma_wait3A_301 : memref<1x32xi32, #tpu.memory_space<vmem>> -> memref<32xi32, #tpu.memory_space<vmem>>
          %dma_wait3A_303 = arith.constant 0 : i32
          %dma_wait3A_304 = arith.constant 0 : i32
          %dma_wait3A_305 = tpu.memref_slice %arg6[%dma_wait3A_303, %dma_wait3A_304] : memref<51200x768xf32, #tpu.memory_space<hbm>> -> memref<51200x768xf32, #tpu.memory_space<hbm>>
          tpu.wait_indirect_dma semaphore(%arg27 : memref<!tpu.dma_semaphore, #tpu.memory_space<semaphore_mem>>) src(%arg19 : memref<32x768xf32, #tpu.memory_space<vmem>>) dst(%dma_wait3A_305 : memref<51200x768xf32, #tpu.memory_space<hbm>>)
        } else {
        }
        %ge3A_281 = arith.constant 0 : i32
        %ge3A_282 = arith.cmpi sge, %add3A_239, %ge3A_281 : i32
        %lt3A_283 = arith.cmpi slt, %add3A_239, %select_n3A : i32
        %and3A_284 = arith.andi %ge3A_282, %lt3A_283 : i1
        %convert_element_type3A_285 = arith.extui %and3A_284 : i1 to i32
        %cond3A_286 = arith.constant 0 : i32
        %cond3A_287 = arith.cmpi ne, %convert_element_type3A_285, %cond3A_286 : i32
        scf.if %cond3A_287 {
          %sub3A_300 = arith.constant 0 : i32
          %sub3A_301 = arith.subi %add3A_239, %sub3A_300 : i32
          %mul3A_302 = arith.constant 32 : i32
          %mul3A_303 = arith.muli %sub3A_301, %mul3A_302 : i32
          %add3A_304 = arith.constant 0 : i32
          %add3A_305 = arith.addi %mul3A_303, %add3A_304 : i32
          %get3A = arith.index_cast %add3A_305 : i32 to index
          %get3A_306 = tpu.vector_load %arg8[%get3A] {strides = array<i32>} : memref<1632xi32, #tpu.memory_space<vmem>>, vector<16xi32>,
          %get3A_307 = vector.shape_cast %get3A_306 : vector<16xi32> to vector<16xi32>
          %swap3A_308 = arith.constant 3 : i32
          %swap3A_309 = arith.constant 0 : i32
          %swap3A_310 = tpu.memref_slice %arg14[%swap3A_308, %swap3A_309] : memref<4x32xi32, #tpu.memory_space<vmem>> -> memref<1x32xi32, #tpu.memory_space<vmem>>
          %swap3A_311 = tpu.memref_squeeze %swap3A_310 : memref<1x32xi32, #tpu.memory_space<vmem>> -> memref<32xi32, #tpu.memory_space<vmem>>
          %swap3A_312 = arith.constant 0 : index
          %swap3A_313 = tpu.vector_load %swap3A_311[%swap3A_312] {strides = array<i32>} : memref<32xi32, #tpu.memory_space<vmem>>, vector<16xi32>,
          %swap3A_314 = vector.shape_cast %swap3A_313 : vector<16xi32> to vector<16xi32>
          %swap3A_315 = vector.shape_cast %get3A_307 : vector<16xi32> to vector<16xi32>
          tpu.vector_store %swap3A_311[%swap3A_312], %swap3A_315 {strides = array<i32>} : memref<32xi32, #tpu.memory_space<vmem>>, vector<16xi32>,
          %mul3A_316 = arith.constant 32 : i32
          %mul3A_317 = arith.muli %sub3A_301, %mul3A_316 : i32
          %add3A_318 = arith.constant 0 : i32
          %add3A_319 = arith.addi %mul3A_317, %add3A_318 : i32
          %get3A_320 = arith.index_cast %add3A_319 : i32 to index
          %get3A_321 = tpu.vector_load %arg11[%get3A_320] {strides = array<i32>} : memref<1632xi32, #tpu.memory_space<vmem>>, vector<16xi32>,
          %get3A_322 = vector.shape_cast %get3A_321 : vector<16xi32> to vector<16xi32>
          %swap3A_323 = arith.constant 3 : i32
          %swap3A_324 = arith.constant 0 : i32
          %swap3A_325 = tpu.memref_slice %arg15[%swap3A_323, %swap3A_324] : memref<4x32xi32, #tpu.memory_space<vmem>> -> memref<1x32xi32, #tpu.memory_space<vmem>>
          %swap3A_326 = tpu.memref_squeeze %swap3A_325 : memref<1x32xi32, #tpu.memory_space<vmem>> -> memref<32xi32, #tpu.memory_space<vmem>>
          %swap3A_327 = arith.constant 0 : index
          %swap3A_328 = tpu.vector_load %swap3A_326[%swap3A_327] {strides = array<i32>} : memref<32xi32, #tpu.memory_space<vmem>>, vector<16xi32>,
          %swap3A_329 = vector.shape_cast %swap3A_328 : vector<16xi32> to vector<16xi32>
          %swap3A_330 = vector.shape_cast %get3A_322 : vector<16xi32> to vector<16xi32>
          tpu.vector_store %swap3A_326[%swap3A_327], %swap3A_330 {strides = array<i32>} : memref<32xi32, #tpu.memory_space<vmem>>, vector<16xi32>,
          %mul3A_331 = arith.constant 32 : i32
          %mul3A_332 = arith.muli %sub3A_301, %mul3A_331 : i32
          %add3A_333 = arith.constant 16 : i32
          %add3A_334 = arith.addi %mul3A_332, %add3A_333 : i32
          %get3A_335 = arith.index_cast %add3A_334 : i32 to index
          %get3A_336 = tpu.vector_load %arg8[%get3A_335] {strides = array<i32>} : memref<1632xi32, #tpu.memory_space<vmem>>, vector<16xi32>,
          %get3A_337 = vector.shape_cast %get3A_336 : vector<16xi32> to vector<16xi32>
          %swap3A_338 = arith.constant 3 : i32
          %swap3A_339 = arith.constant 0 : i32
          %swap3A_340 = tpu.memref_slice %arg14[%swap3A_338, %swap3A_339] : memref<4x32xi32, #tpu.memory_space<vmem>> -> memref<1x32xi32, #tpu.memory_space<vmem>>
          %swap3A_341 = tpu.memref_squeeze %swap3A_340 : memref<1x32xi32, #tpu.memory_space<vmem>> -> memref<32xi32, #tpu.memory_space<vmem>>
          %swap3A_342 = arith.constant 16 : index
          %swap3A_343 = tpu.vector_load %swap3A_341[%swap3A_342] {strides = array<i32>} : memref<32xi32, #tpu.memory_space<vmem>>, vector<16xi32>,
          %swap3A_344 = vector.shape_cast %swap3A_343 : vector<16xi32> to vector<16xi32>
          %swap3A_345 = vector.shape_cast %get3A_337 : vector<16xi32> to vector<16xi32>
          tpu.vector_store %swap3A_341[%swap3A_342], %swap3A_345 {strides = array<i32>} : memref<32xi32, #tpu.memory_space<vmem>>, vector<16xi32>,
          %mul3A_346 = arith.constant 32 : i32
          %mul3A_347 = arith.muli %sub3A_301, %mul3A_346 : i32
          %add3A_348 = arith.constant 16 : i32
          %add3A_349 = arith.addi %mul3A_347, %add3A_348 : i32
          %get3A_350 = arith.index_cast %add3A_349 : i32 to index
          %get3A_351 = tpu.vector_load %arg11[%get3A_350] {strides = array<i32>} : memref<1632xi32, #tpu.memory_space<vmem>>, vector<16xi32>,
          %get3A_352 = vector.shape_cast %get3A_351 : vector<16xi32> to vector<16xi32>
          %swap3A_353 = arith.constant 3 : i32
          %swap3A_354 = arith.constant 0 : i32
          %swap3A_355 = tpu.memref_slice %arg15[%swap3A_353, %swap3A_354] : memref<4x32xi32, #tpu.memory_space<vmem>> -> memref<1x32xi32, #tpu.memory_space<vmem>>
          %swap3A_356 = tpu.memref_squeeze %swap3A_355 : memref<1x32xi32, #tpu.memory_space<vmem>> -> memref<32xi32, #tpu.memory_space<vmem>>
          %swap3A_357 = arith.constant 16 : index
          %swap3A_358 = tpu.vector_load %swap3A_356[%swap3A_357] {strides = array<i32>} : memref<32xi32, #tpu.memory_space<vmem>>, vector<16xi32>,
          %swap3A_359 = vector.shape_cast %swap3A_358 : vector<16xi32> to vector<16xi32>
          %swap3A_360 = vector.shape_cast %get3A_352 : vector<16xi32> to vector<16xi32>
          tpu.vector_store %swap3A_356[%swap3A_357], %swap3A_360 {strides = array<i32>} : memref<32xi32, #tpu.memory_space<vmem>>, vector<16xi32>,
          %dma_start3A = arith.constant 3 : i32
          %dma_start3A_361 = arith.constant 0 : i32
          %dma_start3A_362 = tpu.memref_slice %arg14[%dma_start3A, %dma_start3A_361] : memref<4x32xi32, #tpu.memory_space<vmem>> -> memref<1x32xi32, #tpu.memory_space<vmem>>
          %dma_start3A_363 = tpu.memref_squeeze %dma_start3A_362 : memref<1x32xi32, #tpu.memory_space<vmem>> -> memref<32xi32, #tpu.memory_space<vmem>>
          %dma_start3A_364 = arith.constant 0 : i32
          %dma_start3A_365 = arith.constant 0 : i32
          %dma_start3A_366 = tpu.memref_slice %arg3[%dma_start3A_364, %dma_start3A_365] : memref<50257x768xf32, #tpu.memory_space<hbm>> -> memref<50257x768xf32, #tpu.memory_space<hbm>>
          tpu.enqueue_indirect_dma source(%dma_start3A_366 : memref<50257x768xf32, #tpu.memory_space<hbm>>) target(%arg19 : memref<32x768xf32, #tpu.memory_space<vmem>>) offsets(%dma_start3A_363 : memref<32xi32, #tpu.memory_space<vmem>>) semaphore(%arg23 : memref<!tpu.dma_semaphore, #tpu.memory_space<semaphore_mem>>)
        } else {
        }
        %ge3A_288 = arith.cmpi sge, %add3A_239, %select_n3A : i32
        %lt3A_289 = arith.cmpi slt, %add3A_239, %add3A_153 : i32
        %and3A_290 = arith.andi %ge3A_288, %lt3A_289 : i1
        %convert_element_type3A_291 = arith.extui %and3A_290 : i1 to i32
        %cond3A_292 = arith.constant 0 : i32
        %cond3A_293 = arith.cmpi ne, %convert_element_type3A_291, %cond3A_292 : i32
        scf.if %cond3A_293 {
          %sub3A_300 = arith.subi %add3A_239, %select_n3A : i32
          %mul3A_301 = arith.constant 32 : i32
          %mul3A_302 = arith.muli %sub3A_300, %mul3A_301 : i32
          %add3A_303 = arith.constant 0 : i32
          %add3A_304 = arith.addi %mul3A_302, %add3A_303 : i32
          %get3A = arith.index_cast %add3A_304 : i32 to index
          %get3A_305 = tpu.vector_load %arg9[%get3A] {strides = array<i32>} : memref<1632xi32, #tpu.memory_space<vmem>>, vector<16xi32>,
          %get3A_306 = vector.shape_cast %get3A_305 : vector<16xi32> to vector<16xi32>
          %swap3A_307 = arith.constant 3 : i32
          %swap3A_308 = arith.constant 0 : i32
          %swap3A_309 = tpu.memref_slice %arg14[%swap3A_307, %swap3A_308] : memref<4x32xi32, #tpu.memory_space<vmem>> -> memref<1x32xi32, #tpu.memory_space<vmem>>
          %swap3A_310 = tpu.memref_squeeze %swap3A_309 : memref<1x32xi32, #tpu.memory_space<vmem>> -> memref<32xi32, #tpu.memory_space<vmem>>
          %swap3A_311 = arith.constant 0 : index
          %swap3A_312 = tpu.vector_load %swap3A_310[%swap3A_311] {strides = array<i32>} : memref<32xi32, #tpu.memory_space<vmem>>, vector<16xi32>,
          %swap3A_313 = vector.shape_cast %swap3A_312 : vector<16xi32> to vector<16xi32>
          %swap3A_314 = vector.shape_cast %get3A_306 : vector<16xi32> to vector<16xi32>
          tpu.vector_store %swap3A_310[%swap3A_311], %swap3A_314 {strides = array<i32>} : memref<32xi32, #tpu.memory_space<vmem>>, vector<16xi32>,
          %mul3A_315 = arith.constant 32 : i32
          %mul3A_316 = arith.muli %sub3A_300, %mul3A_315 : i32
          %add3A_317 = arith.constant 0 : i32
          %add3A_318 = arith.addi %mul3A_316, %add3A_317 : i32
          %get3A_319 = arith.index_cast %add3A_318 : i32 to index
          %get3A_320 = tpu.vector_load %arg12[%get3A_319] {strides = array<i32>} : memref<1632xi32, #tpu.memory_space<vmem>>, vector<16xi32>,
          %get3A_321 = vector.shape_cast %get3A_320 : vector<16xi32> to vector<16xi32>
          %swap3A_322 = arith.constant 3 : i32
          %swap3A_323 = arith.constant 0 : i32
          %swap3A_324 = tpu.memref_slice %arg15[%swap3A_322, %swap3A_323] : memref<4x32xi32, #tpu.memory_space<vmem>> -> memref<1x32xi32, #tpu.memory_space<vmem>>
          %swap3A_325 = tpu.memref_squeeze %swap3A_324 : memref<1x32xi32, #tpu.memory_space<vmem>> -> memref<32xi32, #tpu.memory_space<vmem>>
          %swap3A_326 = arith.constant 0 : index
          %swap3A_327 = tpu.vector_load %swap3A_325[%swap3A_326] {strides = array<i32>} : memref<32xi32, #tpu.memory_space<vmem>>, vector<16xi32>,
          %swap3A_328 = vector.shape_cast %swap3A_327 : vector<16xi32> to vector<16xi32>
          %swap3A_329 = vector.shape_cast %get3A_321 : vector<16xi32> to vector<16xi32>
          tpu.vector_store %swap3A_325[%swap3A_326], %swap3A_329 {strides = array<i32>} : memref<32xi32, #tpu.memory_space<vmem>>, vector<16xi32>,
          %mul3A_330 = arith.constant 32 : i32
          %mul3A_331 = arith.muli %sub3A_300, %mul3A_330 : i32
          %add3A_332 = arith.constant 16 : i32
          %add3A_333 = arith.addi %mul3A_331, %add3A_332 : i32
          %get3A_334 = arith.index_cast %add3A_333 : i32 to index
          %get3A_335 = tpu.vector_load %arg9[%get3A_334] {strides = array<i32>} : memref<1632xi32, #tpu.memory_space<vmem>>, vector<16xi32>,
          %get3A_336 = vector.shape_cast %get3A_335 : vector<16xi32> to vector<16xi32>
          %swap3A_337 = arith.constant 3 : i32
          %swap3A_338 = arith.constant 0 : i32
          %swap3A_339 = tpu.memref_slice %arg14[%swap3A_337, %swap3A_338] : memref<4x32xi32, #tpu.memory_space<vmem>> -> memref<1x32xi32, #tpu.memory_space<vmem>>
          %swap3A_340 = tpu.memref_squeeze %swap3A_339 : memref<1x32xi32, #tpu.memory_space<vmem>> -> memref<32xi32, #tpu.memory_space<vmem>>
          %swap3A_341 = arith.constant 16 : index
          %swap3A_342 = tpu.vector_load %swap3A_340[%swap3A_341] {strides = array<i32>} : memref<32xi32, #tpu.memory_space<vmem>>, vector<16xi32>,
          %swap3A_343 = vector.shape_cast %swap3A_342 : vector<16xi32> to vector<16xi32>
          %swap3A_344 = vector.shape_cast %get3A_336 : vector<16xi32> to vector<16xi32>
          tpu.vector_store %swap3A_340[%swap3A_341], %swap3A_344 {strides = array<i32>} : memref<32xi32, #tpu.memory_space<vmem>>, vector<16xi32>,
          %mul3A_345 = arith.constant 32 : i32
          %mul3A_346 = arith.muli %sub3A_300, %mul3A_345 : i32
          %add3A_347 = arith.constant 16 : i32
          %add3A_348 = arith.addi %mul3A_346, %add3A_347 : i32
          %get3A_349 = arith.index_cast %add3A_348 : i32 to index
          %get3A_350 = tpu.vector_load %arg12[%get3A_349] {strides = array<i32>} : memref<1632xi32, #tpu.memory_space<vmem>>, vector<16xi32>,
          %get3A_351 = vector.shape_cast %get3A_350 : vector<16xi32> to vector<16xi32>
          %swap3A_352 = arith.constant 3 : i32
          %swap3A_353 = arith.constant 0 : i32
          %swap3A_354 = tpu.memref_slice %arg15[%swap3A_352, %swap3A_353] : memref<4x32xi32, #tpu.memory_space<vmem>> -> memref<1x32xi32, #tpu.memory_space<vmem>>
          %swap3A_355 = tpu.memref_squeeze %swap3A_354 : memref<1x32xi32, #tpu.memory_space<vmem>> -> memref<32xi32, #tpu.memory_space<vmem>>
          %swap3A_356 = arith.constant 16 : index
          %swap3A_357 = tpu.vector_load %swap3A_355[%swap3A_356] {strides = array<i32>} : memref<32xi32, #tpu.memory_space<vmem>>, vector<16xi32>,
          %swap3A_358 = vector.shape_cast %swap3A_357 : vector<16xi32> to vector<16xi32>
          %swap3A_359 = vector.shape_cast %get3A_351 : vector<16xi32> to vector<16xi32>
          tpu.vector_store %swap3A_355[%swap3A_356], %swap3A_359 {strides = array<i32>} : memref<32xi32, #tpu.memory_space<vmem>>, vector<16xi32>,
          %dma_start3A = arith.constant 3 : i32
          %dma_start3A_360 = arith.constant 0 : i32
          %dma_start3A_361 = tpu.memref_slice %arg14[%dma_start3A, %dma_start3A_360] : memref<4x32xi32, #tpu.memory_space<vmem>> -> memref<1x32xi32, #tpu.memory_space<vmem>>
          %dma_start3A_362 = tpu.memref_squeeze %dma_start3A_361 : memref<1x32xi32, #tpu.memory_space<vmem>> -> memref<32xi32, #tpu.memory_space<vmem>>
          %dma_start3A_363 = arith.constant 0 : i32
          %dma_start3A_364 = arith.constant 0 : i32
          %dma_start3A_365 = tpu.memref_slice %arg4[%dma_start3A_363, %dma_start3A_364] : memref<100000x768xf32, #tpu.memory_space<hbm>> -> memref<100000x768xf32, #tpu.memory_space<hbm>>
          tpu.enqueue_indirect_dma source(%dma_start3A_365 : memref<100000x768xf32, #tpu.memory_space<hbm>>) target(%arg19 : memref<32x768xf32, #tpu.memory_space<vmem>>) offsets(%dma_start3A_362 : memref<32xi32, #tpu.memory_space<vmem>>) semaphore(%arg23 : memref<!tpu.dma_semaphore, #tpu.memory_space<semaphore_mem>>)
        } else {
        }
        %ge3A_294 = arith.cmpi sge, %add3A_239, %add3A_153 : i32
        %lt3A_295 = arith.cmpi slt, %add3A_239, %add3A_154 : i32
        %and3A_296 = arith.andi %ge3A_294, %lt3A_295 : i1
        %convert_element_type3A_297 = arith.extui %and3A_296 : i1 to i32
        %cond3A_298 = arith.constant 0 : i32
        %cond3A_299 = arith.cmpi ne, %convert_element_type3A_297, %cond3A_298 : i32
        scf.if %cond3A_299 {
          %sub3A_300 = arith.subi %add3A_239, %add3A_153 : i32
          %mul3A_301 = arith.constant 32 : i32
          %mul3A_302 = arith.muli %sub3A_300, %mul3A_301 : i32
          %add3A_303 = arith.constant 0 : i32
          %add3A_304 = arith.addi %mul3A_302, %add3A_303 : i32
          %get3A = arith.index_cast %add3A_304 : i32 to index
          %get3A_305 = tpu.vector_load %arg10[%get3A] {strides = array<i32>} : memref<1632xi32, #tpu.memory_space<vmem>>, vector<16xi32>,
          %get3A_306 = vector.shape_cast %get3A_305 : vector<16xi32> to vector<16xi32>
          %swap3A_307 = arith.constant 3 : i32
          %swap3A_308 = arith.constant 0 : i32
          %swap3A_309 = tpu.memref_slice %arg14[%swap3A_307, %swap3A_308] : memref<4x32xi32, #tpu.memory_space<vmem>> -> memref<1x32xi32, #tpu.memory_space<vmem>>
          %swap3A_310 = tpu.memref_squeeze %swap3A_309 : memref<1x32xi32, #tpu.memory_space<vmem>> -> memref<32xi32, #tpu.memory_space<vmem>>
          %swap3A_311 = arith.constant 0 : index
          %swap3A_312 = tpu.vector_load %swap3A_310[%swap3A_311] {strides = array<i32>} : memref<32xi32, #tpu.memory_space<vmem>>, vector<16xi32>,
          %swap3A_313 = vector.shape_cast %swap3A_312 : vector<16xi32> to vector<16xi32>
          %swap3A_314 = vector.shape_cast %get3A_306 : vector<16xi32> to vector<16xi32>
          tpu.vector_store %swap3A_310[%swap3A_311], %swap3A_314 {strides = array<i32>} : memref<32xi32, #tpu.memory_space<vmem>>, vector<16xi32>,
          %mul3A_315 = arith.constant 32 : i32
          %mul3A_316 = arith.muli %sub3A_300, %mul3A_315 : i32
          %add3A_317 = arith.constant 0 : i32
          %add3A_318 = arith.addi %mul3A_316, %add3A_317 : i32
          %get3A_319 = arith.index_cast %add3A_318 : i32 to index
          %get3A_320 = tpu.vector_load %arg13[%get3A_319] {strides = array<i32>} : memref<1632xi32, #tpu.memory_space<vmem>>, vector<16xi32>,
          %get3A_321 = vector.shape_cast %get3A_320 : vector<16xi32> to vector<16xi32>
          %swap3A_322 = arith.constant 3 : i32
          %swap3A_323 = arith.constant 0 : i32
          %swap3A_324 = tpu.memref_slice %arg15[%swap3A_322, %swap3A_323] : memref<4x32xi32, #tpu.memory_space<vmem>> -> memref<1x32xi32, #tpu.memory_space<vmem>>
          %swap3A_325 = tpu.memref_squeeze %swap3A_324 : memref<1x32xi32, #tpu.memory_space<vmem>> -> memref<32xi32, #tpu.memory_space<vmem>>
          %swap3A_326 = arith.constant 0 : index
          %swap3A_327 = tpu.vector_load %swap3A_325[%swap3A_326] {strides = array<i32>} : memref<32xi32, #tpu.memory_space<vmem>>, vector<16xi32>,
          %swap3A_328 = vector.shape_cast %swap3A_327 : vector<16xi32> to vector<16xi32>
          %swap3A_329 = vector.shape_cast %get3A_321 : vector<16xi32> to vector<16xi32>
          tpu.vector_store %swap3A_325[%swap3A_326], %swap3A_329 {strides = array<i32>} : memref<32xi32, #tpu.memory_space<vmem>>, vector<16xi32>,
          %mul3A_330 = arith.constant 32 : i32
          %mul3A_331 = arith.muli %sub3A_300, %mul3A_330 : i32
          %add3A_332 = arith.constant 16 : i32
          %add3A_333 = arith.addi %mul3A_331, %add3A_332 : i32
          %get3A_334 = arith.index_cast %add3A_333 : i32 to index
          %get3A_335 = tpu.vector_load %arg10[%get3A_334] {strides = array<i32>} : memref<1632xi32, #tpu.memory_space<vmem>>, vector<16xi32>,
          %get3A_336 = vector.shape_cast %get3A_335 : vector<16xi32> to vector<16xi32>
          %swap3A_337 = arith.constant 3 : i32
          %swap3A_338 = arith.constant 0 : i32
          %swap3A_339 = tpu.memref_slice %arg14[%swap3A_337, %swap3A_338] : memref<4x32xi32, #tpu.memory_space<vmem>> -> memref<1x32xi32, #tpu.memory_space<vmem>>
          %swap3A_340 = tpu.memref_squeeze %swap3A_339 : memref<1x32xi32, #tpu.memory_space<vmem>> -> memref<32xi32, #tpu.memory_space<vmem>>
          %swap3A_341 = arith.constant 16 : index
          %swap3A_342 = tpu.vector_load %swap3A_340[%swap3A_341] {strides = array<i32>} : memref<32xi32, #tpu.memory_space<vmem>>, vector<16xi32>,
          %swap3A_343 = vector.shape_cast %swap3A_342 : vector<16xi32> to vector<16xi32>
          %swap3A_344 = vector.shape_cast %get3A_336 : vector<16xi32> to vector<16xi32>
          tpu.vector_store %swap3A_340[%swap3A_341], %swap3A_344 {strides = array<i32>} : memref<32xi32, #tpu.memory_space<vmem>>, vector<16xi32>,
          %mul3A_345 = arith.constant 32 : i32
          %mul3A_346 = arith.muli %sub3A_300, %mul3A_345 : i32
          %add3A_347 = arith.constant 16 : i32
          %add3A_348 = arith.addi %mul3A_346, %add3A_347 : i32
          %get3A_349 = arith.index_cast %add3A_348 : i32 to index
          %get3A_350 = tpu.vector_load %arg13[%get3A_349] {strides = array<i32>} : memref<1632xi32, #tpu.memory_space<vmem>>, vector<16xi32>,
          %get3A_351 = vector.shape_cast %get3A_350 : vector<16xi32> to vector<16xi32>
          %swap3A_352 = arith.constant 3 : i32
          %swap3A_353 = arith.constant 0 : i32
          %swap3A_354 = tpu.memref_slice %arg15[%swap3A_352, %swap3A_353] : memref<4x32xi32, #tpu.memory_space<vmem>> -> memref<1x32xi32, #tpu.memory_space<vmem>>
          %swap3A_355 = tpu.memref_squeeze %swap3A_354 : memref<1x32xi32, #tpu.memory_space<vmem>> -> memref<32xi32, #tpu.memory_space<vmem>>
          %swap3A_356 = arith.constant 16 : index
          %swap3A_357 = tpu.vector_load %swap3A_355[%swap3A_356] {strides = array<i32>} : memref<32xi32, #tpu.memory_space<vmem>>, vector<16xi32>,
          %swap3A_358 = vector.shape_cast %swap3A_357 : vector<16xi32> to vector<16xi32>
          %swap3A_359 = vector.shape_cast %get3A_351 : vector<16xi32> to vector<16xi32>
          tpu.vector_store %swap3A_355[%swap3A_356], %swap3A_359 {strides = array<i32>} : memref<32xi32, #tpu.memory_space<vmem>>, vector<16xi32>,
          %dma_start3A = arith.constant 3 : i32
          %dma_start3A_360 = arith.constant 0 : i32
          %dma_start3A_361 = tpu.memref_slice %arg14[%dma_start3A, %dma_start3A_360] : memref<4x32xi32, #tpu.memory_space<vmem>> -> memref<1x32xi32, #tpu.memory_space<vmem>>
          %dma_start3A_362 = tpu.memref_squeeze %dma_start3A_361 : memref<1x32xi32, #tpu.memory_space<vmem>> -> memref<32xi32, #tpu.memory_space<vmem>>
          %dma_start3A_363 = arith.constant 0 : i32
          %dma_start3A_364 = arith.constant 0 : i32
          %dma_start3A_365 = tpu.memref_slice %arg5[%dma_start3A_363, %dma_start3A_364] : memref<100000x768xf32, #tpu.memory_space<hbm>> -> memref<100000x768xf32, #tpu.memory_space<hbm>>
          tpu.enqueue_indirect_dma source(%dma_start3A_365 : memref<100000x768xf32, #tpu.memory_space<hbm>>) target(%arg19 : memref<32x768xf32, #tpu.memory_space<vmem>>) offsets(%dma_start3A_362 : memref<32xi32, #tpu.memory_space<vmem>>) semaphore(%arg23 : memref<!tpu.dma_semaphore, #tpu.memory_space<semaphore_mem>>)
        } else {
        }
      } else {
      }
      %mul3A_244 = arith.constant 4 : i32
      %mul3A_245 = arith.muli %while3A_211, %mul3A_244 : i32
      %add3A_246 = arith.constant 0 : i32
      %add3A_247 = arith.addi %mul3A_245, %add3A_246 : i32
      %lt3A_248 = arith.cmpi slt, %add3A_247, %add3A_154 : i32
      %convert_element_type3A_249 = arith.extui %lt3A_248 : i1 to i32
      %cond3A_250 = arith.constant 0 : i32
      %cond3A_251 = arith.cmpi ne, %convert_element_type3A_249, %cond3A_250 : i32
      scf.if %cond3A_251 {
        %dma_wait3A = arith.constant 0 : i32
        %dma_wait3A_277 = arith.constant 0 : i32
        %dma_wait3A_278 = tpu.memref_slice %arg14[%dma_wait3A, %dma_wait3A_277] : memref<4x32xi32, #tpu.memory_space<vmem>> -> memref<1x32xi32, #tpu.memory_space<vmem>>
        %dma_wait3A_279 = tpu.memref_squeeze %dma_wait3A_278 : memref<1x32xi32, #tpu.memory_space<vmem>> -> memref<32xi32, #tpu.memory_space<vmem>>
        %dma_wait3A_280 = arith.constant 0 : i32
        %dma_wait3A_281 = arith.constant 0 : i32
        %dma_wait3A_282 = tpu.memref_slice %arg3[%dma_wait3A_280, %dma_wait3A_281] : memref<50257x768xf32, #tpu.memory_space<hbm>> -> memref<50257x768xf32, #tpu.memory_space<hbm>>
        tpu.wait_indirect_dma semaphore(%arg20 : memref<!tpu.dma_semaphore, #tpu.memory_space<semaphore_mem>>) src(%dma_wait3A_282 : memref<50257x768xf32, #tpu.memory_space<hbm>>) dst(%arg16 : memref<32x768xf32, #tpu.memory_space<vmem>>)
        %dma_start3A = arith.constant 0 : i32
        %dma_start3A_283 = arith.constant 0 : i32
        %dma_start3A_284 = tpu.memref_slice %arg15[%dma_start3A, %dma_start3A_283] : memref<4x32xi32, #tpu.memory_space<vmem>> -> memref<1x32xi32, #tpu.memory_space<vmem>>
        %dma_start3A_285 = tpu.memref_squeeze %dma_start3A_284 : memref<1x32xi32, #tpu.memory_space<vmem>> -> memref<32xi32, #tpu.memory_space<vmem>>
        %dma_start3A_286 = arith.constant 0 : i32
        %dma_start3A_287 = arith.constant 0 : i32
        %dma_start3A_288 = tpu.memref_slice %arg6[%dma_start3A_286, %dma_start3A_287] : memref<51200x768xf32, #tpu.memory_space<hbm>> -> memref<51200x768xf32, #tpu.memory_space<hbm>>
        tpu.enqueue_indirect_dma source(%arg16 : memref<32x768xf32, #tpu.memory_space<vmem>>) target(%dma_start3A_288 : memref<51200x768xf32, #tpu.memory_space<hbm>>) offsets(%dma_start3A_285 : memref<32xi32, #tpu.memory_space<vmem>>) semaphore(%arg24 : memref<!tpu.dma_semaphore, #tpu.memory_space<semaphore_mem>>)
      } else {
      }
      %mul3A_252 = arith.constant 4 : i32
      %mul3A_253 = arith.muli %while3A_211, %mul3A_252 : i32
      %add3A_254 = arith.constant 1 : i32
      %add3A_255 = arith.addi %mul3A_253, %add3A_254 : i32
      %lt3A_256 = arith.cmpi slt, %add3A_255, %add3A_154 : i32
      %convert_element_type3A_257 = arith.extui %lt3A_256 : i1 to i32
      %cond3A_258 = arith.constant 0 : i32
      %cond3A_259 = arith.cmpi ne, %convert_element_type3A_257, %cond3A_258 : i32
      scf.if %cond3A_259 {
        %dma_wait3A = arith.constant 1 : i32
        %dma_wait3A_277 = arith.constant 0 : i32
        %dma_wait3A_278 = tpu.memref_slice %arg14[%dma_wait3A, %dma_wait3A_277] : memref<4x32xi32, #tpu.memory_space<vmem>> -> memref<1x32xi32, #tpu.memory_space<vmem>>
        %dma_wait3A_279 = tpu.memref_squeeze %dma_wait3A_278 : memref<1x32xi32, #tpu.memory_space<vmem>> -> memref<32xi32, #tpu.memory_space<vmem>>
        %dma_wait3A_280 = arith.constant 0 : i32
        %dma_wait3A_281 = arith.constant 0 : i32
        %dma_wait3A_282 = tpu.memref_slice %arg3[%dma_wait3A_280, %dma_wait3A_281] : memref<50257x768xf32, #tpu.memory_space<hbm>> -> memref<50257x768xf32, #tpu.memory_space<hbm>>
        tpu.wait_indirect_dma semaphore(%arg21 : memref<!tpu.dma_semaphore, #tpu.memory_space<semaphore_mem>>) src(%dma_wait3A_282 : memref<50257x768xf32, #tpu.memory_space<hbm>>) dst(%arg17 : memref<32x768xf32, #tpu.memory_space<vmem>>)
        %dma_start3A = arith.constant 1 : i32
        %dma_start3A_283 = arith.constant 0 : i32
        %dma_start3A_284 = tpu.memref_slice %arg15[%dma_start3A, %dma_start3A_283] : memref<4x32xi32, #tpu.memory_space<vmem>> -> memref<1x32xi32, #tpu.memory_space<vmem>>
        %dma_start3A_285 = tpu.memref_squeeze %dma_start3A_284 : memref<1x32xi32, #tpu.memory_space<vmem>> -> memref<32xi32, #tpu.memory_space<vmem>>
        %dma_start3A_286 = arith.constant 0 : i32
        %dma_start3A_287 = arith.constant 0 : i32
        %dma_start3A_288 = tpu.memref_slice %arg6[%dma_start3A_286, %dma_start3A_287] : memref<51200x768xf32, #tpu.memory_space<hbm>> -> memref<51200x768xf32, #tpu.memory_space<hbm>>
        tpu.enqueue_indirect_dma source(%arg17 : memref<32x768xf32, #tpu.memory_space<vmem>>) target(%dma_start3A_288 : memref<51200x768xf32, #tpu.memory_space<hbm>>) offsets(%dma_start3A_285 : memref<32xi32, #tpu.memory_space<vmem>>) semaphore(%arg25 : memref<!tpu.dma_semaphore, #tpu.memory_space<semaphore_mem>>)
      } else {
      }
      %mul3A_260 = arith.constant 4 : i32
      %mul3A_261 = arith.muli %while3A_211, %mul3A_260 : i32
      %add3A_262 = arith.constant 2 : i32
      %add3A_263 = arith.addi %mul3A_261, %add3A_262 : i32
      %lt3A_264 = arith.cmpi slt, %add3A_263, %add3A_154 : i32
      %convert_element_type3A_265 = arith.extui %lt3A_264 : i1 to i32
      %cond3A_266 = arith.constant 0 : i32
      %cond3A_267 = arith.cmpi ne, %convert_element_type3A_265, %cond3A_266 : i32
      scf.if %cond3A_267 {
        %dma_wait3A = arith.constant 2 : i32
        %dma_wait3A_277 = arith.constant 0 : i32
        %dma_wait3A_278 = tpu.memref_slice %arg14[%dma_wait3A, %dma_wait3A_277] : memref<4x32xi32, #tpu.memory_space<vmem>> -> memref<1x32xi32, #tpu.memory_space<vmem>>
        %dma_wait3A_279 = tpu.memref_squeeze %dma_wait3A_278 : memref<1x32xi32, #tpu.memory_space<vmem>> -> memref<32xi32, #tpu.memory_space<vmem>>
        %dma_wait3A_280 = arith.constant 0 : i32
        %dma_wait3A_281 = arith.constant 0 : i32
        %dma_wait3A_282 = tpu.memref_slice %arg3[%dma_wait3A_280, %dma_wait3A_281] : memref<50257x768xf32, #tpu.memory_space<hbm>> -> memref<50257x768xf32, #tpu.memory_space<hbm>>
        tpu.wait_indirect_dma semaphore(%arg22 : memref<!tpu.dma_semaphore, #tpu.memory_space<semaphore_mem>>) src(%dma_wait3A_282 : memref<50257x768xf32, #tpu.memory_space<hbm>>) dst(%arg18 : memref<32x768xf32, #tpu.memory_space<vmem>>)
        %dma_start3A = arith.constant 2 : i32
        %dma_start3A_283 = arith.constant 0 : i32
        %dma_start3A_284 = tpu.memref_slice %arg15[%dma_start3A, %dma_start3A_283] : memref<4x32xi32, #tpu.memory_space<vmem>> -> memref<1x32xi32, #tpu.memory_space<vmem>>
        %dma_start3A_285 = tpu.memref_squeeze %dma_start3A_284 : memref<1x32xi32, #tpu.memory_space<vmem>> -> memref<32xi32, #tpu.memory_space<vmem>>
        %dma_start3A_286 = arith.constant 0 : i32
        %dma_start3A_287 = arith.constant 0 : i32
        %dma_start3A_288 = tpu.memref_slice %arg6[%dma_start3A_286, %dma_start3A_287] : memref<51200x768xf32, #tpu.memory_space<hbm>> -> memref<51200x768xf32, #tpu.memory_space<hbm>>
        tpu.enqueue_indirect_dma source(%arg18 : memref<32x768xf32, #tpu.memory_space<vmem>>) target(%dma_start3A_288 : memref<51200x768xf32, #tpu.memory_space<hbm>>) offsets(%dma_start3A_285 : memref<32xi32, #tpu.memory_space<vmem>>) semaphore(%arg26 : memref<!tpu.dma_semaphore, #tpu.memory_space<semaphore_mem>>)
      } else {
      }
      %mul3A_268 = arith.constant 4 : i32
      %mul3A_269 = arith.muli %while3A_211, %mul3A_268 : i32
      %add3A_270 = arith.constant 3 : i32
      %add3A_271 = arith.addi %mul3A_269, %add3A_270 : i32
      %lt3A_272 = arith.cmpi slt, %add3A_271, %add3A_154 : i32
      %convert_element_type3A_273 = arith.extui %lt3A_272 : i1 to i32
      %cond3A_274 = arith.constant 0 : i32
      %cond3A_275 = arith.cmpi ne, %convert_element_type3A_273, %cond3A_274 : i32
      scf.if %cond3A_275 {
        %dma_wait3A = arith.constant 3 : i32
        %dma_wait3A_277 = arith.constant 0 : i32
        %dma_wait3A_278 = tpu.memref_slice %arg14[%dma_wait3A, %dma_wait3A_277] : memref<4x32xi32, #tpu.memory_space<vmem>> -> memref<1x32xi32, #tpu.memory_space<vmem>>
        %dma_wait3A_279 = tpu.memref_squeeze %dma_wait3A_278 : memref<1x32xi32, #tpu.memory_space<vmem>> -> memref<32xi32, #tpu.memory_space<vmem>>
        %dma_wait3A_280 = arith.constant 0 : i32
        %dma_wait3A_281 = arith.constant 0 : i32
        %dma_wait3A_282 = tpu.memref_slice %arg3[%dma_wait3A_280, %dma_wait3A_281] : memref<50257x768xf32, #tpu.memory_space<hbm>> -> memref<50257x768xf32, #tpu.memory_space<hbm>>
        tpu.wait_indirect_dma semaphore(%arg23 : memref<!tpu.dma_semaphore, #tpu.memory_space<semaphore_mem>>) src(%dma_wait3A_282 : memref<50257x768xf32, #tpu.memory_space<hbm>>) dst(%arg19 : memref<32x768xf32, #tpu.memory_space<vmem>>)
        %dma_start3A = arith.constant 3 : i32
        %dma_start3A_283 = arith.constant 0 : i32
        %dma_start3A_284 = tpu.memref_slice %arg15[%dma_start3A, %dma_start3A_283] : memref<4x32xi32, #tpu.memory_space<vmem>> -> memref<1x32xi32, #tpu.memory_space<vmem>>
        %dma_start3A_285 = tpu.memref_squeeze %dma_start3A_284 : memref<1x32xi32, #tpu.memory_space<vmem>> -> memref<32xi32, #tpu.memory_space<vmem>>
        %dma_start3A_286 = arith.constant 0 : i32
        %dma_start3A_287 = arith.constant 0 : i32
        %dma_start3A_288 = tpu.memref_slice %arg6[%dma_start3A_286, %dma_start3A_287] : memref<51200x768xf32, #tpu.memory_space<hbm>> -> memref<51200x768xf32, #tpu.memory_space<hbm>>
        tpu.enqueue_indirect_dma source(%arg19 : memref<32x768xf32, #tpu.memory_space<vmem>>) target(%dma_start3A_288 : memref<51200x768xf32, #tpu.memory_space<hbm>>) offsets(%dma_start3A_285 : memref<32xi32, #tpu.memory_space<vmem>>) semaphore(%arg27 : memref<!tpu.dma_semaphore, #tpu.memory_space<semaphore_mem>>)
      } else {
      }
      %while3A_276 = arith.constant 0 : i32
      scf.yield %while3A_276 : i32
    }
    %while3A_192 = arith.constant 1 : i32
    %while3A_193 = scf.for %while3A_211 = %while3A_189 to %while3A_185 step %while3A_192 iter_args(%while3A_212 = %while3A_191) -> (i32)  : i32 {
      %mul3A_213 = arith.constant 4 : i32
      %mul3A_214 = arith.muli %while3A_211, %mul3A_213 : i32
      %add3A_215 = arith.constant 0 : i32
      %add3A_216 = arith.addi %mul3A_214, %add3A_215 : i32
      %lt3A = arith.cmpi slt, %add3A_216, %add3A_154 : i32
      %convert_element_type3A_217 = arith.extui %lt3A : i1 to i32
      %cond3A_218 = arith.constant 0 : i32
      %cond3A_219 = arith.cmpi ne, %convert_element_type3A_217, %cond3A_218 : i32
      scf.if %cond3A_219 {
        %ge3A = arith.constant 4 : i32
        %ge3A_277 = arith.cmpi sge, %add3A_216, %ge3A : i32
        %convert_element_type3A_278 = arith.extui %ge3A_277 : i1 to i32
        %cond3A_279 = arith.constant 0 : i32
        %cond3A_280 = arith.cmpi ne, %convert_element_type3A_278, %cond3A_279 : i32
        scf.if %cond3A_280 {
          %dma_wait3A = arith.constant 0 : i32
          %dma_wait3A_300 = arith.constant 0 : i32
          %dma_wait3A_301 = tpu.memref_slice %arg15[%dma_wait3A, %dma_wait3A_300] : memref<4x32xi32, #tpu.memory_space<vmem>> -> memref<1x32xi32, #tpu.memory_space<vmem>>
          %dma_wait3A_302 = tpu.memref_squeeze %dma_wait3A_301 : memref<1x32xi32, #tpu.memory_space<vmem>> -> memref<32xi32, #tpu.memory_space<vmem>>
          %dma_wait3A_303 = arith.constant 0 : i32
          %dma_wait3A_304 = arith.constant 0 : i32
          %dma_wait3A_305 = tpu.memref_slice %arg6[%dma_wait3A_303, %dma_wait3A_304] : memref<51200x768xf32, #tpu.memory_space<hbm>> -> memref<51200x768xf32, #tpu.memory_space<hbm>>
          tpu.wait_indirect_dma semaphore(%arg24 : memref<!tpu.dma_semaphore, #tpu.memory_space<semaphore_mem>>) src(%arg16 : memref<32x768xf32, #tpu.memory_space<vmem>>) dst(%dma_wait3A_305 : memref<51200x768xf32, #tpu.memory_space<hbm>>)
        } else {
        }
        %ge3A_281 = arith.constant 0 : i32
        %ge3A_282 = arith.cmpi sge, %add3A_216, %ge3A_281 : i32
        %lt3A_283 = arith.cmpi slt, %add3A_216, %select_n3A : i32
        %and3A_284 = arith.andi %ge3A_282, %lt3A_283 : i1
        %convert_element_type3A_285 = arith.extui %and3A_284 : i1 to i32
        %cond3A_286 = arith.constant 0 : i32
        %cond3A_287 = arith.cmpi ne, %convert_element_type3A_285, %cond3A_286 : i32
        scf.if %cond3A_287 {
          %sub3A_300 = arith.constant 0 : i32
          %sub3A_301 = arith.subi %add3A_216, %sub3A_300 : i32
          %mul3A_302 = arith.constant 32 : i32
          %mul3A_303 = arith.muli %sub3A_301, %mul3A_302 : i32
          %add3A_304 = arith.constant 0 : i32
          %add3A_305 = arith.addi %mul3A_303, %add3A_304 : i32
          %get3A = arith.index_cast %add3A_305 : i32 to index
          %get3A_306 = tpu.vector_load %arg8[%get3A] {strides = array<i32>} : memref<1632xi32, #tpu.memory_space<vmem>>, vector<16xi32>,
          %get3A_307 = vector.shape_cast %get3A_306 : vector<16xi32> to vector<16xi32>
          %swap3A_308 = arith.constant 0 : i32
          %swap3A_309 = arith.constant 0 : i32
          %swap3A_310 = tpu.memref_slice %arg14[%swap3A_308, %swap3A_309] : memref<4x32xi32, #tpu.memory_space<vmem>> -> memref<1x32xi32, #tpu.memory_space<vmem>>
          %swap3A_311 = tpu.memref_squeeze %swap3A_310 : memref<1x32xi32, #tpu.memory_space<vmem>> -> memref<32xi32, #tpu.memory_space<vmem>>
          %swap3A_312 = arith.constant 0 : index
          %swap3A_313 = tpu.vector_load %swap3A_311[%swap3A_312] {strides = array<i32>} : memref<32xi32, #tpu.memory_space<vmem>>, vector<16xi32>,
          %swap3A_314 = vector.shape_cast %swap3A_313 : vector<16xi32> to vector<16xi32>
          %swap3A_315 = vector.shape_cast %get3A_307 : vector<16xi32> to vector<16xi32>
          tpu.vector_store %swap3A_311[%swap3A_312], %swap3A_315 {strides = array<i32>} : memref<32xi32, #tpu.memory_space<vmem>>, vector<16xi32>,
          %mul3A_316 = arith.constant 32 : i32
          %mul3A_317 = arith.muli %sub3A_301, %mul3A_316 : i32
          %add3A_318 = arith.constant 0 : i32
          %add3A_319 = arith.addi %mul3A_317, %add3A_318 : i32
          %get3A_320 = arith.index_cast %add3A_319 : i32 to index
          %get3A_321 = tpu.vector_load %arg11[%get3A_320] {strides = array<i32>} : memref<1632xi32, #tpu.memory_space<vmem>>, vector<16xi32>,
          %get3A_322 = vector.shape_cast %get3A_321 : vector<16xi32> to vector<16xi32>
          %swap3A_323 = arith.constant 0 : i32
          %swap3A_324 = arith.constant 0 : i32
          %swap3A_325 = tpu.memref_slice %arg15[%swap3A_323, %swap3A_324] : memref<4x32xi32, #tpu.memory_space<vmem>> -> memref<1x32xi32, #tpu.memory_space<vmem>>
          %swap3A_326 = tpu.memref_squeeze %swap3A_325 : memref<1x32xi32, #tpu.memory_space<vmem>> -> memref<32xi32, #tpu.memory_space<vmem>>
          %swap3A_327 = arith.constant 0 : index
          %swap3A_328 = tpu.vector_load %swap3A_326[%swap3A_327] {strides = array<i32>} : memref<32xi32, #tpu.memory_space<vmem>>, vector<16xi32>,
          %swap3A_329 = vector.shape_cast %swap3A_328 : vector<16xi32> to vector<16xi32>
          %swap3A_330 = vector.shape_cast %get3A_322 : vector<16xi32> to vector<16xi32>
          tpu.vector_store %swap3A_326[%swap3A_327], %swap3A_330 {strides = array<i32>} : memref<32xi32, #tpu.memory_space<vmem>>, vector<16xi32>,
          %mul3A_331 = arith.constant 32 : i32
          %mul3A_332 = arith.muli %sub3A_301, %mul3A_331 : i32
          %add3A_333 = arith.constant 16 : i32
          %add3A_334 = arith.addi %mul3A_332, %add3A_333 : i32
          %get3A_335 = arith.index_cast %add3A_334 : i32 to index
          %get3A_336 = tpu.vector_load %arg8[%get3A_335] {strides = array<i32>} : memref<1632xi32, #tpu.memory_space<vmem>>, vector<16xi32>,
          %get3A_337 = vector.shape_cast %get3A_336 : vector<16xi32> to vector<16xi32>
          %swap3A_338 = arith.constant 0 : i32
          %swap3A_339 = arith.constant 0 : i32
          %swap3A_340 = tpu.memref_slice %arg14[%swap3A_338, %swap3A_339] : memref<4x32xi32, #tpu.memory_space<vmem>> -> memref<1x32xi32, #tpu.memory_space<vmem>>
          %swap3A_341 = tpu.memref_squeeze %swap3A_340 : memref<1x32xi32, #tpu.memory_space<vmem>> -> memref<32xi32, #tpu.memory_space<vmem>>
          %swap3A_342 = arith.constant 16 : index
          %swap3A_343 = tpu.vector_load %swap3A_341[%swap3A_342] {strides = array<i32>} : memref<32xi32, #tpu.memory_space<vmem>>, vector<16xi32>,
          %swap3A_344 = vector.shape_cast %swap3A_343 : vector<16xi32> to vector<16xi32>
          %swap3A_345 = vector.shape_cast %get3A_337 : vector<16xi32> to vector<16xi32>
          tpu.vector_store %swap3A_341[%swap3A_342], %swap3A_345 {strides = array<i32>} : memref<32xi32, #tpu.memory_space<vmem>>, vector<16xi32>,
          %mul3A_346 = arith.constant 32 : i32
          %mul3A_347 = arith.muli %sub3A_301, %mul3A_346 : i32
          %add3A_348 = arith.constant 16 : i32
          %add3A_349 = arith.addi %mul3A_347, %add3A_348 : i32
          %get3A_350 = arith.index_cast %add3A_349 : i32 to index
          %get3A_351 = tpu.vector_load %arg11[%get3A_350] {strides = array<i32>} : memref<1632xi32, #tpu.memory_space<vmem>>, vector<16xi32>,
          %get3A_352 = vector.shape_cast %get3A_351 : vector<16xi32> to vector<16xi32>
          %swap3A_353 = arith.constant 0 : i32
          %swap3A_354 = arith.constant 0 : i32
          %swap3A_355 = tpu.memref_slice %arg15[%swap3A_353, %swap3A_354] : memref<4x32xi32, #tpu.memory_space<vmem>> -> memref<1x32xi32, #tpu.memory_space<vmem>>
          %swap3A_356 = tpu.memref_squeeze %swap3A_355 : memref<1x32xi32, #tpu.memory_space<vmem>> -> memref<32xi32, #tpu.memory_space<vmem>>
          %swap3A_357 = arith.constant 16 : index
          %swap3A_358 = tpu.vector_load %swap3A_356[%swap3A_357] {strides = array<i32>} : memref<32xi32, #tpu.memory_space<vmem>>, vector<16xi32>,
          %swap3A_359 = vector.shape_cast %swap3A_358 : vector<16xi32> to vector<16xi32>
          %swap3A_360 = vector.shape_cast %get3A_352 : vector<16xi32> to vector<16xi32>
          tpu.vector_store %swap3A_356[%swap3A_357], %swap3A_360 {strides = array<i32>} : memref<32xi32, #tpu.memory_space<vmem>>, vector<16xi32>,
          %dma_start3A = arith.constant 0 : i32
          %dma_start3A_361 = arith.constant 0 : i32
          %dma_start3A_362 = tpu.memref_slice %arg14[%dma_start3A, %dma_start3A_361] : memref<4x32xi32, #tpu.memory_space<vmem>> -> memref<1x32xi32, #tpu.memory_space<vmem>>
          %dma_start3A_363 = tpu.memref_squeeze %dma_start3A_362 : memref<1x32xi32, #tpu.memory_space<vmem>> -> memref<32xi32, #tpu.memory_space<vmem>>
          %dma_start3A_364 = arith.constant 0 : i32
          %dma_start3A_365 = arith.constant 0 : i32
          %dma_start3A_366 = tpu.memref_slice %arg3[%dma_start3A_364, %dma_start3A_365] : memref<50257x768xf32, #tpu.memory_space<hbm>> -> memref<50257x768xf32, #tpu.memory_space<hbm>>
          tpu.enqueue_indirect_dma source(%dma_start3A_366 : memref<50257x768xf32, #tpu.memory_space<hbm>>) target(%arg16 : memref<32x768xf32, #tpu.memory_space<vmem>>) offsets(%dma_start3A_363 : memref<32xi32, #tpu.memory_space<vmem>>) semaphore(%arg20 : memref<!tpu.dma_semaphore, #tpu.memory_space<semaphore_mem>>)
        } else {
        }
        %ge3A_288 = arith.cmpi sge, %add3A_216, %select_n3A : i32
        %lt3A_289 = arith.cmpi slt, %add3A_216, %add3A_153 : i32
        %and3A_290 = arith.andi %ge3A_288, %lt3A_289 : i1
        %convert_element_type3A_291 = arith.extui %and3A_290 : i1 to i32
        %cond3A_292 = arith.constant 0 : i32
        %cond3A_293 = arith.cmpi ne, %convert_element_type3A_291, %cond3A_292 : i32
        scf.if %cond3A_293 {
          %sub3A_300 = arith.subi %add3A_216, %select_n3A : i32
          %mul3A_301 = arith.constant 32 : i32
          %mul3A_302 = arith.muli %sub3A_300, %mul3A_301 : i32
          %add3A_303 = arith.constant 0 : i32
          %add3A_304 = arith.addi %mul3A_302, %add3A_303 : i32
          %get3A = arith.index_cast %add3A_304 : i32 to index
          %get3A_305 = tpu.vector_load %arg9[%get3A] {strides = array<i32>} : memref<1632xi32, #tpu.memory_space<vmem>>, vector<16xi32>,
          %get3A_306 = vector.shape_cast %get3A_305 : vector<16xi32> to vector<16xi32>
          %swap3A_307 = arith.constant 0 : i32
          %swap3A_308 = arith.constant 0 : i32
          %swap3A_309 = tpu.memref_slice %arg14[%swap3A_307, %swap3A_308] : memref<4x32xi32, #tpu.memory_space<vmem>> -> memref<1x32xi32, #tpu.memory_space<vmem>>
          %swap3A_310 = tpu.memref_squeeze %swap3A_309 : memref<1x32xi32, #tpu.memory_space<vmem>> -> memref<32xi32, #tpu.memory_space<vmem>>
          %swap3A_311 = arith.constant 0 : index
          %swap3A_312 = tpu.vector_load %swap3A_310[%swap3A_311] {strides = array<i32>} : memref<32xi32, #tpu.memory_space<vmem>>, vector<16xi32>,
          %swap3A_313 = vector.shape_cast %swap3A_312 : vector<16xi32> to vector<16xi32>
          %swap3A_314 = vector.shape_cast %get3A_306 : vector<16xi32> to vector<16xi32>
          tpu.vector_store %swap3A_310[%swap3A_311], %swap3A_314 {strides = array<i32>} : memref<32xi32, #tpu.memory_space<vmem>>, vector<16xi32>,
          %mul3A_315 = arith.constant 32 : i32
          %mul3A_316 = arith.muli %sub3A_300, %mul3A_315 : i32
          %add3A_317 = arith.constant 0 : i32
          %add3A_318 = arith.addi %mul3A_316, %add3A_317 : i32
          %get3A_319 = arith.index_cast %add3A_318 : i32 to index
          %get3A_320 = tpu.vector_load %arg12[%get3A_319] {strides = array<i32>} : memref<1632xi32, #tpu.memory_space<vmem>>, vector<16xi32>,
          %get3A_321 = vector.shape_cast %get3A_320 : vector<16xi32> to vector<16xi32>
          %swap3A_322 = arith.constant 0 : i32
          %swap3A_323 = arith.constant 0 : i32
          %swap3A_324 = tpu.memref_slice %arg15[%swap3A_322, %swap3A_323] : memref<4x32xi32, #tpu.memory_space<vmem>> -> memref<1x32xi32, #tpu.memory_space<vmem>>
          %swap3A_325 = tpu.memref_squeeze %swap3A_324 : memref<1x32xi32, #tpu.memory_space<vmem>> -> memref<32xi32, #tpu.memory_space<vmem>>
          %swap3A_326 = arith.constant 0 : index
          %swap3A_327 = tpu.vector_load %swap3A_325[%swap3A_326] {strides = array<i32>} : memref<32xi32, #tpu.memory_space<vmem>>, vector<16xi32>,
          %swap3A_328 = vector.shape_cast %swap3A_327 : vector<16xi32> to vector<16xi32>
          %swap3A_329 = vector.shape_cast %get3A_321 : vector<16xi32> to vector<16xi32>
          tpu.vector_store %swap3A_325[%swap3A_326], %swap3A_329 {strides = array<i32>} : memref<32xi32, #tpu.memory_space<vmem>>, vector<16xi32>,
          %mul3A_330 = arith.constant 32 : i32
          %mul3A_331 = arith.muli %sub3A_300, %mul3A_330 : i32
          %add3A_332 = arith.constant 16 : i32
          %add3A_333 = arith.addi %mul3A_331, %add3A_332 : i32
          %get3A_334 = arith.index_cast %add3A_333 : i32 to index
          %get3A_335 = tpu.vector_load %arg9[%get3A_334] {strides = array<i32>} : memref<1632xi32, #tpu.memory_space<vmem>>, vector<16xi32>,
          %get3A_336 = vector.shape_cast %get3A_335 : vector<16xi32> to vector<16xi32>
          %swap3A_337 = arith.constant 0 : i32
          %swap3A_338 = arith.constant 0 : i32
          %swap3A_339 = tpu.memref_slice %arg14[%swap3A_337, %swap3A_338] : memref<4x32xi32, #tpu.memory_space<vmem>> -> memref<1x32xi32, #tpu.memory_space<vmem>>
          %swap3A_340 = tpu.memref_squeeze %swap3A_339 : memref<1x32xi32, #tpu.memory_space<vmem>> -> memref<32xi32, #tpu.memory_space<vmem>>
          %swap3A_341 = arith.constant 16 : index
          %swap3A_342 = tpu.vector_load %swap3A_340[%swap3A_341] {strides = array<i32>} : memref<32xi32, #tpu.memory_space<vmem>>, vector<16xi32>,
          %swap3A_343 = vector.shape_cast %swap3A_342 : vector<16xi32> to vector<16xi32>
          %swap3A_344 = vector.shape_cast %get3A_336 : vector<16xi32> to vector<16xi32>
          tpu.vector_store %swap3A_340[%swap3A_341], %swap3A_344 {strides = array<i32>} : memref<32xi32, #tpu.memory_space<vmem>>, vector<16xi32>,
          %mul3A_345 = arith.constant 32 : i32
          %mul3A_346 = arith.muli %sub3A_300, %mul3A_345 : i32
          %add3A_347 = arith.constant 16 : i32
          %add3A_348 = arith.addi %mul3A_346, %add3A_347 : i32
          %get3A_349 = arith.index_cast %add3A_348 : i32 to index
          %get3A_350 = tpu.vector_load %arg12[%get3A_349] {strides = array<i32>} : memref<1632xi32, #tpu.memory_space<vmem>>, vector<16xi32>,
          %get3A_351 = vector.shape_cast %get3A_350 : vector<16xi32> to vector<16xi32>
          %swap3A_352 = arith.constant 0 : i32
          %swap3A_353 = arith.constant 0 : i32
          %swap3A_354 = tpu.memref_slice %arg15[%swap3A_352, %swap3A_353] : memref<4x32xi32, #tpu.memory_space<vmem>> -> memref<1x32xi32, #tpu.memory_space<vmem>>
          %swap3A_355 = tpu.memref_squeeze %swap3A_354 : memref<1x32xi32, #tpu.memory_space<vmem>> -> memref<32xi32, #tpu.memory_space<vmem>>
          %swap3A_356 = arith.constant 16 : index
          %swap3A_357 = tpu.vector_load %swap3A_355[%swap3A_356] {strides = array<i32>} : memref<32xi32, #tpu.memory_space<vmem>>, vector<16xi32>,
          %swap3A_358 = vector.shape_cast %swap3A_357 : vector<16xi32> to vector<16xi32>
          %swap3A_359 = vector.shape_cast %get3A_351 : vector<16xi32> to vector<16xi32>
          tpu.vector_store %swap3A_355[%swap3A_356], %swap3A_359 {strides = array<i32>} : memref<32xi32, #tpu.memory_space<vmem>>, vector<16xi32>,
          %dma_start3A = arith.constant 0 : i32
          %dma_start3A_360 = arith.constant 0 : i32
          %dma_start3A_361 = tpu.memref_slice %arg14[%dma_start3A, %dma_start3A_360] : memref<4x32xi32, #tpu.memory_space<vmem>> -> memref<1x32xi32, #tpu.memory_space<vmem>>
          %dma_start3A_362 = tpu.memref_squeeze %dma_start3A_361 : memref<1x32xi32, #tpu.memory_space<vmem>> -> memref<32xi32, #tpu.memory_space<vmem>>
          %dma_start3A_363 = arith.constant 0 : i32
          %dma_start3A_364 = arith.constant 0 : i32
          %dma_start3A_365 = tpu.memref_slice %arg4[%dma_start3A_363, %dma_start3A_364] : memref<100000x768xf32, #tpu.memory_space<hbm>> -> memref<100000x768xf32, #tpu.memory_space<hbm>>
          tpu.enqueue_indirect_dma source(%dma_start3A_365 : memref<100000x768xf32, #tpu.memory_space<hbm>>) target(%arg16 : memref<32x768xf32, #tpu.memory_space<vmem>>) offsets(%dma_start3A_362 : memref<32xi32, #tpu.memory_space<vmem>>) semaphore(%arg20 : memref<!tpu.dma_semaphore, #tpu.memory_space<semaphore_mem>>)
        } else {
        }
        %ge3A_294 = arith.cmpi sge, %add3A_216, %add3A_153 : i32
        %lt3A_295 = arith.cmpi slt, %add3A_216, %add3A_154 : i32
        %and3A_296 = arith.andi %ge3A_294, %lt3A_295 : i1
        %convert_element_type3A_297 = arith.extui %and3A_296 : i1 to i32
        %cond3A_298 = arith.constant 0 : i32
        %cond3A_299 = arith.cmpi ne, %convert_element_type3A_297, %cond3A_298 : i32
        scf.if %cond3A_299 {
          %sub3A_300 = arith.subi %add3A_216, %add3A_153 : i32
          %mul3A_301 = arith.constant 32 : i32
          %mul3A_302 = arith.muli %sub3A_300, %mul3A_301 : i32
          %add3A_303 = arith.constant 0 : i32
          %add3A_304 = arith.addi %mul3A_302, %add3A_303 : i32
          %get3A = arith.index_cast %add3A_304 : i32 to index
          %get3A_305 = tpu.vector_load %arg10[%get3A] {strides = array<i32>} : memref<1632xi32, #tpu.memory_space<vmem>>, vector<16xi32>,
          %get3A_306 = vector.shape_cast %get3A_305 : vector<16xi32> to vector<16xi32>
          %swap3A_307 = arith.constant 0 : i32
          %swap3A_308 = arith.constant 0 : i32
          %swap3A_309 = tpu.memref_slice %arg14[%swap3A_307, %swap3A_308] : memref<4x32xi32, #tpu.memory_space<vmem>> -> memref<1x32xi32, #tpu.memory_space<vmem>>
          %swap3A_310 = tpu.memref_squeeze %swap3A_309 : memref<1x32xi32, #tpu.memory_space<vmem>> -> memref<32xi32, #tpu.memory_space<vmem>>
          %swap3A_311 = arith.constant 0 : index
          %swap3A_312 = tpu.vector_load %swap3A_310[%swap3A_311] {strides = array<i32>} : memref<32xi32, #tpu.memory_space<vmem>>, vector<16xi32>,
          %swap3A_313 = vector.shape_cast %swap3A_312 : vector<16xi32> to vector<16xi32>
          %swap3A_314 = vector.shape_cast %get3A_306 : vector<16xi32> to vector<16xi32>
          tpu.vector_store %swap3A_310[%swap3A_311], %swap3A_314 {strides = array<i32>} : memref<32xi32, #tpu.memory_space<vmem>>, vector<16xi32>,
          %mul3A_315 = arith.constant 32 : i32
          %mul3A_316 = arith.muli %sub3A_300, %mul3A_315 : i32
          %add3A_317 = arith.constant 0 : i32
          %add3A_318 = arith.addi %mul3A_316, %add3A_317 : i32
          %get3A_319 = arith.index_cast %add3A_318 : i32 to index
          %get3A_320 = tpu.vector_load %arg13[%get3A_319] {strides = array<i32>} : memref<1632xi32, #tpu.memory_space<vmem>>, vector<16xi32>,
          %get3A_321 = vector.shape_cast %get3A_320 : vector<16xi32> to vector<16xi32>
          %swap3A_322 = arith.constant 0 : i32
          %swap3A_323 = arith.constant 0 : i32
          %swap3A_324 = tpu.memref_slice %arg15[%swap3A_322, %swap3A_323] : memref<4x32xi32, #tpu.memory_space<vmem>> -> memref<1x32xi32, #tpu.memory_space<vmem>>
          %swap3A_325 = tpu.memref_squeeze %swap3A_324 : memref<1x32xi32, #tpu.memory_space<vmem>> -> memref<32xi32, #tpu.memory_space<vmem>>
          %swap3A_326 = arith.constant 0 : index
          %swap3A_327 = tpu.vector_load %swap3A_325[%swap3A_326] {strides = array<i32>} : memref<32xi32, #tpu.memory_space<vmem>>, vector<16xi32>,
          %swap3A_328 = vector.shape_cast %swap3A_327 : vector<16xi32> to vector<16xi32>
          %swap3A_329 = vector.shape_cast %get3A_321 : vector<16xi32> to vector<16xi32>
          tpu.vector_store %swap3A_325[%swap3A_326], %swap3A_329 {strides = array<i32>} : memref<32xi32, #tpu.memory_space<vmem>>, vector<16xi32>,
          %mul3A_330 = arith.constant 32 : i32
          %mul3A_331 = arith.muli %sub3A_300, %mul3A_330 : i32
          %add3A_332 = arith.constant 16 : i32
          %add3A_333 = arith.addi %mul3A_331, %add3A_332 : i32
          %get3A_334 = arith.index_cast %add3A_333 : i32 to index
          %get3A_335 = tpu.vector_load %arg10[%get3A_334] {strides = array<i32>} : memref<1632xi32, #tpu.memory_space<vmem>>, vector<16xi32>,
          %get3A_336 = vector.shape_cast %get3A_335 : vector<16xi32> to vector<16xi32>
          %swap3A_337 = arith.constant 0 : i32
          %swap3A_338 = arith.constant 0 : i32
          %swap3A_339 = tpu.memref_slice %arg14[%swap3A_337, %swap3A_338] : memref<4x32xi32, #tpu.memory_space<vmem>> -> memref<1x32xi32, #tpu.memory_space<vmem>>
          %swap3A_340 = tpu.memref_squeeze %swap3A_339 : memref<1x32xi32, #tpu.memory_space<vmem>> -> memref<32xi32, #tpu.memory_space<vmem>>
          %swap3A_341 = arith.constant 16 : index
          %swap3A_342 = tpu.vector_load %swap3A_340[%swap3A_341] {strides = array<i32>} : memref<32xi32, #tpu.memory_space<vmem>>, vector<16xi32>,
          %swap3A_343 = vector.shape_cast %swap3A_342 : vector<16xi32> to vector<16xi32>
          %swap3A_344 = vector.shape_cast %get3A_336 : vector<16xi32> to vector<16xi32>
          tpu.vector_store %swap3A_340[%swap3A_341], %swap3A_344 {strides = array<i32>} : memref<32xi32, #tpu.memory_space<vmem>>, vector<16xi32>,
          %mul3A_345 = arith.constant 32 : i32
          %mul3A_346 = arith.muli %sub3A_300, %mul3A_345 : i32
          %add3A_347 = arith.constant 16 : i32
          %add3A_348 = arith.addi %mul3A_346, %add3A_347 : i32
          %get3A_349 = arith.index_cast %add3A_348 : i32 to index
          %get3A_350 = tpu.vector_load %arg13[%get3A_349] {strides = array<i32>} : memref<1632xi32, #tpu.memory_space<vmem>>, vector<16xi32>,
          %get3A_351 = vector.shape_cast %get3A_350 : vector<16xi32> to vector<16xi32>
          %swap3A_352 = arith.constant 0 : i32
          %swap3A_353 = arith.constant 0 : i32
          %swap3A_354 = tpu.memref_slice %arg15[%swap3A_352, %swap3A_353] : memref<4x32xi32, #tpu.memory_space<vmem>> -> memref<1x32xi32, #tpu.memory_space<vmem>>
          %swap3A_355 = tpu.memref_squeeze %swap3A_354 : memref<1x32xi32, #tpu.memory_space<vmem>> -> memref<32xi32, #tpu.memory_space<vmem>>
          %swap3A_356 = arith.constant 16 : index
          %swap3A_357 = tpu.vector_load %swap3A_355[%swap3A_356] {strides = array<i32>} : memref<32xi32, #tpu.memory_space<vmem>>, vector<16xi32>,
          %swap3A_358 = vector.shape_cast %swap3A_357 : vector<16xi32> to vector<16xi32>
          %swap3A_359 = vector.shape_cast %get3A_351 : vector<16xi32> to vector<16xi32>
          tpu.vector_store %swap3A_355[%swap3A_356], %swap3A_359 {strides = array<i32>} : memref<32xi32, #tpu.memory_space<vmem>>, vector<16xi32>,
          %dma_start3A = arith.constant 0 : i32
          %dma_start3A_360 = arith.constant 0 : i32
          %dma_start3A_361 = tpu.memref_slice %arg14[%dma_start3A, %dma_start3A_360] : memref<4x32xi32, #tpu.memory_space<vmem>> -> memref<1x32xi32, #tpu.memory_space<vmem>>
          %dma_start3A_362 = tpu.memref_squeeze %dma_start3A_361 : memref<1x32xi32, #tpu.memory_space<vmem>> -> memref<32xi32, #tpu.memory_space<vmem>>
          %dma_start3A_363 = arith.constant 0 : i32
          %dma_start3A_364 = arith.constant 0 : i32
          %dma_start3A_365 = tpu.memref_slice %arg5[%dma_start3A_363, %dma_start3A_364] : memref<100000x768xf32, #tpu.memory_space<hbm>> -> memref<100000x768xf32, #tpu.memory_space<hbm>>
          tpu.enqueue_indirect_dma source(%dma_start3A_365 : memref<100000x768xf32, #tpu.memory_space<hbm>>) target(%arg16 : memref<32x768xf32, #tpu.memory_space<vmem>>) offsets(%dma_start3A_362 : memref<32xi32, #tpu.memory_space<vmem>>) semaphore(%arg20 : memref<!tpu.dma_semaphore, #tpu.memory_space<semaphore_mem>>)
        } else {
        }
      } else {
      }
      %mul3A_220 = arith.constant 4 : i32
      %mul3A_221 = arith.muli %while3A_211, %mul3A_220 : i32
      %add3A_222 = arith.constant 1 : i32
      %add3A_223 = arith.addi %mul3A_221, %add3A_222 : i32
      %lt3A_224 = arith.cmpi slt, %add3A_223, %add3A_154 : i32
      %convert_element_type3A_225 = arith.extui %lt3A_224 : i1 to i32
      %cond3A_226 = arith.constant 0 : i32
      %cond3A_227 = arith.cmpi ne, %convert_element_type3A_225, %cond3A_226 : i32
      scf.if %cond3A_227 {
        %ge3A = arith.constant 4 : i32
        %ge3A_277 = arith.cmpi sge, %add3A_223, %ge3A : i32
        %convert_element_type3A_278 = arith.extui %ge3A_277 : i1 to i32
        %cond3A_279 = arith.constant 0 : i32
        %cond3A_280 = arith.cmpi ne, %convert_element_type3A_278, %cond3A_279 : i32
        scf.if %cond3A_280 {
          %dma_wait3A = arith.constant 1 : i32
          %dma_wait3A_300 = arith.constant 0 : i32
          %dma_wait3A_301 = tpu.memref_slice %arg15[%dma_wait3A, %dma_wait3A_300] : memref<4x32xi32, #tpu.memory_space<vmem>> -> memref<1x32xi32, #tpu.memory_space<vmem>>
          %dma_wait3A_302 = tpu.memref_squeeze %dma_wait3A_301 : memref<1x32xi32, #tpu.memory_space<vmem>> -> memref<32xi32, #tpu.memory_space<vmem>>
          %dma_wait3A_303 = arith.constant 0 : i32
          %dma_wait3A_304 = arith.constant 0 : i32
          %dma_wait3A_305 = tpu.memref_slice %arg6[%dma_wait3A_303, %dma_wait3A_304] : memref<51200x768xf32, #tpu.memory_space<hbm>> -> memref<51200x768xf32, #tpu.memory_space<hbm>>
          tpu.wait_indirect_dma semaphore(%arg25 : memref<!tpu.dma_semaphore, #tpu.memory_space<semaphore_mem>>) src(%arg17 : memref<32x768xf32, #tpu.memory_space<vmem>>) dst(%dma_wait3A_305 : memref<51200x768xf32, #tpu.memory_space<hbm>>)
        } else {
        }
        %ge3A_281 = arith.constant 0 : i32
        %ge3A_282 = arith.cmpi sge, %add3A_223, %ge3A_281 : i32
        %lt3A_283 = arith.cmpi slt, %add3A_223, %select_n3A : i32
        %and3A_284 = arith.andi %ge3A_282, %lt3A_283 : i1
        %convert_element_type3A_285 = arith.extui %and3A_284 : i1 to i32
        %cond3A_286 = arith.constant 0 : i32
        %cond3A_287 = arith.cmpi ne, %convert_element_type3A_285, %cond3A_286 : i32
        scf.if %cond3A_287 {
          %sub3A_300 = arith.constant 0 : i32
          %sub3A_301 = arith.subi %add3A_223, %sub3A_300 : i32
          %mul3A_302 = arith.constant 32 : i32
          %mul3A_303 = arith.muli %sub3A_301, %mul3A_302 : i32
          %add3A_304 = arith.constant 0 : i32
          %add3A_305 = arith.addi %mul3A_303, %add3A_304 : i32
          %get3A = arith.index_cast %add3A_305 : i32 to index
          %get3A_306 = tpu.vector_load %arg8[%get3A] {strides = array<i32>} : memref<1632xi32, #tpu.memory_space<vmem>>, vector<16xi32>,
          %get3A_307 = vector.shape_cast %get3A_306 : vector<16xi32> to vector<16xi32>
          %swap3A_308 = arith.constant 1 : i32
          %swap3A_309 = arith.constant 0 : i32
          %swap3A_310 = tpu.memref_slice %arg14[%swap3A_308, %swap3A_309] : memref<4x32xi32, #tpu.memory_space<vmem>> -> memref<1x32xi32, #tpu.memory_space<vmem>>
          %swap3A_311 = tpu.memref_squeeze %swap3A_310 : memref<1x32xi32, #tpu.memory_space<vmem>> -> memref<32xi32, #tpu.memory_space<vmem>>
          %swap3A_312 = arith.constant 0 : index
          %swap3A_313 = tpu.vector_load %swap3A_311[%swap3A_312] {strides = array<i32>} : memref<32xi32, #tpu.memory_space<vmem>>, vector<16xi32>,
          %swap3A_314 = vector.shape_cast %swap3A_313 : vector<16xi32> to vector<16xi32>
          %swap3A_315 = vector.shape_cast %get3A_307 : vector<16xi32> to vector<16xi32>
          tpu.vector_store %swap3A_311[%swap3A_312], %swap3A_315 {strides = array<i32>} : memref<32xi32, #tpu.memory_space<vmem>>, vector<16xi32>,
          %mul3A_316 = arith.constant 32 : i32
          %mul3A_317 = arith.muli %sub3A_301, %mul3A_316 : i32
          %add3A_318 = arith.constant 0 : i32
          %add3A_319 = arith.addi %mul3A_317, %add3A_318 : i32
          %get3A_320 = arith.index_cast %add3A_319 : i32 to index
          %get3A_321 = tpu.vector_load %arg11[%get3A_320] {strides = array<i32>} : memref<1632xi32, #tpu.memory_space<vmem>>, vector<16xi32>,
          %get3A_322 = vector.shape_cast %get3A_321 : vector<16xi32> to vector<16xi32>
          %swap3A_323 = arith.constant 1 : i32
          %swap3A_324 = arith.constant 0 : i32
          %swap3A_325 = tpu.memref_slice %arg15[%swap3A_323, %swap3A_324] : memref<4x32xi32, #tpu.memory_space<vmem>> -> memref<1x32xi32, #tpu.memory_space<vmem>>
          %swap3A_326 = tpu.memref_squeeze %swap3A_325 : memref<1x32xi32, #tpu.memory_space<vmem>> -> memref<32xi32, #tpu.memory_space<vmem>>
          %swap3A_327 = arith.constant 0 : index
          %swap3A_328 = tpu.vector_load %swap3A_326[%swap3A_327] {strides = array<i32>} : memref<32xi32, #tpu.memory_space<vmem>>, vector<16xi32>,
          %swap3A_329 = vector.shape_cast %swap3A_328 : vector<16xi32> to vector<16xi32>
          %swap3A_330 = vector.shape_cast %get3A_322 : vector<16xi32> to vector<16xi32>
          tpu.vector_store %swap3A_326[%swap3A_327], %swap3A_330 {strides = array<i32>} : memref<32xi32, #tpu.memory_space<vmem>>, vector<16xi32>,
          %mul3A_331 = arith.constant 32 : i32
          %mul3A_332 = arith.muli %sub3A_301, %mul3A_331 : i32
          %add3A_333 = arith.constant 16 : i32
          %add3A_334 = arith.addi %mul3A_332, %add3A_333 : i32
          %get3A_335 = arith.index_cast %add3A_334 : i32 to index
          %get3A_336 = tpu.vector_load %arg8[%get3A_335] {strides = array<i32>} : memref<1632xi32, #tpu.memory_space<vmem>>, vector<16xi32>,
          %get3A_337 = vector.shape_cast %get3A_336 : vector<16xi32> to vector<16xi32>
          %swap3A_338 = arith.constant 1 : i32
          %swap3A_339 = arith.constant 0 : i32
          %swap3A_340 = tpu.memref_slice %arg14[%swap3A_338, %swap3A_339] : memref<4x32xi32, #tpu.memory_space<vmem>> -> memref<1x32xi32, #tpu.memory_space<vmem>>
          %swap3A_341 = tpu.memref_squeeze %swap3A_340 : memref<1x32xi32, #tpu.memory_space<vmem>> -> memref<32xi32, #tpu.memory_space<vmem>>
          %swap3A_342 = arith.constant 16 : index
          %swap3A_343 = tpu.vector_load %swap3A_341[%swap3A_342] {strides = array<i32>} : memref<32xi32, #tpu.memory_space<vmem>>, vector<16xi32>,
          %swap3A_344 = vector.shape_cast %swap3A_343 : vector<16xi32> to vector<16xi32>
          %swap3A_345 = vector.shape_cast %get3A_337 : vector<16xi32> to vector<16xi32>
          tpu.vector_store %swap3A_341[%swap3A_342], %swap3A_345 {strides = array<i32>} : memref<32xi32, #tpu.memory_space<vmem>>, vector<16xi32>,
          %mul3A_346 = arith.constant 32 : i32
          %mul3A_347 = arith.muli %sub3A_301, %mul3A_346 : i32
          %add3A_348 = arith.constant 16 : i32
          %add3A_349 = arith.addi %mul3A_347, %add3A_348 : i32
          %get3A_350 = arith.index_cast %add3A_349 : i32 to index
          %get3A_351 = tpu.vector_load %arg11[%get3A_350] {strides = array<i32>} : memref<1632xi32, #tpu.memory_space<vmem>>, vector<16xi32>,
          %get3A_352 = vector.shape_cast %get3A_351 : vector<16xi32> to vector<16xi32>
          %swap3A_353 = arith.constant 1 : i32
          %swap3A_354 = arith.constant 0 : i32
          %swap3A_355 = tpu.memref_slice %arg15[%swap3A_353, %swap3A_354] : memref<4x32xi32, #tpu.memory_space<vmem>> -> memref<1x32xi32, #tpu.memory_space<vmem>>
          %swap3A_356 = tpu.memref_squeeze %swap3A_355 : memref<1x32xi32, #tpu.memory_space<vmem>> -> memref<32xi32, #tpu.memory_space<vmem>>
          %swap3A_357 = arith.constant 16 : index
          %swap3A_358 = tpu.vector_load %swap3A_356[%swap3A_357] {strides = array<i32>} : memref<32xi32, #tpu.memory_space<vmem>>, vector<16xi32>,
          %swap3A_359 = vector.shape_cast %swap3A_358 : vector<16xi32> to vector<16xi32>
          %swap3A_360 = vector.shape_cast %get3A_352 : vector<16xi32> to vector<16xi32>
          tpu.vector_store %swap3A_356[%swap3A_357], %swap3A_360 {strides = array<i32>} : memref<32xi32, #tpu.memory_space<vmem>>, vector<16xi32>,
          %dma_start3A = arith.constant 1 : i32
          %dma_start3A_361 = arith.constant 0 : i32
          %dma_start3A_362 = tpu.memref_slice %arg14[%dma_start3A, %dma_start3A_361] : memref<4x32xi32, #tpu.memory_space<vmem>> -> memref<1x32xi32, #tpu.memory_space<vmem>>
          %dma_start3A_363 = tpu.memref_squeeze %dma_start3A_362 : memref<1x32xi32, #tpu.memory_space<vmem>> -> memref<32xi32, #tpu.memory_space<vmem>>
          %dma_start3A_364 = arith.constant 0 : i32
          %dma_start3A_365 = arith.constant 0 : i32
          %dma_start3A_366 = tpu.memref_slice %arg3[%dma_start3A_364, %dma_start3A_365] : memref<50257x768xf32, #tpu.memory_space<hbm>> -> memref<50257x768xf32, #tpu.memory_space<hbm>>
          tpu.enqueue_indirect_dma source(%dma_start3A_366 : memref<50257x768xf32, #tpu.memory_space<hbm>>) target(%arg17 : memref<32x768xf32, #tpu.memory_space<vmem>>) offsets(%dma_start3A_363 : memref<32xi32, #tpu.memory_space<vmem>>) semaphore(%arg21 : memref<!tpu.dma_semaphore, #tpu.memory_space<semaphore_mem>>)
        } else {
        }
        %ge3A_288 = arith.cmpi sge, %add3A_223, %select_n3A : i32
        %lt3A_289 = arith.cmpi slt, %add3A_223, %add3A_153 : i32
        %and3A_290 = arith.andi %ge3A_288, %lt3A_289 : i1
        %convert_element_type3A_291 = arith.extui %and3A_290 : i1 to i32
        %cond3A_292 = arith.constant 0 : i32
        %cond3A_293 = arith.cmpi ne, %convert_element_type3A_291, %cond3A_292 : i32
        scf.if %cond3A_293 {
          %sub3A_300 = arith.subi %add3A_223, %select_n3A : i32
          %mul3A_301 = arith.constant 32 : i32
          %mul3A_302 = arith.muli %sub3A_300, %mul3A_301 : i32
          %add3A_303 = arith.constant 0 : i32
          %add3A_304 = arith.addi %mul3A_302, %add3A_303 : i32
          %get3A = arith.index_cast %add3A_304 : i32 to index
          %get3A_305 = tpu.vector_load %arg9[%get3A] {strides = array<i32>} : memref<1632xi32, #tpu.memory_space<vmem>>, vector<16xi32>,
          %get3A_306 = vector.shape_cast %get3A_305 : vector<16xi32> to vector<16xi32>
          %swap3A_307 = arith.constant 1 : i32
          %swap3A_308 = arith.constant 0 : i32
          %swap3A_309 = tpu.memref_slice %arg14[%swap3A_307, %swap3A_308] : memref<4x32xi32, #tpu.memory_space<vmem>> -> memref<1x32xi32, #tpu.memory_space<vmem>>
          %swap3A_310 = tpu.memref_squeeze %swap3A_309 : memref<1x32xi32, #tpu.memory_space<vmem>> -> memref<32xi32, #tpu.memory_space<vmem>>
          %swap3A_311 = arith.constant 0 : index
          %swap3A_312 = tpu.vector_load %swap3A_310[%swap3A_311] {strides = array<i32>} : memref<32xi32, #tpu.memory_space<vmem>>, vector<16xi32>,
          %swap3A_313 = vector.shape_cast %swap3A_312 : vector<16xi32> to vector<16xi32>
          %swap3A_314 = vector.shape_cast %get3A_306 : vector<16xi32> to vector<16xi32>
          tpu.vector_store %swap3A_310[%swap3A_311], %swap3A_314 {strides = array<i32>} : memref<32xi32, #tpu.memory_space<vmem>>, vector<16xi32>,
          %mul3A_315 = arith.constant 32 : i32
          %mul3A_316 = arith.muli %sub3A_300, %mul3A_315 : i32
          %add3A_317 = arith.constant 0 : i32
          %add3A_318 = arith.addi %mul3A_316, %add3A_317 : i32
          %get3A_319 = arith.index_cast %add3A_318 : i32 to index
          %get3A_320 = tpu.vector_load %arg12[%get3A_319] {strides = array<i32>} : memref<1632xi32, #tpu.memory_space<vmem>>, vector<16xi32>,
          %get3A_321 = vector.shape_cast %get3A_320 : vector<16xi32> to vector<16xi32>
          %swap3A_322 = arith.constant 1 : i32
          %swap3A_323 = arith.constant 0 : i32
          %swap3A_324 = tpu.memref_slice %arg15[%swap3A_322, %swap3A_323] : memref<4x32xi32, #tpu.memory_space<vmem>> -> memref<1x32xi32, #tpu.memory_space<vmem>>
          %swap3A_325 = tpu.memref_squeeze %swap3A_324 : memref<1x32xi32, #tpu.memory_space<vmem>> -> memref<32xi32, #tpu.memory_space<vmem>>
          %swap3A_326 = arith.constant 0 : index
          %swap3A_327 = tpu.vector_load %swap3A_325[%swap3A_326] {strides = array<i32>} : memref<32xi32, #tpu.memory_space<vmem>>, vector<16xi32>,
          %swap3A_328 = vector.shape_cast %swap3A_327 : vector<16xi32> to vector<16xi32>
          %swap3A_329 = vector.shape_cast %get3A_321 : vector<16xi32> to vector<16xi32>
          tpu.vector_store %swap3A_325[%swap3A_326], %swap3A_329 {strides = array<i32>} : memref<32xi32, #tpu.memory_space<vmem>>, vector<16xi32>,
          %mul3A_330 = arith.constant 32 : i32
          %mul3A_331 = arith.muli %sub3A_300, %mul3A_330 : i32
          %add3A_332 = arith.constant 16 : i32
          %add3A_333 = arith.addi %mul3A_331, %add3A_332 : i32
          %get3A_334 = arith.index_cast %add3A_333 : i32 to index
          %get3A_335 = tpu.vector_load %arg9[%get3A_334] {strides = array<i32>} : memref<1632xi32, #tpu.memory_space<vmem>>, vector<16xi32>,
          %get3A_336 = vector.shape_cast %get3A_335 : vector<16xi32> to vector<16xi32>
          %swap3A_337 = arith.constant 1 : i32
          %swap3A_338 = arith.constant 0 : i32
          %swap3A_339 = tpu.memref_slice %arg14[%swap3A_337, %swap3A_338] : memref<4x32xi32, #tpu.memory_space<vmem>> -> memref<1x32xi32, #tpu.memory_space<vmem>>
          %swap3A_340 = tpu.memref_squeeze %swap3A_339 : memref<1x32xi32, #tpu.memory_space<vmem>> -> memref<32xi32, #tpu.memory_space<vmem>>
          %swap3A_341 = arith.constant 16 : index
          %swap3A_342 = tpu.vector_load %swap3A_340[%swap3A_341] {strides = array<i32>} : memref<32xi32, #tpu.memory_space<vmem>>, vector<16xi32>,
          %swap3A_343 = vector.shape_cast %swap3A_342 : vector<16xi32> to vector<16xi32>
          %swap3A_344 = vector.shape_cast %get3A_336 : vector<16xi32> to vector<16xi32>
          tpu.vector_store %swap3A_340[%swap3A_341], %swap3A_344 {strides = array<i32>} : memref<32xi32, #tpu.memory_space<vmem>>, vector<16xi32>,
          %mul3A_345 = arith.constant 32 : i32
          %mul3A_346 = arith.muli %sub3A_300, %mul3A_345 : i32
          %add3A_347 = arith.constant 16 : i32
          %add3A_348 = arith.addi %mul3A_346, %add3A_347 : i32
          %get3A_349 = arith.index_cast %add3A_348 : i32 to index
          %get3A_350 = tpu.vector_load %arg12[%get3A_349] {strides = array<i32>} : memref<1632xi32, #tpu.memory_space<vmem>>, vector<16xi32>,
          %get3A_351 = vector.shape_cast %get3A_350 : vector<16xi32> to vector<16xi32>
          %swap3A_352 = arith.constant 1 : i32
          %swap3A_353 = arith.constant 0 : i32
          %swap3A_354 = tpu.memref_slice %arg15[%swap3A_352, %swap3A_353] : memref<4x32xi32, #tpu.memory_space<vmem>> -> memref<1x32xi32, #tpu.memory_space<vmem>>
          %swap3A_355 = tpu.memref_squeeze %swap3A_354 : memref<1x32xi32, #tpu.memory_space<vmem>> -> memref<32xi32, #tpu.memory_space<vmem>>
          %swap3A_356 = arith.constant 16 : index
          %swap3A_357 = tpu.vector_load %swap3A_355[%swap3A_356] {strides = array<i32>} : memref<32xi32, #tpu.memory_space<vmem>>, vector<16xi32>,
          %swap3A_358 = vector.shape_cast %swap3A_357 : vector<16xi32> to vector<16xi32>
          %swap3A_359 = vector.shape_cast %get3A_351 : vector<16xi32> to vector<16xi32>
          tpu.vector_store %swap3A_355[%swap3A_356], %swap3A_359 {strides = array<i32>} : memref<32xi32, #tpu.memory_space<vmem>>, vector<16xi32>,
          %dma_start3A = arith.constant 1 : i32
          %dma_start3A_360 = arith.constant 0 : i32
          %dma_start3A_361 = tpu.memref_slice %arg14[%dma_start3A, %dma_start3A_360] : memref<4x32xi32, #tpu.memory_space<vmem>> -> memref<1x32xi32, #tpu.memory_space<vmem>>
          %dma_start3A_362 = tpu.memref_squeeze %dma_start3A_361 : memref<1x32xi32, #tpu.memory_space<vmem>> -> memref<32xi32, #tpu.memory_space<vmem>>
          %dma_start3A_363 = arith.constant 0 : i32
          %dma_start3A_364 = arith.constant 0 : i32
          %dma_start3A_365 = tpu.memref_slice %arg4[%dma_start3A_363, %dma_start3A_364] : memref<100000x768xf32, #tpu.memory_space<hbm>> -> memref<100000x768xf32, #tpu.memory_space<hbm>>
          tpu.enqueue_indirect_dma source(%dma_start3A_365 : memref<100000x768xf32, #tpu.memory_space<hbm>>) target(%arg17 : memref<32x768xf32, #tpu.memory_space<vmem>>) offsets(%dma_start3A_362 : memref<32xi32, #tpu.memory_space<vmem>>) semaphore(%arg21 : memref<!tpu.dma_semaphore, #tpu.memory_space<semaphore_mem>>)
        } else {
        }
        %ge3A_294 = arith.cmpi sge, %add3A_223, %add3A_153 : i32
        %lt3A_295 = arith.cmpi slt, %add3A_223, %add3A_154 : i32
        %and3A_296 = arith.andi %ge3A_294, %lt3A_295 : i1
        %convert_element_type3A_297 = arith.extui %and3A_296 : i1 to i32
        %cond3A_298 = arith.constant 0 : i32
        %cond3A_299 = arith.cmpi ne, %convert_element_type3A_297, %cond3A_298 : i32
        scf.if %cond3A_299 {
          %sub3A_300 = arith.subi %add3A_223, %add3A_153 : i32
          %mul3A_301 = arith.constant 32 : i32
          %mul3A_302 = arith.muli %sub3A_300, %mul3A_301 : i32
          %add3A_303 = arith.constant 0 : i32
          %add3A_304 = arith.addi %mul3A_302, %add3A_303 : i32
          %get3A = arith.index_cast %add3A_304 : i32 to index
          %get3A_305 = tpu.vector_load %arg10[%get3A] {strides = array<i32>} : memref<1632xi32, #tpu.memory_space<vmem>>, vector<16xi32>,
          %get3A_306 = vector.shape_cast %get3A_305 : vector<16xi32> to vector<16xi32>
          %swap3A_307 = arith.constant 1 : i32
          %swap3A_308 = arith.constant 0 : i32
          %swap3A_309 = tpu.memref_slice %arg14[%swap3A_307, %swap3A_308] : memref<4x32xi32, #tpu.memory_space<vmem>> -> memref<1x32xi32, #tpu.memory_space<vmem>>
          %swap3A_310 = tpu.memref_squeeze %swap3A_309 : memref<1x32xi32, #tpu.memory_space<vmem>> -> memref<32xi32, #tpu.memory_space<vmem>>
          %swap3A_311 = arith.constant 0 : index
          %swap3A_312 = tpu.vector_load %swap3A_310[%swap3A_311] {strides = array<i32>} : memref<32xi32, #tpu.memory_space<vmem>>, vector<16xi32>,
          %swap3A_313 = vector.shape_cast %swap3A_312 : vector<16xi32> to vector<16xi32>
          %swap3A_314 = vector.shape_cast %get3A_306 : vector<16xi32> to vector<16xi32>
          tpu.vector_store %swap3A_310[%swap3A_311], %swap3A_314 {strides = array<i32>} : memref<32xi32, #tpu.memory_space<vmem>>, vector<16xi32>,
          %mul3A_315 = arith.constant 32 : i32
          %mul3A_316 = arith.muli %sub3A_300, %mul3A_315 : i32
          %add3A_317 = arith.constant 0 : i32
          %add3A_318 = arith.addi %mul3A_316, %add3A_317 : i32
          %get3A_319 = arith.index_cast %add3A_318 : i32 to index
          %get3A_320 = tpu.vector_load %arg13[%get3A_319] {strides = array<i32>} : memref<1632xi32, #tpu.memory_space<vmem>>, vector<16xi32>,
          %get3A_321 = vector.shape_cast %get3A_320 : vector<16xi32> to vector<16xi32>
          %swap3A_322 = arith.constant 1 : i32
          %swap3A_323 = arith.constant 0 : i32
          %swap3A_324 = tpu.memref_slice %arg15[%swap3A_322, %swap3A_323] : memref<4x32xi32, #tpu.memory_space<vmem>> -> memref<1x32xi32, #tpu.memory_space<vmem>>
          %swap3A_325 = tpu.memref_squeeze %swap3A_324 : memref<1x32xi32, #tpu.memory_space<vmem>> -> memref<32xi32, #tpu.memory_space<vmem>>
          %swap3A_326 = arith.constant 0 : index
          %swap3A_327 = tpu.vector_load %swap3A_325[%swap3A_326] {strides = array<i32>} : memref<32xi32, #tpu.memory_space<vmem>>, vector<16xi32>,
          %swap3A_328 = vector.shape_cast %swap3A_327 : vector<16xi32> to vector<16xi32>
          %swap3A_329 = vector.shape_cast %get3A_321 : vector<16xi32> to vector<16xi32>
          tpu.vector_store %swap3A_325[%swap3A_326], %swap3A_329 {strides = array<i32>} : memref<32xi32, #tpu.memory_space<vmem>>, vector<16xi32>,
          %mul3A_330 = arith.constant 32 : i32
          %mul3A_331 = arith.muli %sub3A_300, %mul3A_330 : i32
          %add3A_332 = arith.constant 16 : i32
          %add3A_333 = arith.addi %mul3A_331, %add3A_332 : i32
          %get3A_334 = arith.index_cast %add3A_333 : i32 to index
          %get3A_335 = tpu.vector_load %arg10[%get3A_334] {strides = array<i32>} : memref<1632xi32, #tpu.memory_space<vmem>>, vector<16xi32>,
          %get3A_336 = vector.shape_cast %get3A_335 : vector<16xi32> to vector<16xi32>
          %swap3A_337 = arith.constant 1 : i32
          %swap3A_338 = arith.constant 0 : i32
          %swap3A_339 = tpu.memref_slice %arg14[%swap3A_337, %swap3A_338] : memref<4x32xi32, #tpu.memory_space<vmem>> -> memref<1x32xi32, #tpu.memory_space<vmem>>
          %swap3A_340 = tpu.memref_squeeze %swap3A_339 : memref<1x32xi32, #tpu.memory_space<vmem>> -> memref<32xi32, #tpu.memory_space<vmem>>
          %swap3A_341 = arith.constant 16 : index
          %swap3A_342 = tpu.vector_load %swap3A_340[%swap3A_341] {strides = array<i32>} : memref<32xi32, #tpu.memory_space<vmem>>, vector<16xi32>,
          %swap3A_343 = vector.shape_cast %swap3A_342 : vector<16xi32> to vector<16xi32>
          %swap3A_344 = vector.shape_cast %get3A_336 : vector<16xi32> to vector<16xi32>
          tpu.vector_store %swap3A_340[%swap3A_341], %swap3A_344 {strides = array<i32>} : memref<32xi32, #tpu.memory_space<vmem>>, vector<16xi32>,
          %mul3A_345 = arith.constant 32 : i32
          %mul3A_346 = arith.muli %sub3A_300, %mul3A_345 : i32
          %add3A_347 = arith.constant 16 : i32
          %add3A_348 = arith.addi %mul3A_346, %add3A_347 : i32
          %get3A_349 = arith.index_cast %add3A_348 : i32 to index
          %get3A_350 = tpu.vector_load %arg13[%get3A_349] {strides = array<i32>} : memref<1632xi32, #tpu.memory_space<vmem>>, vector<16xi32>,
          %get3A_351 = vector.shape_cast %get3A_350 : vector<16xi32> to vector<16xi32>
          %swap3A_352 = arith.constant 1 : i32
          %swap3A_353 = arith.constant 0 : i32
          %swap3A_354 = tpu.memref_slice %arg15[%swap3A_352, %swap3A_353] : memref<4x32xi32, #tpu.memory_space<vmem>> -> memref<1x32xi32, #tpu.memory_space<vmem>>
          %swap3A_355 = tpu.memref_squeeze %swap3A_354 : memref<1x32xi32, #tpu.memory_space<vmem>> -> memref<32xi32, #tpu.memory_space<vmem>>
          %swap3A_356 = arith.constant 16 : index
          %swap3A_357 = tpu.vector_load %swap3A_355[%swap3A_356] {strides = array<i32>} : memref<32xi32, #tpu.memory_space<vmem>>, vector<16xi32>,
          %swap3A_358 = vector.shape_cast %swap3A_357 : vector<16xi32> to vector<16xi32>
          %swap3A_359 = vector.shape_cast %get3A_351 : vector<16xi32> to vector<16xi32>
          tpu.vector_store %swap3A_355[%swap3A_356], %swap3A_359 {strides = array<i32>} : memref<32xi32, #tpu.memory_space<vmem>>, vector<16xi32>,
          %dma_start3A = arith.constant 1 : i32
          %dma_start3A_360 = arith.constant 0 : i32
          %dma_start3A_361 = tpu.memref_slice %arg14[%dma_start3A, %dma_start3A_360] : memref<4x32xi32, #tpu.memory_space<vmem>> -> memref<1x32xi32, #tpu.memory_space<vmem>>
          %dma_start3A_362 = tpu.memref_squeeze %dma_start3A_361 : memref<1x32xi32, #tpu.memory_space<vmem>> -> memref<32xi32, #tpu.memory_space<vmem>>
          %dma_start3A_363 = arith.constant 0 : i32
          %dma_start3A_364 = arith.constant 0 : i32
          %dma_start3A_365 = tpu.memref_slice %arg5[%dma_start3A_363, %dma_start3A_364] : memref<100000x768xf32, #tpu.memory_space<hbm>> -> memref<100000x768xf32, #tpu.memory_space<hbm>>
          tpu.enqueue_indirect_dma source(%dma_start3A_365 : memref<100000x768xf32, #tpu.memory_space<hbm>>) target(%arg17 : memref<32x768xf32, #tpu.memory_space<vmem>>) offsets(%dma_start3A_362 : memref<32xi32, #tpu.memory_space<vmem>>) semaphore(%arg21 : memref<!tpu.dma_semaphore, #tpu.memory_space<semaphore_mem>>)
        } else {
        }
      } else {
      }
      %mul3A_228 = arith.constant 4 : i32
      %mul3A_229 = arith.muli %while3A_211, %mul3A_228 : i32
      %add3A_230 = arith.constant 2 : i32
      %add3A_231 = arith.addi %mul3A_229, %add3A_230 : i32
      %lt3A_232 = arith.cmpi slt, %add3A_231, %add3A_154 : i32
      %convert_element_type3A_233 = arith.extui %lt3A_232 : i1 to i32
      %cond3A_234 = arith.constant 0 : i32
      %cond3A_235 = arith.cmpi ne, %convert_element_type3A_233, %cond3A_234 : i32
      scf.if %cond3A_235 {
        %ge3A = arith.constant 4 : i32
        %ge3A_277 = arith.cmpi sge, %add3A_231, %ge3A : i32
        %convert_element_type3A_278 = arith.extui %ge3A_277 : i1 to i32
        %cond3A_279 = arith.constant 0 : i32
        %cond3A_280 = arith.cmpi ne, %convert_element_type3A_278, %cond3A_279 : i32
        scf.if %cond3A_280 {
          %dma_wait3A = arith.constant 2 : i32
          %dma_wait3A_300 = arith.constant 0 : i32
          %dma_wait3A_301 = tpu.memref_slice %arg15[%dma_wait3A, %dma_wait3A_300] : memref<4x32xi32, #tpu.memory_space<vmem>> -> memref<1x32xi32, #tpu.memory_space<vmem>>
          %dma_wait3A_302 = tpu.memref_squeeze %dma_wait3A_301 : memref<1x32xi32, #tpu.memory_space<vmem>> -> memref<32xi32, #tpu.memory_space<vmem>>
          %dma_wait3A_303 = arith.constant 0 : i32
          %dma_wait3A_304 = arith.constant 0 : i32
          %dma_wait3A_305 = tpu.memref_slice %arg6[%dma_wait3A_303, %dma_wait3A_304] : memref<51200x768xf32, #tpu.memory_space<hbm>> -> memref<51200x768xf32, #tpu.memory_space<hbm>>
          tpu.wait_indirect_dma semaphore(%arg26 : memref<!tpu.dma_semaphore, #tpu.memory_space<semaphore_mem>>) src(%arg18 : memref<32x768xf32, #tpu.memory_space<vmem>>) dst(%dma_wait3A_305 : memref<51200x768xf32, #tpu.memory_space<hbm>>)
        } else {
        }
        %ge3A_281 = arith.constant 0 : i32
        %ge3A_282 = arith.cmpi sge, %add3A_231, %ge3A_281 : i32
        %lt3A_283 = arith.cmpi slt, %add3A_231, %select_n3A : i32
        %and3A_284 = arith.andi %ge3A_282, %lt3A_283 : i1
        %convert_element_type3A_285 = arith.extui %and3A_284 : i1 to i32
        %cond3A_286 = arith.constant 0 : i32
        %cond3A_287 = arith.cmpi ne, %convert_element_type3A_285, %cond3A_286 : i32
        scf.if %cond3A_287 {
          %sub3A_300 = arith.constant 0 : i32
          %sub3A_301 = arith.subi %add3A_231, %sub3A_300 : i32
          %mul3A_302 = arith.constant 32 : i32
          %mul3A_303 = arith.muli %sub3A_301, %mul3A_302 : i32
          %add3A_304 = arith.constant 0 : i32
          %add3A_305 = arith.addi %mul3A_303, %add3A_304 : i32
          %get3A = arith.index_cast %add3A_305 : i32 to index
          %get3A_306 = tpu.vector_load %arg8[%get3A] {strides = array<i32>} : memref<1632xi32, #tpu.memory_space<vmem>>, vector<16xi32>,
          %get3A_307 = vector.shape_cast %get3A_306 : vector<16xi32> to vector<16xi32>
          %swap3A_308 = arith.constant 2 : i32
          %swap3A_309 = arith.constant 0 : i32
          %swap3A_310 = tpu.memref_slice %arg14[%swap3A_308, %swap3A_309] : memref<4x32xi32, #tpu.memory_space<vmem>> -> memref<1x32xi32, #tpu.memory_space<vmem>>
          %swap3A_311 = tpu.memref_squeeze %swap3A_310 : memref<1x32xi32, #tpu.memory_space<vmem>> -> memref<32xi32, #tpu.memory_space<vmem>>
          %swap3A_312 = arith.constant 0 : index
          %swap3A_313 = tpu.vector_load %swap3A_311[%swap3A_312] {strides = array<i32>} : memref<32xi32, #tpu.memory_space<vmem>>, vector<16xi32>,
          %swap3A_314 = vector.shape_cast %swap3A_313 : vector<16xi32> to vector<16xi32>
          %swap3A_315 = vector.shape_cast %get3A_307 : vector<16xi32> to vector<16xi32>
          tpu.vector_store %swap3A_311[%swap3A_312], %swap3A_315 {strides = array<i32>} : memref<32xi32, #tpu.memory_space<vmem>>, vector<16xi32>,
          %mul3A_316 = arith.constant 32 : i32
          %mul3A_317 = arith.muli %sub3A_301, %mul3A_316 : i32
          %add3A_318 = arith.constant 0 : i32
          %add3A_319 = arith.addi %mul3A_317, %add3A_318 : i32
          %get3A_320 = arith.index_cast %add3A_319 : i32 to index
          %get3A_321 = tpu.vector_load %arg11[%get3A_320] {strides = array<i32>} : memref<1632xi32, #tpu.memory_space<vmem>>, vector<16xi32>,
          %get3A_322 = vector.shape_cast %get3A_321 : vector<16xi32> to vector<16xi32>
          %swap3A_323 = arith.constant 2 : i32
          %swap3A_324 = arith.constant 0 : i32
          %swap3A_325 = tpu.memref_slice %arg15[%swap3A_323, %swap3A_324] : memref<4x32xi32, #tpu.memory_space<vmem>> -> memref<1x32xi32, #tpu.memory_space<vmem>>
          %swap3A_326 = tpu.memref_squeeze %swap3A_325 : memref<1x32xi32, #tpu.memory_space<vmem>> -> memref<32xi32, #tpu.memory_space<vmem>>
          %swap3A_327 = arith.constant 0 : index
          %swap3A_328 = tpu.vector_load %swap3A_326[%swap3A_327] {strides = array<i32>} : memref<32xi32, #tpu.memory_space<vmem>>, vector<16xi32>,
          %swap3A_329 = vector.shape_cast %swap3A_328 : vector<16xi32> to vector<16xi32>
          %swap3A_330 = vector.shape_cast %get3A_322 : vector<16xi32> to vector<16xi32>
          tpu.vector_store %swap3A_326[%swap3A_327], %swap3A_330 {strides = array<i32>} : memref<32xi32, #tpu.memory_space<vmem>>, vector<16xi32>,
          %mul3A_331 = arith.constant 32 : i32
          %mul3A_332 = arith.muli %sub3A_301, %mul3A_331 : i32
          %add3A_333 = arith.constant 16 : i32
          %add3A_334 = arith.addi %mul3A_332, %add3A_333 : i32
          %get3A_335 = arith.index_cast %add3A_334 : i32 to index
          %get3A_336 = tpu.vector_load %arg8[%get3A_335] {strides = array<i32>} : memref<1632xi32, #tpu.memory_space<vmem>>, vector<16xi32>,
          %get3A_337 = vector.shape_cast %get3A_336 : vector<16xi32> to vector<16xi32>
          %swap3A_338 = arith.constant 2 : i32
          %swap3A_339 = arith.constant 0 : i32
          %swap3A_340 = tpu.memref_slice %arg14[%swap3A_338, %swap3A_339] : memref<4x32xi32, #tpu.memory_space<vmem>> -> memref<1x32xi32, #tpu.memory_space<vmem>>
          %swap3A_341 = tpu.memref_squeeze %swap3A_340 : memref<1x32xi32, #tpu.memory_space<vmem>> -> memref<32xi32, #tpu.memory_space<vmem>>
          %swap3A_342 = arith.constant 16 : index
          %swap3A_343 = tpu.vector_load %swap3A_341[%swap3A_342] {strides = array<i32>} : memref<32xi32, #tpu.memory_space<vmem>>, vector<16xi32>,
          %swap3A_344 = vector.shape_cast %swap3A_343 : vector<16xi32> to vector<16xi32>
          %swap3A_345 = vector.shape_cast %get3A_337 : vector<16xi32> to vector<16xi32>
          tpu.vector_store %swap3A_341[%swap3A_342], %swap3A_345 {strides = array<i32>} : memref<32xi32, #tpu.memory_space<vmem>>, vector<16xi32>,
          %mul3A_346 = arith.constant 32 : i32
          %mul3A_347 = arith.muli %sub3A_301, %mul3A_346 : i32
          %add3A_348 = arith.constant 16 : i32
          %add3A_349 = arith.addi %mul3A_347, %add3A_348 : i32
          %get3A_350 = arith.index_cast %add3A_349 : i32 to index
          %get3A_351 = tpu.vector_load %arg11[%get3A_350] {strides = array<i32>} : memref<1632xi32, #tpu.memory_space<vmem>>, vector<16xi32>,
          %get3A_352 = vector.shape_cast %get3A_351 : vector<16xi32> to vector<16xi32>
          %swap3A_353 = arith.constant 2 : i32
          %swap3A_354 = arith.constant 0 : i32
          %swap3A_355 = tpu.memref_slice %arg15[%swap3A_353, %swap3A_354] : memref<4x32xi32, #tpu.memory_space<vmem>> -> memref<1x32xi32, #tpu.memory_space<vmem>>
          %swap3A_356 = tpu.memref_squeeze %swap3A_355 : memref<1x32xi32, #tpu.memory_space<vmem>> -> memref<32xi32, #tpu.memory_space<vmem>>
          %swap3A_357 = arith.constant 16 : index
          %swap3A_358 = tpu.vector_load %swap3A_356[%swap3A_357] {strides = array<i32>} : memref<32xi32, #tpu.memory_space<vmem>>, vector<16xi32>,
          %swap3A_359 = vector.shape_cast %swap3A_358 : vector<16xi32> to vector<16xi32>
          %swap3A_360 = vector.shape_cast %get3A_352 : vector<16xi32> to vector<16xi32>
          tpu.vector_store %swap3A_356[%swap3A_357], %swap3A_360 {strides = array<i32>} : memref<32xi32, #tpu.memory_space<vmem>>, vector<16xi32>,
          %dma_start3A = arith.constant 2 : i32
          %dma_start3A_361 = arith.constant 0 : i32
          %dma_start3A_362 = tpu.memref_slice %arg14[%dma_start3A, %dma_start3A_361] : memref<4x32xi32, #tpu.memory_space<vmem>> -> memref<1x32xi32, #tpu.memory_space<vmem>>
          %dma_start3A_363 = tpu.memref_squeeze %dma_start3A_362 : memref<1x32xi32, #tpu.memory_space<vmem>> -> memref<32xi32, #tpu.memory_space<vmem>>
          %dma_start3A_364 = arith.constant 0 : i32
          %dma_start3A_365 = arith.constant 0 : i32
          %dma_start3A_366 = tpu.memref_slice %arg3[%dma_start3A_364, %dma_start3A_365] : memref<50257x768xf32, #tpu.memory_space<hbm>> -> memref<50257x768xf32, #tpu.memory_space<hbm>>
          tpu.enqueue_indirect_dma source(%dma_start3A_366 : memref<50257x768xf32, #tpu.memory_space<hbm>>) target(%arg18 : memref<32x768xf32, #tpu.memory_space<vmem>>) offsets(%dma_start3A_363 : memref<32xi32, #tpu.memory_space<vmem>>) semaphore(%arg22 : memref<!tpu.dma_semaphore, #tpu.memory_space<semaphore_mem>>)
        } else {
        }
        %ge3A_288 = arith.cmpi sge, %add3A_231, %select_n3A : i32
        %lt3A_289 = arith.cmpi slt, %add3A_231, %add3A_153 : i32
        %and3A_290 = arith.andi %ge3A_288, %lt3A_289 : i1
        %convert_element_type3A_291 = arith.extui %and3A_290 : i1 to i32
        %cond3A_292 = arith.constant 0 : i32
        %cond3A_293 = arith.cmpi ne, %convert_element_type3A_291, %cond3A_292 : i32
        scf.if %cond3A_293 {
          %sub3A_300 = arith.subi %add3A_231, %select_n3A : i32
          %mul3A_301 = arith.constant 32 : i32
          %mul3A_302 = arith.muli %sub3A_300, %mul3A_301 : i32
          %add3A_303 = arith.constant 0 : i32
          %add3A_304 = arith.addi %mul3A_302, %add3A_303 : i32
          %get3A = arith.index_cast %add3A_304 : i32 to index
          %get3A_305 = tpu.vector_load %arg9[%get3A] {strides = array<i32>} : memref<1632xi32, #tpu.memory_space<vmem>>, vector<16xi32>,
          %get3A_306 = vector.shape_cast %get3A_305 : vector<16xi32> to vector<16xi32>
          %swap3A_307 = arith.constant 2 : i32
          %swap3A_308 = arith.constant 0 : i32
          %swap3A_309 = tpu.memref_slice %arg14[%swap3A_307, %swap3A_308] : memref<4x32xi32, #tpu.memory_space<vmem>> -> memref<1x32xi32, #tpu.memory_space<vmem>>
          %swap3A_310 = tpu.memref_squeeze %swap3A_309 : memref<1x32xi32, #tpu.memory_space<vmem>> -> memref<32xi32, #tpu.memory_space<vmem>>
          %swap3A_311 = arith.constant 0 : index
          %swap3A_312 = tpu.vector_load %swap3A_310[%swap3A_311] {strides = array<i32>} : memref<32xi32, #tpu.memory_space<vmem>>, vector<16xi32>,
          %swap3A_313 = vector.shape_cast %swap3A_312 : vector<16xi32> to vector<16xi32>
          %swap3A_314 = vector.shape_cast %get3A_306 : vector<16xi32> to vector<16xi32>
          tpu.vector_store %swap3A_310[%swap3A_311], %swap3A_314 {strides = array<i32>} : memref<32xi32, #tpu.memory_space<vmem>>, vector<16xi32>,
          %mul3A_315 = arith.constant 32 : i32
          %mul3A_316 = arith.muli %sub3A_300, %mul3A_315 : i32
          %add3A_317 = arith.constant 0 : i32
          %add3A_318 = arith.addi %mul3A_316, %add3A_317 : i32
          %get3A_319 = arith.index_cast %add3A_318 : i32 to index
          %get3A_320 = tpu.vector_load %arg12[%get3A_319] {strides = array<i32>} : memref<1632xi32, #tpu.memory_space<vmem>>, vector<16xi32>,
          %get3A_321 = vector.shape_cast %get3A_320 : vector<16xi32> to vector<16xi32>
          %swap3A_322 = arith.constant 2 : i32
          %swap3A_323 = arith.constant 0 : i32
          %swap3A_324 = tpu.memref_slice %arg15[%swap3A_322, %swap3A_323] : memref<4x32xi32, #tpu.memory_space<vmem>> -> memref<1x32xi32, #tpu.memory_space<vmem>>
          %swap3A_325 = tpu.memref_squeeze %swap3A_324 : memref<1x32xi32, #tpu.memory_space<vmem>> -> memref<32xi32, #tpu.memory_space<vmem>>
          %swap3A_326 = arith.constant 0 : index
          %swap3A_327 = tpu.vector_load %swap3A_325[%swap3A_326] {strides = array<i32>} : memref<32xi32, #tpu.memory_space<vmem>>, vector<16xi32>,
          %swap3A_328 = vector.shape_cast %swap3A_327 : vector<16xi32> to vector<16xi32>
          %swap3A_329 = vector.shape_cast %get3A_321 : vector<16xi32> to vector<16xi32>
          tpu.vector_store %swap3A_325[%swap3A_326], %swap3A_329 {strides = array<i32>} : memref<32xi32, #tpu.memory_space<vmem>>, vector<16xi32>,
          %mul3A_330 = arith.constant 32 : i32
          %mul3A_331 = arith.muli %sub3A_300, %mul3A_330 : i32
          %add3A_332 = arith.constant 16 : i32
          %add3A_333 = arith.addi %mul3A_331, %add3A_332 : i32
          %get3A_334 = arith.index_cast %add3A_333 : i32 to index
          %get3A_335 = tpu.vector_load %arg9[%get3A_334] {strides = array<i32>} : memref<1632xi32, #tpu.memory_space<vmem>>, vector<16xi32>,
          %get3A_336 = vector.shape_cast %get3A_335 : vector<16xi32> to vector<16xi32>
          %swap3A_337 = arith.constant 2 : i32
          %swap3A_338 = arith.constant 0 : i32
          %swap3A_339 = tpu.memref_slice %arg14[%swap3A_337, %swap3A_338] : memref<4x32xi32, #tpu.memory_space<vmem>> -> memref<1x32xi32, #tpu.memory_space<vmem>>
          %swap3A_340 = tpu.memref_squeeze %swap3A_339 : memref<1x32xi32, #tpu.memory_space<vmem>> -> memref<32xi32, #tpu.memory_space<vmem>>
          %swap3A_341 = arith.constant 16 : index
          %swap3A_342 = tpu.vector_load %swap3A_340[%swap3A_341] {strides = array<i32>} : memref<32xi32, #tpu.memory_space<vmem>>, vector<16xi32>,
          %swap3A_343 = vector.shape_cast %swap3A_342 : vector<16xi32> to vector<16xi32>
          %swap3A_344 = vector.shape_cast %get3A_336 : vector<16xi32> to vector<16xi32>
          tpu.vector_store %swap3A_340[%swap3A_341], %swap3A_344 {strides = array<i32>} : memref<32xi32, #tpu.memory_space<vmem>>, vector<16xi32>,
          %mul3A_345 = arith.constant 32 : i32
          %mul3A_346 = arith.muli %sub3A_300, %mul3A_345 : i32
          %add3A_347 = arith.constant 16 : i32
          %add3A_348 = arith.addi %mul3A_346, %add3A_347 : i32
          %get3A_349 = arith.index_cast %add3A_348 : i32 to index
          %get3A_350 = tpu.vector_load %arg12[%get3A_349] {strides = array<i32>} : memref<1632xi32, #tpu.memory_space<vmem>>, vector<16xi32>,
          %get3A_351 = vector.shape_cast %get3A_350 : vector<16xi32> to vector<16xi32>
          %swap3A_352 = arith.constant 2 : i32
          %swap3A_353 = arith.constant 0 : i32
          %swap3A_354 = tpu.memref_slice %arg15[%swap3A_352, %swap3A_353] : memref<4x32xi32, #tpu.memory_space<vmem>> -> memref<1x32xi32, #tpu.memory_space<vmem>>
          %swap3A_355 = tpu.memref_squeeze %swap3A_354 : memref<1x32xi32, #tpu.memory_space<vmem>> -> memref<32xi32, #tpu.memory_space<vmem>>
          %swap3A_356 = arith.constant 16 : index
          %swap3A_357 = tpu.vector_load %swap3A_355[%swap3A_356] {strides = array<i32>} : memref<32xi32, #tpu.memory_space<vmem>>, vector<16xi32>,
          %swap3A_358 = vector.shape_cast %swap3A_357 : vector<16xi32> to vector<16xi32>
          %swap3A_359 = vector.shape_cast %get3A_351 : vector<16xi32> to vector<16xi32>
          tpu.vector_store %swap3A_355[%swap3A_356], %swap3A_359 {strides = array<i32>} : memref<32xi32, #tpu.memory_space<vmem>>, vector<16xi32>,
          %dma_start3A = arith.constant 2 : i32
          %dma_start3A_360 = arith.constant 0 : i32
          %dma_start3A_361 = tpu.memref_slice %arg14[%dma_start3A, %dma_start3A_360] : memref<4x32xi32, #tpu.memory_space<vmem>> -> memref<1x32xi32, #tpu.memory_space<vmem>>
          %dma_start3A_362 = tpu.memref_squeeze %dma_start3A_361 : memref<1x32xi32, #tpu.memory_space<vmem>> -> memref<32xi32, #tpu.memory_space<vmem>>
          %dma_start3A_363 = arith.constant 0 : i32
          %dma_start3A_364 = arith.constant 0 : i32
          %dma_start3A_365 = tpu.memref_slice %arg4[%dma_start3A_363, %dma_start3A_364] : memref<100000x768xf32, #tpu.memory_space<hbm>> -> memref<100000x768xf32, #tpu.memory_space<hbm>>
          tpu.enqueue_indirect_dma source(%dma_start3A_365 : memref<100000x768xf32, #tpu.memory_space<hbm>>) target(%arg18 : memref<32x768xf32, #tpu.memory_space<vmem>>) offsets(%dma_start3A_362 : memref<32xi32, #tpu.memory_space<vmem>>) semaphore(%arg22 : memref<!tpu.dma_semaphore, #tpu.memory_space<semaphore_mem>>)
        } else {
        }
        %ge3A_294 = arith.cmpi sge, %add3A_231, %add3A_153 : i32
        %lt3A_295 = arith.cmpi slt, %add3A_231, %add3A_154 : i32
        %and3A_296 = arith.andi %ge3A_294, %lt3A_295 : i1
        %convert_element_type3A_297 = arith.extui %and3A_296 : i1 to i32
        %cond3A_298 = arith.constant 0 : i32
        %cond3A_299 = arith.cmpi ne, %convert_element_type3A_297, %cond3A_298 : i32
        scf.if %cond3A_299 {
          %sub3A_300 = arith.subi %add3A_231, %add3A_153 : i32
          %mul3A_301 = arith.constant 32 : i32
          %mul3A_302 = arith.muli %sub3A_300, %mul3A_301 : i32
          %add3A_303 = arith.constant 0 : i32
          %add3A_304 = arith.addi %mul3A_302, %add3A_303 : i32
          %get3A = arith.index_cast %add3A_304 : i32 to index
          %get3A_305 = tpu.vector_load %arg10[%get3A] {strides = array<i32>} : memref<1632xi32, #tpu.memory_space<vmem>>, vector<16xi32>,
          %get3A_306 = vector.shape_cast %get3A_305 : vector<16xi32> to vector<16xi32>
          %swap3A_307 = arith.constant 2 : i32
          %swap3A_308 = arith.constant 0 : i32
          %swap3A_309 = tpu.memref_slice %arg14[%swap3A_307, %swap3A_308] : memref<4x32xi32, #tpu.memory_space<vmem>> -> memref<1x32xi32, #tpu.memory_space<vmem>>
          %swap3A_310 = tpu.memref_squeeze %swap3A_309 : memref<1x32xi32, #tpu.memory_space<vmem>> -> memref<32xi32, #tpu.memory_space<vmem>>
          %swap3A_311 = arith.constant 0 : index
          %swap3A_312 = tpu.vector_load %swap3A_310[%swap3A_311] {strides = array<i32>} : memref<32xi32, #tpu.memory_space<vmem>>, vector<16xi32>,
          %swap3A_313 = vector.shape_cast %swap3A_312 : vector<16xi32> to vector<16xi32>
          %swap3A_314 = vector.shape_cast %get3A_306 : vector<16xi32> to vector<16xi32>
          tpu.vector_store %swap3A_310[%swap3A_311], %swap3A_314 {strides = array<i32>} : memref<32xi32, #tpu.memory_space<vmem>>, vector<16xi32>,
          %mul3A_315 = arith.constant 32 : i32
          %mul3A_316 = arith.muli %sub3A_300, %mul3A_315 : i32
          %add3A_317 = arith.constant 0 : i32
          %add3A_318 = arith.addi %mul3A_316, %add3A_317 : i32
          %get3A_319 = arith.index_cast %add3A_318 : i32 to index
          %get3A_320 = tpu.vector_load %arg13[%get3A_319] {strides = array<i32>} : memref<1632xi32, #tpu.memory_space<vmem>>, vector<16xi32>,
          %get3A_321 = vector.shape_cast %get3A_320 : vector<16xi32> to vector<16xi32>
          %swap3A_322 = arith.constant 2 : i32
          %swap3A_323 = arith.constant 0 : i32
          %swap3A_324 = tpu.memref_slice %arg15[%swap3A_322, %swap3A_323] : memref<4x32xi32, #tpu.memory_space<vmem>> -> memref<1x32xi32, #tpu.memory_space<vmem>>
          %swap3A_325 = tpu.memref_squeeze %swap3A_324 : memref<1x32xi32, #tpu.memory_space<vmem>> -> memref<32xi32, #tpu.memory_space<vmem>>
          %swap3A_326 = arith.constant 0 : index
          %swap3A_327 = tpu.vector_load %swap3A_325[%swap3A_326] {strides = array<i32>} : memref<32xi32, #tpu.memory_space<vmem>>, vector<16xi32>,
          %swap3A_328 = vector.shape_cast %swap3A_327 : vector<16xi32> to vector<16xi32>
          %swap3A_329 = vector.shape_cast %get3A_321 : vector<16xi32> to vector<16xi32>
          tpu.vector_store %swap3A_325[%swap3A_326], %swap3A_329 {strides = array<i32>} : memref<32xi32, #tpu.memory_space<vmem>>, vector<16xi32>,
          %mul3A_330 = arith.constant 32 : i32
          %mul3A_331 = arith.muli %sub3A_300, %mul3A_330 : i32
          %add3A_332 = arith.constant 16 : i32
          %add3A_333 = arith.addi %mul3A_331, %add3A_332 : i32
          %get3A_334 = arith.index_cast %add3A_333 : i32 to index
          %get3A_335 = tpu.vector_load %arg10[%get3A_334] {strides = array<i32>} : memref<1632xi32, #tpu.memory_space<vmem>>, vector<16xi32>,
          %get3A_336 = vector.shape_cast %get3A_335 : vector<16xi32> to vector<16xi32>
          %swap3A_337 = arith.constant 2 : i32
          %swap3A_338 = arith.constant 0 : i32
          %swap3A_339 = tpu.memref_slice %arg14[%swap3A_337, %swap3A_338] : memref<4x32xi32, #tpu.memory_space<vmem>> -> memref<1x32xi32, #tpu.memory_space<vmem>>
          %swap3A_340 = tpu.memref_squeeze %swap3A_339 : memref<1x32xi32, #tpu.memory_space<vmem>> -> memref<32xi32, #tpu.memory_space<vmem>>
          %swap3A_341 = arith.constant 16 : index
          %swap3A_342 = tpu.vector_load %swap3A_340[%swap3A_341] {strides = array<i32>} : memref<32xi32, #tpu.memory_space<vmem>>, vector<16xi32>,
          %swap3A_343 = vector.shape_cast %swap3A_342 : vector<16xi32> to vector<16xi32>
          %swap3A_344 = vector.shape_cast %get3A_336 : vector<16xi32> to vector<16xi32>
          tpu.vector_store %swap3A_340[%swap3A_341], %swap3A_344 {strides = array<i32>} : memref<32xi32, #tpu.memory_space<vmem>>, vector<16xi32>,
          %mul3A_345 = arith.constant 32 : i32
          %mul3A_346 = arith.muli %sub3A_300, %mul3A_345 : i32
          %add3A_347 = arith.constant 16 : i32
          %add3A_348 = arith.addi %mul3A_346, %add3A_347 : i32
          %get3A_349 = arith.index_cast %add3A_348 : i32 to index
          %get3A_350 = tpu.vector_load %arg13[%get3A_349] {strides = array<i32>} : memref<1632xi32, #tpu.memory_space<vmem>>, vector<16xi32>,
          %get3A_351 = vector.shape_cast %get3A_350 : vector<16xi32> to vector<16xi32>
          %swap3A_352 = arith.constant 2 : i32
          %swap3A_353 = arith.constant 0 : i32
          %swap3A_354 = tpu.memref_slice %arg15[%swap3A_352, %swap3A_353] : memref<4x32xi32, #tpu.memory_space<vmem>> -> memref<1x32xi32, #tpu.memory_space<vmem>>
          %swap3A_355 = tpu.memref_squeeze %swap3A_354 : memref<1x32xi32, #tpu.memory_space<vmem>> -> memref<32xi32, #tpu.memory_space<vmem>>
          %swap3A_356 = arith.constant 16 : index
          %swap3A_357 = tpu.vector_load %swap3A_355[%swap3A_356] {strides = array<i32>} : memref<32xi32, #tpu.memory_space<vmem>>, vector<16xi32>,
          %swap3A_358 = vector.shape_cast %swap3A_357 : vector<16xi32> to vector<16xi32>
          %swap3A_359 = vector.shape_cast %get3A_351 : vector<16xi32> to vector<16xi32>
          tpu.vector_store %swap3A_355[%swap3A_356], %swap3A_359 {strides = array<i32>} : memref<32xi32, #tpu.memory_space<vmem>>, vector<16xi32>,
          %dma_start3A = arith.constant 2 : i32
          %dma_start3A_360 = arith.constant 0 : i32
          %dma_start3A_361 = tpu.memref_slice %arg14[%dma_start3A, %dma_start3A_360] : memref<4x32xi32, #tpu.memory_space<vmem>> -> memref<1x32xi32, #tpu.memory_space<vmem>>
          %dma_start3A_362 = tpu.memref_squeeze %dma_start3A_361 : memref<1x32xi32, #tpu.memory_space<vmem>> -> memref<32xi32, #tpu.memory_space<vmem>>
          %dma_start3A_363 = arith.constant 0 : i32
          %dma_start3A_364 = arith.constant 0 : i32
          %dma_start3A_365 = tpu.memref_slice %arg5[%dma_start3A_363, %dma_start3A_364] : memref<100000x768xf32, #tpu.memory_space<hbm>> -> memref<100000x768xf32, #tpu.memory_space<hbm>>
          tpu.enqueue_indirect_dma source(%dma_start3A_365 : memref<100000x768xf32, #tpu.memory_space<hbm>>) target(%arg18 : memref<32x768xf32, #tpu.memory_space<vmem>>) offsets(%dma_start3A_362 : memref<32xi32, #tpu.memory_space<vmem>>) semaphore(%arg22 : memref<!tpu.dma_semaphore, #tpu.memory_space<semaphore_mem>>)
        } else {
        }
      } else {
      }
      %mul3A_236 = arith.constant 4 : i32
      %mul3A_237 = arith.muli %while3A_211, %mul3A_236 : i32
      %add3A_238 = arith.constant 3 : i32
      %add3A_239 = arith.addi %mul3A_237, %add3A_238 : i32
      %lt3A_240 = arith.cmpi slt, %add3A_239, %add3A_154 : i32
      %convert_element_type3A_241 = arith.extui %lt3A_240 : i1 to i32
      %cond3A_242 = arith.constant 0 : i32
      %cond3A_243 = arith.cmpi ne, %convert_element_type3A_241, %cond3A_242 : i32
      scf.if %cond3A_243 {
        %ge3A = arith.constant 4 : i32
        %ge3A_277 = arith.cmpi sge, %add3A_239, %ge3A : i32
        %convert_element_type3A_278 = arith.extui %ge3A_277 : i1 to i32
        %cond3A_279 = arith.constant 0 : i32
        %cond3A_280 = arith.cmpi ne, %convert_element_type3A_278, %cond3A_279 : i32
        scf.if %cond3A_280 {
          %dma_wait3A = arith.constant 3 : i32
          %dma_wait3A_300 = arith.constant 0 : i32
          %dma_wait3A_301 = tpu.memref_slice %arg15[%dma_wait3A, %dma_wait3A_300] : memref<4x32xi32, #tpu.memory_space<vmem>> -> memref<1x32xi32, #tpu.memory_space<vmem>>
          %dma_wait3A_302 = tpu.memref_squeeze %dma_wait3A_301 : memref<1x32xi32, #tpu.memory_space<vmem>> -> memref<32xi32, #tpu.memory_space<vmem>>
          %dma_wait3A_303 = arith.constant 0 : i32
          %dma_wait3A_304 = arith.constant 0 : i32
          %dma_wait3A_305 = tpu.memref_slice %arg6[%dma_wait3A_303, %dma_wait3A_304] : memref<51200x768xf32, #tpu.memory_space<hbm>> -> memref<51200x768xf32, #tpu.memory_space<hbm>>
          tpu.wait_indirect_dma semaphore(%arg27 : memref<!tpu.dma_semaphore, #tpu.memory_space<semaphore_mem>>) src(%arg19 : memref<32x768xf32, #tpu.memory_space<vmem>>) dst(%dma_wait3A_305 : memref<51200x768xf32, #tpu.memory_space<hbm>>)
        } else {
        }
        %ge3A_281 = arith.constant 0 : i32
        %ge3A_282 = arith.cmpi sge, %add3A_239, %ge3A_281 : i32
        %lt3A_283 = arith.cmpi slt, %add3A_239, %select_n3A : i32
        %and3A_284 = arith.andi %ge3A_282, %lt3A_283 : i1
        %convert_element_type3A_285 = arith.extui %and3A_284 : i1 to i32
        %cond3A_286 = arith.constant 0 : i32
        %cond3A_287 = arith.cmpi ne, %convert_element_type3A_285, %cond3A_286 : i32
        scf.if %cond3A_287 {
          %sub3A_300 = arith.constant 0 : i32
          %sub3A_301 = arith.subi %add3A_239, %sub3A_300 : i32
          %mul3A_302 = arith.constant 32 : i32
          %mul3A_303 = arith.muli %sub3A_301, %mul3A_302 : i32
          %add3A_304 = arith.constant 0 : i32
          %add3A_305 = arith.addi %mul3A_303, %add3A_304 : i32
          %get3A = arith.index_cast %add3A_305 : i32 to index
          %get3A_306 = tpu.vector_load %arg8[%get3A] {strides = array<i32>} : memref<1632xi32, #tpu.memory_space<vmem>>, vector<16xi32>,
          %get3A_307 = vector.shape_cast %get3A_306 : vector<16xi32> to vector<16xi32>
          %swap3A_308 = arith.constant 3 : i32
          %swap3A_309 = arith.constant 0 : i32
          %swap3A_310 = tpu.memref_slice %arg14[%swap3A_308, %swap3A_309] : memref<4x32xi32, #tpu.memory_space<vmem>> -> memref<1x32xi32, #tpu.memory_space<vmem>>
          %swap3A_311 = tpu.memref_squeeze %swap3A_310 : memref<1x32xi32, #tpu.memory_space<vmem>> -> memref<32xi32, #tpu.memory_space<vmem>>
          %swap3A_312 = arith.constant 0 : index
          %swap3A_313 = tpu.vector_load %swap3A_311[%swap3A_312] {strides = array<i32>} : memref<32xi32, #tpu.memory_space<vmem>>, vector<16xi32>,
          %swap3A_314 = vector.shape_cast %swap3A_313 : vector<16xi32> to vector<16xi32>
          %swap3A_315 = vector.shape_cast %get3A_307 : vector<16xi32> to vector<16xi32>
          tpu.vector_store %swap3A_311[%swap3A_312], %swap3A_315 {strides = array<i32>} : memref<32xi32, #tpu.memory_space<vmem>>, vector<16xi32>,
          %mul3A_316 = arith.constant 32 : i32
          %mul3A_317 = arith.muli %sub3A_301, %mul3A_316 : i32
          %add3A_318 = arith.constant 0 : i32
          %add3A_319 = arith.addi %mul3A_317, %add3A_318 : i32
          %get3A_320 = arith.index_cast %add3A_319 : i32 to index
          %get3A_321 = tpu.vector_load %arg11[%get3A_320] {strides = array<i32>} : memref<1632xi32, #tpu.memory_space<vmem>>, vector<16xi32>,
          %get3A_322 = vector.shape_cast %get3A_321 : vector<16xi32> to vector<16xi32>
          %swap3A_323 = arith.constant 3 : i32
          %swap3A_324 = arith.constant 0 : i32
          %swap3A_325 = tpu.memref_slice %arg15[%swap3A_323, %swap3A_324] : memref<4x32xi32, #tpu.memory_space<vmem>> -> memref<1x32xi32, #tpu.memory_space<vmem>>
          %swap3A_326 = tpu.memref_squeeze %swap3A_325 : memref<1x32xi32, #tpu.memory_space<vmem>> -> memref<32xi32, #tpu.memory_space<vmem>>
          %swap3A_327 = arith.constant 0 : index
          %swap3A_328 = tpu.vector_load %swap3A_326[%swap3A_327] {strides = array<i32>} : memref<32xi32, #tpu.memory_space<vmem>>, vector<16xi32>,
          %swap3A_329 = vector.shape_cast %swap3A_328 : vector<16xi32> to vector<16xi32>
          %swap3A_330 = vector.shape_cast %get3A_322 : vector<16xi32> to vector<16xi32>
          tpu.vector_store %swap3A_326[%swap3A_327], %swap3A_330 {strides = array<i32>} : memref<32xi32, #tpu.memory_space<vmem>>, vector<16xi32>,
          %mul3A_331 = arith.constant 32 : i32
          %mul3A_332 = arith.muli %sub3A_301, %mul3A_331 : i32
          %add3A_333 = arith.constant 16 : i32
          %add3A_334 = arith.addi %mul3A_332, %add3A_333 : i32
          %get3A_335 = arith.index_cast %add3A_334 : i32 to index
          %get3A_336 = tpu.vector_load %arg8[%get3A_335] {strides = array<i32>} : memref<1632xi32, #tpu.memory_space<vmem>>, vector<16xi32>,
          %get3A_337 = vector.shape_cast %get3A_336 : vector<16xi32> to vector<16xi32>
          %swap3A_338 = arith.constant 3 : i32
          %swap3A_339 = arith.constant 0 : i32
          %swap3A_340 = tpu.memref_slice %arg14[%swap3A_338, %swap3A_339] : memref<4x32xi32, #tpu.memory_space<vmem>> -> memref<1x32xi32, #tpu.memory_space<vmem>>
          %swap3A_341 = tpu.memref_squeeze %swap3A_340 : memref<1x32xi32, #tpu.memory_space<vmem>> -> memref<32xi32, #tpu.memory_space<vmem>>
          %swap3A_342 = arith.constant 16 : index
          %swap3A_343 = tpu.vector_load %swap3A_341[%swap3A_342] {strides = array<i32>} : memref<32xi32, #tpu.memory_space<vmem>>, vector<16xi32>,
          %swap3A_344 = vector.shape_cast %swap3A_343 : vector<16xi32> to vector<16xi32>
          %swap3A_345 = vector.shape_cast %get3A_337 : vector<16xi32> to vector<16xi32>
          tpu.vector_store %swap3A_341[%swap3A_342], %swap3A_345 {strides = array<i32>} : memref<32xi32, #tpu.memory_space<vmem>>, vector<16xi32>,
          %mul3A_346 = arith.constant 32 : i32
          %mul3A_347 = arith.muli %sub3A_301, %mul3A_346 : i32
          %add3A_348 = arith.constant 16 : i32
          %add3A_349 = arith.addi %mul3A_347, %add3A_348 : i32
          %get3A_350 = arith.index_cast %add3A_349 : i32 to index
          %get3A_351 = tpu.vector_load %arg11[%get3A_350] {strides = array<i32>} : memref<1632xi32, #tpu.memory_space<vmem>>, vector<16xi32>,
          %get3A_352 = vector.shape_cast %get3A_351 : vector<16xi32> to vector<16xi32>
          %swap3A_353 = arith.constant 3 : i32
          %swap3A_354 = arith.constant 0 : i32
          %swap3A_355 = tpu.memref_slice %arg15[%swap3A_353, %swap3A_354] : memref<4x32xi32, #tpu.memory_space<vmem>> -> memref<1x32xi32, #tpu.memory_space<vmem>>
          %swap3A_356 = tpu.memref_squeeze %swap3A_355 : memref<1x32xi32, #tpu.memory_space<vmem>> -> memref<32xi32, #tpu.memory_space<vmem>>
          %swap3A_357 = arith.constant 16 : index
          %swap3A_358 = tpu.vector_load %swap3A_356[%swap3A_357] {strides = array<i32>} : memref<32xi32, #tpu.memory_space<vmem>>, vector<16xi32>,
          %swap3A_359 = vector.shape_cast %swap3A_358 : vector<16xi32> to vector<16xi32>
          %swap3A_360 = vector.shape_cast %get3A_352 : vector<16xi32> to vector<16xi32>
          tpu.vector_store %swap3A_356[%swap3A_357], %swap3A_360 {strides = array<i32>} : memref<32xi32, #tpu.memory_space<vmem>>, vector<16xi32>,
          %dma_start3A = arith.constant 3 : i32
          %dma_start3A_361 = arith.constant 0 : i32
          %dma_start3A_362 = tpu.memref_slice %arg14[%dma_start3A, %dma_start3A_361] : memref<4x32xi32, #tpu.memory_space<vmem>> -> memref<1x32xi32, #tpu.memory_space<vmem>>
          %dma_start3A_363 = tpu.memref_squeeze %dma_start3A_362 : memref<1x32xi32, #tpu.memory_space<vmem>> -> memref<32xi32, #tpu.memory_space<vmem>>
          %dma_start3A_364 = arith.constant 0 : i32
          %dma_start3A_365 = arith.constant 0 : i32
          %dma_start3A_366 = tpu.memref_slice %arg3[%dma_start3A_364, %dma_start3A_365] : memref<50257x768xf32, #tpu.memory_space<hbm>> -> memref<50257x768xf32, #tpu.memory_space<hbm>>
          tpu.enqueue_indirect_dma source(%dma_start3A_366 : memref<50257x768xf32, #tpu.memory_space<hbm>>) target(%arg19 : memref<32x768xf32, #tpu.memory_space<vmem>>) offsets(%dma_start3A_363 : memref<32xi32, #tpu.memory_space<vmem>>) semaphore(%arg23 : memref<!tpu.dma_semaphore, #tpu.memory_space<semaphore_mem>>)
        } else {
        }
        %ge3A_288 = arith.cmpi sge, %add3A_239, %select_n3A : i32
        %lt3A_289 = arith.cmpi slt, %add3A_239, %add3A_153 : i32
        %and3A_290 = arith.andi %ge3A_288, %lt3A_289 : i1
        %convert_element_type3A_291 = arith.extui %and3A_290 : i1 to i32
        %cond3A_292 = arith.constant 0 : i32
        %cond3A_293 = arith.cmpi ne, %convert_element_type3A_291, %cond3A_292 : i32
        scf.if %cond3A_293 {
          %sub3A_300 = arith.subi %add3A_239, %select_n3A : i32
          %mul3A_301 = arith.constant 32 : i32
          %mul3A_302 = arith.muli %sub3A_300, %mul3A_301 : i32
          %add3A_303 = arith.constant 0 : i32
          %add3A_304 = arith.addi %mul3A_302, %add3A_303 : i32
          %get3A = arith.index_cast %add3A_304 : i32 to index
          %get3A_305 = tpu.vector_load %arg9[%get3A] {strides = array<i32>} : memref<1632xi32, #tpu.memory_space<vmem>>, vector<16xi32>,
          %get3A_306 = vector.shape_cast %get3A_305 : vector<16xi32> to vector<16xi32>
          %swap3A_307 = arith.constant 3 : i32
          %swap3A_308 = arith.constant 0 : i32
          %swap3A_309 = tpu.memref_slice %arg14[%swap3A_307, %swap3A_308] : memref<4x32xi32, #tpu.memory_space<vmem>> -> memref<1x32xi32, #tpu.memory_space<vmem>>
          %swap3A_310 = tpu.memref_squeeze %swap3A_309 : memref<1x32xi32, #tpu.memory_space<vmem>> -> memref<32xi32, #tpu.memory_space<vmem>>
          %swap3A_311 = arith.constant 0 : index
          %swap3A_312 = tpu.vector_load %swap3A_310[%swap3A_311] {strides = array<i32>} : memref<32xi32, #tpu.memory_space<vmem>>, vector<16xi32>,
          %swap3A_313 = vector.shape_cast %swap3A_312 : vector<16xi32> to vector<16xi32>
          %swap3A_314 = vector.shape_cast %get3A_306 : vector<16xi32> to vector<16xi32>
          tpu.vector_store %swap3A_310[%swap3A_311], %swap3A_314 {strides = array<i32>} : memref<32xi32, #tpu.memory_space<vmem>>, vector<16xi32>,
          %mul3A_315 = arith.constant 32 : i32
          %mul3A_316 = arith.muli %sub3A_300, %mul3A_315 : i32
          %add3A_317 = arith.constant 0 : i32
          %add3A_318 = arith.addi %mul3A_316, %add3A_317 : i32
          %get3A_319 = arith.index_cast %add3A_318 : i32 to index
          %get3A_320 = tpu.vector_load %arg12[%get3A_319] {strides = array<i32>} : memref<1632xi32, #tpu.memory_space<vmem>>, vector<16xi32>,
          %get3A_321 = vector.shape_cast %get3A_320 : vector<16xi32> to vector<16xi32>
          %swap3A_322 = arith.constant 3 : i32
          %swap3A_323 = arith.constant 0 : i32
          %swap3A_324 = tpu.memref_slice %arg15[%swap3A_322, %swap3A_323] : memref<4x32xi32, #tpu.memory_space<vmem>> -> memref<1x32xi32, #tpu.memory_space<vmem>>
          %swap3A_325 = tpu.memref_squeeze %swap3A_324 : memref<1x32xi32, #tpu.memory_space<vmem>> -> memref<32xi32, #tpu.memory_space<vmem>>
          %swap3A_326 = arith.constant 0 : index
          %swap3A_327 = tpu.vector_load %swap3A_325[%swap3A_326] {strides = array<i32>} : memref<32xi32, #tpu.memory_space<vmem>>, vector<16xi32>,
          %swap3A_328 = vector.shape_cast %swap3A_327 : vector<16xi32> to vector<16xi32>
          %swap3A_329 = vector.shape_cast %get3A_321 : vector<16xi32> to vector<16xi32>
          tpu.vector_store %swap3A_325[%swap3A_326], %swap3A_329 {strides = array<i32>} : memref<32xi32, #tpu.memory_space<vmem>>, vector<16xi32>,
          %mul3A_330 = arith.constant 32 : i32
          %mul3A_331 = arith.muli %sub3A_300, %mul3A_330 : i32
          %add3A_332 = arith.constant 16 : i32
          %add3A_333 = arith.addi %mul3A_331, %add3A_332 : i32
          %get3A_334 = arith.index_cast %add3A_333 : i32 to index
          %get3A_335 = tpu.vector_load %arg9[%get3A_334] {strides = array<i32>} : memref<1632xi32, #tpu.memory_space<vmem>>, vector<16xi32>,
          %get3A_336 = vector.shape_cast %get3A_335 : vector<16xi32> to vector<16xi32>
          %swap3A_337 = arith.constant 3 : i32
          %swap3A_338 = arith.constant 0 : i32
          %swap3A_339 = tpu.memref_slice %arg14[%swap3A_337, %swap3A_338] : memref<4x32xi32, #tpu.memory_space<vmem>> -> memref<1x32xi32, #tpu.memory_space<vmem>>
          %swap3A_340 = tpu.memref_squeeze %swap3A_339 : memref<1x32xi32, #tpu.memory_space<vmem>> -> memref<32xi32, #tpu.memory_space<vmem>>
          %swap3A_341 = arith.constant 16 : index
          %swap3A_342 = tpu.vector_load %swap3A_340[%swap3A_341] {strides = array<i32>} : memref<32xi32, #tpu.memory_space<vmem>>, vector<16xi32>,
          %swap3A_343 = vector.shape_cast %swap3A_342 : vector<16xi32> to vector<16xi32>
          %swap3A_344 = vector.shape_cast %get3A_336 : vector<16xi32> to vector<16xi32>
          tpu.vector_store %swap3A_340[%swap3A_341], %swap3A_344 {strides = array<i32>} : memref<32xi32, #tpu.memory_space<vmem>>, vector<16xi32>,
          %mul3A_345 = arith.constant 32 : i32
          %mul3A_346 = arith.muli %sub3A_300, %mul3A_345 : i32
          %add3A_347 = arith.constant 16 : i32
          %add3A_348 = arith.addi %mul3A_346, %add3A_347 : i32
          %get3A_349 = arith.index_cast %add3A_348 : i32 to index
          %get3A_350 = tpu.vector_load %arg12[%get3A_349] {strides = array<i32>} : memref<1632xi32, #tpu.memory_space<vmem>>, vector<16xi32>,
          %get3A_351 = vector.shape_cast %get3A_350 : vector<16xi32> to vector<16xi32>
          %swap3A_352 = arith.constant 3 : i32
          %swap3A_353 = arith.constant 0 : i32
          %swap3A_354 = tpu.memref_slice %arg15[%swap3A_352, %swap3A_353] : memref<4x32xi32, #tpu.memory_space<vmem>> -> memref<1x32xi32, #tpu.memory_space<vmem>>
          %swap3A_355 = tpu.memref_squeeze %swap3A_354 : memref<1x32xi32, #tpu.memory_space<vmem>> -> memref<32xi32, #tpu.memory_space<vmem>>
          %swap3A_356 = arith.constant 16 : index
          %swap3A_357 = tpu.vector_load %swap3A_355[%swap3A_356] {strides = array<i32>} : memref<32xi32, #tpu.memory_space<vmem>>, vector<16xi32>,
          %swap3A_358 = vector.shape_cast %swap3A_357 : vector<16xi32> to vector<16xi32>
          %swap3A_359 = vector.shape_cast %get3A_351 : vector<16xi32> to vector<16xi32>
          tpu.vector_store %swap3A_355[%swap3A_356], %swap3A_359 {strides = array<i32>} : memref<32xi32, #tpu.memory_space<vmem>>, vector<16xi32>,
          %dma_start3A = arith.constant 3 : i32
          %dma_start3A_360 = arith.constant 0 : i32
          %dma_start3A_361 = tpu.memref_slice %arg14[%dma_start3A, %dma_start3A_360] : memref<4x32xi32, #tpu.memory_space<vmem>> -> memref<1x32xi32, #tpu.memory_space<vmem>>
          %dma_start3A_362 = tpu.memref_squeeze %dma_start3A_361 : memref<1x32xi32, #tpu.memory_space<vmem>> -> memref<32xi32, #tpu.memory_space<vmem>>
          %dma_start3A_363 = arith.constant 0 : i32
          %dma_start3A_364 = arith.constant 0 : i32
          %dma_start3A_365 = tpu.memref_slice %arg4[%dma_start3A_363, %dma_start3A_364] : memref<100000x768xf32, #tpu.memory_space<hbm>> -> memref<100000x768xf32, #tpu.memory_space<hbm>>
          tpu.enqueue_indirect_dma source(%dma_start3A_365 : memref<100000x768xf32, #tpu.memory_space<hbm>>) target(%arg19 : memref<32x768xf32, #tpu.memory_space<vmem>>) offsets(%dma_start3A_362 : memref<32xi32, #tpu.memory_space<vmem>>) semaphore(%arg23 : memref<!tpu.dma_semaphore, #tpu.memory_space<semaphore_mem>>)
        } else {
        }
        %ge3A_294 = arith.cmpi sge, %add3A_239, %add3A_153 : i32
        %lt3A_295 = arith.cmpi slt, %add3A_239, %add3A_154 : i32
        %and3A_296 = arith.andi %ge3A_294, %lt3A_295 : i1
        %convert_element_type3A_297 = arith.extui %and3A_296 : i1 to i32
        %cond3A_298 = arith.constant 0 : i32
        %cond3A_299 = arith.cmpi ne, %convert_element_type3A_297, %cond3A_298 : i32
        scf.if %cond3A_299 {
          %sub3A_300 = arith.subi %add3A_239, %add3A_153 : i32
          %mul3A_301 = arith.constant 32 : i32
          %mul3A_302 = arith.muli %sub3A_300, %mul3A_301 : i32
          %add3A_303 = arith.constant 0 : i32
          %add3A_304 = arith.addi %mul3A_302, %add3A_303 : i32
          %get3A = arith.index_cast %add3A_304 : i32 to index
          %get3A_305 = tpu.vector_load %arg10[%get3A] {strides = array<i32>} : memref<1632xi32, #tpu.memory_space<vmem>>, vector<16xi32>,
          %get3A_306 = vector.shape_cast %get3A_305 : vector<16xi32> to vector<16xi32>
          %swap3A_307 = arith.constant 3 : i32
          %swap3A_308 = arith.constant 0 : i32
          %swap3A_309 = tpu.memref_slice %arg14[%swap3A_307, %swap3A_308] : memref<4x32xi32, #tpu.memory_space<vmem>> -> memref<1x32xi32, #tpu.memory_space<vmem>>
          %swap3A_310 = tpu.memref_squeeze %swap3A_309 : memref<1x32xi32, #tpu.memory_space<vmem>> -> memref<32xi32, #tpu.memory_space<vmem>>
          %swap3A_311 = arith.constant 0 : index
          %swap3A_312 = tpu.vector_load %swap3A_310[%swap3A_311] {strides = array<i32>} : memref<32xi32, #tpu.memory_space<vmem>>, vector<16xi32>,
          %swap3A_313 = vector.shape_cast %swap3A_312 : vector<16xi32> to vector<16xi32>
          %swap3A_314 = vector.shape_cast %get3A_306 : vector<16xi32> to vector<16xi32>
          tpu.vector_store %swap3A_310[%swap3A_311], %swap3A_314 {strides = array<i32>} : memref<32xi32, #tpu.memory_space<vmem>>, vector<16xi32>,
          %mul3A_315 = arith.constant 32 : i32
          %mul3A_316 = arith.muli %sub3A_300, %mul3A_315 : i32
          %add3A_317 = arith.constant 0 : i32
          %add3A_318 = arith.addi %mul3A_316, %add3A_317 : i32
          %get3A_319 = arith.index_cast %add3A_318 : i32 to index
          %get3A_320 = tpu.vector_load %arg13[%get3A_319] {strides = array<i32>} : memref<1632xi32, #tpu.memory_space<vmem>>, vector<16xi32>,
          %get3A_321 = vector.shape_cast %get3A_320 : vector<16xi32> to vector<16xi32>
          %swap3A_322 = arith.constant 3 : i32
          %swap3A_323 = arith.constant 0 : i32
          %swap3A_324 = tpu.memref_slice %arg15[%swap3A_322, %swap3A_323] : memref<4x32xi32, #tpu.memory_space<vmem>> -> memref<1x32xi32, #tpu.memory_space<vmem>>
          %swap3A_325 = tpu.memref_squeeze %swap3A_324 : memref<1x32xi32, #tpu.memory_space<vmem>> -> memref<32xi32, #tpu.memory_space<vmem>>
          %swap3A_326 = arith.constant 0 : index
          %swap3A_327 = tpu.vector_load %swap3A_325[%swap3A_326] {strides = array<i32>} : memref<32xi32, #tpu.memory_space<vmem>>, vector<16xi32>,
          %swap3A_328 = vector.shape_cast %swap3A_327 : vector<16xi32> to vector<16xi32>
          %swap3A_329 = vector.shape_cast %get3A_321 : vector<16xi32> to vector<16xi32>
          tpu.vector_store %swap3A_325[%swap3A_326], %swap3A_329 {strides = array<i32>} : memref<32xi32, #tpu.memory_space<vmem>>, vector<16xi32>,
          %mul3A_330 = arith.constant 32 : i32
          %mul3A_331 = arith.muli %sub3A_300, %mul3A_330 : i32
          %add3A_332 = arith.constant 16 : i32
          %add3A_333 = arith.addi %mul3A_331, %add3A_332 : i32
          %get3A_334 = arith.index_cast %add3A_333 : i32 to index
          %get3A_335 = tpu.vector_load %arg10[%get3A_334] {strides = array<i32>} : memref<1632xi32, #tpu.memory_space<vmem>>, vector<16xi32>,
          %get3A_336 = vector.shape_cast %get3A_335 : vector<16xi32> to vector<16xi32>
          %swap3A_337 = arith.constant 3 : i32
          %swap3A_338 = arith.constant 0 : i32
          %swap3A_339 = tpu.memref_slice %arg14[%swap3A_337, %swap3A_338] : memref<4x32xi32, #tpu.memory_space<vmem>> -> memref<1x32xi32, #tpu.memory_space<vmem>>
          %swap3A_340 = tpu.memref_squeeze %swap3A_339 : memref<1x32xi32, #tpu.memory_space<vmem>> -> memref<32xi32, #tpu.memory_space<vmem>>
          %swap3A_341 = arith.constant 16 : index
          %swap3A_342 = tpu.vector_load %swap3A_340[%swap3A_341] {strides = array<i32>} : memref<32xi32, #tpu.memory_space<vmem>>, vector<16xi32>,
          %swap3A_343 = vector.shape_cast %swap3A_342 : vector<16xi32> to vector<16xi32>
          %swap3A_344 = vector.shape_cast %get3A_336 : vector<16xi32> to vector<16xi32>
          tpu.vector_store %swap3A_340[%swap3A_341], %swap3A_344 {strides = array<i32>} : memref<32xi32, #tpu.memory_space<vmem>>, vector<16xi32>,
          %mul3A_345 = arith.constant 32 : i32
          %mul3A_346 = arith.muli %sub3A_300, %mul3A_345 : i32
          %add3A_347 = arith.constant 16 : i32
          %add3A_348 = arith.addi %mul3A_346, %add3A_347 : i32
          %get3A_349 = arith.index_cast %add3A_348 : i32 to index
          %get3A_350 = tpu.vector_load %arg13[%get3A_349] {strides = array<i32>} : memref<1632xi32, #tpu.memory_space<vmem>>, vector<16xi32>,
          %get3A_351 = vector.shape_cast %get3A_350 : vector<16xi32> to vector<16xi32>
          %swap3A_352 = arith.constant 3 : i32
          %swap3A_353 = arith.constant 0 : i32
          %swap3A_354 = tpu.memref_slice %arg15[%swap3A_352, %swap3A_353] : memref<4x32xi32, #tpu.memory_space<vmem>> -> memref<1x32xi32, #tpu.memory_space<vmem>>
          %swap3A_355 = tpu.memref_squeeze %swap3A_354 : memref<1x32xi32, #tpu.memory_space<vmem>> -> memref<32xi32, #tpu.memory_space<vmem>>
          %swap3A_356 = arith.constant 16 : index
          %swap3A_357 = tpu.vector_load %swap3A_355[%swap3A_356] {strides = array<i32>} : memref<32xi32, #tpu.memory_space<vmem>>, vector<16xi32>,
          %swap3A_358 = vector.shape_cast %swap3A_357 : vector<16xi32> to vector<16xi32>
          %swap3A_359 = vector.shape_cast %get3A_351 : vector<16xi32> to vector<16xi32>
          tpu.vector_store %swap3A_355[%swap3A_356], %swap3A_359 {strides = array<i32>} : memref<32xi32, #tpu.memory_space<vmem>>, vector<16xi32>,
          %dma_start3A = arith.constant 3 : i32
          %dma_start3A_360 = arith.constant 0 : i32
          %dma_start3A_361 = tpu.memref_slice %arg14[%dma_start3A, %dma_start3A_360] : memref<4x32xi32, #tpu.memory_space<vmem>> -> memref<1x32xi32, #tpu.memory_space<vmem>>
          %dma_start3A_362 = tpu.memref_squeeze %dma_start3A_361 : memref<1x32xi32, #tpu.memory_space<vmem>> -> memref<32xi32, #tpu.memory_space<vmem>>
          %dma_start3A_363 = arith.constant 0 : i32
          %dma_start3A_364 = arith.constant 0 : i32
          %dma_start3A_365 = tpu.memref_slice %arg5[%dma_start3A_363, %dma_start3A_364] : memref<100000x768xf32, #tpu.memory_space<hbm>> -> memref<100000x768xf32, #tpu.memory_space<hbm>>
          tpu.enqueue_indirect_dma source(%dma_start3A_365 : memref<100000x768xf32, #tpu.memory_space<hbm>>) target(%arg19 : memref<32x768xf32, #tpu.memory_space<vmem>>) offsets(%dma_start3A_362 : memref<32xi32, #tpu.memory_space<vmem>>) semaphore(%arg23 : memref<!tpu.dma_semaphore, #tpu.memory_space<semaphore_mem>>)
        } else {
        }
      } else {
      }
      %mul3A_244 = arith.constant 4 : i32
      %mul3A_245 = arith.muli %while3A_211, %mul3A_244 : i32
      %add3A_246 = arith.constant 0 : i32
      %add3A_247 = arith.addi %mul3A_245, %add3A_246 : i32
      %lt3A_248 = arith.cmpi slt, %add3A_247, %add3A_154 : i32
      %convert_element_type3A_249 = arith.extui %lt3A_248 : i1 to i32
      %cond3A_250 = arith.constant 0 : i32
      %cond3A_251 = arith.cmpi ne, %convert_element_type3A_249, %cond3A_250 : i32
      scf.if %cond3A_251 {
        %dma_wait3A = arith.constant 0 : i32
        %dma_wait3A_277 = arith.constant 0 : i32
        %dma_wait3A_278 = tpu.memref_slice %arg14[%dma_wait3A, %dma_wait3A_277] : memref<4x32xi32, #tpu.memory_space<vmem>> -> memref<1x32xi32, #tpu.memory_space<vmem>>
        %dma_wait3A_279 = tpu.memref_squeeze %dma_wait3A_278 : memref<1x32xi32, #tpu.memory_space<vmem>> -> memref<32xi32, #tpu.memory_space<vmem>>
        %dma_wait3A_280 = arith.constant 0 : i32
        %dma_wait3A_281 = arith.constant 0 : i32
        %dma_wait3A_282 = tpu.memref_slice %arg3[%dma_wait3A_280, %dma_wait3A_281] : memref<50257x768xf32, #tpu.memory_space<hbm>> -> memref<50257x768xf32, #tpu.memory_space<hbm>>
        tpu.wait_indirect_dma semaphore(%arg20 : memref<!tpu.dma_semaphore, #tpu.memory_space<semaphore_mem>>) src(%dma_wait3A_282 : memref<50257x768xf32, #tpu.memory_space<hbm>>) dst(%arg16 : memref<32x768xf32, #tpu.memory_space<vmem>>)
        %dma_start3A = arith.constant 0 : i32
        %dma_start3A_283 = arith.constant 0 : i32
        %dma_start3A_284 = tpu.memref_slice %arg15[%dma_start3A, %dma_start3A_283] : memref<4x32xi32, #tpu.memory_space<vmem>> -> memref<1x32xi32, #tpu.memory_space<vmem>>
        %dma_start3A_285 = tpu.memref_squeeze %dma_start3A_284 : memref<1x32xi32, #tpu.memory_space<vmem>> -> memref<32xi32, #tpu.memory_space<vmem>>
        %dma_start3A_286 = arith.constant 0 : i32
        %dma_start3A_287 = arith.constant 0 : i32
        %dma_start3A_288 = tpu.memref_slice %arg6[%dma_start3A_286, %dma_start3A_287] : memref<51200x768xf32, #tpu.memory_space<hbm>> -> memref<51200x768xf32, #tpu.memory_space<hbm>>
        tpu.enqueue_indirect_dma source(%arg16 : memref<32x768xf32, #tpu.memory_space<vmem>>) target(%dma_start3A_288 : memref<51200x768xf32, #tpu.memory_space<hbm>>) offsets(%dma_start3A_285 : memref<32xi32, #tpu.memory_space<vmem>>) semaphore(%arg24 : memref<!tpu.dma_semaphore, #tpu.memory_space<semaphore_mem>>)
      } else {
      }
      %mul3A_252 = arith.constant 4 : i32
      %mul3A_253 = arith.muli %while3A_211, %mul3A_252 : i32
      %add3A_254 = arith.constant 1 : i32
      %add3A_255 = arith.addi %mul3A_253, %add3A_254 : i32
      %lt3A_256 = arith.cmpi slt, %add3A_255, %add3A_154 : i32
      %convert_element_type3A_257 = arith.extui %lt3A_256 : i1 to i32
      %cond3A_258 = arith.constant 0 : i32
      %cond3A_259 = arith.cmpi ne, %convert_element_type3A_257, %cond3A_258 : i32
      scf.if %cond3A_259 {
        %dma_wait3A = arith.constant 1 : i32
        %dma_wait3A_277 = arith.constant 0 : i32
        %dma_wait3A_278 = tpu.memref_slice %arg14[%dma_wait3A, %dma_wait3A_277] : memref<4x32xi32, #tpu.memory_space<vmem>> -> memref<1x32xi32, #tpu.memory_space<vmem>>
        %dma_wait3A_279 = tpu.memref_squeeze %dma_wait3A_278 : memref<1x32xi32, #tpu.memory_space<vmem>> -> memref<32xi32, #tpu.memory_space<vmem>>
        %dma_wait3A_280 = arith.constant 0 : i32
        %dma_wait3A_281 = arith.constant 0 : i32
        %dma_wait3A_282 = tpu.memref_slice %arg3[%dma_wait3A_280, %dma_wait3A_281] : memref<50257x768xf32, #tpu.memory_space<hbm>> -> memref<50257x768xf32, #tpu.memory_space<hbm>>
        tpu.wait_indirect_dma semaphore(%arg21 : memref<!tpu.dma_semaphore, #tpu.memory_space<semaphore_mem>>) src(%dma_wait3A_282 : memref<50257x768xf32, #tpu.memory_space<hbm>>) dst(%arg17 : memref<32x768xf32, #tpu.memory_space<vmem>>)
        %dma_start3A = arith.constant 1 : i32
        %dma_start3A_283 = arith.constant 0 : i32
        %dma_start3A_284 = tpu.memref_slice %arg15[%dma_start3A, %dma_start3A_283] : memref<4x32xi32, #tpu.memory_space<vmem>> -> memref<1x32xi32, #tpu.memory_space<vmem>>
        %dma_start3A_285 = tpu.memref_squeeze %dma_start3A_284 : memref<1x32xi32, #tpu.memory_space<vmem>> -> memref<32xi32, #tpu.memory_space<vmem>>
        %dma_start3A_286 = arith.constant 0 : i32
        %dma_start3A_287 = arith.constant 0 : i32
        %dma_start3A_288 = tpu.memref_slice %arg6[%dma_start3A_286, %dma_start3A_287] : memref<51200x768xf32, #tpu.memory_space<hbm>> -> memref<51200x768xf32, #tpu.memory_space<hbm>>
        tpu.enqueue_indirect_dma source(%arg17 : memref<32x768xf32, #tpu.memory_space<vmem>>) target(%dma_start3A_288 : memref<51200x768xf32, #tpu.memory_space<hbm>>) offsets(%dma_start3A_285 : memref<32xi32, #tpu.memory_space<vmem>>) semaphore(%arg25 : memref<!tpu.dma_semaphore, #tpu.memory_space<semaphore_mem>>)
      } else {
      }
      %mul3A_260 = arith.constant 4 : i32
      %mul3A_261 = arith.muli %while3A_211, %mul3A_260 : i32
      %add3A_262 = arith.constant 2 : i32
      %add3A_263 = arith.addi %mul3A_261, %add3A_262 : i32
      %lt3A_264 = arith.cmpi slt, %add3A_263, %add3A_154 : i32
      %convert_element_type3A_265 = arith.extui %lt3A_264 : i1 to i32
      %cond3A_266 = arith.constant 0 : i32
      %cond3A_267 = arith.cmpi ne, %convert_element_type3A_265, %cond3A_266 : i32
      scf.if %cond3A_267 {
        %dma_wait3A = arith.constant 2 : i32
        %dma_wait3A_277 = arith.constant 0 : i32
        %dma_wait3A_278 = tpu.memref_slice %arg14[%dma_wait3A, %dma_wait3A_277] : memref<4x32xi32, #tpu.memory_space<vmem>> -> memref<1x32xi32, #tpu.memory_space<vmem>>
        %dma_wait3A_279 = tpu.memref_squeeze %dma_wait3A_278 : memref<1x32xi32, #tpu.memory_space<vmem>> -> memref<32xi32, #tpu.memory_space<vmem>>
        %dma_wait3A_280 = arith.constant 0 : i32
        %dma_wait3A_281 = arith.constant 0 : i32
        %dma_wait3A_282 = tpu.memref_slice %arg3[%dma_wait3A_280, %dma_wait3A_281] : memref<50257x768xf32, #tpu.memory_space<hbm>> -> memref<50257x768xf32, #tpu.memory_space<hbm>>
        tpu.wait_indirect_dma semaphore(%arg22 : memref<!tpu.dma_semaphore, #tpu.memory_space<semaphore_mem>>) src(%dma_wait3A_282 : memref<50257x768xf32, #tpu.memory_space<hbm>>) dst(%arg18 : memref<32x768xf32, #tpu.memory_space<vmem>>)
        %dma_start3A = arith.constant 2 : i32
        %dma_start3A_283 = arith.constant 0 : i32
        %dma_start3A_284 = tpu.memref_slice %arg15[%dma_start3A, %dma_start3A_283] : memref<4x32xi32, #tpu.memory_space<vmem>> -> memref<1x32xi32, #tpu.memory_space<vmem>>
        %dma_start3A_285 = tpu.memref_squeeze %dma_start3A_284 : memref<1x32xi32, #tpu.memory_space<vmem>> -> memref<32xi32, #tpu.memory_space<vmem>>
        %dma_start3A_286 = arith.constant 0 : i32
        %dma_start3A_287 = arith.constant 0 : i32
        %dma_start3A_288 = tpu.memref_slice %arg6[%dma_start3A_286, %dma_start3A_287] : memref<51200x768xf32, #tpu.memory_space<hbm>> -> memref<51200x768xf32, #tpu.memory_space<hbm>>
        tpu.enqueue_indirect_dma source(%arg18 : memref<32x768xf32, #tpu.memory_space<vmem>>) target(%dma_start3A_288 : memref<51200x768xf32, #tpu.memory_space<hbm>>) offsets(%dma_start3A_285 : memref<32xi32, #tpu.memory_space<vmem>>) semaphore(%arg26 : memref<!tpu.dma_semaphore, #tpu.memory_space<semaphore_mem>>)
      } else {
      }
      %mul3A_268 = arith.constant 4 : i32
      %mul3A_269 = arith.muli %while3A_211, %mul3A_268 : i32
      %add3A_270 = arith.constant 3 : i32
      %add3A_271 = arith.addi %mul3A_269, %add3A_270 : i32
      %lt3A_272 = arith.cmpi slt, %add3A_271, %add3A_154 : i32
      %convert_element_type3A_273 = arith.extui %lt3A_272 : i1 to i32
      %cond3A_274 = arith.constant 0 : i32
      %cond3A_275 = arith.cmpi ne, %convert_element_type3A_273, %cond3A_274 : i32
      scf.if %cond3A_275 {
        %dma_wait3A = arith.constant 3 : i32
        %dma_wait3A_277 = arith.constant 0 : i32
        %dma_wait3A_278 = tpu.memref_slice %arg14[%dma_wait3A, %dma_wait3A_277] : memref<4x32xi32, #tpu.memory_space<vmem>> -> memref<1x32xi32, #tpu.memory_space<vmem>>
        %dma_wait3A_279 = tpu.memref_squeeze %dma_wait3A_278 : memref<1x32xi32, #tpu.memory_space<vmem>> -> memref<32xi32, #tpu.memory_space<vmem>>
        %dma_wait3A_280 = arith.constant 0 : i32
        %dma_wait3A_281 = arith.constant 0 : i32
        %dma_wait3A_282 = tpu.memref_slice %arg3[%dma_wait3A_280, %dma_wait3A_281] : memref<50257x768xf32, #tpu.memory_space<hbm>> -> memref<50257x768xf32, #tpu.memory_space<hbm>>
        tpu.wait_indirect_dma semaphore(%arg23 : memref<!tpu.dma_semaphore, #tpu.memory_space<semaphore_mem>>) src(%dma_wait3A_282 : memref<50257x768xf32, #tpu.memory_space<hbm>>) dst(%arg19 : memref<32x768xf32, #tpu.memory_space<vmem>>)
        %dma_start3A = arith.constant 3 : i32
        %dma_start3A_283 = arith.constant 0 : i32
        %dma_start3A_284 = tpu.memref_slice %arg15[%dma_start3A, %dma_start3A_283] : memref<4x32xi32, #tpu.memory_space<vmem>> -> memref<1x32xi32, #tpu.memory_space<vmem>>
        %dma_start3A_285 = tpu.memref_squeeze %dma_start3A_284 : memref<1x32xi32, #tpu.memory_space<vmem>> -> memref<32xi32, #tpu.memory_space<vmem>>
        %dma_start3A_286 = arith.constant 0 : i32
        %dma_start3A_287 = arith.constant 0 : i32
        %dma_start3A_288 = tpu.memref_slice %arg6[%dma_start3A_286, %dma_start3A_287] : memref<51200x768xf32, #tpu.memory_space<hbm>> -> memref<51200x768xf32, #tpu.memory_space<hbm>>
        tpu.enqueue_indirect_dma source(%arg19 : memref<32x768xf32, #tpu.memory_space<vmem>>) target(%dma_start3A_288 : memref<51200x768xf32, #tpu.memory_space<hbm>>) offsets(%dma_start3A_285 : memref<32xi32, #tpu.memory_space<vmem>>) semaphore(%arg27 : memref<!tpu.dma_semaphore, #tpu.memory_space<semaphore_mem>>)
      } else {
      }
      %while3A_276 = arith.constant 0 : i32
      scf.yield %while3A_276 : i32
    }
    %gt3A = arith.constant 0 : i32
    %gt3A_194 = arith.cmpi sgt, %add3A_154, %gt3A : i32
    %convert_element_type3A = arith.extui %gt3A_194 : i1 to i32
    %cond3A = arith.constant 0 : i32
    %cond3A_195 = arith.cmpi ne, %convert_element_type3A, %cond3A : i32
    scf.if %cond3A_195 {
      %dma_wait3A = arith.constant 0 : i32
      %dma_wait3A_211 = arith.constant 0 : i32
      %dma_wait3A_212 = tpu.memref_slice %arg15[%dma_wait3A, %dma_wait3A_211] : memref<4x32xi32, #tpu.memory_space<vmem>> -> memref<1x32xi32, #tpu.memory_space<vmem>>
      %dma_wait3A_213 = tpu.memref_squeeze %dma_wait3A_212 : memref<1x32xi32, #tpu.memory_space<vmem>> -> memref<32xi32, #tpu.memory_space<vmem>>
      %dma_wait3A_214 = arith.constant 0 : i32
      %dma_wait3A_215 = arith.constant 0 : i32
      %dma_wait3A_216 = tpu.memref_slice %arg6[%dma_wait3A_214, %dma_wait3A_215] : memref<51200x768xf32, #tpu.memory_space<hbm>> -> memref<51200x768xf32, #tpu.memory_space<hbm>>
      tpu.wait_indirect_dma semaphore(%arg24 : memref<!tpu.dma_semaphore, #tpu.memory_space<semaphore_mem>>) src(%arg16 : memref<32x768xf32, #tpu.memory_space<vmem>>) dst(%dma_wait3A_216 : memref<51200x768xf32, #tpu.memory_space<hbm>>)
    } else {
    }
    %gt3A_196 = arith.constant 1 : i32
    %gt3A_197 = arith.cmpi sgt, %add3A_154, %gt3A_196 : i32
    %convert_element_type3A_198 = arith.extui %gt3A_197 : i1 to i32
    %cond3A_199 = arith.constant 0 : i32
    %cond3A_200 = arith.cmpi ne, %convert_element_type3A_198, %cond3A_199 : i32
    scf.if %cond3A_200 {
      %dma_wait3A = arith.constant 1 : i32
      %dma_wait3A_211 = arith.constant 0 : i32
      %dma_wait3A_212 = tpu.memref_slice %arg15[%dma_wait3A, %dma_wait3A_211] : memref<4x32xi32, #tpu.memory_space<vmem>> -> memref<1x32xi32, #tpu.memory_space<vmem>>
      %dma_wait3A_213 = tpu.memref_squeeze %dma_wait3A_212 : memref<1x32xi32, #tpu.memory_space<vmem>> -> memref<32xi32, #tpu.memory_space<vmem>>
      %dma_wait3A_214 = arith.constant 0 : i32
      %dma_wait3A_215 = arith.constant 0 : i32
      %dma_wait3A_216 = tpu.memref_slice %arg6[%dma_wait3A_214, %dma_wait3A_215] : memref<51200x768xf32, #tpu.memory_space<hbm>> -> memref<51200x768xf32, #tpu.memory_space<hbm>>
      tpu.wait_indirect_dma semaphore(%arg25 : memref<!tpu.dma_semaphore, #tpu.memory_space<semaphore_mem>>) src(%arg17 : memref<32x768xf32, #tpu.memory_space<vmem>>) dst(%dma_wait3A_216 : memref<51200x768xf32, #tpu.memory_space<hbm>>)
    } else {
    }
    %gt3A_201 = arith.constant 2 : i32
    %gt3A_202 = arith.cmpi sgt, %add3A_154, %gt3A_201 : i32
    %convert_element_type3A_203 = arith.extui %gt3A_202 : i1 to i32
    %cond3A_204 = arith.constant 0 : i32
    %cond3A_205 = arith.cmpi ne, %convert_element_type3A_203, %cond3A_204 : i32
    scf.if %cond3A_205 {
      %dma_wait3A = arith.constant 2 : i32
      %dma_wait3A_211 = arith.constant 0 : i32
      %dma_wait3A_212 = tpu.memref_slice %arg15[%dma_wait3A, %dma_wait3A_211] : memref<4x32xi32, #tpu.memory_space<vmem>> -> memref<1x32xi32, #tpu.memory_space<vmem>>
      %dma_wait3A_213 = tpu.memref_squeeze %dma_wait3A_212 : memref<1x32xi32, #tpu.memory_space<vmem>> -> memref<32xi32, #tpu.memory_space<vmem>>
      %dma_wait3A_214 = arith.constant 0 : i32
      %dma_wait3A_215 = arith.constant 0 : i32
      %dma_wait3A_216 = tpu.memref_slice %arg6[%dma_wait3A_214, %dma_wait3A_215] : memref<51200x768xf32, #tpu.memory_space<hbm>> -> memref<51200x768xf32, #tpu.memory_space<hbm>>
      tpu.wait_indirect_dma semaphore(%arg26 : memref<!tpu.dma_semaphore, #tpu.memory_space<semaphore_mem>>) src(%arg18 : memref<32x768xf32, #tpu.memory_space<vmem>>) dst(%dma_wait3A_216 : memref<51200x768xf32, #tpu.memory_space<hbm>>)
    } else {
    }
    %gt3A_206 = arith.constant 3 : i32
    %gt3A_207 = arith.cmpi sgt, %add3A_154, %gt3A_206 : i32
    %convert_element_type3A_208 = arith.extui %gt3A_207 : i1 to i32
    %cond3A_209 = arith.constant 0 : i32
    %cond3A_210 = arith.cmpi ne, %convert_element_type3A_208, %cond3A_209 : i32
    scf.if %cond3A_210 {
      %dma_wait3A = arith.constant 3 : i32
      %dma_wait3A_211 = arith.constant 0 : i32
      %dma_wait3A_212 = tpu.memref_slice %arg15[%dma_wait3A, %dma_wait3A_211] : memref<4x32xi32, #tpu.memory_space<vmem>> -> memref<1x32xi32, #tpu.memory_space<vmem>>
      %dma_wait3A_213 = tpu.memref_squeeze %dma_wait3A_212 : memref<1x32xi32, #tpu.memory_space<vmem>> -> memref<32xi32, #tpu.memory_space<vmem>>
      %dma_wait3A_214 = arith.constant 0 : i32
      %dma_wait3A_215 = arith.constant 0 : i32
      %dma_wait3A_216 = tpu.memref_slice %arg6[%dma_wait3A_214, %dma_wait3A_215] : memref<51200x768xf32, #tpu.memory_space<hbm>> -> memref<51200x768xf32, #tpu.memory_space<hbm>>
      tpu.wait_indirect_dma semaphore(%arg27 : memref<!tpu.dma_semaphore, #tpu.memory_space<semaphore_mem>>) src(%arg19 : memref<32x768xf32, #tpu.memory_space<vmem>>) dst(%dma_wait3A_216 : memref<51200x768xf32, #tpu.memory_space<hbm>>)
    } else {
    }
    return
  }
}

</mosaic_0001>

<sc_bundles>
// kernel: _lookup.3.cloned.1.call-start
scs
__scs_entry_jumppad:
0x0: {  	(pc) =	sbr.rel $0x88, $3  }
0x1: {  	(tag) =	ssettag $0x0;
	lr =	simm.s32 $0x1  }
0x2: {  	[smem:$0x3F9D] =	sst lr;
	_ =	strace $0xD0000000  }
0x3: {  	_ = 	snop  }
0x4: {  	_ = 	snop  }
0x5: {  	_ = 	snop  }
0x6: {  	_ = 	snop  }
0x7: {  	_ = 	snop  }
__scs_overlays_trampoline_lowered:
0x8: {  	[smem:$0x3FAC] =	sst s0  }
0x9: {  	[smem:$0x3FAD] =	sst s1  }
0xa: {  	[smem:$0x3FAE] =	sst s2  }
0xb: {  	[smem:$0x3FAF] =	sst s3  }
0xc: {  	[smem:$0x3FB0] =	sst s4  }
0xd: {  	[smem:$0x3FB1] =	sst s5  }
0xe: {  	[smem:$0x3FB2] =	sst s6  }
0xf: {  	[smem:$0x3FB3] =	sst s7  }
0x10: {  	[smem:$0x3FB4] =	sst s8  }
0x11: {  	[smem:$0x3FB5] =	sst s9;
	s0 =	simm.s32 @!p0 $0x0  }
0x12: {  	s1 =	sld [smem:$0x3F9B];
	s0 =	simm.s32 @p0 $0x1  }
0x13: {  	[smem:$0x3FB6] =	sst s0;
	s0 =	simm.s32 @!p1 $0x0  }
0x14: {  	s2 =	sld [smem:$0x3F9A];
	s0 =	simm.s32 @p1 $0x1  }
0x15: {  	[smem:$0x3FB7] =	sst s0;
	s0 =	simm.s32 @!p2 $0x0  }
0x16: {  	s3 =	sld [smem:$0x3FDB];
	s0 =	simm.s32 @p2 $0x1  }
0x17: {  	s4 =	simm.s32 $0x1BF5;
	[smem:$0x3FB9] =	sst s0  }
0x18: {  	s0 =	sld [smem:$0x3F9C];
	_ =	swait.ge [sflag:s4], $0x0  }
0x19: {  	s7 =	sld [smem:$0x3F9D]  }
0x1a: {  	s8 =	sadd.s32 $0xFFFFE003, lr  }
0x1b: {  	s9 =	sadd.s32 $0xFFFFFEF7, lr;
	s5 =	simm.s32 $0xFFFFFFFF;
	p2 =	slt.u32 s8, $0xFFFFF086  }
0x1c: {  	p1 =	slt.u32 s9, $0xF7A;
	s5 =	simm.s32 @!p2 $0x0  }
0x1d: {  	s5 =	simm.s32 @p1 $0x1;
	p0 =	seq.s32 s7, s2  }
0x1e: {  	s7 =	smul.u32 @!p0 $0xF7A, s2;
	p2 =	seq.s32 @!p0 s5, $0x0  }
0x1f: {  	s9 =	smul.u32 $0xF7A, s1;
	s8 =	simm.s32 @!p0 $0x1BF5;
	p2 =	por !p2, p0  }
0x20: {  	[sflag:s8] =	ssyncset.s32 @!p0 $0xFFFFF086;
	s6 =	sadd.s32 @!p0 s3, s7;
	s7 =	simm.s32 @!p0 $0x108  }
0x21: {  	s3 =	sadd.s32 s3, s9;
	s6 =	sadd.s32 @!p0 $0x88, s6;
	s7 =	simm.s32 @p2 $0x1082  }
0x22: {  	[simem:s7], [sflag:s8] =	dma.local @!p0 [hbm:s6], $0xF7A  }
0x23: {  	s9 =	sor.u32 $0xD0000000, s2;
	s6 =	simm.s32 $0x108;
	_ =	swait.ge @!p0 [sflag:s8], $0x0  }
0x24: {  	s3 =	sadd.s32 $0x88, s3;
	s6 =	simm.s32 @!p1 $0x1082;
	[sflag:s4] =	ssyncset.s32 $0xFFFFF086  }
0x25: {  	[simem:s6], [sflag:s4] =	dma.local [hbm:s3], $0xF7A  }
0x26: {  	[smem:$0x3F9D] =	sst s1;
	(tag) =	ssettag s2;
	_ =	strace s9  }
0x27: {  	s1 =	sld [smem:$0x3FAD]  }
0x28: {  	s2 =	sld [smem:$0x3FAE]  }
0x29: {  	s4 =	sld [smem:$0x3FB0]  }
0x2a: {  	p0 =	seq.s32 s5, $0x0;
	s5 =	sld [smem:$0x3FB1]  }
0x2b: {  	s6 =	sld [smem:$0x3FB2]  }
0x2c: {  	s7 =	sld [smem:$0x3FB3]  }
0x2d: {  	s3 =	simm.s32 $0x108;
	s8 =	sld [smem:$0x3FB4]  }
0x2e: {  	s3 =	simm.s32 @!p0 $0x1082;
	s9 =	sld [smem:$0x3FB5]  }
0x2f: {  	lr =	sadd.s32 s0, s3;
	s0 =	sld [smem:$0x3FAC]  }
0x30: {  	s3 =	sld [smem:$0x3FAF]  }
0x31: {  	[smem:$0x3FB8] =	sst s10  }
0x32: {  	s10 =	sld [smem:$0x3FB6];
	_ =	sdelay $0x3  }
0x33: {  	p0 =	seq.s32 s10, $0x1;
	s10 =	sld [smem:$0x3FB8];
	_ =	sdelay $0x3  }
0x34: {  	[smem:$0x3FB8] =	sst s10  }
0x35: {  	s10 =	sld [smem:$0x3FB7];
	_ =	sdelay $0x3  }
0x36: {  	p1 =	seq.s32 s10, $0x1;
	s10 =	sld [smem:$0x3FB8];
	_ =	sdelay $0x3  }
0x37: {  	[smem:$0x3FB8] =	sst s10  }
0x38: {  	s10 =	sld [smem:$0x3FB9]  }
0x39: {  	_ = 	snop;
	(pc) =	sbr.ind lr, $3  }
0x3a: {  	_ = 	snop  }
0x3b: {  	_ = 	snop  }
0x3c: {  	p2 =	seq.s32 s10, $0x1;
	s10 =	sld [smem:$0x3FB8]  }
0x3d: {  	_ =	shalt  }
0x3e: {  	_ =	shalt  }
0x3f: {  	_ =	shalt  }
0x40: {  	_ =	shalt  }
0x41: {  	_ =	shalt  }
0x42: {  	_ =	shalt  }
0x43: {  	_ =	shalt  }
0x44: {  	_ =	shalt  }
0x45: {  	_ =	shalt  }
0x46: {  	_ =	shalt  }
0x47: {  	_ =	shalt  }
0x48: {  	_ =	shalt  }
0x49: {  	_ =	shalt  }
0x4a: {  	_ =	shalt  }
0x4b: {  	_ =	shalt  }
0x4c: {  	_ =	shalt  }
0x4d: {  	_ =	shalt  }
0x4e: {  	_ =	shalt  }
0x4f: {  	_ =	shalt  }
0x50: {  	_ =	shalt  }
0x51: {  	_ =	shalt  }
0x52: {  	_ =	shalt  }
0x53: {  	_ =	shalt  }
0x54: {  	_ =	shalt  }
0x55: {  	_ =	shalt  }
0x56: {  	_ =	shalt  }
0x57: {  	_ =	shalt  }
0x58: {  	_ =	shalt  }
0x59: {  	_ =	shalt  }
0x5a: {  	_ =	shalt  }
0x5b: {  	_ =	shalt  }
0x5c: {  	_ =	shalt  }
0x5d: {  	_ =	shalt  }
0x5e: {  	_ =	shalt  }
0x5f: {  	_ =	shalt  }
0x60: {  	_ =	shalt  }
0x61: {  	_ =	shalt  }
0x62: {  	_ =	shalt  }
0x63: {  	_ =	shalt  }
0x64: {  	_ =	shalt  }
0x65: {  	_ =	shalt  }
0x66: {  	_ =	shalt  }
0x67: {  	_ =	shalt  }
0x68: {  	_ =	shalt  }
0x69: {  	_ =	shalt  }
0x6a: {  	_ =	shalt  }
0x6b: {  	_ =	shalt  }
0x6c: {  	_ =	shalt  }
0x6d: {  	_ =	shalt  }
0x6e: {  	_ =	shalt  }
0x6f: {  	_ =	shalt  }
0x70: {  	_ =	shalt  }
0x71: {  	_ =	shalt  }
0x72: {  	_ =	shalt  }
0x73: {  	_ =	shalt  }
0x74: {  	_ =	shalt  }
0x75: {  	_ =	shalt  }
0x76: {  	_ =	shalt  }
0x77: {  	_ =	shalt  }
0x78: {  	_ =	shalt  }
0x79: {  	_ =	shalt  }
0x7a: {  	_ =	shalt  }
0x7b: {  	_ =	shalt  }
0x7c: {  	_ =	shalt  }
0x7d: {  	_ =	shalt  }
0x7e: {  	_ =	shalt  }
0x7f: {  	_ =	shalt  }
0x80: {  	_ =	shalt  }
0x81: {  	_ =	shalt  }
0x82: {  	_ =	shalt  }
0x83: {  	_ =	shalt  }
0x84: {  	_ =	shalt  }
0x85: {  	_ =	shalt  }
0x86: {  	_ =	shalt  }
0x87: {  	_ =	shalt  }
.Lfunc_end0:
.L_simem_size_0:
called_computation_lowered:
.L_overlay_start_0:
0x88: {  	s2 =	sld [smem:$0x3FD9]  }
0x89: {  	s3 =	sld [smem:$0x3FFE];
	_ =	sdelay $0x1  }
0x8a: {  	s1 =	srdreg.scid  }
0x8b: {  	s0 =	sand.u32 $0x1, s1  }
0x8c: {  	s18 =	sshll.u32 s0, $0xA;
	s2 =	sadd.s32 s3, s2  }
0x8d: {  	s2 =	sadd.s32 s2, s18  }
0x8e: {  	[smem:$0x3FC4] =	sst s2  }
0x8f: {  	_ = 	snop  }
0x90: {  	s2 =	sld [smem:$0x3FC9]  }
0x91: {  	s19 =	sld [smem:$0x3FC8]  }
0x92: {  	s4 =	sld [smem:$0x3FC7]  }
0x93: {  	s5 =	sld [smem:$0x3FC6]  }
0x94: {  	s6 =	sld [smem:$0x3FD0];
	(tm) =	ssettm $0x1  }
0x95: {  	s7 =	sld [smem:$0x3FFB];
	_ =	sdelay $0x3  }
0x96: {  	_ =	strace s7  }
0x97: {  	s7 =	sld [smem:$0x3FFC];
	_ =	sdelay $0x3  }
0x98: {  	_ =	strace s7  }
0x99: {  	s7 =	sld [smem:$0x3FFD];
	_ =	sdelay $0x3  }
0x9a: {  	_ =	strace s7  }
0x9b: {  	_ =	strace $0x8FFFFFFF  }
0x9c: {  	s20 =	sld [smem:$0x3FDB];
	_ =	sdelay $0x1  }
0x9d: {  	s8 =	simm.s32 $_scs_section_size  }
0x9e: {  	s9 =	simm.s32 $_size__tile_overlayer_lowered;
	s10 =	simm.s32 $_tile_overlayer_lowered  }
0x9f: {  	s23 =	simm.s32 $0x1BFF;
	s22 =	sshll.u32 s10, $0x1;
	s7 =	sadd.s32 s8, s20  }
0xa0: {  	s11 =	simm.s32 $0x0;
	s21 =	sshll.u32 s9, $0x1;
	s9 =	sadd.s32 s22, s7  }
0xa1: {  	[timem:s11], [sflag:s23] =	dma.local [hbm:s9], s21  }
0xa2: {  	_ =	swait.ge [sflag:s23], s21  }
0xa3: {  	s8 =	ssub.s32 $0x0, s21;
	[sflag:s23] =	ssyncset.done $0x0  }
0xa4: {  	[sflag:s23] =	ssyncadd.s32 s8;
	_ =	sdelay $0x1  }
0xa5: {  	s24 =	simm.s32 $0x1B8B  }
0xa6: {  	_ =	swait.ge [sflag:s24], $0x1  }
0xa7: {  	[sflag:s24] =	ssyncset.done $0x0  }
0xa8: {  	s25 =	simm.s32 $0x1B8E;
	[sflag:s24] =	ssyncadd.s32 $0xFFFFFFFF  }
0xa9: {  	s26 =	simm.s32 $execute0_lowered;
	[smem:$0x3FD2] =	sst s25  }
0xaa: {  	s8 =	sshll.u32 s26, $0x1;
	_ =	strace $0x80000046;
	[dreg:$0x1] =	wrdreg $0xFFFFFFFF  }
0xab: {  	s28 =	simm.s32 $_size_execute0_lowered;
	s7 =	sadd.s32 s7, s8;
	[dreg:$0x0] =	wrdreg $0x0  }
0xac: {  	s8 =	sshll.u32 s28, $0x1;
	[dreg:$0x2] =	wrdreg s7  }
0xad: {  	[dreg:$0x3] =	wrdreg s8  }
0xae: {  	[dreg:$0x4] =	wrdreg $0xC0  }
0xaf: {  	_ =	task [dreg:s11], $0x5FFFF  }
0xb0: {  	[dreg:$0x1] =	wrdreg $0xFFFFFFFF  }
0xb1: {  	[dreg:$0x0] =	wrdreg $0x60  }
0xb2: {  	[dreg:$0x2] =	wrdreg s2  }
0xb3: {  	[dreg:$0x3] =	wrdreg s19  }
0xb4: {  	[dreg:$0x4] =	wrdreg s4  }
0xb5: {  	[dreg:$0x5] =	wrdreg s5  }
0xb6: {  	[dreg:$0x6] =	wrdreg s6  }
0xb7: {  	[dreg:$0x7] =	wrdreg $0x9  }
0xb8: {  	_ =	task.clear_ibuf [dreg:s11], $0x8FFFF;
	_ =	strace $0x90000046  }
0xb9: {  	s29 =	simm.s32 $0x9;
	_ =	strace $0x80000048  }
0xba: {  	_ =	swait.ge [sflag:s29], $0x1  }
0xbb: {  	[sflag:s29] =	ssyncadd.s32 $0xFFFFFFFF  }
0xbc: {  	_ =	strace $0x90000048  }
0xbd: {  	_ =	sfence  }
0xbe: {  	s30 =	sld [smem:$0x0];
	_ =	sdelay $0x2  }
0xbf: {  	s31 =	sshll.u32 s1, $0xD;
	s1 =	sshrl.u32 s1, $0x2  }
0xc0: {  	s3 =	sand.u32 $0x4000, s31;
	s1 =	sadd.s32 s1, s30  }
0xc1: {  	s0 =	sor.u32 s3, s0;
	s1 =	sshll.u32 s1, $0x11  }
0xc2: {  	s0 =	sor.u32 s1, s0  }
0xc3: {  	s0 =	sadd.s32 $0x8F2B, s0  }
0xc4: {  	[sflag:s0] =	ssyncadd.remote.s32 $0x1  }
0xc5: {  	_ =	sfence.sel $0xFFFF  }
0xc6: {  	[dreg:$0x0] =	wrdreg $0xFFFFFFFF;
	(pc) =	sbr.abs _section_cstart, $3  }
0xc7: {  	[dreg:$0x1] =	wrdreg $0xFFFFFFFF  }
0xc8: {  	_ =	task.clear_ibuf [dreg:s11], $0x2FFFF;
	_ =	strace $0x9FFFFFFF  }
0xc9: {  	(tm) =	ssettm $0x7FFFFFFF  }
tec
execute0_lowered:
.L_overlay_start_1:
0x0: {  	(tag) =	ssettag $0x1  }
0x1: {  	v0 =	vimm.s32 $0xEDCBA987  }
0x2: {  	v1 =	vimm.s32 $0x65432100;
	v0 =	vunpack.c.l.s4.s8 v0  }
0x3: {  	v3 =	vimm.s32 $0xDCBA9876;
	s9 =	rddreg [dreg:$0x0];
	v1 =	vunpack.c.l.s4.s8 v1  }
0x4: {  	s2 =	rddreg [dreg:$0x2];
	v6 =	vimm.s32 $0xE40000;
	v3 =	vunpack.c.l.s4.s8 v3;
	v2 =	vunpack.c.0.s8.s32 v0  }
0x5: {  	s3 =	rddreg [dreg:$0x3];
	v7 =	vimm.s32 $0x32100000;
	v4 =	vunpack.c.0.s8.s32 v1;
	v1 =	vimm.s32 $0x54321000  }
0x6: {  	s1 =	srdreg.scid;
	s5 =	rddreg [dreg:$0x4];
	v3 =	vunpack.c.0.s8.s32 v3;
	v5 =	vunpack.c.l.s4.s8 v1;
	v2 =	vand.u32 $0xF, v2  }
0x7: {  	s0 =	stileid.u32;
	s4 =	rddreg [dreg:$0x5];
	s6 =	simm.s32 $0x0;
	vm0 =	vmmov $0x3;
	v2 =	vcombine.low v4, v2;
	v4 =	vunpack.c.l.s2.s4 v6  }
0x8: {  	s17 =	simm.s32 $0x9;
	s18 =	simm.s32 $0x0;
	s7 =	sand.u32 $0x1, s1;
	v5 =	vunpack.c.0.s8.s32 v5;
	v6 =	vand.u32 $0xF, v3;
	v3 =	vimm.s32 $0xBA987654  }
0x9: {  	vm2 =	vcmask $0x3F30;
	s31 =	sshll.u32 s0, $0x1;
	[smem:$0x7FF] =	sst s6;
	s11 =	sadd.s32 $0x200, s2;
	v8 =	vunpack.c.l.s4.s8 v3;
	v9 =	vunpack.c.l.s4.s8 v4  }
0xa: {  	vm1 =	vmmov $0xf;
	s12 =	sadd.s32 $0x100, s3;
	s13 =	sadd.s32 $0x200, s3;
	s8 =	sor.u32 s7, s31;
	v4 =	vcombine.low v5, v6;
	v5 =	vunpack.c.l.s4.s8 v7  }
.Ltmp0:
0xb: {  	s14 =	sadd.s32 $0x100, s5;
	s1 =	sshll.u32 s8, $0x5;
	v7 =	vimm.s32 $0x7060504;
	v6 =	vunpack.c.0.s8.s32 v8;
	v8 =	vunpack.c.0.s8.s32 v9;
	(pc) =	sbr.rel .LBB2_1-.Ltmp0, $4  }
0xc: {  	s15 =	sadd.s32 $0x200, s5;
	s7 =	ssub.s32 $0x2, s7;
	s8 =	smul.u32 $0xC8, s8;
	v0 =	vmov s1;
	v7 =	vunpack.c.0.s8.s32 v7;
	v5 =	vunpack.c.0.s8.s32 v5  }
0xd: {  	s10 =	sshrl.u32 s7, $0x1;
	s1 =	rddreg [dreg:$0x1];
	v1 =	vlaneseq.u32;
	_ =	strace $0x80000047;
	v6 =	vand.u32 $0xF, v6;
	v8 =	vand.u32 $0x3, v8  }
0xe: {  	s16 =	ssub.s32 s7, s10;
	s10 =	sadd.s32 $0x100, s2;
	s7 =	sadd.s32 s9, s8;
	v3 =	vimm.s32 $0x0;
	v5 =	vcombine.low v5, v6;
	v6 =	vsel vm2, v7, v8  }
0xf: {  	s8 =	sadd.s32 $0x100, s1;
	s9 =	sadd.s32 $0x200, s1;
	s16 =	smax.u32 s16, $0x1;
	vm2 =	vmmov $0xff;
	v7 =	vadd.s32 $0x1, v1;
	v8 =	vimm.s32 $0x7  }
.LBB2_14:
0x10: {  	p0 =	slt.s32 s20, $0x1  }
0x11: {  	p1 =	seq.s32 @!p0 s20, $0x1  }
0x12: {  	s19 =	simm.s32 @!p0 $0x5;
	p2 =	por p1, p0  }
0x13: {  	_ =	swait.ge @!p0 [sflag:s19], $0x6000;
	p3 =	slt.u32 @!p2 s20, $0x3  }
0x14: {  	[sflag:s19] =	ssyncset.done @!p0 $0x0;
	p4 =	por @!p0 p3, p1  }
0x15: {  	[sflag:s19] =	ssyncadd.s32 @!p0 $0xFFFFA000;
	s19 =	simm.s32 @!p2 $0x6;
	p4 =	por p4, p0  }
0x16: {  	_ =	swait.ge @!p2 [sflag:s19], $0x6000;
	p5 =	seq.s32 @!p4 s20, $0x3  }
0x17: {  	s18 =	sadd.s32 $0x1, s18;
	[sflag:s19] =	ssyncset.done @!p2 $0x0;
	p3 =	por @!p2 p5, p3  }
0x18: {  	[sflag:s19] =	ssyncadd.s32 @!p2 $0xFFFFA000;
	s19 =	simm.s32 @!p4 $0x7;
	p1 =	por @!p0 p3, p1  }
0x19: {  	_ =	swait.ge @!p4 [sflag:s19], $0x6000;
	p0 =	por p1, p0;
	p1 =	sne.s32 s18, s16  }
.Ltmp1:
0x1a: {  	[sflag:s19] =	ssyncset.done @!p4 $0x0;
	(pc) =	sbr.rel @!p1 .LBB2_15-.Ltmp1, $4  }
0x1b: {  	[sflag:s19] =	ssyncadd.s32 @!p4 $0xFFFFA000;
	s19 =	simm.s32 @!p0 $0x8  }
0x1c: {  	_ =	swait.ge @!p0 [sflag:s19], $0x6000  }
0x1d: {  	[sflag:s19] =	ssyncset.done @!p0 $0x0  }
0x1e: {  	[sflag:s19] =	ssyncadd.s32 @!p0 $0xFFFFA000  }
.LBB2_1:
0x1f: {  	[tilespmem:s6], [sflag:$0x9] =	stream.linear.gather [hbm4b:s7+s6], $0x640, $0x38;
	[tilespmem:$0x1B180] =	vst v63  }
0x20: {  	_ =	swait.ge [sflag:s17], $0x640  }
0x21: {  	[sflag:s17] =	ssyncset.done $0x0  }
0x22: {  	[sflag:s17] =	ssyncadd.s32 $0xFFFFF9C0  }
0x23: {  	v15 =	vld [tilespmem:s6+$0x0];
	_ =	sdelay $0x4  }
0x24: {  	vm3 =	vlt.s32 v15, $0xC451  }
0x25: {  	vm4 =	vgt.s32 v15, $0x24AF0;
	v9 =	vsel vm3, $0x1, v3  }
0x26: {  	v10 =	vsel vm4, $0x1, v3;
	v11 =	vperm.xlane v9, v2  }
0x27: {  	vm3 =	veq.s32 v1, $0x0;
	v12 =	vperm.xlane v10, v2  }
0x28: {  	v11 =	vsel vm3, $0x0, v11  }
0x29: {  	v12 =	vsel vm3, $0x0, v12;
	v9 =	vadd.s32 v9, v11  }
0x2a: {  	v10 =	vadd.s32 v10, v12;
	v11 =	vperm.xlane v9, v4  }
0x2b: {  	v12 =	vperm.xlane v10, v4  }
0x2c: {  	v13 =	vor.u32 s6, v1;
	v11 =	vsel vm0, $0x0, v11  }
0x2d: {  	v14 =	vmul.u32 $0x51F, v13;
	v12 =	vsel vm0, $0x0, v12;
	v9 =	vadd.s32 v11, v9  }
0x2e: {  	v10 =	vadd.s32 v12, v10;
	v11 =	vperm.xlane v9, v5  }
0x2f: {  	v14 =	vshrl.u32 v14, $0x10;
	v12 =	vperm.xlane v10, v5  }
0x30: {  	v16 =	vmul.u32 $0x3FFFCE, v14;
	v11 =	vsel vm1, $0x0, v11  }
0x31: {  	v12 =	vsel vm1, $0x0, v12;
	v17 =	vadd.s32 v11, v9  }
0x32: {  	v18 =	vadd.s32 v12, v10;
	v9 =	vadd.s32 v13, v16;
	v12 =	vadd.s32 v0, v14  }
0x33: {  	v14 =	vimm.s32 $0x0;
	v10 =	vperm.xlane v17, v6;
	v9 =	vshll.u32 v9, $0xA  }
0x34: {  	s25 =	simm.s32 $0x10;
	s26 =	simm.s32 $0x0;
	v13 =	vimm.s32 $0x0;
	v11 =	vperm.xlane v18, v6;
	v16 =	vadd.s32 v9, v12  }
0x35: {  	s22 =	simm.s32 $0x0;
	s24 =	simm.s32 $0x0;
	s23 =	simm.s32 $0x0;
	v12 =	vimm.s32 $0x0;
	v9 =	vimm.s32 $0x0;
	v19 =	vsel vm2, $0x0, v10  }
0x36: {  	s20 =	simm.s32 $0x0;
	s19 =	simm.s32 $0x0;
	s21 =	simm.s32 $0x0;
	v20 =	vsel vm2, $0x0, v11;
	v11 =	vimm.s32 $0x0;
	v10 =	vimm.s32 $0x0  }
.LBB2_2:
0x37: {  	p0 =	sne.s32 s25, $0x630  }
0x38: {  	v17 =	vadd.s32 v19, v17;
	v18 =	vadd.s32 v20, v18;
	s26 =	sadd.s32 $0x10, s26;
	s28 =	smov.u32 s25;
	s25 =	sadd.s32 $0x10, s25  }
0x39: {  	v19 =	vadd.s32 v18, v17;
	v20 =	vperm.xlane v17, v8;
	v21 =	vperm.xlane v18, v8  }
0x3a: {  	v19 =	vsub.s32 v7, v19;
	(v2sf) =	vpush v18, $0xF  }
0x3b: {  	vm4 =	vlt.s32 v20, v7;
	v20 =	vperm.xlane v19, v8;
	vm5 =	vlt.s32 v21, v7  }
0x3c: {  	v21 =	vsel vm4, $0x8, v3;
	v22 =	vsel vm5, $0x8, v3;
	(v2sf) =	vpush v17, $0xF  }
0x3d: {  	v23 =	vor.u32 $0x3, v21;
	vm4 =	vlt.s32 v20, v7;
	v20 =	vor.u32 $0x3, v22  }
0x3e: {  	v23 =	vperm.xlane v17, v23;
	v24 =	vsel vm4, $0x8, v3;
	v20 =	vperm.xlane v18, v20  }
0x3f: {  	v25 =	vor.u32 $0x3, v24  }
0x40: {  	vm4 =	vlt.s32 v23, v7;
	v23 =	vperm.xlane v19, v25;
	vm5 =	vlt.s32 v20, v7  }
0x41: {  	v20 =	vsel vm4, $0x4, v3;
	v25 =	vsel vm5, $0x4, v3  }
0x42: {  	v20 =	vor.u32 v21, v20;
	vm4 =	vlt.s32 v23, v7;
	v21 =	vor.u32 v22, v25  }
0x43: {  	v22 =	vor.u32 $0x1, v20;
	v23 =	vsel vm4, $0x4, v3;
	v25 =	vor.u32 $0x1, v21  }
0x44: {  	v22 =	vperm.xlane v17, v22;
	v23 =	vor.u32 v24, v23;
	v24 =	vperm.xlane v18, v25  }
0x45: {  	v25 =	vor.u32 $0x1, v23  }
0x46: {  	vm4 =	vlt.s32 v22, v7;
	v22 =	vperm.xlane v19, v25;
	vm5 =	vlt.s32 v24, v7  }
0x47: {  	v24 =	vsel vm4, $0x2, v3;
	v25 =	vsel vm5, $0x2, v3  }
0x48: {  	v20 =	vor.u32 v24, v20;
	vm4 =	vlt.s32 v22, v7;
	v21 =	vor.u32 v25, v21  }
0x49: {  	v17 =	vperm.xlane v17, v20;
	v22 =	vsel vm4, $0x2, v3;
	v18 =	vperm.xlane v18, v21;
	s29 =	spop (v2sf)  }
0x4a: {  	p1 =	seq.s32 s22, $0x0;
	v22 =	vor.u32 v22, v23;
	p2 =	sgt.s32 s29, $0x0;
	s24 =	sadd.s32 s24, s29  }
0x4b: {  	p3 =	seq.s32 s23, $0x0;
	vm4 =	vlt.s32 v17, v7;
	v17 =	vperm.xlane v19, v22;
	vm5 =	vlt.s32 v18, v7;
	p1 =	por !p1, !p2;
	s30 =	spop (v2sf)  }
0x4c: {  	s29 =	sadd.s32 s29, s30;
	v18 =	vsel vm4, $0x1, v3;
	p2 =	sgt.s32 s30, $0x0;
	v19 =	vsel vm5, $0x1, v3;
	s23 =	sadd.s32 s23, s30  }
0x4d: {  	s29 =	ssub.s32 $0x10, s29;
	v18 =	vor.u32 v18, v20;
	p2 =	por !p3, !p2;
	vm4 =	vlt.s32 v17, v7;
	v17 =	vor.u32 v19, v21  }
0x4e: {  	p3 =	seq.s32 s20, $0x0;
	v19 =	vperm.xlane v16, v18;
	v20 =	vsel vm4, $0x1, v3;
	p4 =	sgt.s32 s29, $0x0;
	v21 =	vperm.xlane v15, v17;
	s19 =	sadd.s32 s19, s29  }
0x4f: {  	v18 =	vperm.xlane v15, v18;
	v17 =	vperm.xlane v16, v17;
	v20 =	vor.u32 v20, v22;
	p3 =	por !p3, !p4  }
0x50: {  	[tilespmem:s21+$0x1A00] =	vst v19;
	v15 =	vperm.xlane v15, v20;
	v16 =	vperm.xlane v16, v20;
	v20 =	vadd.s32 $0xFFFDB50F, v21  }
0x51: {  	[tilespmem:s21+$0x680] =	vst v18;
	v18 =	vperm.xlane v18, v3;
	v21 =	vperm.xlane v20, v3;
	s21 =	smov.u32 s23  }
0x52: {  	p2 =	por !p2, !p2;
	v19 =	vperm.xlane v19, v3;
	v15 =	vadd.s32 $0xFFFF3BAF, v15;
	[tilespmem:s20+$0x2080] =	vst v16;
	v16 =	vperm.xlane v16, v3  }
0x53: {  	p1 =	por !p1, !p1;
	p3 =	por !p3, !p3;
	v14 =	vpsel p2, v18, v14;
	[tilespmem:s20+$0xD00] =	vst v15;
	v15 =	vperm.xlane v15, v3;
	v18 =	vperm.xlane v17, v3;
	s20 =	smov.u32 s19  }
0x54: {  	v13 =	vpsel p2, v19, v13;
	v10 =	vpsel p1, v21, v10;
	v11 =	vpsel p3, v16, v11;
	[tilespmem:s22+$0x1380] =	vst v20  }
0x55: {  	v12 =	vpsel p3, v15, v12;
	[tilespmem:s22+$0x2700] =	vst v17;
	v9 =	vpsel p1, v18, v9;
	s22 =	smov.u32 s24  }
0x56: {  	v15 =	vld [tilespmem:s26+$0x0];
	_ =	sdelay $0x4  }
0x57: {  	vm4 =	vlt.s32 v15, $0xC451;
	vm5 =	vgt.s32 v15, $0x24AF0  }
0x58: {  	v16 =	vsel vm4, $0x1, v3;
	v17 =	vsel vm5, $0x1, v3  }
0x59: {  	v18 =	vperm.xlane v16, v2;
	v19 =	vperm.xlane v17, v2;
	_ =	sdelay $0x1  }
0x5a: {  	v18 =	vsel vm3, $0x0, v18;
	v19 =	vsel vm3, $0x0, v19  }
0x5b: {  	v16 =	vadd.s32 v16, v18;
	v17 =	vadd.s32 v17, v19  }
0x5c: {  	v18 =	vperm.xlane v16, v4;
	v19 =	vperm.xlane v17, v4  }
0x5d: {  	v20 =	vor.u32 s28, v1  }
0x5e: {  	v18 =	vsel vm0, $0x0, v18;
	v19 =	vsel vm0, $0x0, v19  }
0x5f: {  	v21 =	vmul.u32 $0x51F, v20;
	v16 =	vadd.s32 v18, v16;
	v18 =	vadd.s32 v19, v17  }
0x60: {  	v17 =	vperm.xlane v16, v5;
	v19 =	vperm.xlane v18, v5  }
0x61: {  	v21 =	vshrl.u32 v21, $0x10  }
.Ltmp2:
0x62: {  	v22 =	vmul.u32 $0x3FFFCE, v21;
	v17 =	vsel vm1, $0x0, v17;
	v19 =	vsel vm1, $0x0, v19;
	(pc) =	sbr.rel @p0 .LBB2_2-.Ltmp2, $4  }
0x63: {  	v17 =	vadd.s32 v17, v16;
	v18 =	vadd.s32 v19, v18  }
0x64: {  	v16 =	vadd.s32 v20, v22;
	v19 =	vperm.xlane v17, v6;
	v20 =	vperm.xlane v18, v6  }
0x65: {  	v21 =	vadd.s32 v0, v21;
	v16 =	vshll.u32 v16, $0xA  }
0x66: {  	v16 =	vadd.s32 v16, v21;
	v19 =	vsel vm2, $0x0, v19;
	v20 =	vsel vm2, $0x0, v20  }
0x67: {  	v18 =	vadd.s32 v20, v18  }
0x68: {  	v17 =	vadd.s32 v19, v17;
	(v2sf) =	vpush v18, $0xF  }
0x69: {  	(v2sf) =	vpush v17, $0xF  }
0x6a: {  	v37 =	vperm.xlane v17, v8;
	_ =	sdelay $0x1  }
0x6b: {  	v19 =	vadd.s32 v18, v17;
	vm3 =	vlt.s32 v37, v7  }
0x6c: {  	v19 =	vsub.s32 v7, v19;
	v22 =	vsel vm3, $0x8, v3  }
0x6d: {  	v38 =	vperm.xlane v19, v8;
	v23 =	vor.u32 $0x3, v22  }
0x6e: {  	v39 =	vperm.xlane v17, v23  }
0x6f: {  	v21 =	vperm.xlane v18, v8;
	vm3 =	vlt.s32 v38, v7  }
0x70: {  	v40 =	vsel vm3, $0x8, v3;
	vm3 =	vlt.s32 v39, v7  }
0x71: {  	vm4 =	vlt.s32 v21, v7;
	v24 =	vor.u32 $0x3, v40;
	v44 =	vsel vm3, $0x4, v3  }
0x72: {  	v41 =	vsel vm4, $0x8, v3;
	v42 =	vperm.xlane v19, v24;
	v22 =	vor.u32 v22, v44  }
0x73: {  	v25 =	vor.u32 $0x3, v41;
	v45 =	vor.u32 $0x1, v22  }
0x74: {  	v43 =	vperm.xlane v18, v25;
	vm3 =	vlt.s32 v42, v7;
	v20 =	vperm.xlane v17, v45  }
0x75: {  	v46 =	vsel vm3, $0x4, v3  }
0x76: {  	vm13 =	vlt.s32 v43, v7;
	v21 =	vor.u32 v40, v46;
	vm3 =	vlt.s32 v20, v7;
	s25 =	spop (v2sf)  }
0x77: {  	v47 =	vsel vm13, $0x4, v3;
	v24 =	vor.u32 $0x1, v21;
	v50 =	vsel vm3, $0x2, v3;
	s26 =	spop (v2sf)  }
0x78: {  	p0 =	seq.s32 s23, $0x0;
	v23 =	vor.u32 v41, v47;
	v48 =	vperm.xlane v19, v24;
	v22 =	vor.u32 v50, v22;
	s24 =	sadd.s32 s24, s25;
	s28 =	sadd.s32 s25, s26  }
0x79: {  	v25 =	vor.u32 $0x1, v23;
	v17 =	vperm.xlane v17, v22;
	s23 =	sadd.s32 s23, s26;
	p1 =	sgt.s32 s26, $0x0;
	s28 =	ssub.s32 $0x10, s28  }
0x7a: {  	v49 =	vperm.xlane v18, v25;
	vm3 =	vlt.s32 v48, v7;
	s29 =	sadd.s32 $0x1F, s23;
	p1 =	por !p0, !p1;
	p0 =	seq.s32 s20, $0x0  }
0x7b: {  	v20 =	vsel vm3, $0x2, v3;
	vm3 =	vlt.s32 v17, v7;
	s31 =	sand.u32 $0x1F, s29;
	s30 =	sshra.s32 s29, $0x1F;
	p2 =	slt.s32 s29, $0x1  }
0x7c: {  	vm14 =	vlt.s32 v49, v7;
	v20 =	vor.u32 v20, v21;
	s26 =	sadd.s32 s19, s28;
	v53 =	vsel vm3, $0x1, v3;
	p3 =	sne.s32 s31, $0x0;
	s31 =	sshrl.u32 s30, $0x1B  }
0x7d: {  	v24 =	vsel vm14, $0x2, v3;
	v52 =	vperm.xlane v19, v20;
	v19 =	vor.u32 v53, v22;
	s30 =	sadd.s32 $0x1F, s26;
	p2 =	por !p2, !p3;
	s19 =	sadd.s32 s31, s29  }
0x7e: {  	v51 =	vor.u32 v24, v23;
	s29 =	simm.s32 $0x1;
	v54 =	vperm.xlane v16, v19;
	p6 =	slt.s32 s30, $0x1;
	p2 =	por !p2, !p2  }
0x7f: {  	v18 =	vperm.xlane v18, v51;
	vm3 =	vlt.s32 v52, v7;
	v19 =	vperm.xlane v15, v19;
	s19 =	sshra.s32 s19, $0x5;
	s29 =	simm.s32 @!p2 $0x0;
	p2 =	sgt.s32 s28, $0x0  }
0x80: {  	v55 =	vsel vm3, $0x1, v3;
	s28 =	sadd.s32 $0x1F, s24;
	[tilespmem:s21+$0x1A00] =	vst v54;
	s19 =	ssub.s32 s19, s29;
	s29 =	sand.u32 $0x1F, s30  }
0x81: {  	vm15 =	vlt.s32 v18, v7;
	v18 =	vor.u32 v55, v20;
	[tilespmem:s21+$0x680] =	vst v19;
	s21 =	simm.s32 $0x1;
	s31 =	sand.u32 $0x1F, s28;
	p4 =	sne.s32 s29, $0x0  }
0x82: {  	v58 =	vperm.xlane v15, v18;
	v18 =	vperm.xlane v16, v18;
	s29 =	sshra.s32 s30, $0x1F;
	p5 =	sne.s32 s31, $0x0;
	p3 =	por !p6, !p4  }
0x83: {  	v56 =	vsel vm15, $0x1, v3;
	s29 =	sshrl.u32 s29, $0x1B;
	p6 =	slt.s32 s28, $0x1;
	p3 =	por !p3, !p3  }
0x84: {  	v57 =	vor.u32 v56, v51;
	v21 =	vadd.s32 $0xFFFF3BAF, v58;
	[tilespmem:s20+$0x2080] =	vst v18;
	s31 =	sadd.s32 s29, s30;
	s30 =	sshra.s32 s28, $0x1F;
	s21 =	simm.s32 @!p3 $0x0  }
0x85: {  	v59 =	vperm.xlane v15, v57;
	[tilespmem:s20+$0xD00] =	vst v21;
	p3 =	por !p6, !p5;
	s20 =	sshra.s32 s31, $0x5;
	s29 =	sshrl.u32 s30, $0x1B  }
0x86: {  	s28 =	sadd.s32 s29, s28;
	p3 =	por !p3, !p3;
	s29 =	simm.s32 $0x1  }
0x87: {  	v60 =	vperm.xlane v16, v57;
	v15 =	vadd.s32 $0xFFFDB50F, v59;
	v19 =	vperm.xlane v19, v3;
	s20 =	ssub.s32 s20, s21;
	s31 =	sshra.s32 s28, $0x5;
	s29 =	simm.s32 @!p3 $0x0  }
0x88: {  	p1 =	por !p1, !p1;
	v17 =	vperm.xlane v54, v3;
	[tilespmem:s22+$0x1380] =	vst v15;
	s21 =	sadd.s32 s19, s20;
	s28 =	ssub.s32 s31, s29  }
0x89: {  	v14 =	vpsel p1, v19, v14;
	[tilespmem:s22+$0x2700] =	vst v60;
	s20 =	sadd.s32 s21, s28  }
0x8a: {  	p0 =	por !p0, !p2;
	v13 =	vpsel p1, v17, v13;
	[tilespmem:s23+$0x680] =	vst v14;
	s28 =	sadd.s32 $0x3, s20  }
0x8b: {  	v18 =	vperm.xlane v18, v3;
	p0 =	por !p0, !p0;
	v61 =	vperm.xlane v21, v3;
	[tilespmem:s23+$0x1A00] =	vst v13;
	s29 =	sand.u32 $0x3, s28  }
0x8c: {  	[tilespmem:s23+$0x690] =	vst v14;
	p5 =	slt.s32 s20, $0xFFFFFFFE;
	s30 =	sshra.s32 s28, $0x1F;
	p6 =	sne.s32 s29, $0x0  }
0x8d: {  	v11 =	vpsel p0, v18, v11;
	v12 =	vpsel p0, v61, v12;
	[tilespmem:s23+$0x1A10] =	vst v13;
	s23 =	simm.s32 $0x1;
	s31 =	sshrl.u32 s30, $0x1E;
	p0 =	por !p5, !p6  }
0x8e: {  	p3 =	seq.s32 s22, $0x0;
	s22 =	sadd.s32 s31, s28;
	p0 =	por !p0, !p0  }
0x8f: {  	p4 =	sgt.s32 s25, $0x0;
	[tilespmem:s26+$0xD00] =	vst v12;
	s22 =	sshra.s32 s22, $0x2;
	s23 =	simm.s32 @!p0 $0x0  }
0x90: {  	v62 =	vperm.xlane v15, v3;
	[tilespmem:s26+$0x2080] =	vst v11;
	p1 =	por !p3, !p4;
	s22 =	ssub.s32 s22, s23  }
0x91: {  	v63 =	vperm.xlane v60, v3;
	[tilespmem:s26+$0xD10] =	vst v12;
	p1 =	por !p1, !p1;
	p0 =	slt.s32 s22, $0x1  }
.Ltmp3:
0x92: {  	[tilespmem:s26+$0x2090] =	vst v11;
	v10 =	vpsel p1, v62, v10;
	(pc) =	sbr.rel @p0 .LBB2_14-.Ltmp3, $4  }
0x93: {  	v9 =	vpsel p1, v63, v9;
	[tilespmem:s24+$0x1380] =	vst v10  }
0x94: {  	[tilespmem:s24+$0x2700] =	vst v9  }
0x95: {  	[tilespmem:s24+$0x1390] =	vst v10  }
0x96: {  	[tilespmem:s24+$0x2710] =	vst v9  }
0x97: {  	s23 =	sshll.u32 s19, $0x7  }
.Ltmp4:
0x98: {  	s24 =	sshll.u32 s21, $0x7;
	s23 =	ssub.s32 $0x0, s23;
	(pc) =	sbr.rel .LBB2_5-.Ltmp4, $4  }
0x99: {  	s24 =	ssub.s32 $0x0, s24;
	s23 =	sshra.s32 s23, $0x2  }
0x9a: {  	s24 =	sshra.s32 s24, $0x2;
	s25 =	sadd.s32 $0xD00, s23  }
0x9b: {  	s26 =	sadd.s32 $0x13F0, s24;
	s28 =	sadd.s32 $0x2770, s24;
	s29 =	sadd.s32 $0x2080, s23;
	v9 =	vmov s25  }
0x9c: {  	s23 =	simm.s32 $0x60;
	s24 =	simm.s32 $0x0;
	v10 =	vmov s29;
	v11 =	vmov s26;
	v12 =	vmov s28;
	s25 =	simm.s32 $0x0  }
.LBB2_13:
0x9d: {  	s26 =	simm.s32 @!p0 $0x1  }
0x9e: {  	_ =	swait.ge @!p0 [sflag:s26], $0x6000  }
0x9f: {  	[sflag:s26] =	ssyncset.done @!p0 $0x0  }
0xa0: {  	[sflag:s26] =	ssyncadd.s32 @!p0 $0xFFFFA000  }
0xa1: {  	v13 =	vld @!p0 [tilespmem:$0x2F80];
	_ =	sdelay $0x4  }
0xa2: {  	v14 =	vshrl.u32 @!p0 v13, $0x3  }
0xa3: {  	v14 =	vmul.u32 @!p0 $0x30, v14  }
0xa4: {  	v15 =	vlaneseq.u32 @!p0;
	v13 =	vand.u32 @!p0 $0x7, v13  }
0xa5: {  	v16 =	vshrl.u32 @!p0 v15, $0x3;
	v13 =	vor.u32 @!p0 v13, v14;
	v14 =	vand.u32 @!p0 $0x7, v15  }
0xa6: {  	v16 =	vmul.u32 @!p0 $0x8, v16;
	v17 =	vperm.xlane @!p0 v13, v14;
	_ =	sdelay $0x1  }
0xa7: {  	v17 =	vadd.s32 @!p0 v16, v17;
	_ =	sdelay $0x2  }
0xa8: {  	v15 =	vor.u32 @!p0 $0x8, v15  }
0xa9: {  	vm3 =	vmmov @!p0 $0xffff;
	s28 =	simm.s32 @!p0 $0x3180;
	s26 =	simm.s32 @!p0 $0x0;
	v13 =	vperm.xlane @!p0 v13, v15  }
0xaa: {  	[hbm4b:s5+s26] =	stream.indirect_vreg.scatter @!p0 [tilespmem:s28], [sflag:$0x5], $0x80, v17, vm3, $0xb8;
	[tilespmem:$0x1B180] =	vst v63  }
0xab: {  	v13 =	vadd.s32 @!p0 v16, v13;
	s28 =	simm.s32 @!p0 $0x3980  }
0xac: {  	[hbm4b:s14+s26] =	stream.indirect_vreg.scatter @!p0 [tilespmem:s28], [sflag:$0x5], $0x80, v17, vm3, $0xb8;
	[tilespmem:$0x1B180] =	vst v63  }
0xad: {  	s28 =	simm.s32 @!p0 $0x4180  }
0xae: {  	[hbm4b:s15+s26] =	stream.indirect_vreg.scatter @!p0 [tilespmem:s28], [sflag:$0x5], $0x80, v17, vm3, $0xb8;
	[tilespmem:$0x1B180] =	vst v63  }
0xaf: {  	s28 =	simm.s32 @!p0 $0x4980  }
0xb0: {  	[hbm4b:s5+s26] =	stream.indirect_vreg.scatter @!p0 [tilespmem:s28], [sflag:$0x5], $0x80, v13, vm3, $0xb8;
	[tilespmem:$0x1B180] =	vst v63  }
0xb1: {  	s28 =	simm.s32 @!p0 $0x5180  }
0xb2: {  	[hbm4b:s14+s26] =	stream.indirect_vreg.scatter @!p0 [tilespmem:s28], [sflag:$0x5], $0x80, v13, vm3, $0xb8;
	[tilespmem:$0x1B180] =	vst v63  }
0xb3: {  	s28 =	simm.s32 @!p0 $0x5980  }
0xb4: {  	[hbm4b:s15+s26] =	stream.indirect_vreg.scatter @!p0 [tilespmem:s28], [sflag:$0x5], $0x80, v13, vm3, $0xb8;
	[tilespmem:$0x1B180] =	vst v63  }
0xb5: {  	v13 =	vld @!p0 [tilespmem:$0x2F90];
	_ =	sdelay $0x4  }
0xb6: {  	v17 =	vshrl.u32 @!p0 v13, $0x3  }
0xb7: {  	v17 =	vmul.u32 @!p0 $0x30, v17  }
0xb8: {  	v13 =	vand.u32 @!p0 $0x7, v13  }
0xb9: {  	v13 =	vor.u32 @!p0 v13, v17  }
0xba: {  	v14 =	vperm.xlane @!p0 v13, v14;
	_ =	sdelay $0x1  }
0xbb: {  	v14 =	vadd.s32 @!p0 v16, v14;
	_ =	sdelay $0x3  }
0xbc: {  	s28 =	simm.s32 @!p0 $0x6180;
	v13 =	vperm.xlane @!p0 v13, v15  }
0xbd: {  	[hbm4b:s5+s26] =	stream.indirect_vreg.scatter @!p0 [tilespmem:s28], [sflag:$0x5], $0x80, v14, vm3, $0xb8;
	[tilespmem:$0x1B180] =	vst v63  }
0xbe: {  	v13 =	vadd.s32 @!p0 v16, v13;
	s28 =	simm.s32 @!p0 $0x6980  }
0xbf: {  	[hbm4b:s14+s26] =	stream.indirect_vreg.scatter @!p0 [tilespmem:s28], [sflag:$0x5], $0x80, v14, vm3, $0xb8;
	[tilespmem:$0x1B180] =	vst v63  }
0xc0: {  	s28 =	simm.s32 @!p0 $0x7180  }
0xc1: {  	[hbm4b:s15+s26] =	stream.indirect_vreg.scatter @!p0 [tilespmem:s28], [sflag:$0x5], $0x80, v14, vm3, $0xb8;
	[tilespmem:$0x1B180] =	vst v63  }
0xc2: {  	s28 =	simm.s32 @!p0 $0x7980  }
0xc3: {  	[hbm4b:s5+s26] =	stream.indirect_vreg.scatter @!p0 [tilespmem:s28], [sflag:$0x5], $0x80, v13, vm3, $0xb8;
	[tilespmem:$0x1B180] =	vst v63  }
0xc4: {  	s28 =	simm.s32 @!p0 $0x8180  }
0xc5: {  	[hbm4b:s14+s26] =	stream.indirect_vreg.scatter @!p0 [tilespmem:s28], [sflag:$0x5], $0x80, v13, vm3, $0xb8;
	[tilespmem:$0x1B180] =	vst v63  }
0xc6: {  	s28 =	simm.s32 @!p0 $0x8980  }
0xc7: {  	[hbm4b:s15+s26] =	stream.indirect_vreg.scatter @!p0 [tilespmem:s28], [sflag:$0x5], $0x80, v13, vm3, $0xb8;
	[tilespmem:$0x1B180] =	vst v63  }
0xc8: {  	s26 =	simm.s32 @!p1 $0x2  }
0xc9: {  	_ =	swait.ge @!p1 [sflag:s26], $0x6000  }
0xca: {  	[sflag:s26] =	ssyncset.done @!p1 $0x0  }
0xcb: {  	[sflag:s26] =	ssyncadd.s32 @!p1 $0xFFFFA000  }
0xcc: {  	v13 =	vld @!p1 [tilespmem:$0x3000];
	_ =	sdelay $0x4  }
0xcd: {  	v14 =	vshrl.u32 @!p1 v13, $0x3  }
0xce: {  	v14 =	vmul.u32 @!p1 $0x30, v14  }
0xcf: {  	v15 =	vlaneseq.u32 @!p1;
	v13 =	vand.u32 @!p1 $0x7, v13  }
0xd0: {  	v16 =	vshrl.u32 @!p1 v15, $0x3;
	v13 =	vor.u32 @!p1 v13, v14;
	v14 =	vand.u32 @!p1 $0x7, v15  }
0xd1: {  	v16 =	vmul.u32 @!p1 $0x8, v16;
	v17 =	vperm.xlane @!p1 v13, v14;
	_ =	sdelay $0x1  }
0xd2: {  	v17 =	vadd.s32 @!p1 v16, v17;
	_ =	sdelay $0x2  }
0xd3: {  	v15 =	vor.u32 @!p1 $0x8, v15  }
0xd4: {  	vm3 =	vmmov @!p1 $0xffff;
	s28 =	simm.s32 @!p1 $0x9180;
	s26 =	simm.s32 @!p1 $0x0;
	v13 =	vperm.xlane @!p1 v13, v15  }
0xd5: {  	[hbm4b:s5+s26] =	stream.indirect_vreg.scatter @!p1 [tilespmem:s28], [sflag:$0x6], $0x80, v17, vm3, $0xb8;
	[tilespmem:$0x1B180] =	vst v63  }
0xd6: {  	v13 =	vadd.s32 @!p1 v16, v13;
	s28 =	simm.s32 @!p1 $0x9980  }
0xd7: {  	[hbm4b:s14+s26] =	stream.indirect_vreg.scatter @!p1 [tilespmem:s28], [sflag:$0x6], $0x80, v17, vm3, $0xb8;
	[tilespmem:$0x1B180] =	vst v63  }
0xd8: {  	s28 =	simm.s32 @!p1 $0xA180  }
0xd9: {  	[hbm4b:s15+s26] =	stream.indirect_vreg.scatter @!p1 [tilespmem:s28], [sflag:$0x6], $0x80, v17, vm3, $0xb8;
	[tilespmem:$0x1B180] =	vst v63  }
0xda: {  	s28 =	simm.s32 @!p1 $0xA980  }
0xdb: {  	[hbm4b:s5+s26] =	stream.indirect_vreg.scatter @!p1 [tilespmem:s28], [sflag:$0x6], $0x80, v13, vm3, $0xb8;
	[tilespmem:$0x1B180] =	vst v63  }
0xdc: {  	s28 =	simm.s32 @!p1 $0xB180  }
0xdd: {  	[hbm4b:s14+s26] =	stream.indirect_vreg.scatter @!p1 [tilespmem:s28], [sflag:$0x6], $0x80, v13, vm3, $0xb8;
	[tilespmem:$0x1B180] =	vst v63  }
0xde: {  	s28 =	simm.s32 @!p1 $0xB980  }
0xdf: {  	[hbm4b:s15+s26] =	stream.indirect_vreg.scatter @!p1 [tilespmem:s28], [sflag:$0x6], $0x80, v13, vm3, $0xb8;
	[tilespmem:$0x1B180] =	vst v63  }
0xe0: {  	v13 =	vld @!p1 [tilespmem:$0x3010];
	_ =	sdelay $0x4  }
0xe1: {  	v17 =	vshrl.u32 @!p1 v13, $0x3  }
0xe2: {  	v17 =	vmul.u32 @!p1 $0x30, v17  }
0xe3: {  	v13 =	vand.u32 @!p1 $0x7, v13  }
0xe4: {  	v13 =	vor.u32 @!p1 v13, v17  }
0xe5: {  	v14 =	vperm.xlane @!p1 v13, v14;
	_ =	sdelay $0x1  }
0xe6: {  	v14 =	vadd.s32 @!p1 v16, v14;
	_ =	sdelay $0x3  }
0xe7: {  	s28 =	simm.s32 @!p1 $0xC180;
	v13 =	vperm.xlane @!p1 v13, v15  }
0xe8: {  	[hbm4b:s5+s26] =	stream.indirect_vreg.scatter @!p1 [tilespmem:s28], [sflag:$0x6], $0x80, v14, vm3, $0xb8;
	[tilespmem:$0x1B180] =	vst v63  }
0xe9: {  	v13 =	vadd.s32 @!p1 v16, v13;
	s28 =	simm.s32 @!p1 $0xC980  }
0xea: {  	[hbm4b:s14+s26] =	stream.indirect_vreg.scatter @!p1 [tilespmem:s28], [sflag:$0x6], $0x80, v14, vm3, $0xb8;
	[tilespmem:$0x1B180] =	vst v63  }
0xeb: {  	s28 =	simm.s32 @!p1 $0xD180  }
0xec: {  	[hbm4b:s15+s26] =	stream.indirect_vreg.scatter @!p1 [tilespmem:s28], [sflag:$0x6], $0x80, v14, vm3, $0xb8;
	[tilespmem:$0x1B180] =	vst v63  }
0xed: {  	s28 =	simm.s32 @!p1 $0xD980  }
0xee: {  	[hbm4b:s5+s26] =	stream.indirect_vreg.scatter @!p1 [tilespmem:s28], [sflag:$0x6], $0x80, v13, vm3, $0xb8;
	[tilespmem:$0x1B180] =	vst v63  }
0xef: {  	s28 =	simm.s32 @!p1 $0xE180  }
0xf0: {  	[hbm4b:s14+s26] =	stream.indirect_vreg.scatter @!p1 [tilespmem:s28], [sflag:$0x6], $0x80, v13, vm3, $0xb8;
	[tilespmem:$0x1B180] =	vst v63  }
0xf1: {  	s28 =	simm.s32 @!p1 $0xE980  }
0xf2: {  	[hbm4b:s15+s26] =	stream.indirect_vreg.scatter @!p1 [tilespmem:s28], [sflag:$0x6], $0x80, v13, vm3, $0xb8;
	[tilespmem:$0x1B180] =	vst v63  }
0xf3: {  	s26 =	simm.s32 @!p3 $0x3  }
0xf4: {  	_ =	swait.ge @!p3 [sflag:s26], $0x6000  }
0xf5: {  	[sflag:s26] =	ssyncset.done @!p3 $0x0  }
0xf6: {  	[sflag:s26] =	ssyncadd.s32 @!p3 $0xFFFFA000  }
0xf7: {  	v13 =	vld @!p3 [tilespmem:$0x3080];
	_ =	sdelay $0x4  }
0xf8: {  	v14 =	vshrl.u32 @!p3 v13, $0x3  }
0xf9: {  	v14 =	vmul.u32 @!p3 $0x30, v14  }
0xfa: {  	v15 =	vlaneseq.u32 @!p3;
	v13 =	vand.u32 @!p3 $0x7, v13  }
0xfb: {  	v16 =	vshrl.u32 @!p3 v15, $0x3;
	v13 =	vor.u32 @!p3 v13, v14;
	v14 =	vand.u32 @!p3 $0x7, v15  }
0xfc: {  	v16 =	vmul.u32 @!p3 $0x8, v16;
	v17 =	vperm.xlane @!p3 v13, v14;
	_ =	sdelay $0x1  }
0xfd: {  	v17 =	vadd.s32 @!p3 v16, v17;
	_ =	sdelay $0x2  }
0xfe: {  	v15 =	vor.u32 @!p3 $0x8, v15  }
0xff: {  	vm3 =	vmmov @!p3 $0xffff;
	s28 =	simm.s32 @!p3 $0xF180;
	s26 =	simm.s32 @!p3 $0x0;
	v13 =	vperm.xlane @!p3 v13, v15  }
0x100: {  	[hbm4b:s5+s26] =	stream.indirect_vreg.scatter @!p3 [tilespmem:s28], [sflag:$0x7], $0x80, v17, vm3, $0xb8;
	[tilespmem:$0x1B180] =	vst v63  }
0x101: {  	v13 =	vadd.s32 @!p3 v16, v13;
	s28 =	simm.s32 @!p3 $0xF980  }
0x102: {  	[hbm4b:s14+s26] =	stream.indirect_vreg.scatter @!p3 [tilespmem:s28], [sflag:$0x7], $0x80, v17, vm3, $0xb8;
	[tilespmem:$0x1B180] =	vst v63  }
0x103: {  	s28 =	simm.s32 @!p3 $0x10180  }
0x104: {  	[hbm4b:s15+s26] =	stream.indirect_vreg.scatter @!p3 [tilespmem:s28], [sflag:$0x7], $0x80, v17, vm3, $0xb8;
	[tilespmem:$0x1B180] =	vst v63  }
0x105: {  	s28 =	simm.s32 @!p3 $0x10980  }
0x106: {  	[hbm4b:s5+s26] =	stream.indirect_vreg.scatter @!p3 [tilespmem:s28], [sflag:$0x7], $0x80, v13, vm3, $0xb8;
	[tilespmem:$0x1B180] =	vst v63  }
0x107: {  	s28 =	simm.s32 @!p3 $0x11180  }
0x108: {  	[hbm4b:s14+s26] =	stream.indirect_vreg.scatter @!p3 [tilespmem:s28], [sflag:$0x7], $0x80, v13, vm3, $0xb8;
	[tilespmem:$0x1B180] =	vst v63  }
0x109: {  	s28 =	simm.s32 @!p3 $0x11980  }
0x10a: {  	[hbm4b:s15+s26] =	stream.indirect_vreg.scatter @!p3 [tilespmem:s28], [sflag:$0x7], $0x80, v13, vm3, $0xb8;
	[tilespmem:$0x1B180] =	vst v63  }
0x10b: {  	v13 =	vld @!p3 [tilespmem:$0x3090];
	_ =	sdelay $0x4  }
0x10c: {  	v17 =	vshrl.u32 @!p3 v13, $0x3  }
0x10d: {  	v17 =	vmul.u32 @!p3 $0x30, v17  }
0x10e: {  	v13 =	vand.u32 @!p3 $0x7, v13  }
0x10f: {  	v13 =	vor.u32 @!p3 v13, v17  }
0x110: {  	v14 =	vperm.xlane @!p3 v13, v14;
	_ =	sdelay $0x1  }
0x111: {  	v14 =	vadd.s32 @!p3 v16, v14;
	_ =	sdelay $0x3  }
0x112: {  	s28 =	simm.s32 @!p3 $0x12180;
	v13 =	vperm.xlane @!p3 v13, v15  }
0x113: {  	[hbm4b:s5+s26] =	stream.indirect_vreg.scatter @!p3 [tilespmem:s28], [sflag:$0x7], $0x80, v14, vm3, $0xb8;
	[tilespmem:$0x1B180] =	vst v63  }
0x114: {  	v13 =	vadd.s32 @!p3 v16, v13;
	s28 =	simm.s32 @!p3 $0x12980  }
0x115: {  	[hbm4b:s14+s26] =	stream.indirect_vreg.scatter @!p3 [tilespmem:s28], [sflag:$0x7], $0x80, v14, vm3, $0xb8;
	[tilespmem:$0x1B180] =	vst v63  }
0x116: {  	s28 =	simm.s32 @!p3 $0x13180  }
0x117: {  	[hbm4b:s15+s26] =	stream.indirect_vreg.scatter @!p3 [tilespmem:s28], [sflag:$0x7], $0x80, v14, vm3, $0xb8;
	[tilespmem:$0x1B180] =	vst v63  }
0x118: {  	s28 =	simm.s32 @!p3 $0x13980  }
0x119: {  	[hbm4b:s5+s26] =	stream.indirect_vreg.scatter @!p3 [tilespmem:s28], [sflag:$0x7], $0x80, v13, vm3, $0xb8;
	[tilespmem:$0x1B180] =	vst v63  }
0x11a: {  	s28 =	simm.s32 @!p3 $0x14180  }
0x11b: {  	[hbm4b:s14+s26] =	stream.indirect_vreg.scatter @!p3 [tilespmem:s28], [sflag:$0x7], $0x80, v13, vm3, $0xb8;
	[tilespmem:$0x1B180] =	vst v63  }
0x11c: {  	s28 =	simm.s32 @!p3 $0x14980  }
0x11d: {  	[hbm4b:s15+s26] =	stream.indirect_vreg.scatter @!p3 [tilespmem:s28], [sflag:$0x7], $0x80, v13, vm3, $0xb8;
	[tilespmem:$0x1B180] =	vst v63  }
0x11e: {  	s26 =	simm.s32 @!p4 $0x4  }
0x11f: {  	_ =	swait.ge @!p4 [sflag:s26], $0x6000  }
0x120: {  	[sflag:s26] =	ssyncset.done @!p4 $0x0  }
0x121: {  	[sflag:s26] =	ssyncadd.s32 @!p4 $0xFFFFA000  }
0x122: {  	v13 =	vld @!p4 [tilespmem:$0x3100];
	_ =	sdelay $0x4  }
0x123: {  	v14 =	vshrl.u32 @!p4 v13, $0x3  }
0x124: {  	v14 =	vmul.u32 @!p4 $0x30, v14  }
0x125: {  	v15 =	vlaneseq.u32 @!p4;
	v13 =	vand.u32 @!p4 $0x7, v13  }
0x126: {  	v16 =	vshrl.u32 @!p4 v15, $0x3;
	v13 =	vor.u32 @!p4 v13, v14;
	v14 =	vand.u32 @!p4 $0x7, v15  }
0x127: {  	v16 =	vmul.u32 @!p4 $0x8, v16;
	v17 =	vperm.xlane @!p4 v13, v14;
	_ =	sdelay $0x1  }
0x128: {  	v17 =	vadd.s32 @!p4 v16, v17;
	_ =	sdelay $0x2  }
0x129: {  	v15 =	vor.u32 @!p4 $0x8, v15  }
0x12a: {  	vm3 =	vmmov @!p4 $0xffff;
	s28 =	simm.s32 @!p4 $0x15180;
	s26 =	simm.s32 @!p4 $0x0;
	v13 =	vperm.xlane @!p4 v13, v15  }
0x12b: {  	[hbm4b:s5+s26] =	stream.indirect_vreg.scatter @!p4 [tilespmem:s28], [sflag:$0x8], $0x80, v17, vm3, $0xb8;
	[tilespmem:$0x1B180] =	vst v63  }
0x12c: {  	v13 =	vadd.s32 @!p4 v16, v13;
	s28 =	simm.s32 @!p4 $0x15980  }
0x12d: {  	[hbm4b:s14+s26] =	stream.indirect_vreg.scatter @!p4 [tilespmem:s28], [sflag:$0x8], $0x80, v17, vm3, $0xb8;
	[tilespmem:$0x1B180] =	vst v63  }
0x12e: {  	s28 =	simm.s32 @!p4 $0x16180  }
0x12f: {  	[hbm4b:s15+s26] =	stream.indirect_vreg.scatter @!p4 [tilespmem:s28], [sflag:$0x8], $0x80, v17, vm3, $0xb8;
	[tilespmem:$0x1B180] =	vst v63  }
0x130: {  	s28 =	simm.s32 @!p4 $0x16980  }
0x131: {  	[hbm4b:s5+s26] =	stream.indirect_vreg.scatter @!p4 [tilespmem:s28], [sflag:$0x8], $0x80, v13, vm3, $0xb8;
	[tilespmem:$0x1B180] =	vst v63  }
0x132: {  	s28 =	simm.s32 @!p4 $0x17180  }
0x133: {  	[hbm4b:s14+s26] =	stream.indirect_vreg.scatter @!p4 [tilespmem:s28], [sflag:$0x8], $0x80, v13, vm3, $0xb8;
	[tilespmem:$0x1B180] =	vst v63  }
0x134: {  	s28 =	simm.s32 @!p4 $0x17980  }
0x135: {  	[hbm4b:s15+s26] =	stream.indirect_vreg.scatter @!p4 [tilespmem:s28], [sflag:$0x8], $0x80, v13, vm3, $0xb8;
	[tilespmem:$0x1B180] =	vst v63  }
0x136: {  	v13 =	vld @!p4 [tilespmem:$0x3110];
	_ =	sdelay $0x4  }
0x137: {  	v17 =	vshrl.u32 @!p4 v13, $0x3  }
0x138: {  	v17 =	vmul.u32 @!p4 $0x30, v17  }
0x139: {  	v13 =	vand.u32 @!p4 $0x7, v13  }
0x13a: {  	v13 =	vor.u32 @!p4 v13, v17  }
0x13b: {  	v14 =	vperm.xlane @!p4 v13, v14;
	_ =	sdelay $0x1  }
0x13c: {  	v14 =	vadd.s32 @!p4 v16, v14;
	_ =	sdelay $0x3  }
0x13d: {  	s28 =	simm.s32 @!p4 $0x18180;
	v13 =	vperm.xlane @!p4 v13, v15  }
0x13e: {  	[hbm4b:s5+s26] =	stream.indirect_vreg.scatter @!p4 [tilespmem:s28], [sflag:$0x8], $0x80, v14, vm3, $0xb8;
	[tilespmem:$0x1B180] =	vst v63  }
0x13f: {  	v13 =	vadd.s32 @!p4 v16, v13;
	s28 =	simm.s32 @!p4 $0x18980  }
0x140: {  	[hbm4b:s14+s26] =	stream.indirect_vreg.scatter @!p4 [tilespmem:s28], [sflag:$0x8], $0x80, v14, vm3, $0xb8;
	[tilespmem:$0x1B180] =	vst v63  }
0x141: {  	s22 =	sadd.s32 $0xFFFFFFFF, s22;
	s28 =	simm.s32 @!p4 $0x19180  }
0x142: {  	[hbm4b:s15+s26] =	stream.indirect_vreg.scatter @!p4 [tilespmem:s28], [sflag:$0x8], $0x80, v14, vm3, $0xb8;
	[tilespmem:$0x1B180] =	vst v63  }
0x143: {  	p0 =	sne.s32 s22, $0x0;
	s28 =	simm.s32 @!p4 $0x19980  }
0x144: {  	[hbm4b:s5+s26] =	stream.indirect_vreg.scatter @!p4 [tilespmem:s28], [sflag:$0x8], $0x80, v13, vm3, $0xb8;
	[tilespmem:$0x1B180] =	vst v63  }
.Ltmp5:
0x145: {  	_ = 	snop;
	(pc) =	sbr.rel @!p0 .LBB2_14-.Ltmp5, $4  }
0x146: {  	s25 =	sadd.s32 $0x4, s25;
	s28 =	simm.s32 @!p4 $0x1A180  }
0x147: {  	[hbm4b:s14+s26] =	stream.indirect_vreg.scatter @!p4 [tilespmem:s28], [sflag:$0x8], $0x80, v13, vm3, $0xb8;
	[tilespmem:$0x1B180] =	vst v63  }
0x148: {  	s23 =	sadd.s32 $0x80, s23;
	s24 =	sadd.s32 $0x200, s24;
	s28 =	simm.s32 @!p4 $0x1A980  }
0x149: {  	[hbm4b:s15+s26] =	stream.indirect_vreg.scatter @!p4 [tilespmem:s28], [sflag:$0x8], $0x80, v13, vm3, $0xb8;
	[tilespmem:$0x1B180] =	vst v63  }
.LBB2_5:
0x14a: {  	p0 =	sge.s32 s25, s20  }
.Ltmp6:
0x14b: {  	_ = 	snop;
	(pc) =	sbr.rel @p0 .LBB2_7-.Ltmp6, $2  }
0x14c: {  	_ =	sdelay $0x2  }
0x14d: {  	p2 =	seq.s32 s25, $0x0  }
0x14e: {  	s26 =	simm.s32 @!p2 $0x5  }
0x14f: {  	_ =	swait.ge @!p2 [sflag:s26], $0x6000  }
0x150: {  	p1 =	sge.s32 s25, s19;
	[sflag:s26] =	ssyncset.done @!p2 $0x0  }
0x151: {  	[sflag:s26] =	ssyncadd.s32 @!p2 $0xFFFFA000;
	s26 =	sshra.s32 @!p1 s24, $0x2  }
0x152: {  	v13 =	vld @!p1 [tilespmem:s26+$0x680];
	_ =	sdelay $0x4  }
0x153: {  	[tilespmem:$0x2D80] =	vst @!p1 v13  }
0x154: {  	v13 =	vld @!p1 [tilespmem:s26+$0x1A00];
	_ =	sdelay $0x1  }
0x155: {  	v14 =	vld @!p1 [tilespmem:$0x2D80];
	_ =	sdelay $0x2  }
0x156: {  	[tilespmem:$0x2F80] =	vst @!p1 v13  }
0x157: {  	v13 =	vld @!p1 [tilespmem:s26+$0x690]  }
0x158: {  	v15 =	vshrl.u32 @!p1 v14, $0x3  }
0x159: {  	v15 =	vmul.u32 @!p1 $0x30, v15  }
0x15a: {  	v16 =	vlaneseq.u32 @!p1;
	v14 =	vand.u32 @!p1 $0x7, v14  }
0x15b: {  	v17 =	vshrl.u32 @!p1 v16, $0x3;
	v14 =	vor.u32 @!p1 v14, v15;
	v15 =	vand.u32 @!p1 $0x7, v16  }
0x15c: {  	v17 =	vmul.u32 @!p1 $0x8, v17;
	[tilespmem:$0x2D90] =	vst @!p1 v13;
	v13 =	vperm.xlane @!p1 v14, v15  }
0x15d: {  	v18 =	vld @!p1 [tilespmem:s26+$0x1A10]  }
0x15e: {  	v13 =	vadd.s32 @!p1 v17, v13;
	_ =	sdelay $0x2  }
0x15f: {  	v16 =	vor.u32 @!p1 $0x8, v16  }
0x160: {  	vm3 =	vmmov @!p1 $0xffff;
	s28 =	simm.s32 @!p1 $0x3180;
	v14 =	vperm.xlane @!p1 v14, v16;
	s26 =	simm.s32 @!p1 $0x0;
	[tilespmem:$0x2F90] =	vst @!p1 v18  }
0x161: {  	[tilespmem:s28], [sflag:$0x1] =	stream.indirect_vreg.gather @!p1 [hbm4b:s1+s26], $0x80, v13, vm3, $0xb8;
	[tilespmem:$0x1B180] =	vst v63  }
0x162: {  	v14 =	vadd.s32 @!p1 v17, v14;
	s28 =	simm.s32 @!p1 $0x3980  }
0x163: {  	[tilespmem:s28], [sflag:$0x1] =	stream.indirect_vreg.gather @!p1 [hbm4b:s8+s26], $0x80, v13, vm3, $0xb8;
	[tilespmem:$0x1B180] =	vst v63  }
0x164: {  	s28 =	simm.s32 @!p1 $0x4180  }
0x165: {  	[tilespmem:s28], [sflag:$0x1] =	stream.indirect_vreg.gather @!p1 [hbm4b:s9+s26], $0x80, v13, vm3, $0xb8;
	[tilespmem:$0x1B180] =	vst v63  }
0x166: {  	s28 =	simm.s32 @!p1 $0x4980  }
0x167: {  	[tilespmem:s28], [sflag:$0x1] =	stream.indirect_vreg.gather @!p1 [hbm4b:s1+s26], $0x80, v14, vm3, $0xb8;
	[tilespmem:$0x1B180] =	vst v63  }
0x168: {  	s28 =	simm.s32 @!p1 $0x5180  }
0x169: {  	[tilespmem:s28], [sflag:$0x1] =	stream.indirect_vreg.gather @!p1 [hbm4b:s8+s26], $0x80, v14, vm3, $0xb8;
	[tilespmem:$0x1B180] =	vst v63  }
0x16a: {  	s28 =	simm.s32 @!p1 $0x5980  }
0x16b: {  	[tilespmem:s28], [sflag:$0x1] =	stream.indirect_vreg.gather @!p1 [hbm4b:s9+s26], $0x80, v14, vm3, $0xb8;
	[tilespmem:$0x1B180] =	vst v63  }
0x16c: {  	v13 =	vld @!p1 [tilespmem:$0x2D90];
	_ =	sdelay $0x4  }
0x16d: {  	v14 =	vshrl.u32 @!p1 v13, $0x3  }
0x16e: {  	v14 =	vmul.u32 @!p1 $0x30, v14  }
0x16f: {  	v13 =	vand.u32 @!p1 $0x7, v13  }
0x170: {  	v13 =	vor.u32 @!p1 v13, v14  }
0x171: {  	v14 =	vperm.xlane @!p1 v13, v15;
	_ =	sdelay $0x1  }
0x172: {  	v14 =	vadd.s32 @!p1 v17, v14;
	_ =	sdelay $0x3  }
0x173: {  	s28 =	simm.s32 @!p1 $0x6180;
	v13 =	vperm.xlane @!p1 v13, v16  }
0x174: {  	[tilespmem:s28], [sflag:$0x1] =	stream.indirect_vreg.gather @!p1 [hbm4b:s1+s26], $0x80, v14, vm3, $0xb8;
	[tilespmem:$0x1B180] =	vst v63  }
0x175: {  	v13 =	vadd.s32 @!p1 v17, v13;
	s28 =	simm.s32 @!p1 $0x6980  }
0x176: {  	[tilespmem:s28], [sflag:$0x1] =	stream.indirect_vreg.gather @!p1 [hbm4b:s8+s26], $0x80, v14, vm3, $0xb8;
	[tilespmem:$0x1B180] =	vst v63  }
0x177: {  	s28 =	simm.s32 @!p1 $0x7180  }
0x178: {  	[tilespmem:s28], [sflag:$0x1] =	stream.indirect_vreg.gather @!p1 [hbm4b:s9+s26], $0x80, v14, vm3, $0xb8;
	[tilespmem:$0x1B180] =	vst v63  }
0x179: {  	s28 =	simm.s32 @!p1 $0x7980  }
0x17a: {  	[tilespmem:s28], [sflag:$0x1] =	stream.indirect_vreg.gather @!p1 [hbm4b:s1+s26], $0x80, v13, vm3, $0xb8;
	[tilespmem:$0x1B180] =	vst v63  }
0x17b: {  	s28 =	simm.s32 @!p1 $0x8180  }
0x17c: {  	[tilespmem:s28], [sflag:$0x1] =	stream.indirect_vreg.gather @!p1 [hbm4b:s8+s26], $0x80, v13, vm3, $0xb8;
	[tilespmem:$0x1B180] =	vst v63  }
0x17d: {  	s28 =	simm.s32 @!p1 $0x8980  }
0x17e: {  	[tilespmem:s28], [sflag:$0x1] =	stream.indirect_vreg.gather @!p1 [hbm4b:s9+s26], $0x80, v13, vm3, $0xb8;
	[tilespmem:$0x1B180] =	vst v63  }
0x17f: {  	p1 =	slt.s32 s25, s19  }
0x180: {  	p3 =	sge.s32 @!p1 s25, s21  }
0x181: {  	p1 =	por p3, p1  }
0x182: {  	s26 =	sshra.s32 @!p1 s24, $0x2  }
0x183: {  	v13 =	vld.idx.msk @!p1 [tilespmem:v9+s26+$0x0 ss:$0x1], $0xffff;
	_ =	sdelay $0x4  }
0x184: {  	[tilespmem:$0x2D80] =	vst @!p1 v13  }
0x185: {  	v13 =	vld.idx.msk @!p1 [tilespmem:v10+s26+$0x0 ss:$0x1], $0xffff;
	_ =	sdelay $0x1  }
0x186: {  	v14 =	vld @!p1 [tilespmem:$0x2D80];
	_ =	sdelay $0x2  }
0x187: {  	[tilespmem:$0x2F80] =	vst @!p1 v13  }
0x188: {  	v13 =	vld.idx.msk @!p1 [tilespmem:v9+s26+$0x10 ss:$0x1], $0xffff  }
0x189: {  	v15 =	vshrl.u32 @!p1 v14, $0x3  }
0x18a: {  	v15 =	vmul.u32 @!p1 $0x30, v15  }
0x18b: {  	v16 =	vlaneseq.u32 @!p1;
	v14 =	vand.u32 @!p1 $0x7, v14  }
0x18c: {  	v17 =	vshrl.u32 @!p1 v16, $0x3;
	v14 =	vor.u32 @!p1 v14, v15;
	v15 =	vand.u32 @!p1 $0x7, v16  }
0x18d: {  	v17 =	vmul.u32 @!p1 $0x8, v17;
	[tilespmem:$0x2D90] =	vst @!p1 v13;
	v13 =	vperm.xlane @!p1 v14, v15  }
0x18e: {  	v18 =	vld.idx.msk @!p1 [tilespmem:v10+s26+$0x10 ss:$0x1], $0xffff  }
0x18f: {  	v13 =	vadd.s32 @!p1 v17, v13;
	_ =	sdelay $0x2  }
0x190: {  	v16 =	vor.u32 @!p1 $0x8, v16  }
0x191: {  	vm3 =	vmmov @!p1 $0xffff;
	s28 =	simm.s32 @!p1 $0x3180;
	v14 =	vperm.xlane @!p1 v14, v16;
	s26 =	simm.s32 @!p1 $0x0;
	[tilespmem:$0x2F90] =	vst @!p1 v18  }
0x192: {  	[tilespmem:s28], [sflag:$0x1] =	stream.indirect_vreg.gather @!p1 [hbm4b:s2+s26], $0x80, v13, vm3, $0xb8;
	[tilespmem:$0x1B180] =	vst v63  }
0x193: {  	v14 =	vadd.s32 @!p1 v17, v14;
	s28 =	simm.s32 @!p1 $0x3980  }
0x194: {  	[tilespmem:s28], [sflag:$0x1] =	stream.indirect_vreg.gather @!p1 [hbm4b:s10+s26], $0x80, v13, vm3, $0xb8;
	[tilespmem:$0x1B180] =	vst v63  }
0x195: {  	s28 =	simm.s32 @!p1 $0x4180  }
0x196: {  	[tilespmem:s28], [sflag:$0x1] =	stream.indirect_vreg.gather @!p1 [hbm4b:s11+s26], $0x80, v13, vm3, $0xb8;
	[tilespmem:$0x1B180] =	vst v63  }
0x197: {  	s28 =	simm.s32 @!p1 $0x4980  }
0x198: {  	[tilespmem:s28], [sflag:$0x1] =	stream.indirect_vreg.gather @!p1 [hbm4b:s2+s26], $0x80, v14, vm3, $0xb8;
	[tilespmem:$0x1B180] =	vst v63  }
0x199: {  	s28 =	simm.s32 @!p1 $0x5180  }
0x19a: {  	[tilespmem:s28], [sflag:$0x1] =	stream.indirect_vreg.gather @!p1 [hbm4b:s10+s26], $0x80, v14, vm3, $0xb8;
	[tilespmem:$0x1B180] =	vst v63  }
0x19b: {  	s28 =	simm.s32 @!p1 $0x5980  }
0x19c: {  	[tilespmem:s28], [sflag:$0x1] =	stream.indirect_vreg.gather @!p1 [hbm4b:s11+s26], $0x80, v14, vm3, $0xb8;
	[tilespmem:$0x1B180] =	vst v63  }
0x19d: {  	v13 =	vld @!p1 [tilespmem:$0x2D90];
	_ =	sdelay $0x4  }
0x19e: {  	v14 =	vshrl.u32 @!p1 v13, $0x3  }
0x19f: {  	v14 =	vmul.u32 @!p1 $0x30, v14  }
0x1a0: {  	v13 =	vand.u32 @!p1 $0x7, v13  }
0x1a1: {  	v13 =	vor.u32 @!p1 v13, v14  }
0x1a2: {  	v14 =	vperm.xlane @!p1 v13, v15;
	_ =	sdelay $0x1  }
0x1a3: {  	v14 =	vadd.s32 @!p1 v17, v14;
	_ =	sdelay $0x3  }
0x1a4: {  	s28 =	simm.s32 @!p1 $0x6180;
	v13 =	vperm.xlane @!p1 v13, v16  }
0x1a5: {  	[tilespmem:s28], [sflag:$0x1] =	stream.indirect_vreg.gather @!p1 [hbm4b:s2+s26], $0x80, v14, vm3, $0xb8;
	[tilespmem:$0x1B180] =	vst v63  }
0x1a6: {  	v13 =	vadd.s32 @!p1 v17, v13;
	s28 =	simm.s32 @!p1 $0x6980  }
0x1a7: {  	[tilespmem:s28], [sflag:$0x1] =	stream.indirect_vreg.gather @!p1 [hbm4b:s10+s26], $0x80, v14, vm3, $0xb8;
	[tilespmem:$0x1B180] =	vst v63  }
0x1a8: {  	s28 =	simm.s32 @!p1 $0x7180  }
0x1a9: {  	[tilespmem:s28], [sflag:$0x1] =	stream.indirect_vreg.gather @!p1 [hbm4b:s11+s26], $0x80, v14, vm3, $0xb8;
	[tilespmem:$0x1B180] =	vst v63  }
0x1aa: {  	s28 =	simm.s32 @!p1 $0x7980  }
0x1ab: {  	[tilespmem:s28], [sflag:$0x1] =	stream.indirect_vreg.gather @!p1 [hbm4b:s2+s26], $0x80, v13, vm3, $0xb8;
	[tilespmem:$0x1B180] =	vst v63  }
0x1ac: {  	s28 =	simm.s32 @!p1 $0x8180  }
0x1ad: {  	[tilespmem:s28], [sflag:$0x1] =	stream.indirect_vreg.gather @!p1 [hbm4b:s10+s26], $0x80, v13, vm3, $0xb8;
	[tilespmem:$0x1B180] =	vst v63  }
0x1ae: {  	s28 =	simm.s32 @!p1 $0x8980  }
0x1af: {  	[tilespmem:s28], [sflag:$0x1] =	stream.indirect_vreg.gather @!p1 [hbm4b:s11+s26], $0x80, v13, vm3, $0xb8;
	[tilespmem:$0x1B180] =	vst v63  }
0x1b0: {  	p1 =	slt.s32 s25, s21  }
0x1b1: {  	s26 =	sshra.s32 @!p1 s24, $0x2  }
0x1b2: {  	v13 =	vld.idx.msk @!p1 [tilespmem:v11+s26+$0xFFFFFF90 ss:$0x1], $0xffff;
	_ =	sdelay $0x4  }
0x1b3: {  	[tilespmem:$0x2D80] =	vst @!p1 v13  }
0x1b4: {  	v13 =	vld.idx.msk @!p1 [tilespmem:v12+s26+$0xFFFFFF90 ss:$0x1], $0xffff;
	_ =	sdelay $0x1  }
0x1b5: {  	v14 =	vld @!p1 [tilespmem:$0x2D80];
	_ =	sdelay $0x2  }
0x1b6: {  	[tilespmem:$0x2F80] =	vst @!p1 v13  }
0x1b7: {  	v13 =	vld.idx.msk @!p1 [tilespmem:v11+s26+$0xFFFFFFA0 ss:$0x1], $0xffff  }
0x1b8: {  	v15 =	vshrl.u32 @!p1 v14, $0x3  }
0x1b9: {  	v15 =	vmul.u32 @!p1 $0x30, v15  }
0x1ba: {  	v16 =	vlaneseq.u32 @!p1;
	v14 =	vand.u32 @!p1 $0x7, v14  }
0x1bb: {  	v17 =	vshrl.u32 @!p1 v16, $0x3;
	v14 =	vor.u32 @!p1 v14, v15;
	v15 =	vand.u32 @!p1 $0x7, v16  }
0x1bc: {  	v17 =	vmul.u32 @!p1 $0x8, v17;
	[tilespmem:$0x2D90] =	vst @!p1 v13;
	v13 =	vperm.xlane @!p1 v14, v15  }
0x1bd: {  	v18 =	vld.idx.msk @!p1 [tilespmem:v12+s26+$0xFFFFFFA0 ss:$0x1], $0xffff  }
0x1be: {  	v13 =	vadd.s32 @!p1 v17, v13;
	_ =	sdelay $0x2  }
0x1bf: {  	v16 =	vor.u32 @!p1 $0x8, v16  }
0x1c0: {  	vm3 =	vmmov @!p1 $0xffff;
	s28 =	simm.s32 @!p1 $0x3180;
	v14 =	vperm.xlane @!p1 v14, v16;
	s26 =	simm.s32 @!p1 $0x0;
	[tilespmem:$0x2F90] =	vst @!p1 v18  }
0x1c1: {  	[tilespmem:s28], [sflag:$0x1] =	stream.indirect_vreg.gather @!p1 [hbm4b:s3+s26], $0x80, v13, vm3, $0xb8;
	[tilespmem:$0x1B180] =	vst v63  }
0x1c2: {  	v14 =	vadd.s32 @!p1 v17, v14;
	s28 =	simm.s32 @!p1 $0x3980  }
0x1c3: {  	[tilespmem:s28], [sflag:$0x1] =	stream.indirect_vreg.gather @!p1 [hbm4b:s12+s26], $0x80, v13, vm3, $0xb8;
	[tilespmem:$0x1B180] =	vst v63  }
0x1c4: {  	s28 =	simm.s32 @!p1 $0x4180  }
0x1c5: {  	[tilespmem:s28], [sflag:$0x1] =	stream.indirect_vreg.gather @!p1 [hbm4b:s13+s26], $0x80, v13, vm3, $0xb8;
	[tilespmem:$0x1B180] =	vst v63  }
0x1c6: {  	s28 =	simm.s32 @!p1 $0x4980  }
0x1c7: {  	[tilespmem:s28], [sflag:$0x1] =	stream.indirect_vreg.gather @!p1 [hbm4b:s3+s26], $0x80, v14, vm3, $0xb8;
	[tilespmem:$0x1B180] =	vst v63  }
0x1c8: {  	s28 =	simm.s32 @!p1 $0x5180  }
0x1c9: {  	[tilespmem:s28], [sflag:$0x1] =	stream.indirect_vreg.gather @!p1 [hbm4b:s12+s26], $0x80, v14, vm3, $0xb8;
	[tilespmem:$0x1B180] =	vst v63  }
0x1ca: {  	s28 =	simm.s32 @!p1 $0x5980  }
0x1cb: {  	[tilespmem:s28], [sflag:$0x1] =	stream.indirect_vreg.gather @!p1 [hbm4b:s13+s26], $0x80, v14, vm3, $0xb8;
	[tilespmem:$0x1B180] =	vst v63  }
0x1cc: {  	v13 =	vld @!p1 [tilespmem:$0x2D90];
	_ =	sdelay $0x4  }
0x1cd: {  	v14 =	vshrl.u32 @!p1 v13, $0x3  }
0x1ce: {  	v14 =	vmul.u32 @!p1 $0x30, v14  }
0x1cf: {  	v13 =	vand.u32 @!p1 $0x7, v13  }
0x1d0: {  	v13 =	vor.u32 @!p1 v13, v14  }
0x1d1: {  	v14 =	vperm.xlane @!p1 v13, v15;
	_ =	sdelay $0x1  }
0x1d2: {  	v14 =	vadd.s32 @!p1 v17, v14;
	_ =	sdelay $0x3  }
0x1d3: {  	s28 =	simm.s32 @!p1 $0x6180;
	v13 =	vperm.xlane @!p1 v13, v16  }
0x1d4: {  	[tilespmem:s28], [sflag:$0x1] =	stream.indirect_vreg.gather @!p1 [hbm4b:s3+s26], $0x80, v14, vm3, $0xb8;
	[tilespmem:$0x1B180] =	vst v63  }
0x1d5: {  	v13 =	vadd.s32 @!p1 v17, v13;
	s28 =	simm.s32 @!p1 $0x6980  }
0x1d6: {  	[tilespmem:s28], [sflag:$0x1] =	stream.indirect_vreg.gather @!p1 [hbm4b:s12+s26], $0x80, v14, vm3, $0xb8;
	[tilespmem:$0x1B180] =	vst v63  }
0x1d7: {  	s28 =	simm.s32 @!p1 $0x7180  }
0x1d8: {  	[tilespmem:s28], [sflag:$0x1] =	stream.indirect_vreg.gather @!p1 [hbm4b:s13+s26], $0x80, v14, vm3, $0xb8;
	[tilespmem:$0x1B180] =	vst v63  }
0x1d9: {  	s28 =	simm.s32 @!p1 $0x7980  }
0x1da: {  	[tilespmem:s28], [sflag:$0x1] =	stream.indirect_vreg.gather @!p1 [hbm4b:s3+s26], $0x80, v13, vm3, $0xb8;
	[tilespmem:$0x1B180] =	vst v63  }
0x1db: {  	s28 =	simm.s32 @!p1 $0x8180  }
0x1dc: {  	[tilespmem:s28], [sflag:$0x1] =	stream.indirect_vreg.gather @!p1 [hbm4b:s12+s26], $0x80, v13, vm3, $0xb8;
	[tilespmem:$0x1B180] =	vst v63  }
0x1dd: {  	s28 =	simm.s32 @!p1 $0x8980  }
0x1de: {  	[tilespmem:s28], [sflag:$0x1] =	stream.indirect_vreg.gather @!p1 [hbm4b:s13+s26], $0x80, v13, vm3, $0xb8;
	[tilespmem:$0x1B180] =	vst v63  }
.LBB2_7:
0x1df: {  	s26 =	sadd.s32 $0x1, s25  }
0x1e0: {  	p1 =	sge.s32 s26, s20  }
.Ltmp7:
0x1e1: {  	_ = 	snop;
	(pc) =	sbr.rel @p1 .LBB2_9-.Ltmp7, $1  }
0x1e2: {  	_ =	sdelay $0x3  }
0x1e3: {  	s28 =	simm.s32 @!p2 $0x6  }
0x1e4: {  	_ =	swait.ge @!p2 [sflag:s28], $0x6000  }
0x1e5: {  	p3 =	sge.s32 s26, s19;
	[sflag:s28] =	ssyncset.done @!p2 $0x0  }
0x1e6: {  	[sflag:s28] =	ssyncadd.s32 @!p2 $0xFFFFA000;
	s28 =	sshra.s32 @!p3 s24, $0x2  }
0x1e7: {  	v13 =	vld @!p3 [tilespmem:s28+$0x6A0];
	_ =	sdelay $0x4  }
0x1e8: {  	[tilespmem:$0x2E00] =	vst @!p3 v13  }
0x1e9: {  	v13 =	vld @!p3 [tilespmem:s28+$0x1A20];
	_ =	sdelay $0x1  }
0x1ea: {  	v14 =	vld @!p3 [tilespmem:$0x2E00];
	_ =	sdelay $0x1  }
0x1eb: {  	s28 =	sadd.s32 @!p3 $0xFFFFFFC0, s23  }
0x1ec: {  	s28 =	sor.u32 @!p3 $0x30, s28;
	[tilespmem:$0x3000] =	vst @!p3 v13  }
0x1ed: {  	v13 =	vld @!p3 [tilespmem:s28+$0x680]  }
0x1ee: {  	v15 =	vshrl.u32 @!p3 v14, $0x3  }
0x1ef: {  	v15 =	vmul.u32 @!p3 $0x30, v15  }
0x1f0: {  	v16 =	vlaneseq.u32 @!p3;
	v14 =	vand.u32 @!p3 $0x7, v14  }
0x1f1: {  	v17 =	vshrl.u32 @!p3 v16, $0x3;
	v14 =	vor.u32 @!p3 v14, v15;
	v15 =	vand.u32 @!p3 $0x7, v16  }
0x1f2: {  	v17 =	vmul.u32 @!p3 $0x8, v17;
	[tilespmem:$0x2E10] =	vst @!p3 v13;
	v13 =	vperm.xlane @!p3 v14, v15  }
0x1f3: {  	v18 =	vld @!p3 [tilespmem:s28+$0x1A00]  }
0x1f4: {  	v13 =	vadd.s32 @!p3 v17, v13;
	_ =	sdelay $0x2  }
0x1f5: {  	v16 =	vor.u32 @!p3 $0x8, v16  }
0x1f6: {  	vm3 =	vmmov @!p3 $0xffff;
	s29 =	simm.s32 @!p3 $0x9180;
	v14 =	vperm.xlane @!p3 v14, v16;
	s28 =	simm.s32 @!p3 $0x0;
	[tilespmem:$0x3010] =	vst @!p3 v18  }
0x1f7: {  	[tilespmem:s29], [sflag:$0x2] =	stream.indirect_vreg.gather @!p3 [hbm4b:s1+s28], $0x80, v13, vm3, $0xb8;
	[tilespmem:$0x1B180] =	vst v63  }
0x1f8: {  	v14 =	vadd.s32 @!p3 v17, v14;
	s29 =	simm.s32 @!p3 $0x9980  }
0x1f9: {  	[tilespmem:s29], [sflag:$0x2] =	stream.indirect_vreg.gather @!p3 [hbm4b:s8+s28], $0x80, v13, vm3, $0xb8;
	[tilespmem:$0x1B180] =	vst v63  }
0x1fa: {  	s29 =	simm.s32 @!p3 $0xA180  }
0x1fb: {  	[tilespmem:s29], [sflag:$0x2] =	stream.indirect_vreg.gather @!p3 [hbm4b:s9+s28], $0x80, v13, vm3, $0xb8;
	[tilespmem:$0x1B180] =	vst v63  }
0x1fc: {  	s29 =	simm.s32 @!p3 $0xA980  }
0x1fd: {  	[tilespmem:s29], [sflag:$0x2] =	stream.indirect_vreg.gather @!p3 [hbm4b:s1+s28], $0x80, v14, vm3, $0xb8;
	[tilespmem:$0x1B180] =	vst v63  }
0x1fe: {  	s29 =	simm.s32 @!p3 $0xB180  }
0x1ff: {  	[tilespmem:s29], [sflag:$0x2] =	stream.indirect_vreg.gather @!p3 [hbm4b:s8+s28], $0x80, v14, vm3, $0xb8;
	[tilespmem:$0x1B180] =	vst v63  }
0x200: {  	s29 =	simm.s32 @!p3 $0xB980  }
0x201: {  	[tilespmem:s29], [sflag:$0x2] =	stream.indirect_vreg.gather @!p3 [hbm4b:s9+s28], $0x80, v14, vm3, $0xb8;
	[tilespmem:$0x1B180] =	vst v63  }
0x202: {  	v13 =	vld @!p3 [tilespmem:$0x2E10];
	_ =	sdelay $0x4  }
0x203: {  	v14 =	vshrl.u32 @!p3 v13, $0x3  }
0x204: {  	v14 =	vmul.u32 @!p3 $0x30, v14  }
0x205: {  	v13 =	vand.u32 @!p3 $0x7, v13  }
0x206: {  	v13 =	vor.u32 @!p3 v13, v14  }
0x207: {  	v14 =	vperm.xlane @!p3 v13, v15;
	_ =	sdelay $0x1  }
0x208: {  	v14 =	vadd.s32 @!p3 v17, v14;
	_ =	sdelay $0x3  }
0x209: {  	s29 =	simm.s32 @!p3 $0xC180;
	v13 =	vperm.xlane @!p3 v13, v16  }
0x20a: {  	[tilespmem:s29], [sflag:$0x2] =	stream.indirect_vreg.gather @!p3 [hbm4b:s1+s28], $0x80, v14, vm3, $0xb8;
	[tilespmem:$0x1B180] =	vst v63  }
0x20b: {  	v13 =	vadd.s32 @!p3 v17, v13;
	s29 =	simm.s32 @!p3 $0xC980  }
0x20c: {  	[tilespmem:s29], [sflag:$0x2] =	stream.indirect_vreg.gather @!p3 [hbm4b:s8+s28], $0x80, v14, vm3, $0xb8;
	[tilespmem:$0x1B180] =	vst v63  }
0x20d: {  	s29 =	simm.s32 @!p3 $0xD180  }
0x20e: {  	[tilespmem:s29], [sflag:$0x2] =	stream.indirect_vreg.gather @!p3 [hbm4b:s9+s28], $0x80, v14, vm3, $0xb8;
	[tilespmem:$0x1B180] =	vst v63  }
0x20f: {  	s29 =	simm.s32 @!p3 $0xD980  }
0x210: {  	[tilespmem:s29], [sflag:$0x2] =	stream.indirect_vreg.gather @!p3 [hbm4b:s1+s28], $0x80, v13, vm3, $0xb8;
	[tilespmem:$0x1B180] =	vst v63  }
0x211: {  	s29 =	simm.s32 @!p3 $0xE180  }
0x212: {  	[tilespmem:s29], [sflag:$0x2] =	stream.indirect_vreg.gather @!p3 [hbm4b:s8+s28], $0x80, v13, vm3, $0xb8;
	[tilespmem:$0x1B180] =	vst v63  }
0x213: {  	s29 =	simm.s32 @!p3 $0xE980  }
0x214: {  	[tilespmem:s29], [sflag:$0x2] =	stream.indirect_vreg.gather @!p3 [hbm4b:s9+s28], $0x80, v13, vm3, $0xb8;
	[tilespmem:$0x1B180] =	vst v63  }
0x215: {  	p3 =	slt.s32 s26, s19  }
0x216: {  	p4 =	sge.s32 @!p3 s26, s21  }
0x217: {  	p3 =	por p4, p3  }
0x218: {  	s28 =	sshra.s32 @!p3 s24, $0x2  }
0x219: {  	v13 =	vld.idx.msk @!p3 [tilespmem:v9+s28+$0x20 ss:$0x1], $0xffff;
	_ =	sdelay $0x4  }
0x21a: {  	[tilespmem:$0x2E00] =	vst @!p3 v13  }
0x21b: {  	v13 =	vld.idx.msk @!p3 [tilespmem:v10+s28+$0x20 ss:$0x1], $0xffff;
	_ =	sdelay $0x1  }
0x21c: {  	v14 =	vld @!p3 [tilespmem:$0x2E00];
	_ =	sdelay $0x2  }
0x21d: {  	[tilespmem:$0x3000] =	vst @!p3 v13  }
0x21e: {  	v13 =	vld.idx.msk @!p3 [tilespmem:v9+s28+$0x30 ss:$0x1], $0xffff  }
0x21f: {  	v15 =	vshrl.u32 @!p3 v14, $0x3  }
0x220: {  	v15 =	vmul.u32 @!p3 $0x30, v15  }
0x221: {  	v16 =	vlaneseq.u32 @!p3;
	v14 =	vand.u32 @!p3 $0x7, v14  }
0x222: {  	v17 =	vshrl.u32 @!p3 v16, $0x3;
	v14 =	vor.u32 @!p3 v14, v15;
	v15 =	vand.u32 @!p3 $0x7, v16  }
0x223: {  	v17 =	vmul.u32 @!p3 $0x8, v17;
	[tilespmem:$0x2E10] =	vst @!p3 v13;
	v13 =	vperm.xlane @!p3 v14, v15  }
0x224: {  	v18 =	vld.idx.msk @!p3 [tilespmem:v10+s28+$0x30 ss:$0x1], $0xffff  }
0x225: {  	v13 =	vadd.s32 @!p3 v17, v13;
	_ =	sdelay $0x2  }
0x226: {  	v16 =	vor.u32 @!p3 $0x8, v16  }
0x227: {  	vm3 =	vmmov @!p3 $0xffff;
	s29 =	simm.s32 @!p3 $0x9180;
	v14 =	vperm.xlane @!p3 v14, v16;
	s28 =	simm.s32 @!p3 $0x0;
	[tilespmem:$0x3010] =	vst @!p3 v18  }
0x228: {  	[tilespmem:s29], [sflag:$0x2] =	stream.indirect_vreg.gather @!p3 [hbm4b:s2+s28], $0x80, v13, vm3, $0xb8;
	[tilespmem:$0x1B180] =	vst v63  }
0x229: {  	v14 =	vadd.s32 @!p3 v17, v14;
	s29 =	simm.s32 @!p3 $0x9980  }
0x22a: {  	[tilespmem:s29], [sflag:$0x2] =	stream.indirect_vreg.gather @!p3 [hbm4b:s10+s28], $0x80, v13, vm3, $0xb8;
	[tilespmem:$0x1B180] =	vst v63  }
0x22b: {  	s29 =	simm.s32 @!p3 $0xA180  }
0x22c: {  	[tilespmem:s29], [sflag:$0x2] =	stream.indirect_vreg.gather @!p3 [hbm4b:s11+s28], $0x80, v13, vm3, $0xb8;
	[tilespmem:$0x1B180] =	vst v63  }
0x22d: {  	s29 =	simm.s32 @!p3 $0xA980  }
0x22e: {  	[tilespmem:s29], [sflag:$0x2] =	stream.indirect_vreg.gather @!p3 [hbm4b:s2+s28], $0x80, v14, vm3, $0xb8;
	[tilespmem:$0x1B180] =	vst v63  }
0x22f: {  	s29 =	simm.s32 @!p3 $0xB180  }
0x230: {  	[tilespmem:s29], [sflag:$0x2] =	stream.indirect_vreg.gather @!p3 [hbm4b:s10+s28], $0x80, v14, vm3, $0xb8;
	[tilespmem:$0x1B180] =	vst v63  }
0x231: {  	s29 =	simm.s32 @!p3 $0xB980  }
0x232: {  	[tilespmem:s29], [sflag:$0x2] =	stream.indirect_vreg.gather @!p3 [hbm4b:s11+s28], $0x80, v14, vm3, $0xb8;
	[tilespmem:$0x1B180] =	vst v63  }
0x233: {  	v13 =	vld @!p3 [tilespmem:$0x2E10];
	_ =	sdelay $0x4  }
0x234: {  	v14 =	vshrl.u32 @!p3 v13, $0x3  }
0x235: {  	v14 =	vmul.u32 @!p3 $0x30, v14  }
0x236: {  	v13 =	vand.u32 @!p3 $0x7, v13  }
0x237: {  	v13 =	vor.u32 @!p3 v13, v14  }
0x238: {  	v14 =	vperm.xlane @!p3 v13, v15;
	_ =	sdelay $0x1  }
0x239: {  	v14 =	vadd.s32 @!p3 v17, v14;
	_ =	sdelay $0x3  }
0x23a: {  	s29 =	simm.s32 @!p3 $0xC180;
	v13 =	vperm.xlane @!p3 v13, v16  }
0x23b: {  	[tilespmem:s29], [sflag:$0x2] =	stream.indirect_vreg.gather @!p3 [hbm4b:s2+s28], $0x80, v14, vm3, $0xb8;
	[tilespmem:$0x1B180] =	vst v63  }
0x23c: {  	v13 =	vadd.s32 @!p3 v17, v13;
	s29 =	simm.s32 @!p3 $0xC980  }
0x23d: {  	[tilespmem:s29], [sflag:$0x2] =	stream.indirect_vreg.gather @!p3 [hbm4b:s10+s28], $0x80, v14, vm3, $0xb8;
	[tilespmem:$0x1B180] =	vst v63  }
0x23e: {  	s29 =	simm.s32 @!p3 $0xD180  }
0x23f: {  	[tilespmem:s29], [sflag:$0x2] =	stream.indirect_vreg.gather @!p3 [hbm4b:s11+s28], $0x80, v14, vm3, $0xb8;
	[tilespmem:$0x1B180] =	vst v63  }
0x240: {  	s29 =	simm.s32 @!p3 $0xD980  }
0x241: {  	[tilespmem:s29], [sflag:$0x2] =	stream.indirect_vreg.gather @!p3 [hbm4b:s2+s28], $0x80, v13, vm3, $0xb8;
	[tilespmem:$0x1B180] =	vst v63  }
0x242: {  	s29 =	simm.s32 @!p3 $0xE180  }
0x243: {  	[tilespmem:s29], [sflag:$0x2] =	stream.indirect_vreg.gather @!p3 [hbm4b:s10+s28], $0x80, v13, vm3, $0xb8;
	[tilespmem:$0x1B180] =	vst v63  }
0x244: {  	s29 =	simm.s32 @!p3 $0xE980  }
0x245: {  	[tilespmem:s29], [sflag:$0x2] =	stream.indirect_vreg.gather @!p3 [hbm4b:s11+s28], $0x80, v13, vm3, $0xb8;
	[tilespmem:$0x1B180] =	vst v63  }
0x246: {  	p3 =	slt.s32 s26, s21  }
0x247: {  	s26 =	sshra.s32 @!p3 s24, $0x2  }
0x248: {  	v13 =	vld.idx.msk @!p3 [tilespmem:v11+s26+$0xFFFFFFB0 ss:$0x1], $0xffff;
	_ =	sdelay $0x4  }
0x249: {  	[tilespmem:$0x2E00] =	vst @!p3 v13  }
0x24a: {  	v13 =	vld.idx.msk @!p3 [tilespmem:v12+s26+$0xFFFFFFB0 ss:$0x1], $0xffff;
	_ =	sdelay $0x1  }
0x24b: {  	v14 =	vld @!p3 [tilespmem:$0x2E00];
	_ =	sdelay $0x2  }
0x24c: {  	[tilespmem:$0x3000] =	vst @!p3 v13  }
0x24d: {  	v13 =	vld.idx.msk @!p3 [tilespmem:v11+s26+$0xFFFFFFC0 ss:$0x1], $0xffff  }
0x24e: {  	v15 =	vshrl.u32 @!p3 v14, $0x3  }
0x24f: {  	v15 =	vmul.u32 @!p3 $0x30, v15  }
0x250: {  	v16 =	vlaneseq.u32 @!p3;
	v14 =	vand.u32 @!p3 $0x7, v14  }
0x251: {  	v17 =	vshrl.u32 @!p3 v16, $0x3;
	v14 =	vor.u32 @!p3 v14, v15;
	v15 =	vand.u32 @!p3 $0x7, v16  }
0x252: {  	v17 =	vmul.u32 @!p3 $0x8, v17;
	[tilespmem:$0x2E10] =	vst @!p3 v13;
	v13 =	vperm.xlane @!p3 v14, v15  }
0x253: {  	v18 =	vld.idx.msk @!p3 [tilespmem:v12+s26+$0xFFFFFFC0 ss:$0x1], $0xffff  }
0x254: {  	v13 =	vadd.s32 @!p3 v17, v13;
	_ =	sdelay $0x2  }
0x255: {  	v16 =	vor.u32 @!p3 $0x8, v16  }
0x256: {  	vm3 =	vmmov @!p3 $0xffff;
	s28 =	simm.s32 @!p3 $0x9180;
	v14 =	vperm.xlane @!p3 v14, v16;
	s26 =	simm.s32 @!p3 $0x0;
	[tilespmem:$0x3010] =	vst @!p3 v18  }
0x257: {  	[tilespmem:s28], [sflag:$0x2] =	stream.indirect_vreg.gather @!p3 [hbm4b:s3+s26], $0x80, v13, vm3, $0xb8;
	[tilespmem:$0x1B180] =	vst v63  }
0x258: {  	v14 =	vadd.s32 @!p3 v17, v14;
	s28 =	simm.s32 @!p3 $0x9980  }
0x259: {  	[tilespmem:s28], [sflag:$0x2] =	stream.indirect_vreg.gather @!p3 [hbm4b:s12+s26], $0x80, v13, vm3, $0xb8;
	[tilespmem:$0x1B180] =	vst v63  }
0x25a: {  	s28 =	simm.s32 @!p3 $0xA180  }
0x25b: {  	[tilespmem:s28], [sflag:$0x2] =	stream.indirect_vreg.gather @!p3 [hbm4b:s13+s26], $0x80, v13, vm3, $0xb8;
	[tilespmem:$0x1B180] =	vst v63  }
0x25c: {  	s28 =	simm.s32 @!p3 $0xA980  }
0x25d: {  	[tilespmem:s28], [sflag:$0x2] =	stream.indirect_vreg.gather @!p3 [hbm4b:s3+s26], $0x80, v14, vm3, $0xb8;
	[tilespmem:$0x1B180] =	vst v63  }
0x25e: {  	s28 =	simm.s32 @!p3 $0xB180  }
0x25f: {  	[tilespmem:s28], [sflag:$0x2] =	stream.indirect_vreg.gather @!p3 [hbm4b:s12+s26], $0x80, v14, vm3, $0xb8;
	[tilespmem:$0x1B180] =	vst v63  }
0x260: {  	s28 =	simm.s32 @!p3 $0xB980  }
0x261: {  	[tilespmem:s28], [sflag:$0x2] =	stream.indirect_vreg.gather @!p3 [hbm4b:s13+s26], $0x80, v14, vm3, $0xb8;
	[tilespmem:$0x1B180] =	vst v63  }
0x262: {  	v13 =	vld @!p3 [tilespmem:$0x2E10];
	_ =	sdelay $0x4  }
0x263: {  	v14 =	vshrl.u32 @!p3 v13, $0x3  }
0x264: {  	v14 =	vmul.u32 @!p3 $0x30, v14  }
0x265: {  	v13 =	vand.u32 @!p3 $0x7, v13  }
0x266: {  	v13 =	vor.u32 @!p3 v13, v14  }
0x267: {  	v14 =	vperm.xlane @!p3 v13, v15;
	_ =	sdelay $0x1  }
0x268: {  	v14 =	vadd.s32 @!p3 v17, v14;
	_ =	sdelay $0x3  }
0x269: {  	s28 =	simm.s32 @!p3 $0xC180;
	v13 =	vperm.xlane @!p3 v13, v16  }
0x26a: {  	[tilespmem:s28], [sflag:$0x2] =	stream.indirect_vreg.gather @!p3 [hbm4b:s3+s26], $0x80, v14, vm3, $0xb8;
	[tilespmem:$0x1B180] =	vst v63  }
0x26b: {  	v13 =	vadd.s32 @!p3 v17, v13;
	s28 =	simm.s32 @!p3 $0xC980  }
0x26c: {  	[tilespmem:s28], [sflag:$0x2] =	stream.indirect_vreg.gather @!p3 [hbm4b:s12+s26], $0x80, v14, vm3, $0xb8;
	[tilespmem:$0x1B180] =	vst v63  }
0x26d: {  	s28 =	simm.s32 @!p3 $0xD180  }
0x26e: {  	[tilespmem:s28], [sflag:$0x2] =	stream.indirect_vreg.gather @!p3 [hbm4b:s13+s26], $0x80, v14, vm3, $0xb8;
	[tilespmem:$0x1B180] =	vst v63  }
0x26f: {  	s28 =	simm.s32 @!p3 $0xD980  }
0x270: {  	[tilespmem:s28], [sflag:$0x2] =	stream.indirect_vreg.gather @!p3 [hbm4b:s3+s26], $0x80, v13, vm3, $0xb8;
	[tilespmem:$0x1B180] =	vst v63  }
0x271: {  	s28 =	simm.s32 @!p3 $0xE180  }
0x272: {  	[tilespmem:s28], [sflag:$0x2] =	stream.indirect_vreg.gather @!p3 [hbm4b:s12+s26], $0x80, v13, vm3, $0xb8;
	[tilespmem:$0x1B180] =	vst v63  }
0x273: {  	s28 =	simm.s32 @!p3 $0xE980  }
0x274: {  	[tilespmem:s28], [sflag:$0x2] =	stream.indirect_vreg.gather @!p3 [hbm4b:s13+s26], $0x80, v13, vm3, $0xb8;
	[tilespmem:$0x1B180] =	vst v63  }
.LBB2_9:
0x275: {  	s26 =	sadd.s32 $0x2, s25  }
0x276: {  	p3 =	sge.s32 s26, s20  }
.Ltmp8:
0x277: {  	_ = 	snop;
	(pc) =	sbr.rel @p3 .LBB2_11-.Ltmp8, $1  }
0x278: {  	_ =	sdelay $0x3  }
0x279: {  	s28 =	simm.s32 @!p2 $0x7  }
0x27a: {  	_ =	swait.ge @!p2 [sflag:s28], $0x6000  }
0x27b: {  	p4 =	sge.s32 s26, s19;
	[sflag:s28] =	ssyncset.done @!p2 $0x0  }
0x27c: {  	[sflag:s28] =	ssyncadd.s32 @!p2 $0xFFFFA000;
	s28 =	sshra.s32 @!p4 s24, $0x2  }
0x27d: {  	v13 =	vld @!p4 [tilespmem:s28+$0x6C0];
	_ =	sdelay $0x4  }
0x27e: {  	[tilespmem:$0x2E80] =	vst @!p4 v13  }
0x27f: {  	v13 =	vld @!p4 [tilespmem:s28+$0x1A40];
	_ =	sdelay $0x1  }
0x280: {  	v14 =	vld @!p4 [tilespmem:$0x2E80];
	_ =	sdelay $0x1  }
0x281: {  	s28 =	sadd.s32 @!p4 $0xFFFFFFE0, s23  }
0x282: {  	s28 =	sor.u32 @!p4 $0x50, s28;
	[tilespmem:$0x3080] =	vst @!p4 v13  }
0x283: {  	v13 =	vld @!p4 [tilespmem:s28+$0x680]  }
0x284: {  	v15 =	vshrl.u32 @!p4 v14, $0x3  }
0x285: {  	v15 =	vmul.u32 @!p4 $0x30, v15  }
0x286: {  	v16 =	vlaneseq.u32 @!p4;
	v14 =	vand.u32 @!p4 $0x7, v14  }
0x287: {  	v17 =	vshrl.u32 @!p4 v16, $0x3;
	v14 =	vor.u32 @!p4 v14, v15;
	v15 =	vand.u32 @!p4 $0x7, v16  }
0x288: {  	v17 =	vmul.u32 @!p4 $0x8, v17;
	[tilespmem:$0x2E90] =	vst @!p4 v13;
	v13 =	vperm.xlane @!p4 v14, v15  }
0x289: {  	v18 =	vld @!p4 [tilespmem:s28+$0x1A00]  }
0x28a: {  	v13 =	vadd.s32 @!p4 v17, v13;
	_ =	sdelay $0x2  }
0x28b: {  	v16 =	vor.u32 @!p4 $0x8, v16  }
0x28c: {  	vm3 =	vmmov @!p4 $0xffff;
	s29 =	simm.s32 @!p4 $0xF180;
	v14 =	vperm.xlane @!p4 v14, v16;
	s28 =	simm.s32 @!p4 $0x0;
	[tilespmem:$0x3090] =	vst @!p4 v18  }
0x28d: {  	[tilespmem:s29], [sflag:$0x3] =	stream.indirect_vreg.gather @!p4 [hbm4b:s1+s28], $0x80, v13, vm3, $0xb8;
	[tilespmem:$0x1B180] =	vst v63  }
0x28e: {  	v14 =	vadd.s32 @!p4 v17, v14;
	s29 =	simm.s32 @!p4 $0xF980  }
0x28f: {  	[tilespmem:s29], [sflag:$0x3] =	stream.indirect_vreg.gather @!p4 [hbm4b:s8+s28], $0x80, v13, vm3, $0xb8;
	[tilespmem:$0x1B180] =	vst v63  }
0x290: {  	s29 =	simm.s32 @!p4 $0x10180  }
0x291: {  	[tilespmem:s29], [sflag:$0x3] =	stream.indirect_vreg.gather @!p4 [hbm4b:s9+s28], $0x80, v13, vm3, $0xb8;
	[tilespmem:$0x1B180] =	vst v63  }
0x292: {  	s29 =	simm.s32 @!p4 $0x10980  }
0x293: {  	[tilespmem:s29], [sflag:$0x3] =	stream.indirect_vreg.gather @!p4 [hbm4b:s1+s28], $0x80, v14, vm3, $0xb8;
	[tilespmem:$0x1B180] =	vst v63  }
0x294: {  	s29 =	simm.s32 @!p4 $0x11180  }
0x295: {  	[tilespmem:s29], [sflag:$0x3] =	stream.indirect_vreg.gather @!p4 [hbm4b:s8+s28], $0x80, v14, vm3, $0xb8;
	[tilespmem:$0x1B180] =	vst v63  }
0x296: {  	s29 =	simm.s32 @!p4 $0x11980  }
0x297: {  	[tilespmem:s29], [sflag:$0x3] =	stream.indirect_vreg.gather @!p4 [hbm4b:s9+s28], $0x80, v14, vm3, $0xb8;
	[tilespmem:$0x1B180] =	vst v63  }
0x298: {  	v13 =	vld @!p4 [tilespmem:$0x2E90];
	_ =	sdelay $0x4  }
0x299: {  	v14 =	vshrl.u32 @!p4 v13, $0x3  }
0x29a: {  	v14 =	vmul.u32 @!p4 $0x30, v14  }
0x29b: {  	v13 =	vand.u32 @!p4 $0x7, v13  }
0x29c: {  	v13 =	vor.u32 @!p4 v13, v14  }
0x29d: {  	v14 =	vperm.xlane @!p4 v13, v15;
	_ =	sdelay $0x1  }
0x29e: {  	v14 =	vadd.s32 @!p4 v17, v14;
	_ =	sdelay $0x3  }
0x29f: {  	s29 =	simm.s32 @!p4 $0x12180;
	v13 =	vperm.xlane @!p4 v13, v16  }
0x2a0: {  	[tilespmem:s29], [sflag:$0x3] =	stream.indirect_vreg.gather @!p4 [hbm4b:s1+s28], $0x80, v14, vm3, $0xb8;
	[tilespmem:$0x1B180] =	vst v63  }
0x2a1: {  	v13 =	vadd.s32 @!p4 v17, v13;
	s29 =	simm.s32 @!p4 $0x12980  }
0x2a2: {  	[tilespmem:s29], [sflag:$0x3] =	stream.indirect_vreg.gather @!p4 [hbm4b:s8+s28], $0x80, v14, vm3, $0xb8;
	[tilespmem:$0x1B180] =	vst v63  }
0x2a3: {  	s29 =	simm.s32 @!p4 $0x13180  }
0x2a4: {  	[tilespmem:s29], [sflag:$0x3] =	stream.indirect_vreg.gather @!p4 [hbm4b:s9+s28], $0x80, v14, vm3, $0xb8;
	[tilespmem:$0x1B180] =	vst v63  }
0x2a5: {  	s29 =	simm.s32 @!p4 $0x13980  }
0x2a6: {  	[tilespmem:s29], [sflag:$0x3] =	stream.indirect_vreg.gather @!p4 [hbm4b:s1+s28], $0x80, v13, vm3, $0xb8;
	[tilespmem:$0x1B180] =	vst v63  }
0x2a7: {  	s29 =	simm.s32 @!p4 $0x14180  }
0x2a8: {  	[tilespmem:s29], [sflag:$0x3] =	stream.indirect_vreg.gather @!p4 [hbm4b:s8+s28], $0x80, v13, vm3, $0xb8;
	[tilespmem:$0x1B180] =	vst v63  }
0x2a9: {  	s29 =	simm.s32 @!p4 $0x14980  }
0x2aa: {  	[tilespmem:s29], [sflag:$0x3] =	stream.indirect_vreg.gather @!p4 [hbm4b:s9+s28], $0x80, v13, vm3, $0xb8;
	[tilespmem:$0x1B180] =	vst v63  }
0x2ab: {  	p4 =	slt.s32 s26, s19  }
0x2ac: {  	p5 =	sge.s32 @!p4 s26, s21  }
0x2ad: {  	p4 =	por p5, p4  }
0x2ae: {  	s28 =	sshra.s32 @!p4 s24, $0x2  }
0x2af: {  	v13 =	vld.idx.msk @!p4 [tilespmem:v9+s28+$0x40 ss:$0x1], $0xffff;
	_ =	sdelay $0x4  }
0x2b0: {  	[tilespmem:$0x2E80] =	vst @!p4 v13  }
0x2b1: {  	v13 =	vld.idx.msk @!p4 [tilespmem:v10+s28+$0x40 ss:$0x1], $0xffff;
	_ =	sdelay $0x1  }
0x2b2: {  	v14 =	vld @!p4 [tilespmem:$0x2E80];
	_ =	sdelay $0x2  }
0x2b3: {  	[tilespmem:$0x3080] =	vst @!p4 v13  }
0x2b4: {  	v13 =	vld.idx.msk @!p4 [tilespmem:v9+s28+$0x50 ss:$0x1], $0xffff  }
0x2b5: {  	v15 =	vshrl.u32 @!p4 v14, $0x3  }
0x2b6: {  	v15 =	vmul.u32 @!p4 $0x30, v15  }
0x2b7: {  	v16 =	vlaneseq.u32 @!p4;
	v14 =	vand.u32 @!p4 $0x7, v14  }
0x2b8: {  	v17 =	vshrl.u32 @!p4 v16, $0x3;
	v14 =	vor.u32 @!p4 v14, v15;
	v15 =	vand.u32 @!p4 $0x7, v16  }
0x2b9: {  	v17 =	vmul.u32 @!p4 $0x8, v17;
	[tilespmem:$0x2E90] =	vst @!p4 v13;
	v13 =	vperm.xlane @!p4 v14, v15  }
0x2ba: {  	v18 =	vld.idx.msk @!p4 [tilespmem:v10+s28+$0x50 ss:$0x1], $0xffff  }
0x2bb: {  	v13 =	vadd.s32 @!p4 v17, v13;
	_ =	sdelay $0x2  }
0x2bc: {  	v16 =	vor.u32 @!p4 $0x8, v16  }
0x2bd: {  	vm3 =	vmmov @!p4 $0xffff;
	s29 =	simm.s32 @!p4 $0xF180;
	v14 =	vperm.xlane @!p4 v14, v16;
	s28 =	simm.s32 @!p4 $0x0;
	[tilespmem:$0x3090] =	vst @!p4 v18  }
0x2be: {  	[tilespmem:s29], [sflag:$0x3] =	stream.indirect_vreg.gather @!p4 [hbm4b:s2+s28], $0x80, v13, vm3, $0xb8;
	[tilespmem:$0x1B180] =	vst v63  }
0x2bf: {  	v14 =	vadd.s32 @!p4 v17, v14;
	s29 =	simm.s32 @!p4 $0xF980  }
0x2c0: {  	[tilespmem:s29], [sflag:$0x3] =	stream.indirect_vreg.gather @!p4 [hbm4b:s10+s28], $0x80, v13, vm3, $0xb8;
	[tilespmem:$0x1B180] =	vst v63  }
0x2c1: {  	s29 =	simm.s32 @!p4 $0x10180  }
0x2c2: {  	[tilespmem:s29], [sflag:$0x3] =	stream.indirect_vreg.gather @!p4 [hbm4b:s11+s28], $0x80, v13, vm3, $0xb8;
	[tilespmem:$0x1B180] =	vst v63  }
0x2c3: {  	s29 =	simm.s32 @!p4 $0x10980  }
0x2c4: {  	[tilespmem:s29], [sflag:$0x3] =	stream.indirect_vreg.gather @!p4 [hbm4b:s2+s28], $0x80, v14, vm3, $0xb8;
	[tilespmem:$0x1B180] =	vst v63  }
0x2c5: {  	s29 =	simm.s32 @!p4 $0x11180  }
0x2c6: {  	[tilespmem:s29], [sflag:$0x3] =	stream.indirect_vreg.gather @!p4 [hbm4b:s10+s28], $0x80, v14, vm3, $0xb8;
	[tilespmem:$0x1B180] =	vst v63  }
0x2c7: {  	s29 =	simm.s32 @!p4 $0x11980  }
0x2c8: {  	[tilespmem:s29], [sflag:$0x3] =	stream.indirect_vreg.gather @!p4 [hbm4b:s11+s28], $0x80, v14, vm3, $0xb8;
	[tilespmem:$0x1B180] =	vst v63  }
0x2c9: {  	v13 =	vld @!p4 [tilespmem:$0x2E90];
	_ =	sdelay $0x4  }
0x2ca: {  	v14 =	vshrl.u32 @!p4 v13, $0x3  }
0x2cb: {  	v14 =	vmul.u32 @!p4 $0x30, v14  }
0x2cc: {  	v13 =	vand.u32 @!p4 $0x7, v13  }
0x2cd: {  	v13 =	vor.u32 @!p4 v13, v14  }
0x2ce: {  	v14 =	vperm.xlane @!p4 v13, v15;
	_ =	sdelay $0x1  }
0x2cf: {  	v14 =	vadd.s32 @!p4 v17, v14;
	_ =	sdelay $0x3  }
0x2d0: {  	s29 =	simm.s32 @!p4 $0x12180;
	v13 =	vperm.xlane @!p4 v13, v16  }
0x2d1: {  	[tilespmem:s29], [sflag:$0x3] =	stream.indirect_vreg.gather @!p4 [hbm4b:s2+s28], $0x80, v14, vm3, $0xb8;
	[tilespmem:$0x1B180] =	vst v63  }
0x2d2: {  	v13 =	vadd.s32 @!p4 v17, v13;
	s29 =	simm.s32 @!p4 $0x12980  }
0x2d3: {  	[tilespmem:s29], [sflag:$0x3] =	stream.indirect_vreg.gather @!p4 [hbm4b:s10+s28], $0x80, v14, vm3, $0xb8;
	[tilespmem:$0x1B180] =	vst v63  }
0x2d4: {  	s29 =	simm.s32 @!p4 $0x13180  }
0x2d5: {  	[tilespmem:s29], [sflag:$0x3] =	stream.indirect_vreg.gather @!p4 [hbm4b:s11+s28], $0x80, v14, vm3, $0xb8;
	[tilespmem:$0x1B180] =	vst v63  }
0x2d6: {  	s29 =	simm.s32 @!p4 $0x13980  }
0x2d7: {  	[tilespmem:s29], [sflag:$0x3] =	stream.indirect_vreg.gather @!p4 [hbm4b:s2+s28], $0x80, v13, vm3, $0xb8;
	[tilespmem:$0x1B180] =	vst v63  }
0x2d8: {  	s29 =	simm.s32 @!p4 $0x14180  }
0x2d9: {  	[tilespmem:s29], [sflag:$0x3] =	stream.indirect_vreg.gather @!p4 [hbm4b:s10+s28], $0x80, v13, vm3, $0xb8;
	[tilespmem:$0x1B180] =	vst v63  }
0x2da: {  	s29 =	simm.s32 @!p4 $0x14980  }
0x2db: {  	[tilespmem:s29], [sflag:$0x3] =	stream.indirect_vreg.gather @!p4 [hbm4b:s11+s28], $0x80, v13, vm3, $0xb8;
	[tilespmem:$0x1B180] =	vst v63  }
0x2dc: {  	p4 =	slt.s32 s26, s21  }
0x2dd: {  	s26 =	sshra.s32 @!p4 s24, $0x2  }
0x2de: {  	v13 =	vld.idx.msk @!p4 [tilespmem:v11+s26+$0xFFFFFFD0 ss:$0x1], $0xffff;
	_ =	sdelay $0x4  }
0x2df: {  	[tilespmem:$0x2E80] =	vst @!p4 v13  }
0x2e0: {  	v13 =	vld.idx.msk @!p4 [tilespmem:v12+s26+$0xFFFFFFD0 ss:$0x1], $0xffff;
	_ =	sdelay $0x1  }
0x2e1: {  	v14 =	vld @!p4 [tilespmem:$0x2E80];
	_ =	sdelay $0x2  }
0x2e2: {  	[tilespmem:$0x3080] =	vst @!p4 v13  }
0x2e3: {  	v13 =	vld.idx.msk @!p4 [tilespmem:v11+s26+$0xFFFFFFE0 ss:$0x1], $0xffff  }
0x2e4: {  	v15 =	vshrl.u32 @!p4 v14, $0x3  }
0x2e5: {  	v15 =	vmul.u32 @!p4 $0x30, v15  }
0x2e6: {  	v16 =	vlaneseq.u32 @!p4;
	v14 =	vand.u32 @!p4 $0x7, v14  }
0x2e7: {  	v17 =	vshrl.u32 @!p4 v16, $0x3;
	v14 =	vor.u32 @!p4 v14, v15;
	v15 =	vand.u32 @!p4 $0x7, v16  }
0x2e8: {  	v17 =	vmul.u32 @!p4 $0x8, v17;
	[tilespmem:$0x2E90] =	vst @!p4 v13;
	v13 =	vperm.xlane @!p4 v14, v15  }
0x2e9: {  	v18 =	vld.idx.msk @!p4 [tilespmem:v12+s26+$0xFFFFFFE0 ss:$0x1], $0xffff  }
0x2ea: {  	v13 =	vadd.s32 @!p4 v17, v13;
	_ =	sdelay $0x2  }
0x2eb: {  	v16 =	vor.u32 @!p4 $0x8, v16  }
0x2ec: {  	vm3 =	vmmov @!p4 $0xffff;
	s28 =	simm.s32 @!p4 $0xF180;
	v14 =	vperm.xlane @!p4 v14, v16;
	s26 =	simm.s32 @!p4 $0x0;
	[tilespmem:$0x3090] =	vst @!p4 v18  }
0x2ed: {  	[tilespmem:s28], [sflag:$0x3] =	stream.indirect_vreg.gather @!p4 [hbm4b:s3+s26], $0x80, v13, vm3, $0xb8;
	[tilespmem:$0x1B180] =	vst v63  }
0x2ee: {  	v14 =	vadd.s32 @!p4 v17, v14;
	s28 =	simm.s32 @!p4 $0xF980  }
0x2ef: {  	[tilespmem:s28], [sflag:$0x3] =	stream.indirect_vreg.gather @!p4 [hbm4b:s12+s26], $0x80, v13, vm3, $0xb8;
	[tilespmem:$0x1B180] =	vst v63  }
0x2f0: {  	s28 =	simm.s32 @!p4 $0x10180  }
0x2f1: {  	[tilespmem:s28], [sflag:$0x3] =	stream.indirect_vreg.gather @!p4 [hbm4b:s13+s26], $0x80, v13, vm3, $0xb8;
	[tilespmem:$0x1B180] =	vst v63  }
0x2f2: {  	s28 =	simm.s32 @!p4 $0x10980  }
0x2f3: {  	[tilespmem:s28], [sflag:$0x3] =	stream.indirect_vreg.gather @!p4 [hbm4b:s3+s26], $0x80, v14, vm3, $0xb8;
	[tilespmem:$0x1B180] =	vst v63  }
0x2f4: {  	s28 =	simm.s32 @!p4 $0x11180  }
0x2f5: {  	[tilespmem:s28], [sflag:$0x3] =	stream.indirect_vreg.gather @!p4 [hbm4b:s12+s26], $0x80, v14, vm3, $0xb8;
	[tilespmem:$0x1B180] =	vst v63  }
0x2f6: {  	s28 =	simm.s32 @!p4 $0x11980  }
0x2f7: {  	[tilespmem:s28], [sflag:$0x3] =	stream.indirect_vreg.gather @!p4 [hbm4b:s13+s26], $0x80, v14, vm3, $0xb8;
	[tilespmem:$0x1B180] =	vst v63  }
0x2f8: {  	v13 =	vld @!p4 [tilespmem:$0x2E90];
	_ =	sdelay $0x4  }
0x2f9: {  	v14 =	vshrl.u32 @!p4 v13, $0x3  }
0x2fa: {  	v14 =	vmul.u32 @!p4 $0x30, v14  }
0x2fb: {  	v13 =	vand.u32 @!p4 $0x7, v13  }
0x2fc: {  	v13 =	vor.u32 @!p4 v13, v14  }
0x2fd: {  	v14 =	vperm.xlane @!p4 v13, v15;
	_ =	sdelay $0x1  }
0x2fe: {  	v14 =	vadd.s32 @!p4 v17, v14;
	_ =	sdelay $0x3  }
0x2ff: {  	s28 =	simm.s32 @!p4 $0x12180;
	v13 =	vperm.xlane @!p4 v13, v16  }
0x300: {  	[tilespmem:s28], [sflag:$0x3] =	stream.indirect_vreg.gather @!p4 [hbm4b:s3+s26], $0x80, v14, vm3, $0xb8;
	[tilespmem:$0x1B180] =	vst v63  }
0x301: {  	v13 =	vadd.s32 @!p4 v17, v13;
	s28 =	simm.s32 @!p4 $0x12980  }
0x302: {  	[tilespmem:s28], [sflag:$0x3] =	stream.indirect_vreg.gather @!p4 [hbm4b:s12+s26], $0x80, v14, vm3, $0xb8;
	[tilespmem:$0x1B180] =	vst v63  }
0x303: {  	s28 =	simm.s32 @!p4 $0x13180  }
0x304: {  	[tilespmem:s28], [sflag:$0x3] =	stream.indirect_vreg.gather @!p4 [hbm4b:s13+s26], $0x80, v14, vm3, $0xb8;
	[tilespmem:$0x1B180] =	vst v63  }
0x305: {  	s28 =	simm.s32 @!p4 $0x13980  }
0x306: {  	[tilespmem:s28], [sflag:$0x3] =	stream.indirect_vreg.gather @!p4 [hbm4b:s3+s26], $0x80, v13, vm3, $0xb8;
	[tilespmem:$0x1B180] =	vst v63  }
0x307: {  	s28 =	simm.s32 @!p4 $0x14180  }
0x308: {  	[tilespmem:s28], [sflag:$0x3] =	stream.indirect_vreg.gather @!p4 [hbm4b:s12+s26], $0x80, v13, vm3, $0xb8;
	[tilespmem:$0x1B180] =	vst v63  }
0x309: {  	s28 =	simm.s32 @!p4 $0x14980  }
0x30a: {  	[tilespmem:s28], [sflag:$0x3] =	stream.indirect_vreg.gather @!p4 [hbm4b:s13+s26], $0x80, v13, vm3, $0xb8;
	[tilespmem:$0x1B180] =	vst v63  }
.LBB2_11:
0x30b: {  	s26 =	sadd.s32 $0x3, s25  }
0x30c: {  	p4 =	sge.s32 s26, s20  }
.Ltmp9:
0x30d: {  	_ = 	snop;
	(pc) =	sbr.rel @p4 .LBB2_13-.Ltmp9, $1  }
0x30e: {  	_ =	sdelay $0x3  }
0x30f: {  	s28 =	simm.s32 @!p2 $0x8  }
0x310: {  	_ =	swait.ge @!p2 [sflag:s28], $0x6000  }
0x311: {  	p5 =	sge.s32 s26, s19;
	[sflag:s28] =	ssyncset.done @!p2 $0x0  }
0x312: {  	[sflag:s28] =	ssyncadd.s32 @!p2 $0xFFFFA000;
	s28 =	sshra.s32 @!p5 s24, $0x2  }
0x313: {  	v13 =	vld @!p5 [tilespmem:s28+$0x6E0];
	_ =	sdelay $0x4  }
0x314: {  	[tilespmem:$0x2F00] =	vst @!p5 v13  }
0x315: {  	v13 =	vld @!p5 [tilespmem:s28+$0x1A60];
	_ =	sdelay $0x1  }
0x316: {  	v14 =	vld @!p5 [tilespmem:$0x2F00];
	_ =	sdelay $0x2  }
0x317: {  	s28 =	sor.u32 @!p5 $0x70, s23;
	[tilespmem:$0x3100] =	vst @!p5 v13  }
0x318: {  	v13 =	vld @!p5 [tilespmem:s28+$0x680]  }
0x319: {  	v15 =	vshrl.u32 @!p5 v14, $0x3  }
0x31a: {  	v15 =	vmul.u32 @!p5 $0x30, v15  }
0x31b: {  	v16 =	vlaneseq.u32 @!p5;
	v14 =	vand.u32 @!p5 $0x7, v14  }
0x31c: {  	v17 =	vshrl.u32 @!p5 v16, $0x3;
	v14 =	vor.u32 @!p5 v14, v15;
	v15 =	vand.u32 @!p5 $0x7, v16  }
0x31d: {  	v17 =	vmul.u32 @!p5 $0x8, v17;
	[tilespmem:$0x2F10] =	vst @!p5 v13;
	v13 =	vperm.xlane @!p5 v14, v15  }
0x31e: {  	v18 =	vld @!p5 [tilespmem:s28+$0x1A00]  }
0x31f: {  	v13 =	vadd.s32 @!p5 v17, v13;
	_ =	sdelay $0x2  }
0x320: {  	v16 =	vor.u32 @!p5 $0x8, v16  }
0x321: {  	vm3 =	vmmov @!p5 $0xffff;
	s29 =	simm.s32 @!p5 $0x15180;
	v14 =	vperm.xlane @!p5 v14, v16;
	s28 =	simm.s32 @!p5 $0x0;
	[tilespmem:$0x3110] =	vst @!p5 v18  }
0x322: {  	[tilespmem:s29], [sflag:$0x4] =	stream.indirect_vreg.gather @!p5 [hbm4b:s1+s28], $0x80, v13, vm3, $0xb8;
	[tilespmem:$0x1B180] =	vst v63  }
0x323: {  	v14 =	vadd.s32 @!p5 v17, v14;
	s29 =	simm.s32 @!p5 $0x15980  }
0x324: {  	[tilespmem:s29], [sflag:$0x4] =	stream.indirect_vreg.gather @!p5 [hbm4b:s8+s28], $0x80, v13, vm3, $0xb8;
	[tilespmem:$0x1B180] =	vst v63  }
0x325: {  	s29 =	simm.s32 @!p5 $0x16180  }
0x326: {  	[tilespmem:s29], [sflag:$0x4] =	stream.indirect_vreg.gather @!p5 [hbm4b:s9+s28], $0x80, v13, vm3, $0xb8;
	[tilespmem:$0x1B180] =	vst v63  }
0x327: {  	s29 =	simm.s32 @!p5 $0x16980  }
0x328: {  	[tilespmem:s29], [sflag:$0x4] =	stream.indirect_vreg.gather @!p5 [hbm4b:s1+s28], $0x80, v14, vm3, $0xb8;
	[tilespmem:$0x1B180] =	vst v63  }
0x329: {  	s29 =	simm.s32 @!p5 $0x17180  }
0x32a: {  	[tilespmem:s29], [sflag:$0x4] =	stream.indirect_vreg.gather @!p5 [hbm4b:s8+s28], $0x80, v14, vm3, $0xb8;
	[tilespmem:$0x1B180] =	vst v63  }
0x32b: {  	s29 =	simm.s32 @!p5 $0x17980  }
0x32c: {  	[tilespmem:s29], [sflag:$0x4] =	stream.indirect_vreg.gather @!p5 [hbm4b:s9+s28], $0x80, v14, vm3, $0xb8;
	[tilespmem:$0x1B180] =	vst v63  }
0x32d: {  	v13 =	vld @!p5 [tilespmem:$0x2F10];
	_ =	sdelay $0x4  }
0x32e: {  	v14 =	vshrl.u32 @!p5 v13, $0x3  }
0x32f: {  	v14 =	vmul.u32 @!p5 $0x30, v14  }
0x330: {  	v13 =	vand.u32 @!p5 $0x7, v13  }
0x331: {  	v13 =	vor.u32 @!p5 v13, v14  }
0x332: {  	v14 =	vperm.xlane @!p5 v13, v15;
	_ =	sdelay $0x1  }
0x333: {  	v14 =	vadd.s32 @!p5 v17, v14;
	_ =	sdelay $0x3  }
0x334: {  	s29 =	simm.s32 @!p5 $0x18180;
	v13 =	vperm.xlane @!p5 v13, v16  }
0x335: {  	[tilespmem:s29], [sflag:$0x4] =	stream.indirect_vreg.gather @!p5 [hbm4b:s1+s28], $0x80, v14, vm3, $0xb8;
	[tilespmem:$0x1B180] =	vst v63  }
0x336: {  	v13 =	vadd.s32 @!p5 v17, v13;
	s29 =	simm.s32 @!p5 $0x18980  }
0x337: {  	[tilespmem:s29], [sflag:$0x4] =	stream.indirect_vreg.gather @!p5 [hbm4b:s8+s28], $0x80, v14, vm3, $0xb8;
	[tilespmem:$0x1B180] =	vst v63  }
0x338: {  	s29 =	simm.s32 @!p5 $0x19180  }
0x339: {  	[tilespmem:s29], [sflag:$0x4] =	stream.indirect_vreg.gather @!p5 [hbm4b:s9+s28], $0x80, v14, vm3, $0xb8;
	[tilespmem:$0x1B180] =	vst v63  }
0x33a: {  	s29 =	simm.s32 @!p5 $0x19980  }
0x33b: {  	[tilespmem:s29], [sflag:$0x4] =	stream.indirect_vreg.gather @!p5 [hbm4b:s1+s28], $0x80, v13, vm3, $0xb8;
	[tilespmem:$0x1B180] =	vst v63  }
0x33c: {  	s29 =	simm.s32 @!p5 $0x1A180  }
0x33d: {  	[tilespmem:s29], [sflag:$0x4] =	stream.indirect_vreg.gather @!p5 [hbm4b:s8+s28], $0x80, v13, vm3, $0xb8;
	[tilespmem:$0x1B180] =	vst v63  }
0x33e: {  	p2 =	slt.s32 s26, s19;
	s29 =	simm.s32 @!p5 $0x1A980  }
0x33f: {  	[tilespmem:s29], [sflag:$0x4] =	stream.indirect_vreg.gather @!p5 [hbm4b:s9+s28], $0x80, v13, vm3, $0xb8;
	[tilespmem:$0x1B180] =	vst v63  }
0x340: {  	p5 =	sge.s32 @!p2 s26, s21  }
0x341: {  	p2 =	por p5, p2  }
0x342: {  	s28 =	sshra.s32 @!p2 s24, $0x2  }
0x343: {  	v13 =	vld.idx.msk @!p2 [tilespmem:v9+s28+$0x60 ss:$0x1], $0xffff;
	_ =	sdelay $0x4  }
0x344: {  	[tilespmem:$0x2F00] =	vst @!p2 v13  }
0x345: {  	v13 =	vld.idx.msk @!p2 [tilespmem:v10+s28+$0x60 ss:$0x1], $0xffff;
	_ =	sdelay $0x1  }
0x346: {  	v14 =	vld @!p2 [tilespmem:$0x2F00];
	_ =	sdelay $0x2  }
0x347: {  	[tilespmem:$0x3100] =	vst @!p2 v13  }
0x348: {  	v13 =	vld.idx.msk @!p2 [tilespmem:v9+s28+$0x70 ss:$0x1], $0xffff  }
0x349: {  	v15 =	vshrl.u32 @!p2 v14, $0x3  }
0x34a: {  	v15 =	vmul.u32 @!p2 $0x30, v15  }
0x34b: {  	v16 =	vlaneseq.u32 @!p2;
	v14 =	vand.u32 @!p2 $0x7, v14  }
0x34c: {  	v17 =	vshrl.u32 @!p2 v16, $0x3;
	v14 =	vor.u32 @!p2 v14, v15;
	v15 =	vand.u32 @!p2 $0x7, v16  }
0x34d: {  	v17 =	vmul.u32 @!p2 $0x8, v17;
	[tilespmem:$0x2F10] =	vst @!p2 v13;
	v13 =	vperm.xlane @!p2 v14, v15  }
0x34e: {  	v18 =	vld.idx.msk @!p2 [tilespmem:v10+s28+$0x70 ss:$0x1], $0xffff  }
0x34f: {  	v13 =	vadd.s32 @!p2 v17, v13;
	_ =	sdelay $0x2  }
0x350: {  	v16 =	vor.u32 @!p2 $0x8, v16  }
0x351: {  	vm3 =	vmmov @!p2 $0xffff;
	s29 =	simm.s32 @!p2 $0x15180;
	v14 =	vperm.xlane @!p2 v14, v16;
	s28 =	simm.s32 @!p2 $0x0;
	[tilespmem:$0x3110] =	vst @!p2 v18  }
0x352: {  	[tilespmem:s29], [sflag:$0x4] =	stream.indirect_vreg.gather @!p2 [hbm4b:s2+s28], $0x80, v13, vm3, $0xb8;
	[tilespmem:$0x1B180] =	vst v63  }
0x353: {  	v14 =	vadd.s32 @!p2 v17, v14;
	s29 =	simm.s32 @!p2 $0x15980  }
0x354: {  	[tilespmem:s29], [sflag:$0x4] =	stream.indirect_vreg.gather @!p2 [hbm4b:s10+s28], $0x80, v13, vm3, $0xb8;
	[tilespmem:$0x1B180] =	vst v63  }
0x355: {  	s29 =	simm.s32 @!p2 $0x16180  }
0x356: {  	[tilespmem:s29], [sflag:$0x4] =	stream.indirect_vreg.gather @!p2 [hbm4b:s11+s28], $0x80, v13, vm3, $0xb8;
	[tilespmem:$0x1B180] =	vst v63  }
0x357: {  	s29 =	simm.s32 @!p2 $0x16980  }
0x358: {  	[tilespmem:s29], [sflag:$0x4] =	stream.indirect_vreg.gather @!p2 [hbm4b:s2+s28], $0x80, v14, vm3, $0xb8;
	[tilespmem:$0x1B180] =	vst v63  }
0x359: {  	s29 =	simm.s32 @!p2 $0x17180  }
0x35a: {  	[tilespmem:s29], [sflag:$0x4] =	stream.indirect_vreg.gather @!p2 [hbm4b:s10+s28], $0x80, v14, vm3, $0xb8;
	[tilespmem:$0x1B180] =	vst v63  }
0x35b: {  	s29 =	simm.s32 @!p2 $0x17980  }
0x35c: {  	[tilespmem:s29], [sflag:$0x4] =	stream.indirect_vreg.gather @!p2 [hbm4b:s11+s28], $0x80, v14, vm3, $0xb8;
	[tilespmem:$0x1B180] =	vst v63  }
0x35d: {  	v13 =	vld @!p2 [tilespmem:$0x2F10];
	_ =	sdelay $0x4  }
0x35e: {  	v14 =	vshrl.u32 @!p2 v13, $0x3  }
0x35f: {  	v14 =	vmul.u32 @!p2 $0x30, v14  }
0x360: {  	v13 =	vand.u32 @!p2 $0x7, v13  }
0x361: {  	v13 =	vor.u32 @!p2 v13, v14  }
0x362: {  	v14 =	vperm.xlane @!p2 v13, v15;
	_ =	sdelay $0x1  }
0x363: {  	v14 =	vadd.s32 @!p2 v17, v14;
	_ =	sdelay $0x3  }
0x364: {  	s29 =	simm.s32 @!p2 $0x18180;
	v13 =	vperm.xlane @!p2 v13, v16  }
0x365: {  	[tilespmem:s29], [sflag:$0x4] =	stream.indirect_vreg.gather @!p2 [hbm4b:s2+s28], $0x80, v14, vm3, $0xb8;
	[tilespmem:$0x1B180] =	vst v63  }
0x366: {  	v13 =	vadd.s32 @!p2 v17, v13;
	s29 =	simm.s32 @!p2 $0x18980  }
0x367: {  	[tilespmem:s29], [sflag:$0x4] =	stream.indirect_vreg.gather @!p2 [hbm4b:s10+s28], $0x80, v14, vm3, $0xb8;
	[tilespmem:$0x1B180] =	vst v63  }
0x368: {  	s29 =	simm.s32 @!p2 $0x19180  }
0x369: {  	[tilespmem:s29], [sflag:$0x4] =	stream.indirect_vreg.gather @!p2 [hbm4b:s11+s28], $0x80, v14, vm3, $0xb8;
	[tilespmem:$0x1B180] =	vst v63  }
0x36a: {  	s29 =	simm.s32 @!p2 $0x19980  }
0x36b: {  	[tilespmem:s29], [sflag:$0x4] =	stream.indirect_vreg.gather @!p2 [hbm4b:s2+s28], $0x80, v13, vm3, $0xb8;
	[tilespmem:$0x1B180] =	vst v63  }
0x36c: {  	s29 =	simm.s32 @!p2 $0x1A180  }
0x36d: {  	[tilespmem:s29], [sflag:$0x4] =	stream.indirect_vreg.gather @!p2 [hbm4b:s10+s28], $0x80, v13, vm3, $0xb8;
	[tilespmem:$0x1B180] =	vst v63  }
0x36e: {  	s29 =	simm.s32 @!p2 $0x1A980  }
0x36f: {  	[tilespmem:s29], [sflag:$0x4] =	stream.indirect_vreg.gather @!p2 [hbm4b:s11+s28], $0x80, v13, vm3, $0xb8;
	[tilespmem:$0x1B180] =	vst v63  }
0x370: {  	p2 =	slt.s32 s26, s21  }
0x371: {  	s26 =	sshra.s32 @!p2 s24, $0x2  }
0x372: {  	v13 =	vld.idx.msk @!p2 [tilespmem:v11+s26+$0xFFFFFFF0 ss:$0x1], $0xffff;
	_ =	sdelay $0x4  }
0x373: {  	[tilespmem:$0x2F00] =	vst @!p2 v13  }
0x374: {  	v13 =	vld.idx.msk @!p2 [tilespmem:v12+s26+$0xFFFFFFF0 ss:$0x1], $0xffff;
	_ =	sdelay $0x1  }
0x375: {  	v14 =	vld @!p2 [tilespmem:$0x2F00];
	_ =	sdelay $0x2  }
0x376: {  	[tilespmem:$0x3100] =	vst @!p2 v13  }
0x377: {  	v13 =	vld.idx.msk @!p2 [tilespmem:v11+s26+$0x0 ss:$0x1], $0xffff  }
0x378: {  	v15 =	vshrl.u32 @!p2 v14, $0x3  }
0x379: {  	v15 =	vmul.u32 @!p2 $0x30, v15  }
0x37a: {  	v16 =	vlaneseq.u32 @!p2;
	v14 =	vand.u32 @!p2 $0x7, v14  }
0x37b: {  	v17 =	vshrl.u32 @!p2 v16, $0x3;
	v14 =	vor.u32 @!p2 v14, v15;
	v15 =	vand.u32 @!p2 $0x7, v16  }
0x37c: {  	v17 =	vmul.u32 @!p2 $0x8, v17;
	[tilespmem:$0x2F10] =	vst @!p2 v13;
	v13 =	vperm.xlane @!p2 v14, v15  }
0x37d: {  	v18 =	vld.idx.msk @!p2 [tilespmem:v12+s26+$0x0 ss:$0x1], $0xffff  }
0x37e: {  	v13 =	vadd.s32 @!p2 v17, v13;
	_ =	sdelay $0x2  }
0x37f: {  	v16 =	vor.u32 @!p2 $0x8, v16  }
0x380: {  	vm3 =	vmmov @!p2 $0xffff;
	s28 =	simm.s32 @!p2 $0x15180;
	v14 =	vperm.xlane @!p2 v14, v16;
	s26 =	simm.s32 @!p2 $0x0;
	[tilespmem:$0x3110] =	vst @!p2 v18  }
0x381: {  	[tilespmem:s28], [sflag:$0x4] =	stream.indirect_vreg.gather @!p2 [hbm4b:s3+s26], $0x80, v13, vm3, $0xb8;
	[tilespmem:$0x1B180] =	vst v63  }
0x382: {  	v14 =	vadd.s32 @!p2 v17, v14;
	s28 =	simm.s32 @!p2 $0x15980  }
0x383: {  	[tilespmem:s28], [sflag:$0x4] =	stream.indirect_vreg.gather @!p2 [hbm4b:s12+s26], $0x80, v13, vm3, $0xb8;
	[tilespmem:$0x1B180] =	vst v63  }
0x384: {  	s28 =	simm.s32 @!p2 $0x16180  }
0x385: {  	[tilespmem:s28], [sflag:$0x4] =	stream.indirect_vreg.gather @!p2 [hbm4b:s13+s26], $0x80, v13, vm3, $0xb8;
	[tilespmem:$0x1B180] =	vst v63  }
0x386: {  	s28 =	simm.s32 @!p2 $0x16980  }
0x387: {  	[tilespmem:s28], [sflag:$0x4] =	stream.indirect_vreg.gather @!p2 [hbm4b:s3+s26], $0x80, v14, vm3, $0xb8;
	[tilespmem:$0x1B180] =	vst v63  }
0x388: {  	s28 =	simm.s32 @!p2 $0x17180  }
0x389: {  	[tilespmem:s28], [sflag:$0x4] =	stream.indirect_vreg.gather @!p2 [hbm4b:s12+s26], $0x80, v14, vm3, $0xb8;
	[tilespmem:$0x1B180] =	vst v63  }
0x38a: {  	s28 =	simm.s32 @!p2 $0x17980  }
0x38b: {  	[tilespmem:s28], [sflag:$0x4] =	stream.indirect_vreg.gather @!p2 [hbm4b:s13+s26], $0x80, v14, vm3, $0xb8;
	[tilespmem:$0x1B180] =	vst v63  }
0x38c: {  	v13 =	vld @!p2 [tilespmem:$0x2F10];
	_ =	sdelay $0x4  }
0x38d: {  	v14 =	vshrl.u32 @!p2 v13, $0x3  }
0x38e: {  	v14 =	vmul.u32 @!p2 $0x30, v14  }
0x38f: {  	v13 =	vand.u32 @!p2 $0x7, v13  }
0x390: {  	v13 =	vor.u32 @!p2 v13, v14  }
0x391: {  	v14 =	vperm.xlane @!p2 v13, v15;
	_ =	sdelay $0x1  }
0x392: {  	v14 =	vadd.s32 @!p2 v17, v14;
	_ =	sdelay $0x3  }
0x393: {  	s28 =	simm.s32 @!p2 $0x18180;
	v13 =	vperm.xlane @!p2 v13, v16  }
0x394: {  	[tilespmem:s28], [sflag:$0x4] =	stream.indirect_vreg.gather @!p2 [hbm4b:s3+s26], $0x80, v14, vm3, $0xb8;
	[tilespmem:$0x1B180] =	vst v63  }
0x395: {  	v13 =	vadd.s32 @!p2 v17, v13;
	s28 =	simm.s32 @!p2 $0x18980  }
0x396: {  	[tilespmem:s28], [sflag:$0x4] =	stream.indirect_vreg.gather @!p2 [hbm4b:s12+s26], $0x80, v14, vm3, $0xb8;
	[tilespmem:$0x1B180] =	vst v63  }
0x397: {  	s28 =	simm.s32 @!p2 $0x19180  }
0x398: {  	[tilespmem:s28], [sflag:$0x4] =	stream.indirect_vreg.gather @!p2 [hbm4b:s13+s26], $0x80, v14, vm3, $0xb8;
	[tilespmem:$0x1B180] =	vst v63  }
0x399: {  	s28 =	simm.s32 @!p2 $0x19980  }
0x39a: {  	[tilespmem:s28], [sflag:$0x4] =	stream.indirect_vreg.gather @!p2 [hbm4b:s3+s26], $0x80, v13, vm3, $0xb8;
	[tilespmem:$0x1B180] =	vst v63  }
.Ltmp10:
0x39b: {  	_ = 	snop;
	(pc) =	sbr.rel .LBB2_13-.Ltmp10, $4  }
0x39c: {  	s28 =	simm.s32 @!p2 $0x1A180  }
0x39d: {  	[tilespmem:s28], [sflag:$0x4] =	stream.indirect_vreg.gather @!p2 [hbm4b:s12+s26], $0x80, v13, vm3, $0xb8;
	[tilespmem:$0x1B180] =	vst v63  }
0x39e: {  	s28 =	simm.s32 @!p2 $0x1A980  }
0x39f: {  	[tilespmem:s28], [sflag:$0x4] =	stream.indirect_vreg.gather @!p2 [hbm4b:s13+s26], $0x80, v13, vm3, $0xb8;
	[tilespmem:$0x1B180] =	vst v63  }
.LBB2_15:
0x3a0: {  	_ =	sfence.sel $0x180000  }
0x3a1: {  	[bflag:$0x0] =	sbarrier.arrive $0xFFFF  }
0x3a2: {  	p0 =	sne.s32 s0, $0x0;
	_ =	strace $0x90000047  }
0x3a3: {  	s0 =	sadd.s32 @!p0 $0x100000, s4;
	[bflag:$0x2] =	sbarrier.arrive $0xFFFF  }
0x3a4: {  	[sflag:s0] =	ssyncadd.tile.s32 @!p0 $0x1;
	_ =	shalt  }
.Lfunc_end2:
_tile_overlayer_lowered:
.L_overlay_start_2:
0x3a5: {  	(tag) =	ssettag $0x2  }
0x3a6: {  	s0 =	rddreg [dreg:$0x0];
	s2 =	stileid.u32  }
0x3a7: {  	s1 =	rddreg [dreg:$0x1];
	p0 =	sne.s32 s2, $0x0  }
0x3a8: {  	s3 =	rddreg [dreg:$0x2];
	[bflag:$0x3] =	sbarrier.arrive $0xFFFF;
	s2 =	simm.s32 @!p0 $0x1C09  }
0x3a9: {  	[timem:s3], [sflag:s2] =	dma.local @!p0 [hbm:s0], s1  }
0x3aa: {  	s0 =	simm.s32 @!p0 $0x9  }
0x3ab: {  	_ =	swait.ge @!p0 [sflag:s0], s1  }
0x3ac: {  	s1 =	ssub.s32 @!p0 $0x0, s1;
	[sflag:s0] =	ssyncset.done @!p0 $0x0  }
0x3ad: {  	[sflag:s0] =	ssyncadd.s32 @!p0 s1  }
0x3ae: {  	[bflag:$0x3] =	sbarrier.arrive $0xFFFF  }
0x3af: {  	_ =	shalt  }

</sc_bundles>
